<compile_context>
chip_gen: v7x
topology: tpu7x:2x2x1
jax: 0.10.2.dev20260603
libtpu: 0.0.44.dev20260713+nightly
codegen_flags: <defaults>
</compile_context>

<pallas_src>
import functools

import jax
import jax.numpy as jnp
from jax import lax
from jax.experimental import pallas as pl
from jax.experimental.pallas import tpu as pltpu
from jax.experimental.pallas import tpu_sc as plsc

N = 100000
E = 6400000
G = 512
SD = 10
NC = 2
NS = 16
NW = NC * NS

NP = 100352
EPW = 401408
EP = EPW * NS
PADE = EP - E
CHUNK = 2048
KSUB = CHUNK // 128
NCHUNK = EPW // CHUNK
ROWS_PER_SUB = NP // NS
RPW = NP // NW
FLAT_PW = RPW * SD
FCH = 6272
GB = 520

_mesh = lambda: plsc.VectorSubcoreMesh(core_axis_name="c", subcore_axis_name="s")
_mesh1 = lambda: plsc.VectorSubcoreMesh(core_axis_name="c", subcore_axis_name="s",
                                        num_cores=1)
_cparams = lambda: pltpu.CompilerParams(needs_layout_passes=False,
                                        use_tc_tiling_on_sc=False)


def _make_round(has_gather):
    @functools.partial(
        pl.kernel,
        mesh=_mesh(),
        compiler_params=_cparams(),
        out_type=jax.ShapeDtypeStruct((NP, SD), jnp.float32),
        scratch_types=[
            pltpu.VMEM((192,), jnp.float32),
            pltpu.VMEM((KSUB, 128), jnp.int32),
            pltpu.VMEM((KSUB, 128), jnp.int32),
            pltpu.VMEM((CHUNK,), jnp.float32),
            pltpu.VMEM((CHUNK, 5), jnp.int32),
            pltpu.VMEM((CHUNK, SD), jnp.float32),
            pltpu.VMEM_SHARED((NP // 2 + 16, SD), jnp.float32),
            pltpu.SemaphoreType.DMA,
        ],
    )
    def round_kernel(state_hbm, state_pk, from_hbm, to0_hbm, to1_hbm,
                     len_hbm, blob_hbm, out_hbm, w_v, from_v, to_v, len_v,
                     rows_v, msgs_v, delta_sh, sem):
        c = lax.axis_index("c")
        s = lax.axis_index("s")
        w = s
        pltpu.sync_copy(blob_hbm, w_v)
        rsub = (NP // 2) // NS
        r0 = s * rsub

        pltpu.sync_copy(state_hbm.at[pl.ds(c * (NP // 2) + r0, rsub)],
                        delta_sh.at[pl.ds(r0, rsub)])

        plsc.subcore_barrier()

        iota16 = lax.iota(jnp.int32, 16)
        wvecs = [w_v[pl.ds(j * 16, 16)] for j in range(12)]
        cvec = wvecs[10]
        bvec = wvecs[11]
        col5 = jnp.minimum(iota16, 4)
        mask10 = iota16 < 10
        blk0 = w * (EPW // 128)
        NG = CHUNK // 16

        def it(q, carry):
            t = q // NG
            g2 = q % NG

            @pl.when(g2 == 0)
            def _():
                blk = blk0 + t * KSUB
                ebase = w * EPW + t * CHUNK
                if has_gather:
                    pltpu.sync_copy(from_hbm.at[pl.ds(blk, KSUB)], from_v)

                @pl.when(c == 0)
                def _():
                    pltpu.sync_copy(to0_hbm.at[pl.ds(blk, KSUB)], to_v)

                @pl.when(c != 0)
                def _():
                    pltpu.sync_copy(to1_hbm.at[pl.ds(blk, KSUB)], to_v)

                pltpu.sync_copy(len_hbm.at[pl.ds(ebase, CHUNK)], len_v)
                if has_gather:
                    cps = [pltpu.async_copy(state_pk.at[from_v.at[k]],
                                            rows_v.at[pl.ds(k * 128, 128)],
                                            sem)
                           for k in range(KSUB)]
                    for cp in cps:
                        cp.wait()

            len16 = len_v[pl.ds(g2 * 16, 16)]
            for l in range(16):
                e = g2 * 16 + l
                acc = len16[l] * cvec + bvec
                if has_gather:
                    w32v = plsc.load_gather(
                        rows_v, [jnp.full((16,), e, jnp.int32), col5])
                    glo = plsc.bitcast(lax.shift_left(w32v, 16), jnp.float32)
                    ghi = plsc.bitcast(
                        lax.bitwise_and(w32v, jnp.int32(-65536)), jnp.float32)
                    for k2 in range(5):
                        acc = acc + glo[k2] * wvecs[2 * k2]
                        acc = acc + ghi[k2] * wvecs[2 * k2 + 1]
                acc = jnp.minimum(jnp.maximum(acc, -50.0), 50.0)
                ex = jnp.exp(acc)
                m = (ex - 1.0) / (ex + 1.0)
                plsc.store_scatter(msgs_v,
                                   [jnp.full((16,), e, jnp.int32), iota16],
                                   m, mask=mask10)

            @pl.when(g2 == NG - 1)
            def _():
                for k in range(KSUB):
                    pltpu.sync_copy(msgs_v.at[pl.ds(k * 128, 128)],
                                    delta_sh.at[to_v.at[k]], add=True)

            return carry

        lax.fori_loop(0, NCHUNK * NG, it, 0)
        plsc.subcore_barrier()
        pltpu.sync_copy(delta_sh.at[pl.ds(r0, rsub)],
                        out_hbm.at[pl.ds(c * (NP // 2) + r0, rsub)])

    return round_kernel


_round_g = _make_round(True)


@functools.partial(
    pl.kernel,
    mesh=_mesh(),
    compiler_params=_cparams(),
    out_type=jax.ShapeDtypeStruct((NC, G, 2), jnp.float32),
    scratch_types=[
        pltpu.VMEM((32,), jnp.float32),
        pltpu.VMEM((RPW,), jnp.int32),
        pltpu.VMEM((FLAT_PW + 16,), jnp.float32),
        pltpu.VMEM((GB, 16), jnp.float32),
        pltpu.VMEM((4, 128), jnp.int32),
        pltpu.VMEM((32, 16), jnp.float32),
        pltpu.VMEM((32, 2), jnp.float32),
        pltpu.VMEM_SHARED((G, 16), jnp.float32),
    ],
)
def _final(s_hbm, gidx_hbm, w2_hbm, io_hbm, out_hbm,
           w2_v, gidx_v, s_v, gbuf, io_v, gv, obuf, gacc):
    c = lax.axis_index("c")
    s = lax.axis_index("s")
    w = c * NS + s
    pltpu.sync_copy(w2_hbm, w2_v)
    pltpu.sync_copy(io_hbm, io_v)
    pltpu.sync_copy(gidx_hbm.at[pl.ds(w * RPW, RPW)], gidx_v)
    pltpu.sync_copy(s_hbm.at[pl.ds(w * FLAT_PW, FLAT_PW)],
                    s_v.at[pl.ds(0, FLAT_PW)])
    iota16 = lax.iota(jnp.int32, 16)
    zv = jnp.zeros((16,), jnp.float32)

    def zb(i, cr):
        plsc.store_scatter(gbuf, [jnp.full((16,), i, jnp.int32), iota16], zv)
        return cr

    lax.fori_loop(0, GB, zb, 0)
    pltpu.sync_copy(gbuf.at[pl.ds(s * 32, 32)], gacc.at[pl.ds(s * 32, 32)])
    plsc.subcore_barrier()

    def acc_row(i, cr):
        g16 = gidx_v[pl.ds(i * 16, 16)]
        for l in range(16):
            g = g16[l]
            row = s_v[pl.ds(i * 16 * SD + l * SD, 16)]
            plsc.addupdate_scatter(
                gbuf, [jnp.full((16,), g, jnp.int32), iota16], row)
        return cr

    lax.fori_loop(0, RPW // 16, acc_row, 0)
    for k in range(4):
        pltpu.sync_copy(gbuf.at[pl.ds(k * 128, 128)], gacc.at[io_v.at[k]],
                        add=True)
    plsc.subcore_barrier()
    pltpu.sync_copy(gacc.at[pl.ds(s * 32, 32)], gv)
    w2l = [w2_v[pl.ds(0, 16)], w2_v[pl.ds(16, 16)]]
    w2sc = lambda idx: w2l[idx // 16][idx % 16]
    for q in range(2):
        rid = q * 16 + iota16
        gsv = [plsc.load_gather(gv, [rid, jnp.full((16,), j, jnp.int32)])
               for j in range(SD)]
        o0 = gsv[0] * w2sc(0)
        o1 = gsv[0] * w2sc(SD)
        for j in range(1, SD):
            o0 = o0 + gsv[j] * w2sc(j)
            o1 = o1 + gsv[j] * w2sc(SD + j)
        plsc.store_scatter(obuf, [rid, jnp.full((16,), 0, jnp.int32)], o0)
        plsc.store_scatter(obuf, [rid, jnp.full((16,), 1, jnp.int32)], o1)
    pltpu.sync_copy(obuf, out_hbm.at[c, pl.ds(s * 32, 32)])


def kernel(edge_lengths, node_from, node_to, node_graph_index, W1, b1, W2, b2):
    f32 = jnp.float32
    nf = node_from.astype(jnp.int32)
    nt = node_to.astype(jnp.int32)
    gi = node_graph_index.astype(jnp.int32)
    el = edge_lengths.reshape(E).astype(f32)

    pad_from = lax.iota(jnp.int32, PADE) % N
    pad_to = N + lax.iota(jnp.int32, PADE) % (NP - N)
    nf2 = jnp.concatenate([nf, pad_from]).reshape(EP // 128, 128)
    ntp = jnp.concatenate([nt, pad_to])
    H = NP // 2
    trash = H + (ntp % 16)
    nt0 = jnp.where(ntp < H, ntp, trash).reshape(EP // 128, 128)
    nt1 = jnp.where(ntp >= H, ntp - H, trash).reshape(EP // 128, 128)
    elp = jnp.concatenate([el, jnp.zeros((PADE,), f32)])
    gip = jnp.concatenate([gi, jnp.full((NP - N,), G, jnp.int32)])

    blob = jnp.zeros((12, 16), f32)
    blob = blob.at[:SD + 1, :SD].set(2.0 * W1.astype(f32).T)
    blob = blob.at[11, :SD].set(2.0 * b1.astype(f32))
    blob = blob.reshape(192)
    w2b = jnp.zeros((32,), f32)
    w2b = w2b.at[:SD].set(W2[0].astype(f32)).at[SD:2 * SD].set(W2[1].astype(f32))
    io512 = jnp.arange(G, dtype=jnp.int32).reshape(4, 128)

    def body(_, st):
        st_pk = lax.bitcast_convert_type(
            st.reshape(NP, 5, 2).astype(jnp.bfloat16), jnp.int32)
        return _round_g(st, st_pk, nf2, nt0, nt1, elp, blob)

    st = lax.fori_loop(0, 3, body, jnp.zeros((NP, SD), f32))
    pout = _final(st.reshape(NP * SD), gip, w2b, io512)
    return pout[0] + pout[1] + b2[None, :].astype(f32)

# --- scband reference (transcript-rebuilt; emitter-appended) ---
"""Pipeline reference for scband-gnninvariant-40243843563892 (READ-ONLY COPY).

The authoritative reference and input builder live on the scoring server;
editing this copy changes nothing except your own understanding.
"""

import jax, jax.numpy as jnp
import numpy as np

N = 100000
E = 6400000
G = 512
STATE_DIM = 10
EDGE_DIM = 1
OUTPUT_DIM = 2
ROUNDS = 3


def setup_inputs(seed: int = 0) -> dict:
    key = jax.random.key(seed)
    k1, k2, k3, k4, k5, k6, k7, k8 = jax.random.split(key, 8)
    node_from = jax.random.randint(k1, (E,), 0, N, dtype=jnp.int64 if jax.config.jax_enable_x64 else jnp.int32)
    node_to = jax.random.randint(k2, (E,), 0, N, dtype=jnp.int64 if jax.config.jax_enable_x64 else jnp.int32)
    edge_lengths = jax.random.uniform(k3, (E, EDGE_DIM), dtype=jnp.float32)
    node_graph_index = jnp.sort(jax.random.randint(k4, (N,), 0, G, dtype=jnp.int64 if jax.config.jax_enable_x64 else jnp.int32))
    # message_net: Linear(state_dim + edge_dim -> state_dim), then Tanh
    W1 = jax.random.normal(k5, (STATE_DIM, STATE_DIM + EDGE_DIM), dtype=jnp.float32) * 0.3
    b1 = jax.random.normal(k6, (STATE_DIM,), dtype=jnp.float32) * 0.01
    # output_net: Linear(state_dim -> output_dim)
    W2 = jax.random.normal(k7, (OUTPUT_DIM, STATE_DIM), dtype=jnp.float32) * 0.3
    b2 = jax.random.normal(k8, (OUTPUT_DIM,), dtype=jnp.float32) * 0.01
    return {
        "edge_lengths": edge_lengths,
        "node_from": node_from,
        "node_to": node_to,
        "node_graph_index": node_graph_index,
        "W1": W1,
        "b1": b1,
        "W2": W2,
        "b2": b2,
    }


def reference(edge_lengths, node_from, node_to, node_graph_index, W1, b1, W2, b2):
    state = jnp.zeros((N, STATE_DIM), dtype=jnp.float32)
    for _ in range(ROUNDS):
        gathered = jnp.take(state, node_from, axis=0)  # [E, STATE_DIM]
        inp = jnp.concatenate([gathered, edge_lengths], axis=1)  # [E, STATE_DIM+1]
        message = jnp.tanh(inp @ W1.T + b1)  # [E, STATE_DIM]
        state = state.at[node_to].add(message)  # scatter-add (index_add_)
    graph_state = jax.ops.segment_sum(state, node_graph_index, num_segments=G)  # [G, STATE_DIM]
    out = graph_state @ W2.T + b2  # [G, OUTPUT_DIM]
    return out

if __name__ == "__main__":
    import jax
    _d = setup_inputs()
    print(jax.jit(kernel)(*tuple(_d.values())))

</pallas_src>

<mosaic_0001>
#map = affine_map<(d0, d1) -> (0, 0)>
#map1 = affine_map<(d0, d1) -> (0)>
module attributes {stable_mosaic.version = 14 : i64} {
  func.func @round_kernel(%arg0: i32, %arg1: i32, %arg2: memref<100352x10xf32, #tpu.memory_space<hbm>>, %arg3: memref<100352x5xi32, #tpu.memory_space<hbm>>, %arg4: memref<50176x128xi32, #tpu.memory_space<hbm>>, %arg5: memref<50176x128xi32, #tpu.memory_space<hbm>>, %arg6: memref<50176x128xi32, #tpu.memory_space<hbm>>, %arg7: memref<6422528xf32, #tpu.memory_space<hbm>>, %arg8: memref<192xf32, #tpu.memory_space<hbm>>, %arg9: memref<100352x10xf32, #tpu.memory_space<hbm>>, %arg10: memref<192xf32, #tpu.memory_space<vmem>>, %arg11: memref<16x128xi32, #tpu.memory_space<vmem>>, %arg12: memref<16x128xi32, #tpu.memory_space<vmem>>, %arg13: memref<2048xf32, #tpu.memory_space<vmem>>, %arg14: memref<2048x5xi32, #tpu.memory_space<vmem>>, %arg15: memref<2048x10xf32, #tpu.memory_space<vmem>>, %arg16: memref<50192x10xf32, #tpu.memory_space<vmem_shared>>, %arg17: memref<!tpu.dma_semaphore, #tpu.memory_space<semaphore_mem>>) attributes {dimension_semantics = [#tpu.dimension_semantics<core_parallel>, #tpu.dimension_semantics<subcore_parallel>], iteration_bounds = array<i64: 2, 16>, scalar_prefetch = 0 : i64, scratch_operands = 8 : i64, tpu.core_type = #tpu.core_type<sc_vector_subcore>, window_params = [{transform_indices = #map}, {transform_indices = #map}, {transform_indices = #map}, {transform_indices = #map}, {transform_indices = #map}, {transform_indices = #map1}, {transform_indices = #map1}, {transform_indices = #map}]} {
    "tpu.region"() ({
      %run_scoped3A = tpu.sem_alloc : memref<!tpu.dma_semaphore, #tpu.memory_space<semaphore_mem>>
      tpu.enqueue_dma source(%arg8 : memref<192xf32, #tpu.memory_space<hbm>>) target(%arg10 : memref<192xf32, #tpu.memory_space<vmem>>) target_semaphore(%run_scoped3A : memref<!tpu.dma_semaphore, #tpu.memory_space<semaphore_mem>>)
      tpu.wait_dma2 semaphore(%run_scoped3A : memref<!tpu.dma_semaphore, #tpu.memory_space<semaphore_mem>>) src(%arg8 : memref<192xf32, #tpu.memory_space<hbm>>) dst(%arg10 : memref<192xf32, #tpu.memory_space<vmem>>)
      tpu.yield
    }) : () -> ()
    %mul3A = arith.constant 3136 : i32
    %mul3A_0 = arith.muli %arg1, %mul3A : i32
    %mul3A_1 = arith.constant 50176 : i32
    %mul3A_2 = arith.muli %arg0, %mul3A_1 : i32
    %add3A = arith.addi %mul3A_2, %mul3A_0 : i32
    "tpu.region"() ({
      %run_scoped3A = tpu.sem_alloc : memref<!tpu.dma_semaphore, #tpu.memory_space<semaphore_mem>>
      %dma_start3A = arith.constant 0 : i32
      %dma_start3A_41 = tpu.memref_slice %arg16[%mul3A_0, %dma_start3A] : memref<50192x10xf32, #tpu.memory_space<vmem_shared>> -> memref<3136x10xf32, #tpu.memory_space<vmem_shared>>
      %dma_start3A_42 = arith.constant 0 : i32
      %dma_start3A_43 = tpu.memref_slice %arg2[%add3A, %dma_start3A_42] : memref<100352x10xf32, #tpu.memory_space<hbm>> -> memref<3136x10xf32, #tpu.memory_space<hbm>>
      tpu.enqueue_dma source(%dma_start3A_43 : memref<3136x10xf32, #tpu.memory_space<hbm>>) target(%dma_start3A_41 : memref<3136x10xf32, #tpu.memory_space<vmem_shared>>) target_semaphore(%run_scoped3A : memref<!tpu.dma_semaphore, #tpu.memory_space<semaphore_mem>>)
      %dma_wait3A = arith.constant 0 : i32
      %dma_wait3A_44 = tpu.memref_slice %arg16[%mul3A_0, %dma_wait3A] : memref<50192x10xf32, #tpu.memory_space<vmem_shared>> -> memref<3136x10xf32, #tpu.memory_space<vmem_shared>>
      %dma_wait3A_45 = arith.constant 0 : i32
      %dma_wait3A_46 = tpu.memref_slice %arg2[%add3A, %dma_wait3A_45] : memref<100352x10xf32, #tpu.memory_space<hbm>> -> memref<3136x10xf32, #tpu.memory_space<hbm>>
      tpu.wait_dma2 semaphore(%run_scoped3A : memref<!tpu.dma_semaphore, #tpu.memory_space<semaphore_mem>>) src(%dma_wait3A_46 : memref<3136x10xf32, #tpu.memory_space<hbm>>) dst(%dma_wait3A_44 : memref<3136x10xf32, #tpu.memory_space<vmem_shared>>)
      tpu.yield
    }) : () -> ()
    %barrier3A = arith.constant 0 : index
    tpu.barrier barrier_id(%barrier3A)
    %iota3A = tpu.iota {dimensions = array<i32: 0>} : vector<16xi32>
    %get3A = arith.constant 0 : index
    %get3A_3 = tpu.vector_load %arg10[%get3A] {strides = array<i32>} : memref<192xf32, #tpu.memory_space<vmem>>, vector<16xf32>,
    %get3A_4 = arith.constant 16 : index
    %get3A_5 = tpu.vector_load %arg10[%get3A_4] {strides = array<i32>} : memref<192xf32, #tpu.memory_space<vmem>>, vector<16xf32>,
    %get3A_6 = arith.constant 32 : index
    %get3A_7 = tpu.vector_load %arg10[%get3A_6] {strides = array<i32>} : memref<192xf32, #tpu.memory_space<vmem>>, vector<16xf32>,
    %get3A_8 = arith.constant 48 : index
    %get3A_9 = tpu.vector_load %arg10[%get3A_8] {strides = array<i32>} : memref<192xf32, #tpu.memory_space<vmem>>, vector<16xf32>,
    %get3A_10 = arith.constant 64 : index
    %get3A_11 = tpu.vector_load %arg10[%get3A_10] {strides = array<i32>} : memref<192xf32, #tpu.memory_space<vmem>>, vector<16xf32>,
    %get3A_12 = arith.constant 80 : index
    %get3A_13 = tpu.vector_load %arg10[%get3A_12] {strides = array<i32>} : memref<192xf32, #tpu.memory_space<vmem>>, vector<16xf32>,
    %get3A_14 = arith.constant 96 : index
    %get3A_15 = tpu.vector_load %arg10[%get3A_14] {strides = array<i32>} : memref<192xf32, #tpu.memory_space<vmem>>, vector<16xf32>,
    %get3A_16 = arith.constant 112 : index
    %get3A_17 = tpu.vector_load %arg10[%get3A_16] {strides = array<i32>} : memref<192xf32, #tpu.memory_space<vmem>>, vector<16xf32>,
    %get3A_18 = arith.constant 128 : index
    %get3A_19 = tpu.vector_load %arg10[%get3A_18] {strides = array<i32>} : memref<192xf32, #tpu.memory_space<vmem>>, vector<16xf32>,
    %get3A_20 = arith.constant 144 : index
    %get3A_21 = tpu.vector_load %arg10[%get3A_20] {strides = array<i32>} : memref<192xf32, #tpu.memory_space<vmem>>, vector<16xf32>,
    %get3A_22 = arith.constant 160 : index
    %get3A_23 = tpu.vector_load %arg10[%get3A_22] {strides = array<i32>} : memref<192xf32, #tpu.memory_space<vmem>>, vector<16xf32>,
    %get3A_24 = arith.constant 176 : index
    %get3A_25 = tpu.vector_load %arg10[%get3A_24] {strides = array<i32>} : memref<192xf32, #tpu.memory_space<vmem>>, vector<16xf32>,
    %min3A = arith.constant 4 : i32
    %min3A_26 = vector.broadcast %min3A : i32 to vector<16xi32>
    %min3A_27 = arith.minsi %iota3A, %min3A_26 : vector<16xi32>
    %lt3A = arith.constant 10 : i32
    %lt3A_28 = vector.broadcast %lt3A : i32 to vector<16xi32>
    %lt3A_29 = arith.cmpi slt, %iota3A, %lt3A_28 : vector<16xi32>
    %mul3A_30 = arith.constant 3136 : i32
    %mul3A_31 = arith.muli %arg1, %mul3A_30 : i32
    %scan3A = arith.constant 0 : i32
    %scan3A_32 = arith.constant 0 : i32
    %scan3A_33 = arith.constant 25088 : i32
    %scan3A_34 = arith.addi %scan3A_32, %scan3A_33 : i32
    %scan3A_35 = arith.constant 1 : i32
    scf.for %scan3A_41 = %scan3A_32 to %scan3A_34 step %scan3A_35  : i32 {
      %jit3A = arith.constant 128 : i32
      %div3A = arith.divsi %scan3A_41, %jit3A : i32
      %sign3A = arith.constant 0 : i32
      %sign3A_42 = arith.cmpi sgt, %scan3A_41, %sign3A : i32
      %sign3A_43 = arith.extui %sign3A_42 : i1 to i32
      %sign3A_44 = arith.constant 0 : i32
      %sign3A_45 = arith.cmpi slt, %scan3A_41, %sign3A_44 : i32
      %sign3A_46 = arith.extui %sign3A_45 : i1 to i32
      %sign3A_47 = arith.subi %sign3A_43, %sign3A_46 : i32
      %sign3A_48 = arith.constant 0 : i32
      %sign3A_49 = arith.cmpi sgt, %jit3A, %sign3A_48 : i32
      %sign3A_50 = arith.extui %sign3A_49 : i1 to i32
      %sign3A_51 = arith.constant 0 : i32
      %sign3A_52 = arith.cmpi slt, %jit3A, %sign3A_51 : i32
      %sign3A_53 = arith.extui %sign3A_52 : i1 to i32
      %sign3A_54 = arith.subi %sign3A_50, %sign3A_53 : i32
      %ne3A = arith.cmpi ne, %sign3A_47, %sign3A_54 : i32
      %rem3A = arith.remsi %scan3A_41, %jit3A : i32
      %ne3A_55 = arith.constant 0 : i32
      %ne3A_56 = arith.cmpi ne, %rem3A, %ne3A_55 : i32
      %and3A = arith.andi %ne3A, %ne3A_56 : i1
      %sub3A = arith.constant 1 : i32
      %sub3A_57 = arith.subi %div3A, %sub3A : i32
      %select_n3A = arith.select %and3A, %sub3A_57, %div3A : i32
      %jit3A_58 = arith.constant 128 : i32
      %eq3A = arith.constant 0 : i32
      %eq3A_59 = arith.cmpi eq, %jit3A_58, %eq3A : i32
      %jit3A_60 = arith.constant 1 : i32
      %select_n3A_61 = arith.select %eq3A_59, %jit3A_60, %jit3A_58 : i32
      %rem3A_62 = arith.remsi %scan3A_41, %select_n3A_61 : i32
      %ne3A_63 = arith.constant 0 : i32
      %ne3A_64 = arith.cmpi ne, %rem3A_62, %ne3A_63 : i32
      %lt3A_65 = arith.constant 0 : i32
      %lt3A_66 = arith.cmpi slt, %rem3A_62, %lt3A_65 : i32
      %lt3A_67 = arith.constant 0 : i32
      %lt3A_68 = arith.cmpi slt, %select_n3A_61, %lt3A_67 : i32
      %ne3A_69 = arith.xori %lt3A_66, %lt3A_68 : i1
      %and3A_70 = arith.andi %ne3A_69, %ne3A_64 : i1
      %add3A_71 = arith.addi %rem3A_62, %select_n3A_61 : i32
      %select_n3A_72 = arith.select %and3A_70, %add3A_71, %rem3A_62 : i32
      %eq3A_73 = arith.constant 0 : i32
      %eq3A_74 = arith.cmpi eq, %select_n3A_72, %eq3A_73 : i32
      %convert_element_type3A = arith.extui %eq3A_74 : i1 to i32
      %cond3A = arith.constant 0 : i32
      %cond3A_75 = arith.cmpi ne, %convert_element_type3A, %cond3A : i32
      scf.if %cond3A_75 {
        %mul3A_1421 = arith.constant 16 : i32
        %mul3A_1422 = arith.muli %select_n3A, %mul3A_1421 : i32
        %add3A_1423 = arith.addi %mul3A_31, %mul3A_1422 : i32
        %mul3A_1424 = arith.constant 401408 : i32
        %mul3A_1425 = arith.muli %arg1, %mul3A_1424 : i32
        %mul3A_1426 = arith.constant 2048 : i32
        %mul3A_1427 = arith.muli %select_n3A, %mul3A_1426 : i32
        %add3A_1428 = arith.addi %mul3A_1425, %mul3A_1427 : i32
        "tpu.region"() ({
          %run_scoped3A = tpu.sem_alloc : memref<!tpu.dma_semaphore, #tpu.memory_space<semaphore_mem>>
          %dma_start3A_1757 = arith.constant 0 : i32
          %dma_start3A_1758 = tpu.memref_slice %arg4[%add3A_1423, %dma_start3A_1757] : memref<50176x128xi32, #tpu.memory_space<hbm>> -> memref<16x128xi32, #tpu.memory_space<hbm>>
          %dma_start3A_1759 = arith.constant 0 : i32
          %dma_start3A_1760 = tpu.memref_slice %arg4[%add3A_1423, %dma_start3A_1759] : memref<50176x128xi32, #tpu.memory_space<hbm>> -> memref<16x128xi32, #tpu.memory_space<hbm>>
          tpu.enqueue_dma source(%dma_start3A_1760 : memref<16x128xi32, #tpu.memory_space<hbm>>) target(%arg11 : memref<16x128xi32, #tpu.memory_space<vmem>>) target_semaphore(%run_scoped3A : memref<!tpu.dma_semaphore, #tpu.memory_space<semaphore_mem>>)
          %dma_wait3A_1761 = arith.constant 0 : i32
          %dma_wait3A_1762 = tpu.memref_slice %arg4[%add3A_1423, %dma_wait3A_1761] : memref<50176x128xi32, #tpu.memory_space<hbm>> -> memref<16x128xi32, #tpu.memory_space<hbm>>
          %dma_wait3A_1763 = arith.constant 0 : i32
          %dma_wait3A_1764 = tpu.memref_slice %arg4[%add3A_1423, %dma_wait3A_1763] : memref<50176x128xi32, #tpu.memory_space<hbm>> -> memref<16x128xi32, #tpu.memory_space<hbm>>
          tpu.wait_dma2 semaphore(%run_scoped3A : memref<!tpu.dma_semaphore, #tpu.memory_space<semaphore_mem>>) src(%dma_wait3A_1764 : memref<16x128xi32, #tpu.memory_space<hbm>>) dst(%arg11 : memref<16x128xi32, #tpu.memory_space<vmem>>)
          tpu.yield
        }) : () -> ()
        %eq3A_1429 = arith.constant 0 : i32
        %eq3A_1430 = arith.cmpi eq, %arg0, %eq3A_1429 : i32
        %convert_element_type3A_1431 = arith.extui %eq3A_1430 : i1 to i32
        %cond3A_1432 = arith.constant 0 : i32
        %cond3A_1433 = arith.cmpi ne, %convert_element_type3A_1431, %cond3A_1432 : i32
        scf.if %cond3A_1433 {
          "tpu.region"() ({
            %run_scoped3A = tpu.sem_alloc : memref<!tpu.dma_semaphore, #tpu.memory_space<semaphore_mem>>
            %dma_start3A_1757 = arith.constant 0 : i32
            %dma_start3A_1758 = tpu.memref_slice %arg5[%add3A_1423, %dma_start3A_1757] : memref<50176x128xi32, #tpu.memory_space<hbm>> -> memref<16x128xi32, #tpu.memory_space<hbm>>
            %dma_start3A_1759 = arith.constant 0 : i32
            %dma_start3A_1760 = tpu.memref_slice %arg5[%add3A_1423, %dma_start3A_1759] : memref<50176x128xi32, #tpu.memory_space<hbm>> -> memref<16x128xi32, #tpu.memory_space<hbm>>
            tpu.enqueue_dma source(%dma_start3A_1760 : memref<16x128xi32, #tpu.memory_space<hbm>>) target(%arg12 : memref<16x128xi32, #tpu.memory_space<vmem>>) target_semaphore(%run_scoped3A : memref<!tpu.dma_semaphore, #tpu.memory_space<semaphore_mem>>)
            %dma_wait3A_1761 = arith.constant 0 : i32
            %dma_wait3A_1762 = tpu.memref_slice %arg5[%add3A_1423, %dma_wait3A_1761] : memref<50176x128xi32, #tpu.memory_space<hbm>> -> memref<16x128xi32, #tpu.memory_space<hbm>>
            %dma_wait3A_1763 = arith.constant 0 : i32
            %dma_wait3A_1764 = tpu.memref_slice %arg5[%add3A_1423, %dma_wait3A_1763] : memref<50176x128xi32, #tpu.memory_space<hbm>> -> memref<16x128xi32, #tpu.memory_space<hbm>>
            tpu.wait_dma2 semaphore(%run_scoped3A : memref<!tpu.dma_semaphore, #tpu.memory_space<semaphore_mem>>) src(%dma_wait3A_1764 : memref<16x128xi32, #tpu.memory_space<hbm>>) dst(%arg12 : memref<16x128xi32, #tpu.memory_space<vmem>>)
            tpu.yield
          }) : () -> ()
        } else {
        }
        %ne3A_1434 = arith.constant 0 : i32
        %ne3A_1435 = arith.cmpi ne, %arg0, %ne3A_1434 : i32
        %convert_element_type3A_1436 = arith.extui %ne3A_1435 : i1 to i32
        %cond3A_1437 = arith.constant 0 : i32
        %cond3A_1438 = arith.cmpi ne, %convert_element_type3A_1436, %cond3A_1437 : i32
        scf.if %cond3A_1438 {
          "tpu.region"() ({
            %run_scoped3A = tpu.sem_alloc : memref<!tpu.dma_semaphore, #tpu.memory_space<semaphore_mem>>
            %dma_start3A_1757 = arith.constant 0 : i32
            %dma_start3A_1758 = tpu.memref_slice %arg6[%add3A_1423, %dma_start3A_1757] : memref<50176x128xi32, #tpu.memory_space<hbm>> -> memref<16x128xi32, #tpu.memory_space<hbm>>
            %dma_start3A_1759 = arith.constant 0 : i32
            %dma_start3A_1760 = tpu.memref_slice %arg6[%add3A_1423, %dma_start3A_1759] : memref<50176x128xi32, #tpu.memory_space<hbm>> -> memref<16x128xi32, #tpu.memory_space<hbm>>
            tpu.enqueue_dma source(%dma_start3A_1760 : memref<16x128xi32, #tpu.memory_space<hbm>>) target(%arg12 : memref<16x128xi32, #tpu.memory_space<vmem>>) target_semaphore(%run_scoped3A : memref<!tpu.dma_semaphore, #tpu.memory_space<semaphore_mem>>)
            %dma_wait3A_1761 = arith.constant 0 : i32
            %dma_wait3A_1762 = tpu.memref_slice %arg6[%add3A_1423, %dma_wait3A_1761] : memref<50176x128xi32, #tpu.memory_space<hbm>> -> memref<16x128xi32, #tpu.memory_space<hbm>>
            %dma_wait3A_1763 = arith.constant 0 : i32
            %dma_wait3A_1764 = tpu.memref_slice %arg6[%add3A_1423, %dma_wait3A_1763] : memref<50176x128xi32, #tpu.memory_space<hbm>> -> memref<16x128xi32, #tpu.memory_space<hbm>>
            tpu.wait_dma2 semaphore(%run_scoped3A : memref<!tpu.dma_semaphore, #tpu.memory_space<semaphore_mem>>) src(%dma_wait3A_1764 : memref<16x128xi32, #tpu.memory_space<hbm>>) dst(%arg12 : memref<16x128xi32, #tpu.memory_space<vmem>>)
            tpu.yield
          }) : () -> ()
        } else {
        }
        "tpu.region"() ({
          %run_scoped3A = tpu.sem_alloc : memref<!tpu.dma_semaphore, #tpu.memory_space<semaphore_mem>>
          %dma_start3A_1757 = tpu.memref_slice %arg7[%add3A_1428] : memref<6422528xf32, #tpu.memory_space<hbm>> -> memref<2048xf32, #tpu.memory_space<hbm>>
          %dma_start3A_1758 = tpu.memref_slice %arg7[%add3A_1428] : memref<6422528xf32, #tpu.memory_space<hbm>> -> memref<2048xf32, #tpu.memory_space<hbm>>
          tpu.enqueue_dma source(%dma_start3A_1758 : memref<2048xf32, #tpu.memory_space<hbm>>) target(%arg13 : memref<2048xf32, #tpu.memory_space<vmem>>) target_semaphore(%run_scoped3A : memref<!tpu.dma_semaphore, #tpu.memory_space<semaphore_mem>>)
          %dma_wait3A_1759 = tpu.memref_slice %arg7[%add3A_1428] : memref<6422528xf32, #tpu.memory_space<hbm>> -> memref<2048xf32, #tpu.memory_space<hbm>>
          %dma_wait3A_1760 = tpu.memref_slice %arg7[%add3A_1428] : memref<6422528xf32, #tpu.memory_space<hbm>> -> memref<2048xf32, #tpu.memory_space<hbm>>
          tpu.wait_dma2 semaphore(%run_scoped3A : memref<!tpu.dma_semaphore, #tpu.memory_space<semaphore_mem>>) src(%dma_wait3A_1760 : memref<2048xf32, #tpu.memory_space<hbm>>) dst(%arg13 : memref<2048xf32, #tpu.memory_space<vmem>>)
          tpu.yield
        }) : () -> ()
        %dma_start3A = arith.constant 0 : i32
        %dma_start3A_1439 = arith.constant 0 : i32
        %dma_start3A_1440 = arith.constant 0 : i32
        %dma_start3A_1441 = tpu.memref_slice %arg14[%dma_start3A_1439, %dma_start3A_1440] : memref<2048x5xi32, #tpu.memory_space<vmem>> -> memref<128x5xi32, #tpu.memory_space<vmem>>
        %dma_start3A_1442 = arith.constant 0 : i32
        %dma_start3A_1443 = tpu.memref_slice %arg11[%dma_start3A, %dma_start3A_1442] : memref<16x128xi32, #tpu.memory_space<vmem>> -> memref<1x128xi32, #tpu.memory_space<vmem>>
        %dma_start3A_1444 = tpu.memref_squeeze %dma_start3A_1443 : memref<1x128xi32, #tpu.memory_space<vmem>> -> memref<128xi32, #tpu.memory_space<vmem>>
        %dma_start3A_1445 = arith.constant 0 : i32
        %dma_start3A_1446 = arith.constant 0 : i32
        %dma_start3A_1447 = tpu.memref_slice %arg3[%dma_start3A_1445, %dma_start3A_1446] : memref<100352x5xi32, #tpu.memory_space<hbm>> -> memref<100352x5xi32, #tpu.memory_space<hbm>>
        tpu.enqueue_indirect_dma source(%dma_start3A_1447 : memref<100352x5xi32, #tpu.memory_space<hbm>>) target(%dma_start3A_1441 : memref<128x5xi32, #tpu.memory_space<vmem>>) offsets(%dma_start3A_1444 : memref<128xi32, #tpu.memory_space<vmem>>) semaphore(%arg17 : memref<!tpu.dma_semaphore, #tpu.memory_space<semaphore_mem>>)
        %dma_start3A_1448 = arith.constant 1 : i32
        %dma_start3A_1449 = arith.constant 128 : i32
        %dma_start3A_1450 = arith.constant 0 : i32
        %dma_start3A_1451 = tpu.memref_slice %arg14[%dma_start3A_1449, %dma_start3A_1450] : memref<2048x5xi32, #tpu.memory_space<vmem>> -> memref<128x5xi32, #tpu.memory_space<vmem>>
        %dma_start3A_1452 = arith.constant 0 : i32
        %dma_start3A_1453 = tpu.memref_slice %arg11[%dma_start3A_1448, %dma_start3A_1452] : memref<16x128xi32, #tpu.memory_space<vmem>> -> memref<1x128xi32, #tpu.memory_space<vmem>>
        %dma_start3A_1454 = tpu.memref_squeeze %dma_start3A_1453 : memref<1x128xi32, #tpu.memory_space<vmem>> -> memref<128xi32, #tpu.memory_space<vmem>>
        %dma_start3A_1455 = arith.constant 0 : i32
        %dma_start3A_1456 = arith.constant 0 : i32
        %dma_start3A_1457 = tpu.memref_slice %arg3[%dma_start3A_1455, %dma_start3A_1456] : memref<100352x5xi32, #tpu.memory_space<hbm>> -> memref<100352x5xi32, #tpu.memory_space<hbm>>
        tpu.enqueue_indirect_dma source(%dma_start3A_1457 : memref<100352x5xi32, #tpu.memory_space<hbm>>) target(%dma_start3A_1451 : memref<128x5xi32, #tpu.memory_space<vmem>>) offsets(%dma_start3A_1454 : memref<128xi32, #tpu.memory_space<vmem>>) semaphore(%arg17 : memref<!tpu.dma_semaphore, #tpu.memory_space<semaphore_mem>>)
        %dma_start3A_1458 = arith.constant 2 : i32
        %dma_start3A_1459 = arith.constant 256 : i32
        %dma_start3A_1460 = arith.constant 0 : i32
        %dma_start3A_1461 = tpu.memref_slice %arg14[%dma_start3A_1459, %dma_start3A_1460] : memref<2048x5xi32, #tpu.memory_space<vmem>> -> memref<128x5xi32, #tpu.memory_space<vmem>>
        %dma_start3A_1462 = arith.constant 0 : i32
        %dma_start3A_1463 = tpu.memref_slice %arg11[%dma_start3A_1458, %dma_start3A_1462] : memref<16x128xi32, #tpu.memory_space<vmem>> -> memref<1x128xi32, #tpu.memory_space<vmem>>
        %dma_start3A_1464 = tpu.memref_squeeze %dma_start3A_1463 : memref<1x128xi32, #tpu.memory_space<vmem>> -> memref<128xi32, #tpu.memory_space<vmem>>
        %dma_start3A_1465 = arith.constant 0 : i32
        %dma_start3A_1466 = arith.constant 0 : i32
        %dma_start3A_1467 = tpu.memref_slice %arg3[%dma_start3A_1465, %dma_start3A_1466] : memref<100352x5xi32, #tpu.memory_space<hbm>> -> memref<100352x5xi32, #tpu.memory_space<hbm>>
        tpu.enqueue_indirect_dma source(%dma_start3A_1467 : memref<100352x5xi32, #tpu.memory_space<hbm>>) target(%dma_start3A_1461 : memref<128x5xi32, #tpu.memory_space<vmem>>) offsets(%dma_start3A_1464 : memref<128xi32, #tpu.memory_space<vmem>>) semaphore(%arg17 : memref<!tpu.dma_semaphore, #tpu.memory_space<semaphore_mem>>)
        %dma_start3A_1468 = arith.constant 3 : i32
        %dma_start3A_1469 = arith.constant 384 : i32
        %dma_start3A_1470 = arith.constant 0 : i32
        %dma_start3A_1471 = tpu.memref_slice %arg14[%dma_start3A_1469, %dma_start3A_1470] : memref<2048x5xi32, #tpu.memory_space<vmem>> -> memref<128x5xi32, #tpu.memory_space<vmem>>
        %dma_start3A_1472 = arith.constant 0 : i32
        %dma_start3A_1473 = tpu.memref_slice %arg11[%dma_start3A_1468, %dma_start3A_1472] : memref<16x128xi32, #tpu.memory_space<vmem>> -> memref<1x128xi32, #tpu.memory_space<vmem>>
        %dma_start3A_1474 = tpu.memref_squeeze %dma_start3A_1473 : memref<1x128xi32, #tpu.memory_space<vmem>> -> memref<128xi32, #tpu.memory_space<vmem>>
        %dma_start3A_1475 = arith.constant 0 : i32
        %dma_start3A_1476 = arith.constant 0 : i32
        %dma_start3A_1477 = tpu.memref_slice %arg3[%dma_start3A_1475, %dma_start3A_1476] : memref<100352x5xi32, #tpu.memory_space<hbm>> -> memref<100352x5xi32, #tpu.memory_space<hbm>>
        tpu.enqueue_indirect_dma source(%dma_start3A_1477 : memref<100352x5xi32, #tpu.memory_space<hbm>>) target(%dma_start3A_1471 : memref<128x5xi32, #tpu.memory_space<vmem>>) offsets(%dma_start3A_1474 : memref<128xi32, #tpu.memory_space<vmem>>) semaphore(%arg17 : memref<!tpu.dma_semaphore, #tpu.memory_space<semaphore_mem>>)
        %dma_start3A_1478 = arith.constant 4 : i32
        %dma_start3A_1479 = arith.constant 512 : i32
        %dma_start3A_1480 = arith.constant 0 : i32
        %dma_start3A_1481 = tpu.memref_slice %arg14[%dma_start3A_1479, %dma_start3A_1480] : memref<2048x5xi32, #tpu.memory_space<vmem>> -> memref<128x5xi32, #tpu.memory_space<vmem>>
        %dma_start3A_1482 = arith.constant 0 : i32
        %dma_start3A_1483 = tpu.memref_slice %arg11[%dma_start3A_1478, %dma_start3A_1482] : memref<16x128xi32, #tpu.memory_space<vmem>> -> memref<1x128xi32, #tpu.memory_space<vmem>>
        %dma_start3A_1484 = tpu.memref_squeeze %dma_start3A_1483 : memref<1x128xi32, #tpu.memory_space<vmem>> -> memref<128xi32, #tpu.memory_space<vmem>>
        %dma_start3A_1485 = arith.constant 0 : i32
        %dma_start3A_1486 = arith.constant 0 : i32
        %dma_start3A_1487 = tpu.memref_slice %arg3[%dma_start3A_1485, %dma_start3A_1486] : memref<100352x5xi32, #tpu.memory_space<hbm>> -> memref<100352x5xi32, #tpu.memory_space<hbm>>
        tpu.enqueue_indirect_dma source(%dma_start3A_1487 : memref<100352x5xi32, #tpu.memory_space<hbm>>) target(%dma_start3A_1481 : memref<128x5xi32, #tpu.memory_space<vmem>>) offsets(%dma_start3A_1484 : memref<128xi32, #tpu.memory_space<vmem>>) semaphore(%arg17 : memref<!tpu.dma_semaphore, #tpu.memory_space<semaphore_mem>>)
        %dma_start3A_1488 = arith.constant 5 : i32
        %dma_start3A_1489 = arith.constant 640 : i32
        %dma_start3A_1490 = arith.constant 0 : i32
        %dma_start3A_1491 = tpu.memref_slice %arg14[%dma_start3A_1489, %dma_start3A_1490] : memref<2048x5xi32, #tpu.memory_space<vmem>> -> memref<128x5xi32, #tpu.memory_space<vmem>>
        %dma_start3A_1492 = arith.constant 0 : i32
        %dma_start3A_1493 = tpu.memref_slice %arg11[%dma_start3A_1488, %dma_start3A_1492] : memref<16x128xi32, #tpu.memory_space<vmem>> -> memref<1x128xi32, #tpu.memory_space<vmem>>
        %dma_start3A_1494 = tpu.memref_squeeze %dma_start3A_1493 : memref<1x128xi32, #tpu.memory_space<vmem>> -> memref<128xi32, #tpu.memory_space<vmem>>
        %dma_start3A_1495 = arith.constant 0 : i32
        %dma_start3A_1496 = arith.constant 0 : i32
        %dma_start3A_1497 = tpu.memref_slice %arg3[%dma_start3A_1495, %dma_start3A_1496] : memref<100352x5xi32, #tpu.memory_space<hbm>> -> memref<100352x5xi32, #tpu.memory_space<hbm>>
        tpu.enqueue_indirect_dma source(%dma_start3A_1497 : memref<100352x5xi32, #tpu.memory_space<hbm>>) target(%dma_start3A_1491 : memref<128x5xi32, #tpu.memory_space<vmem>>) offsets(%dma_start3A_1494 : memref<128xi32, #tpu.memory_space<vmem>>) semaphore(%arg17 : memref<!tpu.dma_semaphore, #tpu.memory_space<semaphore_mem>>)
        %dma_start3A_1498 = arith.constant 6 : i32
        %dma_start3A_1499 = arith.constant 768 : i32
        %dma_start3A_1500 = arith.constant 0 : i32
        %dma_start3A_1501 = tpu.memref_slice %arg14[%dma_start3A_1499, %dma_start3A_1500] : memref<2048x5xi32, #tpu.memory_space<vmem>> -> memref<128x5xi32, #tpu.memory_space<vmem>>
        %dma_start3A_1502 = arith.constant 0 : i32
        %dma_start3A_1503 = tpu.memref_slice %arg11[%dma_start3A_1498, %dma_start3A_1502] : memref<16x128xi32, #tpu.memory_space<vmem>> -> memref<1x128xi32, #tpu.memory_space<vmem>>
        %dma_start3A_1504 = tpu.memref_squeeze %dma_start3A_1503 : memref<1x128xi32, #tpu.memory_space<vmem>> -> memref<128xi32, #tpu.memory_space<vmem>>
        %dma_start3A_1505 = arith.constant 0 : i32
        %dma_start3A_1506 = arith.constant 0 : i32
        %dma_start3A_1507 = tpu.memref_slice %arg3[%dma_start3A_1505, %dma_start3A_1506] : memref<100352x5xi32, #tpu.memory_space<hbm>> -> memref<100352x5xi32, #tpu.memory_space<hbm>>
        tpu.enqueue_indirect_dma source(%dma_start3A_1507 : memref<100352x5xi32, #tpu.memory_space<hbm>>) target(%dma_start3A_1501 : memref<128x5xi32, #tpu.memory_space<vmem>>) offsets(%dma_start3A_1504 : memref<128xi32, #tpu.memory_space<vmem>>) semaphore(%arg17 : memref<!tpu.dma_semaphore, #tpu.memory_space<semaphore_mem>>)
        %dma_start3A_1508 = arith.constant 7 : i32
        %dma_start3A_1509 = arith.constant 896 : i32
        %dma_start3A_1510 = arith.constant 0 : i32
        %dma_start3A_1511 = tpu.memref_slice %arg14[%dma_start3A_1509, %dma_start3A_1510] : memref<2048x5xi32, #tpu.memory_space<vmem>> -> memref<128x5xi32, #tpu.memory_space<vmem>>
        %dma_start3A_1512 = arith.constant 0 : i32
        %dma_start3A_1513 = tpu.memref_slice %arg11[%dma_start3A_1508, %dma_start3A_1512] : memref<16x128xi32, #tpu.memory_space<vmem>> -> memref<1x128xi32, #tpu.memory_space<vmem>>
        %dma_start3A_1514 = tpu.memref_squeeze %dma_start3A_1513 : memref<1x128xi32, #tpu.memory_space<vmem>> -> memref<128xi32, #tpu.memory_space<vmem>>
        %dma_start3A_1515 = arith.constant 0 : i32
        %dma_start3A_1516 = arith.constant 0 : i32
        %dma_start3A_1517 = tpu.memref_slice %arg3[%dma_start3A_1515, %dma_start3A_1516] : memref<100352x5xi32, #tpu.memory_space<hbm>> -> memref<100352x5xi32, #tpu.memory_space<hbm>>
        tpu.enqueue_indirect_dma source(%dma_start3A_1517 : memref<100352x5xi32, #tpu.memory_space<hbm>>) target(%dma_start3A_1511 : memref<128x5xi32, #tpu.memory_space<vmem>>) offsets(%dma_start3A_1514 : memref<128xi32, #tpu.memory_space<vmem>>) semaphore(%arg17 : memref<!tpu.dma_semaphore, #tpu.memory_space<semaphore_mem>>)
        %dma_start3A_1518 = arith.constant 8 : i32
        %dma_start3A_1519 = arith.constant 1024 : i32
        %dma_start3A_1520 = arith.constant 0 : i32
        %dma_start3A_1521 = tpu.memref_slice %arg14[%dma_start3A_1519, %dma_start3A_1520] : memref<2048x5xi32, #tpu.memory_space<vmem>> -> memref<128x5xi32, #tpu.memory_space<vmem>>
        %dma_start3A_1522 = arith.constant 0 : i32
        %dma_start3A_1523 = tpu.memref_slice %arg11[%dma_start3A_1518, %dma_start3A_1522] : memref<16x128xi32, #tpu.memory_space<vmem>> -> memref<1x128xi32, #tpu.memory_space<vmem>>
        %dma_start3A_1524 = tpu.memref_squeeze %dma_start3A_1523 : memref<1x128xi32, #tpu.memory_space<vmem>> -> memref<128xi32, #tpu.memory_space<vmem>>
        %dma_start3A_1525 = arith.constant 0 : i32
        %dma_start3A_1526 = arith.constant 0 : i32
        %dma_start3A_1527 = tpu.memref_slice %arg3[%dma_start3A_1525, %dma_start3A_1526] : memref<100352x5xi32, #tpu.memory_space<hbm>> -> memref<100352x5xi32, #tpu.memory_space<hbm>>
        tpu.enqueue_indirect_dma source(%dma_start3A_1527 : memref<100352x5xi32, #tpu.memory_space<hbm>>) target(%dma_start3A_1521 : memref<128x5xi32, #tpu.memory_space<vmem>>) offsets(%dma_start3A_1524 : memref<128xi32, #tpu.memory_space<vmem>>) semaphore(%arg17 : memref<!tpu.dma_semaphore, #tpu.memory_space<semaphore_mem>>)
        %dma_start3A_1528 = arith.constant 9 : i32
        %dma_start3A_1529 = arith.constant 1152 : i32
        %dma_start3A_1530 = arith.constant 0 : i32
        %dma_start3A_1531 = tpu.memref_slice %arg14[%dma_start3A_1529, %dma_start3A_1530] : memref<2048x5xi32, #tpu.memory_space<vmem>> -> memref<128x5xi32, #tpu.memory_space<vmem>>
        %dma_start3A_1532 = arith.constant 0 : i32
        %dma_start3A_1533 = tpu.memref_slice %arg11[%dma_start3A_1528, %dma_start3A_1532] : memref<16x128xi32, #tpu.memory_space<vmem>> -> memref<1x128xi32, #tpu.memory_space<vmem>>
        %dma_start3A_1534 = tpu.memref_squeeze %dma_start3A_1533 : memref<1x128xi32, #tpu.memory_space<vmem>> -> memref<128xi32, #tpu.memory_space<vmem>>
        %dma_start3A_1535 = arith.constant 0 : i32
        %dma_start3A_1536 = arith.constant 0 : i32
        %dma_start3A_1537 = tpu.memref_slice %arg3[%dma_start3A_1535, %dma_start3A_1536] : memref<100352x5xi32, #tpu.memory_space<hbm>> -> memref<100352x5xi32, #tpu.memory_space<hbm>>
        tpu.enqueue_indirect_dma source(%dma_start3A_1537 : memref<100352x5xi32, #tpu.memory_space<hbm>>) target(%dma_start3A_1531 : memref<128x5xi32, #tpu.memory_space<vmem>>) offsets(%dma_start3A_1534 : memref<128xi32, #tpu.memory_space<vmem>>) semaphore(%arg17 : memref<!tpu.dma_semaphore, #tpu.memory_space<semaphore_mem>>)
        %dma_start3A_1538 = arith.constant 10 : i32
        %dma_start3A_1539 = arith.constant 1280 : i32
        %dma_start3A_1540 = arith.constant 0 : i32
        %dma_start3A_1541 = tpu.memref_slice %arg14[%dma_start3A_1539, %dma_start3A_1540] : memref<2048x5xi32, #tpu.memory_space<vmem>> -> memref<128x5xi32, #tpu.memory_space<vmem>>
        %dma_start3A_1542 = arith.constant 0 : i32
        %dma_start3A_1543 = tpu.memref_slice %arg11[%dma_start3A_1538, %dma_start3A_1542] : memref<16x128xi32, #tpu.memory_space<vmem>> -> memref<1x128xi32, #tpu.memory_space<vmem>>
        %dma_start3A_1544 = tpu.memref_squeeze %dma_start3A_1543 : memref<1x128xi32, #tpu.memory_space<vmem>> -> memref<128xi32, #tpu.memory_space<vmem>>
        %dma_start3A_1545 = arith.constant 0 : i32
        %dma_start3A_1546 = arith.constant 0 : i32
        %dma_start3A_1547 = tpu.memref_slice %arg3[%dma_start3A_1545, %dma_start3A_1546] : memref<100352x5xi32, #tpu.memory_space<hbm>> -> memref<100352x5xi32, #tpu.memory_space<hbm>>
        tpu.enqueue_indirect_dma source(%dma_start3A_1547 : memref<100352x5xi32, #tpu.memory_space<hbm>>) target(%dma_start3A_1541 : memref<128x5xi32, #tpu.memory_space<vmem>>) offsets(%dma_start3A_1544 : memref<128xi32, #tpu.memory_space<vmem>>) semaphore(%arg17 : memref<!tpu.dma_semaphore, #tpu.memory_space<semaphore_mem>>)
        %dma_start3A_1548 = arith.constant 11 : i32
        %dma_start3A_1549 = arith.constant 1408 : i32
        %dma_start3A_1550 = arith.constant 0 : i32
        %dma_start3A_1551 = tpu.memref_slice %arg14[%dma_start3A_1549, %dma_start3A_1550] : memref<2048x5xi32, #tpu.memory_space<vmem>> -> memref<128x5xi32, #tpu.memory_space<vmem>>
        %dma_start3A_1552 = arith.constant 0 : i32
        %dma_start3A_1553 = tpu.memref_slice %arg11[%dma_start3A_1548, %dma_start3A_1552] : memref<16x128xi32, #tpu.memory_space<vmem>> -> memref<1x128xi32, #tpu.memory_space<vmem>>
        %dma_start3A_1554 = tpu.memref_squeeze %dma_start3A_1553 : memref<1x128xi32, #tpu.memory_space<vmem>> -> memref<128xi32, #tpu.memory_space<vmem>>
        %dma_start3A_1555 = arith.constant 0 : i32
        %dma_start3A_1556 = arith.constant 0 : i32
        %dma_start3A_1557 = tpu.memref_slice %arg3[%dma_start3A_1555, %dma_start3A_1556] : memref<100352x5xi32, #tpu.memory_space<hbm>> -> memref<100352x5xi32, #tpu.memory_space<hbm>>
        tpu.enqueue_indirect_dma source(%dma_start3A_1557 : memref<100352x5xi32, #tpu.memory_space<hbm>>) target(%dma_start3A_1551 : memref<128x5xi32, #tpu.memory_space<vmem>>) offsets(%dma_start3A_1554 : memref<128xi32, #tpu.memory_space<vmem>>) semaphore(%arg17 : memref<!tpu.dma_semaphore, #tpu.memory_space<semaphore_mem>>)
        %dma_start3A_1558 = arith.constant 12 : i32
        %dma_start3A_1559 = arith.constant 1536 : i32
        %dma_start3A_1560 = arith.constant 0 : i32
        %dma_start3A_1561 = tpu.memref_slice %arg14[%dma_start3A_1559, %dma_start3A_1560] : memref<2048x5xi32, #tpu.memory_space<vmem>> -> memref<128x5xi32, #tpu.memory_space<vmem>>
        %dma_start3A_1562 = arith.constant 0 : i32
        %dma_start3A_1563 = tpu.memref_slice %arg11[%dma_start3A_1558, %dma_start3A_1562] : memref<16x128xi32, #tpu.memory_space<vmem>> -> memref<1x128xi32, #tpu.memory_space<vmem>>
        %dma_start3A_1564 = tpu.memref_squeeze %dma_start3A_1563 : memref<1x128xi32, #tpu.memory_space<vmem>> -> memref<128xi32, #tpu.memory_space<vmem>>
        %dma_start3A_1565 = arith.constant 0 : i32
        %dma_start3A_1566 = arith.constant 0 : i32
        %dma_start3A_1567 = tpu.memref_slice %arg3[%dma_start3A_1565, %dma_start3A_1566] : memref<100352x5xi32, #tpu.memory_space<hbm>> -> memref<100352x5xi32, #tpu.memory_space<hbm>>
        tpu.enqueue_indirect_dma source(%dma_start3A_1567 : memref<100352x5xi32, #tpu.memory_space<hbm>>) target(%dma_start3A_1561 : memref<128x5xi32, #tpu.memory_space<vmem>>) offsets(%dma_start3A_1564 : memref<128xi32, #tpu.memory_space<vmem>>) semaphore(%arg17 : memref<!tpu.dma_semaphore, #tpu.memory_space<semaphore_mem>>)
        %dma_start3A_1568 = arith.constant 13 : i32
        %dma_start3A_1569 = arith.constant 1664 : i32
        %dma_start3A_1570 = arith.constant 0 : i32
        %dma_start3A_1571 = tpu.memref_slice %arg14[%dma_start3A_1569, %dma_start3A_1570] : memref<2048x5xi32, #tpu.memory_space<vmem>> -> memref<128x5xi32, #tpu.memory_space<vmem>>
        %dma_start3A_1572 = arith.constant 0 : i32
        %dma_start3A_1573 = tpu.memref_slice %arg11[%dma_start3A_1568, %dma_start3A_1572] : memref<16x128xi32, #tpu.memory_space<vmem>> -> memref<1x128xi32, #tpu.memory_space<vmem>>
        %dma_start3A_1574 = tpu.memref_squeeze %dma_start3A_1573 : memref<1x128xi32, #tpu.memory_space<vmem>> -> memref<128xi32, #tpu.memory_space<vmem>>
        %dma_start3A_1575 = arith.constant 0 : i32
        %dma_start3A_1576 = arith.constant 0 : i32
        %dma_start3A_1577 = tpu.memref_slice %arg3[%dma_start3A_1575, %dma_start3A_1576] : memref<100352x5xi32, #tpu.memory_space<hbm>> -> memref<100352x5xi32, #tpu.memory_space<hbm>>
        tpu.enqueue_indirect_dma source(%dma_start3A_1577 : memref<100352x5xi32, #tpu.memory_space<hbm>>) target(%dma_start3A_1571 : memref<128x5xi32, #tpu.memory_space<vmem>>) offsets(%dma_start3A_1574 : memref<128xi32, #tpu.memory_space<vmem>>) semaphore(%arg17 : memref<!tpu.dma_semaphore, #tpu.memory_space<semaphore_mem>>)
        %dma_start3A_1578 = arith.constant 14 : i32
        %dma_start3A_1579 = arith.constant 1792 : i32
        %dma_start3A_1580 = arith.constant 0 : i32
        %dma_start3A_1581 = tpu.memref_slice %arg14[%dma_start3A_1579, %dma_start3A_1580] : memref<2048x5xi32, #tpu.memory_space<vmem>> -> memref<128x5xi32, #tpu.memory_space<vmem>>
        %dma_start3A_1582 = arith.constant 0 : i32
        %dma_start3A_1583 = tpu.memref_slice %arg11[%dma_start3A_1578, %dma_start3A_1582] : memref<16x128xi32, #tpu.memory_space<vmem>> -> memref<1x128xi32, #tpu.memory_space<vmem>>
        %dma_start3A_1584 = tpu.memref_squeeze %dma_start3A_1583 : memref<1x128xi32, #tpu.memory_space<vmem>> -> memref<128xi32, #tpu.memory_space<vmem>>
        %dma_start3A_1585 = arith.constant 0 : i32
        %dma_start3A_1586 = arith.constant 0 : i32
        %dma_start3A_1587 = tpu.memref_slice %arg3[%dma_start3A_1585, %dma_start3A_1586] : memref<100352x5xi32, #tpu.memory_space<hbm>> -> memref<100352x5xi32, #tpu.memory_space<hbm>>
        tpu.enqueue_indirect_dma source(%dma_start3A_1587 : memref<100352x5xi32, #tpu.memory_space<hbm>>) target(%dma_start3A_1581 : memref<128x5xi32, #tpu.memory_space<vmem>>) offsets(%dma_start3A_1584 : memref<128xi32, #tpu.memory_space<vmem>>) semaphore(%arg17 : memref<!tpu.dma_semaphore, #tpu.memory_space<semaphore_mem>>)
        %dma_start3A_1588 = arith.constant 15 : i32
        %dma_start3A_1589 = arith.constant 1920 : i32
        %dma_start3A_1590 = arith.constant 0 : i32
        %dma_start3A_1591 = tpu.memref_slice %arg14[%dma_start3A_1589, %dma_start3A_1590] : memref<2048x5xi32, #tpu.memory_space<vmem>> -> memref<128x5xi32, #tpu.memory_space<vmem>>
        %dma_start3A_1592 = arith.constant 0 : i32
        %dma_start3A_1593 = tpu.memref_slice %arg11[%dma_start3A_1588, %dma_start3A_1592] : memref<16x128xi32, #tpu.memory_space<vmem>> -> memref<1x128xi32, #tpu.memory_space<vmem>>
        %dma_start3A_1594 = tpu.memref_squeeze %dma_start3A_1593 : memref<1x128xi32, #tpu.memory_space<vmem>> -> memref<128xi32, #tpu.memory_space<vmem>>
        %dma_start3A_1595 = arith.constant 0 : i32
        %dma_start3A_1596 = arith.constant 0 : i32
        %dma_start3A_1597 = tpu.memref_slice %arg3[%dma_start3A_1595, %dma_start3A_1596] : memref<100352x5xi32, #tpu.memory_space<hbm>> -> memref<100352x5xi32, #tpu.memory_space<hbm>>
        tpu.enqueue_indirect_dma source(%dma_start3A_1597 : memref<100352x5xi32, #tpu.memory_space<hbm>>) target(%dma_start3A_1591 : memref<128x5xi32, #tpu.memory_space<vmem>>) offsets(%dma_start3A_1594 : memref<128xi32, #tpu.memory_space<vmem>>) semaphore(%arg17 : memref<!tpu.dma_semaphore, #tpu.memory_space<semaphore_mem>>)
        %dma_wait3A = arith.constant 0 : i32
        %dma_wait3A_1598 = arith.constant 0 : i32
        %dma_wait3A_1599 = arith.constant 0 : i32
        %dma_wait3A_1600 = tpu.memref_slice %arg14[%dma_wait3A_1598, %dma_wait3A_1599] : memref<2048x5xi32, #tpu.memory_space<vmem>> -> memref<128x5xi32, #tpu.memory_space<vmem>>
        %dma_wait3A_1601 = arith.constant 0 : i32
        %dma_wait3A_1602 = tpu.memref_slice %arg11[%dma_wait3A, %dma_wait3A_1601] : memref<16x128xi32, #tpu.memory_space<vmem>> -> memref<1x128xi32, #tpu.memory_space<vmem>>
        %dma_wait3A_1603 = tpu.memref_squeeze %dma_wait3A_1602 : memref<1x128xi32, #tpu.memory_space<vmem>> -> memref<128xi32, #tpu.memory_space<vmem>>
        %dma_wait3A_1604 = arith.constant 0 : i32
        %dma_wait3A_1605 = arith.constant 0 : i32
        %dma_wait3A_1606 = tpu.memref_slice %arg3[%dma_wait3A_1604, %dma_wait3A_1605] : memref<100352x5xi32, #tpu.memory_space<hbm>> -> memref<100352x5xi32, #tpu.memory_space<hbm>>
        tpu.wait_indirect_dma semaphore(%arg17 : memref<!tpu.dma_semaphore, #tpu.memory_space<semaphore_mem>>) src(%dma_wait3A_1606 : memref<100352x5xi32, #tpu.memory_space<hbm>>) dst(%dma_wait3A_1600 : memref<128x5xi32, #tpu.memory_space<vmem>>)
        %dma_wait3A_1607 = arith.constant 1 : i32
        %dma_wait3A_1608 = arith.constant 128 : i32
        %dma_wait3A_1609 = arith.constant 0 : i32
        %dma_wait3A_1610 = tpu.memref_slice %arg14[%dma_wait3A_1608, %dma_wait3A_1609] : memref<2048x5xi32, #tpu.memory_space<vmem>> -> memref<128x5xi32, #tpu.memory_space<vmem>>
        %dma_wait3A_1611 = arith.constant 0 : i32
        %dma_wait3A_1612 = tpu.memref_slice %arg11[%dma_wait3A_1607, %dma_wait3A_1611] : memref<16x128xi32, #tpu.memory_space<vmem>> -> memref<1x128xi32, #tpu.memory_space<vmem>>
        %dma_wait3A_1613 = tpu.memref_squeeze %dma_wait3A_1612 : memref<1x128xi32, #tpu.memory_space<vmem>> -> memref<128xi32, #tpu.memory_space<vmem>>
        %dma_wait3A_1614 = arith.constant 0 : i32
        %dma_wait3A_1615 = arith.constant 0 : i32
        %dma_wait3A_1616 = tpu.memref_slice %arg3[%dma_wait3A_1614, %dma_wait3A_1615] : memref<100352x5xi32, #tpu.memory_space<hbm>> -> memref<100352x5xi32, #tpu.memory_space<hbm>>
        tpu.wait_indirect_dma semaphore(%arg17 : memref<!tpu.dma_semaphore, #tpu.memory_space<semaphore_mem>>) src(%dma_wait3A_1616 : memref<100352x5xi32, #tpu.memory_space<hbm>>) dst(%dma_wait3A_1610 : memref<128x5xi32, #tpu.memory_space<vmem>>)
        %dma_wait3A_1617 = arith.constant 2 : i32
        %dma_wait3A_1618 = arith.constant 256 : i32
        %dma_wait3A_1619 = arith.constant 0 : i32
        %dma_wait3A_1620 = tpu.memref_slice %arg14[%dma_wait3A_1618, %dma_wait3A_1619] : memref<2048x5xi32, #tpu.memory_space<vmem>> -> memref<128x5xi32, #tpu.memory_space<vmem>>
        %dma_wait3A_1621 = arith.constant 0 : i32
        %dma_wait3A_1622 = tpu.memref_slice %arg11[%dma_wait3A_1617, %dma_wait3A_1621] : memref<16x128xi32, #tpu.memory_space<vmem>> -> memref<1x128xi32, #tpu.memory_space<vmem>>
        %dma_wait3A_1623 = tpu.memref_squeeze %dma_wait3A_1622 : memref<1x128xi32, #tpu.memory_space<vmem>> -> memref<128xi32, #tpu.memory_space<vmem>>
        %dma_wait3A_1624 = arith.constant 0 : i32
        %dma_wait3A_1625 = arith.constant 0 : i32
        %dma_wait3A_1626 = tpu.memref_slice %arg3[%dma_wait3A_1624, %dma_wait3A_1625] : memref<100352x5xi32, #tpu.memory_space<hbm>> -> memref<100352x5xi32, #tpu.memory_space<hbm>>
        tpu.wait_indirect_dma semaphore(%arg17 : memref<!tpu.dma_semaphore, #tpu.memory_space<semaphore_mem>>) src(%dma_wait3A_1626 : memref<100352x5xi32, #tpu.memory_space<hbm>>) dst(%dma_wait3A_1620 : memref<128x5xi32, #tpu.memory_space<vmem>>)
        %dma_wait3A_1627 = arith.constant 3 : i32
        %dma_wait3A_1628 = arith.constant 384 : i32
        %dma_wait3A_1629 = arith.constant 0 : i32
        %dma_wait3A_1630 = tpu.memref_slice %arg14[%dma_wait3A_1628, %dma_wait3A_1629] : memref<2048x5xi32, #tpu.memory_space<vmem>> -> memref<128x5xi32, #tpu.memory_space<vmem>>
        %dma_wait3A_1631 = arith.constant 0 : i32
        %dma_wait3A_1632 = tpu.memref_slice %arg11[%dma_wait3A_1627, %dma_wait3A_1631] : memref<16x128xi32, #tpu.memory_space<vmem>> -> memref<1x128xi32, #tpu.memory_space<vmem>>
        %dma_wait3A_1633 = tpu.memref_squeeze %dma_wait3A_1632 : memref<1x128xi32, #tpu.memory_space<vmem>> -> memref<128xi32, #tpu.memory_space<vmem>>
        %dma_wait3A_1634 = arith.constant 0 : i32
        %dma_wait3A_1635 = arith.constant 0 : i32
        %dma_wait3A_1636 = tpu.memref_slice %arg3[%dma_wait3A_1634, %dma_wait3A_1635] : memref<100352x5xi32, #tpu.memory_space<hbm>> -> memref<100352x5xi32, #tpu.memory_space<hbm>>
        tpu.wait_indirect_dma semaphore(%arg17 : memref<!tpu.dma_semaphore, #tpu.memory_space<semaphore_mem>>) src(%dma_wait3A_1636 : memref<100352x5xi32, #tpu.memory_space<hbm>>) dst(%dma_wait3A_1630 : memref<128x5xi32, #tpu.memory_space<vmem>>)
        %dma_wait3A_1637 = arith.constant 4 : i32
        %dma_wait3A_1638 = arith.constant 512 : i32
        %dma_wait3A_1639 = arith.constant 0 : i32
        %dma_wait3A_1640 = tpu.memref_slice %arg14[%dma_wait3A_1638, %dma_wait3A_1639] : memref<2048x5xi32, #tpu.memory_space<vmem>> -> memref<128x5xi32, #tpu.memory_space<vmem>>
        %dma_wait3A_1641 = arith.constant 0 : i32
        %dma_wait3A_1642 = tpu.memref_slice %arg11[%dma_wait3A_1637, %dma_wait3A_1641] : memref<16x128xi32, #tpu.memory_space<vmem>> -> memref<1x128xi32, #tpu.memory_space<vmem>>
        %dma_wait3A_1643 = tpu.memref_squeeze %dma_wait3A_1642 : memref<1x128xi32, #tpu.memory_space<vmem>> -> memref<128xi32, #tpu.memory_space<vmem>>
        %dma_wait3A_1644 = arith.constant 0 : i32
        %dma_wait3A_1645 = arith.constant 0 : i32
        %dma_wait3A_1646 = tpu.memref_slice %arg3[%dma_wait3A_1644, %dma_wait3A_1645] : memref<100352x5xi32, #tpu.memory_space<hbm>> -> memref<100352x5xi32, #tpu.memory_space<hbm>>
        tpu.wait_indirect_dma semaphore(%arg17 : memref<!tpu.dma_semaphore, #tpu.memory_space<semaphore_mem>>) src(%dma_wait3A_1646 : memref<100352x5xi32, #tpu.memory_space<hbm>>) dst(%dma_wait3A_1640 : memref<128x5xi32, #tpu.memory_space<vmem>>)
        %dma_wait3A_1647 = arith.constant 5 : i32
        %dma_wait3A_1648 = arith.constant 640 : i32
        %dma_wait3A_1649 = arith.constant 0 : i32
        %dma_wait3A_1650 = tpu.memref_slice %arg14[%dma_wait3A_1648, %dma_wait3A_1649] : memref<2048x5xi32, #tpu.memory_space<vmem>> -> memref<128x5xi32, #tpu.memory_space<vmem>>
        %dma_wait3A_1651 = arith.constant 0 : i32
        %dma_wait3A_1652 = tpu.memref_slice %arg11[%dma_wait3A_1647, %dma_wait3A_1651] : memref<16x128xi32, #tpu.memory_space<vmem>> -> memref<1x128xi32, #tpu.memory_space<vmem>>
        %dma_wait3A_1653 = tpu.memref_squeeze %dma_wait3A_1652 : memref<1x128xi32, #tpu.memory_space<vmem>> -> memref<128xi32, #tpu.memory_space<vmem>>
        %dma_wait3A_1654 = arith.constant 0 : i32
        %dma_wait3A_1655 = arith.constant 0 : i32
        %dma_wait3A_1656 = tpu.memref_slice %arg3[%dma_wait3A_1654, %dma_wait3A_1655] : memref<100352x5xi32, #tpu.memory_space<hbm>> -> memref<100352x5xi32, #tpu.memory_space<hbm>>
        tpu.wait_indirect_dma semaphore(%arg17 : memref<!tpu.dma_semaphore, #tpu.memory_space<semaphore_mem>>) src(%dma_wait3A_1656 : memref<100352x5xi32, #tpu.memory_space<hbm>>) dst(%dma_wait3A_1650 : memref<128x5xi32, #tpu.memory_space<vmem>>)
        %dma_wait3A_1657 = arith.constant 6 : i32
        %dma_wait3A_1658 = arith.constant 768 : i32
        %dma_wait3A_1659 = arith.constant 0 : i32
        %dma_wait3A_1660 = tpu.memref_slice %arg14[%dma_wait3A_1658, %dma_wait3A_1659] : memref<2048x5xi32, #tpu.memory_space<vmem>> -> memref<128x5xi32, #tpu.memory_space<vmem>>
        %dma_wait3A_1661 = arith.constant 0 : i32
        %dma_wait3A_1662 = tpu.memref_slice %arg11[%dma_wait3A_1657, %dma_wait3A_1661] : memref<16x128xi32, #tpu.memory_space<vmem>> -> memref<1x128xi32, #tpu.memory_space<vmem>>
        %dma_wait3A_1663 = tpu.memref_squeeze %dma_wait3A_1662 : memref<1x128xi32, #tpu.memory_space<vmem>> -> memref<128xi32, #tpu.memory_space<vmem>>
        %dma_wait3A_1664 = arith.constant 0 : i32
        %dma_wait3A_1665 = arith.constant 0 : i32
        %dma_wait3A_1666 = tpu.memref_slice %arg3[%dma_wait3A_1664, %dma_wait3A_1665] : memref<100352x5xi32, #tpu.memory_space<hbm>> -> memref<100352x5xi32, #tpu.memory_space<hbm>>
        tpu.wait_indirect_dma semaphore(%arg17 : memref<!tpu.dma_semaphore, #tpu.memory_space<semaphore_mem>>) src(%dma_wait3A_1666 : memref<100352x5xi32, #tpu.memory_space<hbm>>) dst(%dma_wait3A_1660 : memref<128x5xi32, #tpu.memory_space<vmem>>)
        %dma_wait3A_1667 = arith.constant 7 : i32
        %dma_wait3A_1668 = arith.constant 896 : i32
        %dma_wait3A_1669 = arith.constant 0 : i32
        %dma_wait3A_1670 = tpu.memref_slice %arg14[%dma_wait3A_1668, %dma_wait3A_1669] : memref<2048x5xi32, #tpu.memory_space<vmem>> -> memref<128x5xi32, #tpu.memory_space<vmem>>
        %dma_wait3A_1671 = arith.constant 0 : i32
        %dma_wait3A_1672 = tpu.memref_slice %arg11[%dma_wait3A_1667, %dma_wait3A_1671] : memref<16x128xi32, #tpu.memory_space<vmem>> -> memref<1x128xi32, #tpu.memory_space<vmem>>
        %dma_wait3A_1673 = tpu.memref_squeeze %dma_wait3A_1672 : memref<1x128xi32, #tpu.memory_space<vmem>> -> memref<128xi32, #tpu.memory_space<vmem>>
        %dma_wait3A_1674 = arith.constant 0 : i32
        %dma_wait3A_1675 = arith.constant 0 : i32
        %dma_wait3A_1676 = tpu.memref_slice %arg3[%dma_wait3A_1674, %dma_wait3A_1675] : memref<100352x5xi32, #tpu.memory_space<hbm>> -> memref<100352x5xi32, #tpu.memory_space<hbm>>
        tpu.wait_indirect_dma semaphore(%arg17 : memref<!tpu.dma_semaphore, #tpu.memory_space<semaphore_mem>>) src(%dma_wait3A_1676 : memref<100352x5xi32, #tpu.memory_space<hbm>>) dst(%dma_wait3A_1670 : memref<128x5xi32, #tpu.memory_space<vmem>>)
        %dma_wait3A_1677 = arith.constant 8 : i32
        %dma_wait3A_1678 = arith.constant 1024 : i32
        %dma_wait3A_1679 = arith.constant 0 : i32
        %dma_wait3A_1680 = tpu.memref_slice %arg14[%dma_wait3A_1678, %dma_wait3A_1679] : memref<2048x5xi32, #tpu.memory_space<vmem>> -> memref<128x5xi32, #tpu.memory_space<vmem>>
        %dma_wait3A_1681 = arith.constant 0 : i32
        %dma_wait3A_1682 = tpu.memref_slice %arg11[%dma_wait3A_1677, %dma_wait3A_1681] : memref<16x128xi32, #tpu.memory_space<vmem>> -> memref<1x128xi32, #tpu.memory_space<vmem>>
        %dma_wait3A_1683 = tpu.memref_squeeze %dma_wait3A_1682 : memref<1x128xi32, #tpu.memory_space<vmem>> -> memref<128xi32, #tpu.memory_space<vmem>>
        %dma_wait3A_1684 = arith.constant 0 : i32
        %dma_wait3A_1685 = arith.constant 0 : i32
        %dma_wait3A_1686 = tpu.memref_slice %arg3[%dma_wait3A_1684, %dma_wait3A_1685] : memref<100352x5xi32, #tpu.memory_space<hbm>> -> memref<100352x5xi32, #tpu.memory_space<hbm>>
        tpu.wait_indirect_dma semaphore(%arg17 : memref<!tpu.dma_semaphore, #tpu.memory_space<semaphore_mem>>) src(%dma_wait3A_1686 : memref<100352x5xi32, #tpu.memory_space<hbm>>) dst(%dma_wait3A_1680 : memref<128x5xi32, #tpu.memory_space<vmem>>)
        %dma_wait3A_1687 = arith.constant 9 : i32
        %dma_wait3A_1688 = arith.constant 1152 : i32
        %dma_wait3A_1689 = arith.constant 0 : i32
        %dma_wait3A_1690 = tpu.memref_slice %arg14[%dma_wait3A_1688, %dma_wait3A_1689] : memref<2048x5xi32, #tpu.memory_space<vmem>> -> memref<128x5xi32, #tpu.memory_space<vmem>>
        %dma_wait3A_1691 = arith.constant 0 : i32
        %dma_wait3A_1692 = tpu.memref_slice %arg11[%dma_wait3A_1687, %dma_wait3A_1691] : memref<16x128xi32, #tpu.memory_space<vmem>> -> memref<1x128xi32, #tpu.memory_space<vmem>>
        %dma_wait3A_1693 = tpu.memref_squeeze %dma_wait3A_1692 : memref<1x128xi32, #tpu.memory_space<vmem>> -> memref<128xi32, #tpu.memory_space<vmem>>
        %dma_wait3A_1694 = arith.constant 0 : i32
        %dma_wait3A_1695 = arith.constant 0 : i32
        %dma_wait3A_1696 = tpu.memref_slice %arg3[%dma_wait3A_1694, %dma_wait3A_1695] : memref<100352x5xi32, #tpu.memory_space<hbm>> -> memref<100352x5xi32, #tpu.memory_space<hbm>>
        tpu.wait_indirect_dma semaphore(%arg17 : memref<!tpu.dma_semaphore, #tpu.memory_space<semaphore_mem>>) src(%dma_wait3A_1696 : memref<100352x5xi32, #tpu.memory_space<hbm>>) dst(%dma_wait3A_1690 : memref<128x5xi32, #tpu.memory_space<vmem>>)
        %dma_wait3A_1697 = arith.constant 10 : i32
        %dma_wait3A_1698 = arith.constant 1280 : i32
        %dma_wait3A_1699 = arith.constant 0 : i32
        %dma_wait3A_1700 = tpu.memref_slice %arg14[%dma_wait3A_1698, %dma_wait3A_1699] : memref<2048x5xi32, #tpu.memory_space<vmem>> -> memref<128x5xi32, #tpu.memory_space<vmem>>
        %dma_wait3A_1701 = arith.constant 0 : i32
        %dma_wait3A_1702 = tpu.memref_slice %arg11[%dma_wait3A_1697, %dma_wait3A_1701] : memref<16x128xi32, #tpu.memory_space<vmem>> -> memref<1x128xi32, #tpu.memory_space<vmem>>
        %dma_wait3A_1703 = tpu.memref_squeeze %dma_wait3A_1702 : memref<1x128xi32, #tpu.memory_space<vmem>> -> memref<128xi32, #tpu.memory_space<vmem>>
        %dma_wait3A_1704 = arith.constant 0 : i32
        %dma_wait3A_1705 = arith.constant 0 : i32
        %dma_wait3A_1706 = tpu.memref_slice %arg3[%dma_wait3A_1704, %dma_wait3A_1705] : memref<100352x5xi32, #tpu.memory_space<hbm>> -> memref<100352x5xi32, #tpu.memory_space<hbm>>
        tpu.wait_indirect_dma semaphore(%arg17 : memref<!tpu.dma_semaphore, #tpu.memory_space<semaphore_mem>>) src(%dma_wait3A_1706 : memref<100352x5xi32, #tpu.memory_space<hbm>>) dst(%dma_wait3A_1700 : memref<128x5xi32, #tpu.memory_space<vmem>>)
        %dma_wait3A_1707 = arith.constant 11 : i32
        %dma_wait3A_1708 = arith.constant 1408 : i32
        %dma_wait3A_1709 = arith.constant 0 : i32
        %dma_wait3A_1710 = tpu.memref_slice %arg14[%dma_wait3A_1708, %dma_wait3A_1709] : memref<2048x5xi32, #tpu.memory_space<vmem>> -> memref<128x5xi32, #tpu.memory_space<vmem>>
        %dma_wait3A_1711 = arith.constant 0 : i32
        %dma_wait3A_1712 = tpu.memref_slice %arg11[%dma_wait3A_1707, %dma_wait3A_1711] : memref<16x128xi32, #tpu.memory_space<vmem>> -> memref<1x128xi32, #tpu.memory_space<vmem>>
        %dma_wait3A_1713 = tpu.memref_squeeze %dma_wait3A_1712 : memref<1x128xi32, #tpu.memory_space<vmem>> -> memref<128xi32, #tpu.memory_space<vmem>>
        %dma_wait3A_1714 = arith.constant 0 : i32
        %dma_wait3A_1715 = arith.constant 0 : i32
        %dma_wait3A_1716 = tpu.memref_slice %arg3[%dma_wait3A_1714, %dma_wait3A_1715] : memref<100352x5xi32, #tpu.memory_space<hbm>> -> memref<100352x5xi32, #tpu.memory_space<hbm>>
        tpu.wait_indirect_dma semaphore(%arg17 : memref<!tpu.dma_semaphore, #tpu.memory_space<semaphore_mem>>) src(%dma_wait3A_1716 : memref<100352x5xi32, #tpu.memory_space<hbm>>) dst(%dma_wait3A_1710 : memref<128x5xi32, #tpu.memory_space<vmem>>)
        %dma_wait3A_1717 = arith.constant 12 : i32
        %dma_wait3A_1718 = arith.constant 1536 : i32
        %dma_wait3A_1719 = arith.constant 0 : i32
        %dma_wait3A_1720 = tpu.memref_slice %arg14[%dma_wait3A_1718, %dma_wait3A_1719] : memref<2048x5xi32, #tpu.memory_space<vmem>> -> memref<128x5xi32, #tpu.memory_space<vmem>>
        %dma_wait3A_1721 = arith.constant 0 : i32
        %dma_wait3A_1722 = tpu.memref_slice %arg11[%dma_wait3A_1717, %dma_wait3A_1721] : memref<16x128xi32, #tpu.memory_space<vmem>> -> memref<1x128xi32, #tpu.memory_space<vmem>>
        %dma_wait3A_1723 = tpu.memref_squeeze %dma_wait3A_1722 : memref<1x128xi32, #tpu.memory_space<vmem>> -> memref<128xi32, #tpu.memory_space<vmem>>
        %dma_wait3A_1724 = arith.constant 0 : i32
        %dma_wait3A_1725 = arith.constant 0 : i32
        %dma_wait3A_1726 = tpu.memref_slice %arg3[%dma_wait3A_1724, %dma_wait3A_1725] : memref<100352x5xi32, #tpu.memory_space<hbm>> -> memref<100352x5xi32, #tpu.memory_space<hbm>>
        tpu.wait_indirect_dma semaphore(%arg17 : memref<!tpu.dma_semaphore, #tpu.memory_space<semaphore_mem>>) src(%dma_wait3A_1726 : memref<100352x5xi32, #tpu.memory_space<hbm>>) dst(%dma_wait3A_1720 : memref<128x5xi32, #tpu.memory_space<vmem>>)
        %dma_wait3A_1727 = arith.constant 13 : i32
        %dma_wait3A_1728 = arith.constant 1664 : i32
        %dma_wait3A_1729 = arith.constant 0 : i32
        %dma_wait3A_1730 = tpu.memref_slice %arg14[%dma_wait3A_1728, %dma_wait3A_1729] : memref<2048x5xi32, #tpu.memory_space<vmem>> -> memref<128x5xi32, #tpu.memory_space<vmem>>
        %dma_wait3A_1731 = arith.constant 0 : i32
        %dma_wait3A_1732 = tpu.memref_slice %arg11[%dma_wait3A_1727, %dma_wait3A_1731] : memref<16x128xi32, #tpu.memory_space<vmem>> -> memref<1x128xi32, #tpu.memory_space<vmem>>
        %dma_wait3A_1733 = tpu.memref_squeeze %dma_wait3A_1732 : memref<1x128xi32, #tpu.memory_space<vmem>> -> memref<128xi32, #tpu.memory_space<vmem>>
        %dma_wait3A_1734 = arith.constant 0 : i32
        %dma_wait3A_1735 = arith.constant 0 : i32
        %dma_wait3A_1736 = tpu.memref_slice %arg3[%dma_wait3A_1734, %dma_wait3A_1735] : memref<100352x5xi32, #tpu.memory_space<hbm>> -> memref<100352x5xi32, #tpu.memory_space<hbm>>
        tpu.wait_indirect_dma semaphore(%arg17 : memref<!tpu.dma_semaphore, #tpu.memory_space<semaphore_mem>>) src(%dma_wait3A_1736 : memref<100352x5xi32, #tpu.memory_space<hbm>>) dst(%dma_wait3A_1730 : memref<128x5xi32, #tpu.memory_space<vmem>>)
        %dma_wait3A_1737 = arith.constant 14 : i32
        %dma_wait3A_1738 = arith.constant 1792 : i32
        %dma_wait3A_1739 = arith.constant 0 : i32
        %dma_wait3A_1740 = tpu.memref_slice %arg14[%dma_wait3A_1738, %dma_wait3A_1739] : memref<2048x5xi32, #tpu.memory_space<vmem>> -> memref<128x5xi32, #tpu.memory_space<vmem>>
        %dma_wait3A_1741 = arith.constant 0 : i32
        %dma_wait3A_1742 = tpu.memref_slice %arg11[%dma_wait3A_1737, %dma_wait3A_1741] : memref<16x128xi32, #tpu.memory_space<vmem>> -> memref<1x128xi32, #tpu.memory_space<vmem>>
        %dma_wait3A_1743 = tpu.memref_squeeze %dma_wait3A_1742 : memref<1x128xi32, #tpu.memory_space<vmem>> -> memref<128xi32, #tpu.memory_space<vmem>>
        %dma_wait3A_1744 = arith.constant 0 : i32
        %dma_wait3A_1745 = arith.constant 0 : i32
        %dma_wait3A_1746 = tpu.memref_slice %arg3[%dma_wait3A_1744, %dma_wait3A_1745] : memref<100352x5xi32, #tpu.memory_space<hbm>> -> memref<100352x5xi32, #tpu.memory_space<hbm>>
        tpu.wait_indirect_dma semaphore(%arg17 : memref<!tpu.dma_semaphore, #tpu.memory_space<semaphore_mem>>) src(%dma_wait3A_1746 : memref<100352x5xi32, #tpu.memory_space<hbm>>) dst(%dma_wait3A_1740 : memref<128x5xi32, #tpu.memory_space<vmem>>)
        %dma_wait3A_1747 = arith.constant 15 : i32
        %dma_wait3A_1748 = arith.constant 1920 : i32
        %dma_wait3A_1749 = arith.constant 0 : i32
        %dma_wait3A_1750 = tpu.memref_slice %arg14[%dma_wait3A_1748, %dma_wait3A_1749] : memref<2048x5xi32, #tpu.memory_space<vmem>> -> memref<128x5xi32, #tpu.memory_space<vmem>>
        %dma_wait3A_1751 = arith.constant 0 : i32
        %dma_wait3A_1752 = tpu.memref_slice %arg11[%dma_wait3A_1747, %dma_wait3A_1751] : memref<16x128xi32, #tpu.memory_space<vmem>> -> memref<1x128xi32, #tpu.memory_space<vmem>>
        %dma_wait3A_1753 = tpu.memref_squeeze %dma_wait3A_1752 : memref<1x128xi32, #tpu.memory_space<vmem>> -> memref<128xi32, #tpu.memory_space<vmem>>
        %dma_wait3A_1754 = arith.constant 0 : i32
        %dma_wait3A_1755 = arith.constant 0 : i32
        %dma_wait3A_1756 = tpu.memref_slice %arg3[%dma_wait3A_1754, %dma_wait3A_1755] : memref<100352x5xi32, #tpu.memory_space<hbm>> -> memref<100352x5xi32, #tpu.memory_space<hbm>>
        tpu.wait_indirect_dma semaphore(%arg17 : memref<!tpu.dma_semaphore, #tpu.memory_space<semaphore_mem>>) src(%dma_wait3A_1756 : memref<100352x5xi32, #tpu.memory_space<hbm>>) dst(%dma_wait3A_1750 : memref<128x5xi32, #tpu.memory_space<vmem>>)
      } else {
      }
      %mul3A_76 = arith.constant 16 : i32
      %mul3A_77 = arith.muli %select_n3A_72, %mul3A_76 : i32
      %get3A_78 = arith.index_cast %mul3A_77 : i32 to index
      %get3A_79 = tpu.vector_load %arg13[%get3A_78] {strides = array<i32>} : memref<2048xf32, #tpu.memory_space<vmem>>, vector<16xf32>,
      %mul3A_80 = arith.constant 16 : i32
      %mul3A_81 = arith.muli %select_n3A_72, %mul3A_80 : i32
      %add3A_82 = arith.constant 0 : i32
      %add3A_83 = arith.addi %mul3A_81, %add3A_82 : i32
      %slice3A = vector.extract_strided_slice %get3A_79 {offsets = [0], sizes = [1], strides = [1]} : vector<16xf32> to vector<1xf32>
      %squeeze3A = vector.extract %slice3A[0] : f32 from vector<1xf32>
      %mul3A_84 = vector.broadcast %squeeze3A : f32 to vector<16xf32>
      %mul3A_85 = arith.mulf %mul3A_84, %get3A_23 : vector<16xf32>
      %add3A_86 = arith.addf %mul3A_85, %get3A_25 : vector<16xf32>
      %broadcast_in_dim3A = vector.broadcast %add3A_83 : i32 to vector<16xi32>
      %gather3A = tpu.vector_load_idx %arg14[%broadcast_in_dim3A, %min3A_27] : memref<2048x5xi32, #tpu.memory_space<vmem>>[vector<16xi32>, vector<16xi32>], vector<16xi32>,
      %shift_left3A = arith.constant 16 : i32
      %shift_left3A_87 = vector.broadcast %shift_left3A : i32 to vector<16xi32>
      %shift_left3A_88 = arith.shli %gather3A, %shift_left3A_87 : vector<16xi32>
      %bitcast3A = vector.bitcast %shift_left3A_88 : vector<16xi32> to vector<16xf32>
      %and3A_89 = arith.constant -65536 : i32
      %and3A_90 = vector.broadcast %and3A_89 : i32 to vector<16xi32>
      %and3A_91 = arith.andi %gather3A, %and3A_90 : vector<16xi32>
      %bitcast3A_92 = vector.bitcast %and3A_91 : vector<16xi32> to vector<16xf32>
      %slice3A_93 = vector.extract_strided_slice %bitcast3A {offsets = [0], sizes = [1], strides = [1]} : vector<16xf32> to vector<1xf32>
      %squeeze3A_94 = vector.extract %slice3A_93[0] : f32 from vector<1xf32>
      %mul3A_95 = vector.broadcast %squeeze3A_94 : f32 to vector<16xf32>
      %mul3A_96 = arith.mulf %mul3A_95, %get3A_3 : vector<16xf32>
      %add3A_97 = arith.addf %add3A_86, %mul3A_96 : vector<16xf32>
      %slice3A_98 = vector.extract_strided_slice %bitcast3A_92 {offsets = [0], sizes = [1], strides = [1]} : vector<16xf32> to vector<1xf32>
      %squeeze3A_99 = vector.extract %slice3A_98[0] : f32 from vector<1xf32>
      %mul3A_100 = vector.broadcast %squeeze3A_99 : f32 to vector<16xf32>
      %mul3A_101 = arith.mulf %mul3A_100, %get3A_5 : vector<16xf32>
      %add3A_102 = arith.addf %add3A_97, %mul3A_101 : vector<16xf32>
      %slice3A_103 = vector.extract_strided_slice %bitcast3A {offsets = [1], sizes = [1], strides = [1]} : vector<16xf32> to vector<1xf32>
      %squeeze3A_104 = vector.extract %slice3A_103[0] : f32 from vector<1xf32>
      %mul3A_105 = vector.broadcast %squeeze3A_104 : f32 to vector<16xf32>
      %mul3A_106 = arith.mulf %mul3A_105, %get3A_7 : vector<16xf32>
      %add3A_107 = arith.addf %add3A_102, %mul3A_106 : vector<16xf32>
      %slice3A_108 = vector.extract_strided_slice %bitcast3A_92 {offsets = [1], sizes = [1], strides = [1]} : vector<16xf32> to vector<1xf32>
      %squeeze3A_109 = vector.extract %slice3A_108[0] : f32 from vector<1xf32>
      %mul3A_110 = vector.broadcast %squeeze3A_109 : f32 to vector<16xf32>
      %mul3A_111 = arith.mulf %mul3A_110, %get3A_9 : vector<16xf32>
      %add3A_112 = arith.addf %add3A_107, %mul3A_111 : vector<16xf32>
      %slice3A_113 = vector.extract_strided_slice %bitcast3A {offsets = [2], sizes = [1], strides = [1]} : vector<16xf32> to vector<1xf32>
      %squeeze3A_114 = vector.extract %slice3A_113[0] : f32 from vector<1xf32>
      %mul3A_115 = vector.broadcast %squeeze3A_114 : f32 to vector<16xf32>
      %mul3A_116 = arith.mulf %mul3A_115, %get3A_11 : vector<16xf32>
      %add3A_117 = arith.addf %add3A_112, %mul3A_116 : vector<16xf32>
      %slice3A_118 = vector.extract_strided_slice %bitcast3A_92 {offsets = [2], sizes = [1], strides = [1]} : vector<16xf32> to vector<1xf32>
      %squeeze3A_119 = vector.extract %slice3A_118[0] : f32 from vector<1xf32>
      %mul3A_120 = vector.broadcast %squeeze3A_119 : f32 to vector<16xf32>
      %mul3A_121 = arith.mulf %mul3A_120, %get3A_13 : vector<16xf32>
      %add3A_122 = arith.addf %add3A_117, %mul3A_121 : vector<16xf32>
      %slice3A_123 = vector.extract_strided_slice %bitcast3A {offsets = [3], sizes = [1], strides = [1]} : vector<16xf32> to vector<1xf32>
      %squeeze3A_124 = vector.extract %slice3A_123[0] : f32 from vector<1xf32>
      %mul3A_125 = vector.broadcast %squeeze3A_124 : f32 to vector<16xf32>
      %mul3A_126 = arith.mulf %mul3A_125, %get3A_15 : vector<16xf32>
      %add3A_127 = arith.addf %add3A_122, %mul3A_126 : vector<16xf32>
      %slice3A_128 = vector.extract_strided_slice %bitcast3A_92 {offsets = [3], sizes = [1], strides = [1]} : vector<16xf32> to vector<1xf32>
      %squeeze3A_129 = vector.extract %slice3A_128[0] : f32 from vector<1xf32>
      %mul3A_130 = vector.broadcast %squeeze3A_129 : f32 to vector<16xf32>
      %mul3A_131 = arith.mulf %mul3A_130, %get3A_17 : vector<16xf32>
      %add3A_132 = arith.addf %add3A_127, %mul3A_131 : vector<16xf32>
      %slice3A_133 = vector.extract_strided_slice %bitcast3A {offsets = [4], sizes = [1], strides = [1]} : vector<16xf32> to vector<1xf32>
      %squeeze3A_134 = vector.extract %slice3A_133[0] : f32 from vector<1xf32>
      %mul3A_135 = vector.broadcast %squeeze3A_134 : f32 to vector<16xf32>
      %mul3A_136 = arith.mulf %mul3A_135, %get3A_19 : vector<16xf32>
      %add3A_137 = arith.addf %add3A_132, %mul3A_136 : vector<16xf32>
      %slice3A_138 = vector.extract_strided_slice %bitcast3A_92 {offsets = [4], sizes = [1], strides = [1]} : vector<16xf32> to vector<1xf32>
      %squeeze3A_139 = vector.extract %slice3A_138[0] : f32 from vector<1xf32>
      %mul3A_140 = vector.broadcast %squeeze3A_139 : f32 to vector<16xf32>
      %mul3A_141 = arith.mulf %mul3A_140, %get3A_21 : vector<16xf32>
      %add3A_142 = arith.addf %add3A_137, %mul3A_141 : vector<16xf32>
      %max3A = arith.constant -5.000000e+01 : f32
      %max3A_143 = vector.broadcast %max3A : f32 to vector<16xf32>
      %max3A_144 = arith.maximumf %add3A_142, %max3A_143 : vector<16xf32>
      %min3A_145 = arith.constant 5.000000e+01 : f32
      %min3A_146 = vector.broadcast %min3A_145 : f32 to vector<16xf32>
      %min3A_147 = arith.minimumf %max3A_144, %min3A_146 : vector<16xf32>
      %exp3A = math.exp %min3A_147 : vector<16xf32>
      %sub3A_148 = arith.constant 1.000000e+00 : f32
      %sub3A_149 = vector.broadcast %sub3A_148 : f32 to vector<16xf32>
      %sub3A_150 = arith.subf %exp3A, %sub3A_149 : vector<16xf32>
      %add3A_151 = arith.constant 1.000000e+00 : f32
      %add3A_152 = vector.broadcast %add3A_151 : f32 to vector<16xf32>
      %add3A_153 = arith.addf %exp3A, %add3A_152 : vector<16xf32>
      %div3A_154 = arith.divf %sub3A_150, %add3A_153 : vector<16xf32>
      %broadcast_in_dim3A_155 = vector.broadcast %add3A_83 : i32 to vector<16xi32>
      tpu.vector_store_idx %arg15[%broadcast_in_dim3A_155, %iota3A], %div3A_154 masked %lt3A_29 : memref<2048x10xf32, #tpu.memory_space<vmem>>[vector<16xi32>, vector<16xi32>], vector<16xf32>, vector<16xi1>
      %mul3A_156 = arith.constant 16 : i32
      %mul3A_157 = arith.muli %select_n3A_72, %mul3A_156 : i32
      %add3A_158 = arith.constant 1 : i32
      %add3A_159 = arith.addi %mul3A_157, %add3A_158 : i32
      %slice3A_160 = vector.extract_strided_slice %get3A_79 {offsets = [1], sizes = [1], strides = [1]} : vector<16xf32> to vector<1xf32>
      %squeeze3A_161 = vector.extract %slice3A_160[0] : f32 from vector<1xf32>
      %mul3A_162 = vector.broadcast %squeeze3A_161 : f32 to vector<16xf32>
      %mul3A_163 = arith.mulf %mul3A_162, %get3A_23 : vector<16xf32>
      %add3A_164 = arith.addf %mul3A_163, %get3A_25 : vector<16xf32>
      %broadcast_in_dim3A_165 = vector.broadcast %add3A_159 : i32 to vector<16xi32>
      %gather3A_166 = tpu.vector_load_idx %arg14[%broadcast_in_dim3A_165, %min3A_27] : memref<2048x5xi32, #tpu.memory_space<vmem>>[vector<16xi32>, vector<16xi32>], vector<16xi32>,
      %shift_left3A_167 = arith.constant 16 : i32
      %shift_left3A_168 = vector.broadcast %shift_left3A_167 : i32 to vector<16xi32>
      %shift_left3A_169 = arith.shli %gather3A_166, %shift_left3A_168 : vector<16xi32>
      %bitcast3A_170 = vector.bitcast %shift_left3A_169 : vector<16xi32> to vector<16xf32>
      %and3A_171 = arith.constant -65536 : i32
      %and3A_172 = vector.broadcast %and3A_171 : i32 to vector<16xi32>
      %and3A_173 = arith.andi %gather3A_166, %and3A_172 : vector<16xi32>
      %bitcast3A_174 = vector.bitcast %and3A_173 : vector<16xi32> to vector<16xf32>
      %slice3A_175 = vector.extract_strided_slice %bitcast3A_170 {offsets = [0], sizes = [1], strides = [1]} : vector<16xf32> to vector<1xf32>
      %squeeze3A_176 = vector.extract %slice3A_175[0] : f32 from vector<1xf32>
      %mul3A_177 = vector.broadcast %squeeze3A_176 : f32 to vector<16xf32>
      %mul3A_178 = arith.mulf %mul3A_177, %get3A_3 : vector<16xf32>
      %add3A_179 = arith.addf %add3A_164, %mul3A_178 : vector<16xf32>
      %slice3A_180 = vector.extract_strided_slice %bitcast3A_174 {offsets = [0], sizes = [1], strides = [1]} : vector<16xf32> to vector<1xf32>
      %squeeze3A_181 = vector.extract %slice3A_180[0] : f32 from vector<1xf32>
      %mul3A_182 = vector.broadcast %squeeze3A_181 : f32 to vector<16xf32>
      %mul3A_183 = arith.mulf %mul3A_182, %get3A_5 : vector<16xf32>
      %add3A_184 = arith.addf %add3A_179, %mul3A_183 : vector<16xf32>
      %slice3A_185 = vector.extract_strided_slice %bitcast3A_170 {offsets = [1], sizes = [1], strides = [1]} : vector<16xf32> to vector<1xf32>
      %squeeze3A_186 = vector.extract %slice3A_185[0] : f32 from vector<1xf32>
      %mul3A_187 = vector.broadcast %squeeze3A_186 : f32 to vector<16xf32>
      %mul3A_188 = arith.mulf %mul3A_187, %get3A_7 : vector<16xf32>
      %add3A_189 = arith.addf %add3A_184, %mul3A_188 : vector<16xf32>
      %slice3A_190 = vector.extract_strided_slice %bitcast3A_174 {offsets = [1], sizes = [1], strides = [1]} : vector<16xf32> to vector<1xf32>
      %squeeze3A_191 = vector.extract %slice3A_190[0] : f32 from vector<1xf32>
      %mul3A_192 = vector.broadcast %squeeze3A_191 : f32 to vector<16xf32>
      %mul3A_193 = arith.mulf %mul3A_192, %get3A_9 : vector<16xf32>
      %add3A_194 = arith.addf %add3A_189, %mul3A_193 : vector<16xf32>
      %slice3A_195 = vector.extract_strided_slice %bitcast3A_170 {offsets = [2], sizes = [1], strides = [1]} : vector<16xf32> to vector<1xf32>
      %squeeze3A_196 = vector.extract %slice3A_195[0] : f32 from vector<1xf32>
      %mul3A_197 = vector.broadcast %squeeze3A_196 : f32 to vector<16xf32>
      %mul3A_198 = arith.mulf %mul3A_197, %get3A_11 : vector<16xf32>
      %add3A_199 = arith.addf %add3A_194, %mul3A_198 : vector<16xf32>
      %slice3A_200 = vector.extract_strided_slice %bitcast3A_174 {offsets = [2], sizes = [1], strides = [1]} : vector<16xf32> to vector<1xf32>
      %squeeze3A_201 = vector.extract %slice3A_200[0] : f32 from vector<1xf32>
      %mul3A_202 = vector.broadcast %squeeze3A_201 : f32 to vector<16xf32>
      %mul3A_203 = arith.mulf %mul3A_202, %get3A_13 : vector<16xf32>
      %add3A_204 = arith.addf %add3A_199, %mul3A_203 : vector<16xf32>
      %slice3A_205 = vector.extract_strided_slice %bitcast3A_170 {offsets = [3], sizes = [1], strides = [1]} : vector<16xf32> to vector<1xf32>
      %squeeze3A_206 = vector.extract %slice3A_205[0] : f32 from vector<1xf32>
      %mul3A_207 = vector.broadcast %squeeze3A_206 : f32 to vector<16xf32>
      %mul3A_208 = arith.mulf %mul3A_207, %get3A_15 : vector<16xf32>
      %add3A_209 = arith.addf %add3A_204, %mul3A_208 : vector<16xf32>
      %slice3A_210 = vector.extract_strided_slice %bitcast3A_174 {offsets = [3], sizes = [1], strides = [1]} : vector<16xf32> to vector<1xf32>
      %squeeze3A_211 = vector.extract %slice3A_210[0] : f32 from vector<1xf32>
      %mul3A_212 = vector.broadcast %squeeze3A_211 : f32 to vector<16xf32>
      %mul3A_213 = arith.mulf %mul3A_212, %get3A_17 : vector<16xf32>
      %add3A_214 = arith.addf %add3A_209, %mul3A_213 : vector<16xf32>
      %slice3A_215 = vector.extract_strided_slice %bitcast3A_170 {offsets = [4], sizes = [1], strides = [1]} : vector<16xf32> to vector<1xf32>
      %squeeze3A_216 = vector.extract %slice3A_215[0] : f32 from vector<1xf32>
      %mul3A_217 = vector.broadcast %squeeze3A_216 : f32 to vector<16xf32>
      %mul3A_218 = arith.mulf %mul3A_217, %get3A_19 : vector<16xf32>
      %add3A_219 = arith.addf %add3A_214, %mul3A_218 : vector<16xf32>
      %slice3A_220 = vector.extract_strided_slice %bitcast3A_174 {offsets = [4], sizes = [1], strides = [1]} : vector<16xf32> to vector<1xf32>
      %squeeze3A_221 = vector.extract %slice3A_220[0] : f32 from vector<1xf32>
      %mul3A_222 = vector.broadcast %squeeze3A_221 : f32 to vector<16xf32>
      %mul3A_223 = arith.mulf %mul3A_222, %get3A_21 : vector<16xf32>
      %add3A_224 = arith.addf %add3A_219, %mul3A_223 : vector<16xf32>
      %max3A_225 = arith.constant -5.000000e+01 : f32
      %max3A_226 = vector.broadcast %max3A_225 : f32 to vector<16xf32>
      %max3A_227 = arith.maximumf %add3A_224, %max3A_226 : vector<16xf32>
      %min3A_228 = arith.constant 5.000000e+01 : f32
      %min3A_229 = vector.broadcast %min3A_228 : f32 to vector<16xf32>
      %min3A_230 = arith.minimumf %max3A_227, %min3A_229 : vector<16xf32>
      %exp3A_231 = math.exp %min3A_230 : vector<16xf32>
      %sub3A_232 = arith.constant 1.000000e+00 : f32
      %sub3A_233 = vector.broadcast %sub3A_232 : f32 to vector<16xf32>
      %sub3A_234 = arith.subf %exp3A_231, %sub3A_233 : vector<16xf32>
      %add3A_235 = arith.constant 1.000000e+00 : f32
      %add3A_236 = vector.broadcast %add3A_235 : f32 to vector<16xf32>
      %add3A_237 = arith.addf %exp3A_231, %add3A_236 : vector<16xf32>
      %div3A_238 = arith.divf %sub3A_234, %add3A_237 : vector<16xf32>
      %broadcast_in_dim3A_239 = vector.broadcast %add3A_159 : i32 to vector<16xi32>
      tpu.vector_store_idx %arg15[%broadcast_in_dim3A_239, %iota3A], %div3A_238 masked %lt3A_29 : memref<2048x10xf32, #tpu.memory_space<vmem>>[vector<16xi32>, vector<16xi32>], vector<16xf32>, vector<16xi1>
      %mul3A_240 = arith.constant 16 : i32
      %mul3A_241 = arith.muli %select_n3A_72, %mul3A_240 : i32
      %add3A_242 = arith.constant 2 : i32
      %add3A_243 = arith.addi %mul3A_241, %add3A_242 : i32
      %slice3A_244 = vector.extract_strided_slice %get3A_79 {offsets = [2], sizes = [1], strides = [1]} : vector<16xf32> to vector<1xf32>
      %squeeze3A_245 = vector.extract %slice3A_244[0] : f32 from vector<1xf32>
      %mul3A_246 = vector.broadcast %squeeze3A_245 : f32 to vector<16xf32>
      %mul3A_247 = arith.mulf %mul3A_246, %get3A_23 : vector<16xf32>
      %add3A_248 = arith.addf %mul3A_247, %get3A_25 : vector<16xf32>
      %broadcast_in_dim3A_249 = vector.broadcast %add3A_243 : i32 to vector<16xi32>
      %gather3A_250 = tpu.vector_load_idx %arg14[%broadcast_in_dim3A_249, %min3A_27] : memref<2048x5xi32, #tpu.memory_space<vmem>>[vector<16xi32>, vector<16xi32>], vector<16xi32>,
      %shift_left3A_251 = arith.constant 16 : i32
      %shift_left3A_252 = vector.broadcast %shift_left3A_251 : i32 to vector<16xi32>
      %shift_left3A_253 = arith.shli %gather3A_250, %shift_left3A_252 : vector<16xi32>
      %bitcast3A_254 = vector.bitcast %shift_left3A_253 : vector<16xi32> to vector<16xf32>
      %and3A_255 = arith.constant -65536 : i32
      %and3A_256 = vector.broadcast %and3A_255 : i32 to vector<16xi32>
      %and3A_257 = arith.andi %gather3A_250, %and3A_256 : vector<16xi32>
      %bitcast3A_258 = vector.bitcast %and3A_257 : vector<16xi32> to vector<16xf32>
      %slice3A_259 = vector.extract_strided_slice %bitcast3A_254 {offsets = [0], sizes = [1], strides = [1]} : vector<16xf32> to vector<1xf32>
      %squeeze3A_260 = vector.extract %slice3A_259[0] : f32 from vector<1xf32>
      %mul3A_261 = vector.broadcast %squeeze3A_260 : f32 to vector<16xf32>
      %mul3A_262 = arith.mulf %mul3A_261, %get3A_3 : vector<16xf32>
      %add3A_263 = arith.addf %add3A_248, %mul3A_262 : vector<16xf32>
      %slice3A_264 = vector.extract_strided_slice %bitcast3A_258 {offsets = [0], sizes = [1], strides = [1]} : vector<16xf32> to vector<1xf32>
      %squeeze3A_265 = vector.extract %slice3A_264[0] : f32 from vector<1xf32>
      %mul3A_266 = vector.broadcast %squeeze3A_265 : f32 to vector<16xf32>
      %mul3A_267 = arith.mulf %mul3A_266, %get3A_5 : vector<16xf32>
      %add3A_268 = arith.addf %add3A_263, %mul3A_267 : vector<16xf32>
      %slice3A_269 = vector.extract_strided_slice %bitcast3A_254 {offsets = [1], sizes = [1], strides = [1]} : vector<16xf32> to vector<1xf32>
      %squeeze3A_270 = vector.extract %slice3A_269[0] : f32 from vector<1xf32>
      %mul3A_271 = vector.broadcast %squeeze3A_270 : f32 to vector<16xf32>
      %mul3A_272 = arith.mulf %mul3A_271, %get3A_7 : vector<16xf32>
      %add3A_273 = arith.addf %add3A_268, %mul3A_272 : vector<16xf32>
      %slice3A_274 = vector.extract_strided_slice %bitcast3A_258 {offsets = [1], sizes = [1], strides = [1]} : vector<16xf32> to vector<1xf32>
      %squeeze3A_275 = vector.extract %slice3A_274[0] : f32 from vector<1xf32>
      %mul3A_276 = vector.broadcast %squeeze3A_275 : f32 to vector<16xf32>
      %mul3A_277 = arith.mulf %mul3A_276, %get3A_9 : vector<16xf32>
      %add3A_278 = arith.addf %add3A_273, %mul3A_277 : vector<16xf32>
      %slice3A_279 = vector.extract_strided_slice %bitcast3A_254 {offsets = [2], sizes = [1], strides = [1]} : vector<16xf32> to vector<1xf32>
      %squeeze3A_280 = vector.extract %slice3A_279[0] : f32 from vector<1xf32>
      %mul3A_281 = vector.broadcast %squeeze3A_280 : f32 to vector<16xf32>
      %mul3A_282 = arith.mulf %mul3A_281, %get3A_11 : vector<16xf32>
      %add3A_283 = arith.addf %add3A_278, %mul3A_282 : vector<16xf32>
      %slice3A_284 = vector.extract_strided_slice %bitcast3A_258 {offsets = [2], sizes = [1], strides = [1]} : vector<16xf32> to vector<1xf32>
      %squeeze3A_285 = vector.extract %slice3A_284[0] : f32 from vector<1xf32>
      %mul3A_286 = vector.broadcast %squeeze3A_285 : f32 to vector<16xf32>
      %mul3A_287 = arith.mulf %mul3A_286, %get3A_13 : vector<16xf32>
      %add3A_288 = arith.addf %add3A_283, %mul3A_287 : vector<16xf32>
      %slice3A_289 = vector.extract_strided_slice %bitcast3A_254 {offsets = [3], sizes = [1], strides = [1]} : vector<16xf32> to vector<1xf32>
      %squeeze3A_290 = vector.extract %slice3A_289[0] : f32 from vector<1xf32>
      %mul3A_291 = vector.broadcast %squeeze3A_290 : f32 to vector<16xf32>
      %mul3A_292 = arith.mulf %mul3A_291, %get3A_15 : vector<16xf32>
      %add3A_293 = arith.addf %add3A_288, %mul3A_292 : vector<16xf32>
      %slice3A_294 = vector.extract_strided_slice %bitcast3A_258 {offsets = [3], sizes = [1], strides = [1]} : vector<16xf32> to vector<1xf32>
      %squeeze3A_295 = vector.extract %slice3A_294[0] : f32 from vector<1xf32>
      %mul3A_296 = vector.broadcast %squeeze3A_295 : f32 to vector<16xf32>
      %mul3A_297 = arith.mulf %mul3A_296, %get3A_17 : vector<16xf32>
      %add3A_298 = arith.addf %add3A_293, %mul3A_297 : vector<16xf32>
      %slice3A_299 = vector.extract_strided_slice %bitcast3A_254 {offsets = [4], sizes = [1], strides = [1]} : vector<16xf32> to vector<1xf32>
      %squeeze3A_300 = vector.extract %slice3A_299[0] : f32 from vector<1xf32>
      %mul3A_301 = vector.broadcast %squeeze3A_300 : f32 to vector<16xf32>
      %mul3A_302 = arith.mulf %mul3A_301, %get3A_19 : vector<16xf32>
      %add3A_303 = arith.addf %add3A_298, %mul3A_302 : vector<16xf32>
      %slice3A_304 = vector.extract_strided_slice %bitcast3A_258 {offsets = [4], sizes = [1], strides = [1]} : vector<16xf32> to vector<1xf32>
      %squeeze3A_305 = vector.extract %slice3A_304[0] : f32 from vector<1xf32>
      %mul3A_306 = vector.broadcast %squeeze3A_305 : f32 to vector<16xf32>
      %mul3A_307 = arith.mulf %mul3A_306, %get3A_21 : vector<16xf32>
      %add3A_308 = arith.addf %add3A_303, %mul3A_307 : vector<16xf32>
      %max3A_309 = arith.constant -5.000000e+01 : f32
      %max3A_310 = vector.broadcast %max3A_309 : f32 to vector<16xf32>
      %max3A_311 = arith.maximumf %add3A_308, %max3A_310 : vector<16xf32>
      %min3A_312 = arith.constant 5.000000e+01 : f32
      %min3A_313 = vector.broadcast %min3A_312 : f32 to vector<16xf32>
      %min3A_314 = arith.minimumf %max3A_311, %min3A_313 : vector<16xf32>
      %exp3A_315 = math.exp %min3A_314 : vector<16xf32>
      %sub3A_316 = arith.constant 1.000000e+00 : f32
      %sub3A_317 = vector.broadcast %sub3A_316 : f32 to vector<16xf32>
      %sub3A_318 = arith.subf %exp3A_315, %sub3A_317 : vector<16xf32>
      %add3A_319 = arith.constant 1.000000e+00 : f32
      %add3A_320 = vector.broadcast %add3A_319 : f32 to vector<16xf32>
      %add3A_321 = arith.addf %exp3A_315, %add3A_320 : vector<16xf32>
      %div3A_322 = arith.divf %sub3A_318, %add3A_321 : vector<16xf32>
      %broadcast_in_dim3A_323 = vector.broadcast %add3A_243 : i32 to vector<16xi32>
      tpu.vector_store_idx %arg15[%broadcast_in_dim3A_323, %iota3A], %div3A_322 masked %lt3A_29 : memref<2048x10xf32, #tpu.memory_space<vmem>>[vector<16xi32>, vector<16xi32>], vector<16xf32>, vector<16xi1>
      %mul3A_324 = arith.constant 16 : i32
      %mul3A_325 = arith.muli %select_n3A_72, %mul3A_324 : i32
      %add3A_326 = arith.constant 3 : i32
      %add3A_327 = arith.addi %mul3A_325, %add3A_326 : i32
      %slice3A_328 = vector.extract_strided_slice %get3A_79 {offsets = [3], sizes = [1], strides = [1]} : vector<16xf32> to vector<1xf32>
      %squeeze3A_329 = vector.extract %slice3A_328[0] : f32 from vector<1xf32>
      %mul3A_330 = vector.broadcast %squeeze3A_329 : f32 to vector<16xf32>
      %mul3A_331 = arith.mulf %mul3A_330, %get3A_23 : vector<16xf32>
      %add3A_332 = arith.addf %mul3A_331, %get3A_25 : vector<16xf32>
      %broadcast_in_dim3A_333 = vector.broadcast %add3A_327 : i32 to vector<16xi32>
      %gather3A_334 = tpu.vector_load_idx %arg14[%broadcast_in_dim3A_333, %min3A_27] : memref<2048x5xi32, #tpu.memory_space<vmem>>[vector<16xi32>, vector<16xi32>], vector<16xi32>,
      %shift_left3A_335 = arith.constant 16 : i32
      %shift_left3A_336 = vector.broadcast %shift_left3A_335 : i32 to vector<16xi32>
      %shift_left3A_337 = arith.shli %gather3A_334, %shift_left3A_336 : vector<16xi32>
      %bitcast3A_338 = vector.bitcast %shift_left3A_337 : vector<16xi32> to vector<16xf32>
      %and3A_339 = arith.constant -65536 : i32
      %and3A_340 = vector.broadcast %and3A_339 : i32 to vector<16xi32>
      %and3A_341 = arith.andi %gather3A_334, %and3A_340 : vector<16xi32>
      %bitcast3A_342 = vector.bitcast %and3A_341 : vector<16xi32> to vector<16xf32>
      %slice3A_343 = vector.extract_strided_slice %bitcast3A_338 {offsets = [0], sizes = [1], strides = [1]} : vector<16xf32> to vector<1xf32>
      %squeeze3A_344 = vector.extract %slice3A_343[0] : f32 from vector<1xf32>
      %mul3A_345 = vector.broadcast %squeeze3A_344 : f32 to vector<16xf32>
      %mul3A_346 = arith.mulf %mul3A_345, %get3A_3 : vector<16xf32>
      %add3A_347 = arith.addf %add3A_332, %mul3A_346 : vector<16xf32>
      %slice3A_348 = vector.extract_strided_slice %bitcast3A_342 {offsets = [0], sizes = [1], strides = [1]} : vector<16xf32> to vector<1xf32>
      %squeeze3A_349 = vector.extract %slice3A_348[0] : f32 from vector<1xf32>
      %mul3A_350 = vector.broadcast %squeeze3A_349 : f32 to vector<16xf32>
      %mul3A_351 = arith.mulf %mul3A_350, %get3A_5 : vector<16xf32>
      %add3A_352 = arith.addf %add3A_347, %mul3A_351 : vector<16xf32>
      %slice3A_353 = vector.extract_strided_slice %bitcast3A_338 {offsets = [1], sizes = [1], strides = [1]} : vector<16xf32> to vector<1xf32>
      %squeeze3A_354 = vector.extract %slice3A_353[0] : f32 from vector<1xf32>
      %mul3A_355 = vector.broadcast %squeeze3A_354 : f32 to vector<16xf32>
      %mul3A_356 = arith.mulf %mul3A_355, %get3A_7 : vector<16xf32>
      %add3A_357 = arith.addf %add3A_352, %mul3A_356 : vector<16xf32>
      %slice3A_358 = vector.extract_strided_slice %bitcast3A_342 {offsets = [1], sizes = [1], strides = [1]} : vector<16xf32> to vector<1xf32>
      %squeeze3A_359 = vector.extract %slice3A_358[0] : f32 from vector<1xf32>
      %mul3A_360 = vector.broadcast %squeeze3A_359 : f32 to vector<16xf32>
      %mul3A_361 = arith.mulf %mul3A_360, %get3A_9 : vector<16xf32>
      %add3A_362 = arith.addf %add3A_357, %mul3A_361 : vector<16xf32>
      %slice3A_363 = vector.extract_strided_slice %bitcast3A_338 {offsets = [2], sizes = [1], strides = [1]} : vector<16xf32> to vector<1xf32>
      %squeeze3A_364 = vector.extract %slice3A_363[0] : f32 from vector<1xf32>
      %mul3A_365 = vector.broadcast %squeeze3A_364 : f32 to vector<16xf32>
      %mul3A_366 = arith.mulf %mul3A_365, %get3A_11 : vector<16xf32>
      %add3A_367 = arith.addf %add3A_362, %mul3A_366 : vector<16xf32>
      %slice3A_368 = vector.extract_strided_slice %bitcast3A_342 {offsets = [2], sizes = [1], strides = [1]} : vector<16xf32> to vector<1xf32>
      %squeeze3A_369 = vector.extract %slice3A_368[0] : f32 from vector<1xf32>
      %mul3A_370 = vector.broadcast %squeeze3A_369 : f32 to vector<16xf32>
      %mul3A_371 = arith.mulf %mul3A_370, %get3A_13 : vector<16xf32>
      %add3A_372 = arith.addf %add3A_367, %mul3A_371 : vector<16xf32>
      %slice3A_373 = vector.extract_strided_slice %bitcast3A_338 {offsets = [3], sizes = [1], strides = [1]} : vector<16xf32> to vector<1xf32>
      %squeeze3A_374 = vector.extract %slice3A_373[0] : f32 from vector<1xf32>
      %mul3A_375 = vector.broadcast %squeeze3A_374 : f32 to vector<16xf32>
      %mul3A_376 = arith.mulf %mul3A_375, %get3A_15 : vector<16xf32>
      %add3A_377 = arith.addf %add3A_372, %mul3A_376 : vector<16xf32>
      %slice3A_378 = vector.extract_strided_slice %bitcast3A_342 {offsets = [3], sizes = [1], strides = [1]} : vector<16xf32> to vector<1xf32>
      %squeeze3A_379 = vector.extract %slice3A_378[0] : f32 from vector<1xf32>
      %mul3A_380 = vector.broadcast %squeeze3A_379 : f32 to vector<16xf32>
      %mul3A_381 = arith.mulf %mul3A_380, %get3A_17 : vector<16xf32>
      %add3A_382 = arith.addf %add3A_377, %mul3A_381 : vector<16xf32>
      %slice3A_383 = vector.extract_strided_slice %bitcast3A_338 {offsets = [4], sizes = [1], strides = [1]} : vector<16xf32> to vector<1xf32>
      %squeeze3A_384 = vector.extract %slice3A_383[0] : f32 from vector<1xf32>
      %mul3A_385 = vector.broadcast %squeeze3A_384 : f32 to vector<16xf32>
      %mul3A_386 = arith.mulf %mul3A_385, %get3A_19 : vector<16xf32>
      %add3A_387 = arith.addf %add3A_382, %mul3A_386 : vector<16xf32>
      %slice3A_388 = vector.extract_strided_slice %bitcast3A_342 {offsets = [4], sizes = [1], strides = [1]} : vector<16xf32> to vector<1xf32>
      %squeeze3A_389 = vector.extract %slice3A_388[0] : f32 from vector<1xf32>
      %mul3A_390 = vector.broadcast %squeeze3A_389 : f32 to vector<16xf32>
      %mul3A_391 = arith.mulf %mul3A_390, %get3A_21 : vector<16xf32>
      %add3A_392 = arith.addf %add3A_387, %mul3A_391 : vector<16xf32>
      %max3A_393 = arith.constant -5.000000e+01 : f32
      %max3A_394 = vector.broadcast %max3A_393 : f32 to vector<16xf32>
      %max3A_395 = arith.maximumf %add3A_392, %max3A_394 : vector<16xf32>
      %min3A_396 = arith.constant 5.000000e+01 : f32
      %min3A_397 = vector.broadcast %min3A_396 : f32 to vector<16xf32>
      %min3A_398 = arith.minimumf %max3A_395, %min3A_397 : vector<16xf32>
      %exp3A_399 = math.exp %min3A_398 : vector<16xf32>
      %sub3A_400 = arith.constant 1.000000e+00 : f32
      %sub3A_401 = vector.broadcast %sub3A_400 : f32 to vector<16xf32>
      %sub3A_402 = arith.subf %exp3A_399, %sub3A_401 : vector<16xf32>
      %add3A_403 = arith.constant 1.000000e+00 : f32
      %add3A_404 = vector.broadcast %add3A_403 : f32 to vector<16xf32>
      %add3A_405 = arith.addf %exp3A_399, %add3A_404 : vector<16xf32>
      %div3A_406 = arith.divf %sub3A_402, %add3A_405 : vector<16xf32>
      %broadcast_in_dim3A_407 = vector.broadcast %add3A_327 : i32 to vector<16xi32>
      tpu.vector_store_idx %arg15[%broadcast_in_dim3A_407, %iota3A], %div3A_406 masked %lt3A_29 : memref<2048x10xf32, #tpu.memory_space<vmem>>[vector<16xi32>, vector<16xi32>], vector<16xf32>, vector<16xi1>
      %mul3A_408 = arith.constant 16 : i32
      %mul3A_409 = arith.muli %select_n3A_72, %mul3A_408 : i32
      %add3A_410 = arith.constant 4 : i32
      %add3A_411 = arith.addi %mul3A_409, %add3A_410 : i32
      %slice3A_412 = vector.extract_strided_slice %get3A_79 {offsets = [4], sizes = [1], strides = [1]} : vector<16xf32> to vector<1xf32>
      %squeeze3A_413 = vector.extract %slice3A_412[0] : f32 from vector<1xf32>
      %mul3A_414 = vector.broadcast %squeeze3A_413 : f32 to vector<16xf32>
      %mul3A_415 = arith.mulf %mul3A_414, %get3A_23 : vector<16xf32>
      %add3A_416 = arith.addf %mul3A_415, %get3A_25 : vector<16xf32>
      %broadcast_in_dim3A_417 = vector.broadcast %add3A_411 : i32 to vector<16xi32>
      %gather3A_418 = tpu.vector_load_idx %arg14[%broadcast_in_dim3A_417, %min3A_27] : memref<2048x5xi32, #tpu.memory_space<vmem>>[vector<16xi32>, vector<16xi32>], vector<16xi32>,
      %shift_left3A_419 = arith.constant 16 : i32
      %shift_left3A_420 = vector.broadcast %shift_left3A_419 : i32 to vector<16xi32>
      %shift_left3A_421 = arith.shli %gather3A_418, %shift_left3A_420 : vector<16xi32>
      %bitcast3A_422 = vector.bitcast %shift_left3A_421 : vector<16xi32> to vector<16xf32>
      %and3A_423 = arith.constant -65536 : i32
      %and3A_424 = vector.broadcast %and3A_423 : i32 to vector<16xi32>
      %and3A_425 = arith.andi %gather3A_418, %and3A_424 : vector<16xi32>
      %bitcast3A_426 = vector.bitcast %and3A_425 : vector<16xi32> to vector<16xf32>
      %slice3A_427 = vector.extract_strided_slice %bitcast3A_422 {offsets = [0], sizes = [1], strides = [1]} : vector<16xf32> to vector<1xf32>
      %squeeze3A_428 = vector.extract %slice3A_427[0] : f32 from vector<1xf32>
      %mul3A_429 = vector.broadcast %squeeze3A_428 : f32 to vector<16xf32>
      %mul3A_430 = arith.mulf %mul3A_429, %get3A_3 : vector<16xf32>
      %add3A_431 = arith.addf %add3A_416, %mul3A_430 : vector<16xf32>
      %slice3A_432 = vector.extract_strided_slice %bitcast3A_426 {offsets = [0], sizes = [1], strides = [1]} : vector<16xf32> to vector<1xf32>
      %squeeze3A_433 = vector.extract %slice3A_432[0] : f32 from vector<1xf32>
      %mul3A_434 = vector.broadcast %squeeze3A_433 : f32 to vector<16xf32>
      %mul3A_435 = arith.mulf %mul3A_434, %get3A_5 : vector<16xf32>
      %add3A_436 = arith.addf %add3A_431, %mul3A_435 : vector<16xf32>
      %slice3A_437 = vector.extract_strided_slice %bitcast3A_422 {offsets = [1], sizes = [1], strides = [1]} : vector<16xf32> to vector<1xf32>
      %squeeze3A_438 = vector.extract %slice3A_437[0] : f32 from vector<1xf32>
      %mul3A_439 = vector.broadcast %squeeze3A_438 : f32 to vector<16xf32>
      %mul3A_440 = arith.mulf %mul3A_439, %get3A_7 : vector<16xf32>
      %add3A_441 = arith.addf %add3A_436, %mul3A_440 : vector<16xf32>
      %slice3A_442 = vector.extract_strided_slice %bitcast3A_426 {offsets = [1], sizes = [1], strides = [1]} : vector<16xf32> to vector<1xf32>
      %squeeze3A_443 = vector.extract %slice3A_442[0] : f32 from vector<1xf32>
      %mul3A_444 = vector.broadcast %squeeze3A_443 : f32 to vector<16xf32>
      %mul3A_445 = arith.mulf %mul3A_444, %get3A_9 : vector<16xf32>
      %add3A_446 = arith.addf %add3A_441, %mul3A_445 : vector<16xf32>
      %slice3A_447 = vector.extract_strided_slice %bitcast3A_422 {offsets = [2], sizes = [1], strides = [1]} : vector<16xf32> to vector<1xf32>
      %squeeze3A_448 = vector.extract %slice3A_447[0] : f32 from vector<1xf32>
      %mul3A_449 = vector.broadcast %squeeze3A_448 : f32 to vector<16xf32>
      %mul3A_450 = arith.mulf %mul3A_449, %get3A_11 : vector<16xf32>
      %add3A_451 = arith.addf %add3A_446, %mul3A_450 : vector<16xf32>
      %slice3A_452 = vector.extract_strided_slice %bitcast3A_426 {offsets = [2], sizes = [1], strides = [1]} : vector<16xf32> to vector<1xf32>
      %squeeze3A_453 = vector.extract %slice3A_452[0] : f32 from vector<1xf32>
      %mul3A_454 = vector.broadcast %squeeze3A_453 : f32 to vector<16xf32>
      %mul3A_455 = arith.mulf %mul3A_454, %get3A_13 : vector<16xf32>
      %add3A_456 = arith.addf %add3A_451, %mul3A_455 : vector<16xf32>
      %slice3A_457 = vector.extract_strided_slice %bitcast3A_422 {offsets = [3], sizes = [1], strides = [1]} : vector<16xf32> to vector<1xf32>
      %squeeze3A_458 = vector.extract %slice3A_457[0] : f32 from vector<1xf32>
      %mul3A_459 = vector.broadcast %squeeze3A_458 : f32 to vector<16xf32>
      %mul3A_460 = arith.mulf %mul3A_459, %get3A_15 : vector<16xf32>
      %add3A_461 = arith.addf %add3A_456, %mul3A_460 : vector<16xf32>
      %slice3A_462 = vector.extract_strided_slice %bitcast3A_426 {offsets = [3], sizes = [1], strides = [1]} : vector<16xf32> to vector<1xf32>
      %squeeze3A_463 = vector.extract %slice3A_462[0] : f32 from vector<1xf32>
      %mul3A_464 = vector.broadcast %squeeze3A_463 : f32 to vector<16xf32>
      %mul3A_465 = arith.mulf %mul3A_464, %get3A_17 : vector<16xf32>
      %add3A_466 = arith.addf %add3A_461, %mul3A_465 : vector<16xf32>
      %slice3A_467 = vector.extract_strided_slice %bitcast3A_422 {offsets = [4], sizes = [1], strides = [1]} : vector<16xf32> to vector<1xf32>
      %squeeze3A_468 = vector.extract %slice3A_467[0] : f32 from vector<1xf32>
      %mul3A_469 = vector.broadcast %squeeze3A_468 : f32 to vector<16xf32>
      %mul3A_470 = arith.mulf %mul3A_469, %get3A_19 : vector<16xf32>
      %add3A_471 = arith.addf %add3A_466, %mul3A_470 : vector<16xf32>
      %slice3A_472 = vector.extract_strided_slice %bitcast3A_426 {offsets = [4], sizes = [1], strides = [1]} : vector<16xf32> to vector<1xf32>
      %squeeze3A_473 = vector.extract %slice3A_472[0] : f32 from vector<1xf32>
      %mul3A_474 = vector.broadcast %squeeze3A_473 : f32 to vector<16xf32>
      %mul3A_475 = arith.mulf %mul3A_474, %get3A_21 : vector<16xf32>
      %add3A_476 = arith.addf %add3A_471, %mul3A_475 : vector<16xf32>
      %max3A_477 = arith.constant -5.000000e+01 : f32
      %max3A_478 = vector.broadcast %max3A_477 : f32 to vector<16xf32>
      %max3A_479 = arith.maximumf %add3A_476, %max3A_478 : vector<16xf32>
      %min3A_480 = arith.constant 5.000000e+01 : f32
      %min3A_481 = vector.broadcast %min3A_480 : f32 to vector<16xf32>
      %min3A_482 = arith.minimumf %max3A_479, %min3A_481 : vector<16xf32>
      %exp3A_483 = math.exp %min3A_482 : vector<16xf32>
      %sub3A_484 = arith.constant 1.000000e+00 : f32
      %sub3A_485 = vector.broadcast %sub3A_484 : f32 to vector<16xf32>
      %sub3A_486 = arith.subf %exp3A_483, %sub3A_485 : vector<16xf32>
      %add3A_487 = arith.constant 1.000000e+00 : f32
      %add3A_488 = vector.broadcast %add3A_487 : f32 to vector<16xf32>
      %add3A_489 = arith.addf %exp3A_483, %add3A_488 : vector<16xf32>
      %div3A_490 = arith.divf %sub3A_486, %add3A_489 : vector<16xf32>
      %broadcast_in_dim3A_491 = vector.broadcast %add3A_411 : i32 to vector<16xi32>
      tpu.vector_store_idx %arg15[%broadcast_in_dim3A_491, %iota3A], %div3A_490 masked %lt3A_29 : memref<2048x10xf32, #tpu.memory_space<vmem>>[vector<16xi32>, vector<16xi32>], vector<16xf32>, vector<16xi1>
      %mul3A_492 = arith.constant 16 : i32
      %mul3A_493 = arith.muli %select_n3A_72, %mul3A_492 : i32
      %add3A_494 = arith.constant 5 : i32
      %add3A_495 = arith.addi %mul3A_493, %add3A_494 : i32
      %slice3A_496 = vector.extract_strided_slice %get3A_79 {offsets = [5], sizes = [1], strides = [1]} : vector<16xf32> to vector<1xf32>
      %squeeze3A_497 = vector.extract %slice3A_496[0] : f32 from vector<1xf32>
      %mul3A_498 = vector.broadcast %squeeze3A_497 : f32 to vector<16xf32>
      %mul3A_499 = arith.mulf %mul3A_498, %get3A_23 : vector<16xf32>
      %add3A_500 = arith.addf %mul3A_499, %get3A_25 : vector<16xf32>
      %broadcast_in_dim3A_501 = vector.broadcast %add3A_495 : i32 to vector<16xi32>
      %gather3A_502 = tpu.vector_load_idx %arg14[%broadcast_in_dim3A_501, %min3A_27] : memref<2048x5xi32, #tpu.memory_space<vmem>>[vector<16xi32>, vector<16xi32>], vector<16xi32>,
      %shift_left3A_503 = arith.constant 16 : i32
      %shift_left3A_504 = vector.broadcast %shift_left3A_503 : i32 to vector<16xi32>
      %shift_left3A_505 = arith.shli %gather3A_502, %shift_left3A_504 : vector<16xi32>
      %bitcast3A_506 = vector.bitcast %shift_left3A_505 : vector<16xi32> to vector<16xf32>
      %and3A_507 = arith.constant -65536 : i32
      %and3A_508 = vector.broadcast %and3A_507 : i32 to vector<16xi32>
      %and3A_509 = arith.andi %gather3A_502, %and3A_508 : vector<16xi32>
      %bitcast3A_510 = vector.bitcast %and3A_509 : vector<16xi32> to vector<16xf32>
      %slice3A_511 = vector.extract_strided_slice %bitcast3A_506 {offsets = [0], sizes = [1], strides = [1]} : vector<16xf32> to vector<1xf32>
      %squeeze3A_512 = vector.extract %slice3A_511[0] : f32 from vector<1xf32>
      %mul3A_513 = vector.broadcast %squeeze3A_512 : f32 to vector<16xf32>
      %mul3A_514 = arith.mulf %mul3A_513, %get3A_3 : vector<16xf32>
      %add3A_515 = arith.addf %add3A_500, %mul3A_514 : vector<16xf32>
      %slice3A_516 = vector.extract_strided_slice %bitcast3A_510 {offsets = [0], sizes = [1], strides = [1]} : vector<16xf32> to vector<1xf32>
      %squeeze3A_517 = vector.extract %slice3A_516[0] : f32 from vector<1xf32>
      %mul3A_518 = vector.broadcast %squeeze3A_517 : f32 to vector<16xf32>
      %mul3A_519 = arith.mulf %mul3A_518, %get3A_5 : vector<16xf32>
      %add3A_520 = arith.addf %add3A_515, %mul3A_519 : vector<16xf32>
      %slice3A_521 = vector.extract_strided_slice %bitcast3A_506 {offsets = [1], sizes = [1], strides = [1]} : vector<16xf32> to vector<1xf32>
      %squeeze3A_522 = vector.extract %slice3A_521[0] : f32 from vector<1xf32>
      %mul3A_523 = vector.broadcast %squeeze3A_522 : f32 to vector<16xf32>
      %mul3A_524 = arith.mulf %mul3A_523, %get3A_7 : vector<16xf32>
      %add3A_525 = arith.addf %add3A_520, %mul3A_524 : vector<16xf32>
      %slice3A_526 = vector.extract_strided_slice %bitcast3A_510 {offsets = [1], sizes = [1], strides = [1]} : vector<16xf32> to vector<1xf32>
      %squeeze3A_527 = vector.extract %slice3A_526[0] : f32 from vector<1xf32>
      %mul3A_528 = vector.broadcast %squeeze3A_527 : f32 to vector<16xf32>
      %mul3A_529 = arith.mulf %mul3A_528, %get3A_9 : vector<16xf32>
      %add3A_530 = arith.addf %add3A_525, %mul3A_529 : vector<16xf32>
      %slice3A_531 = vector.extract_strided_slice %bitcast3A_506 {offsets = [2], sizes = [1], strides = [1]} : vector<16xf32> to vector<1xf32>
      %squeeze3A_532 = vector.extract %slice3A_531[0] : f32 from vector<1xf32>
      %mul3A_533 = vector.broadcast %squeeze3A_532 : f32 to vector<16xf32>
      %mul3A_534 = arith.mulf %mul3A_533, %get3A_11 : vector<16xf32>
      %add3A_535 = arith.addf %add3A_530, %mul3A_534 : vector<16xf32>
      %slice3A_536 = vector.extract_strided_slice %bitcast3A_510 {offsets = [2], sizes = [1], strides = [1]} : vector<16xf32> to vector<1xf32>
      %squeeze3A_537 = vector.extract %slice3A_536[0] : f32 from vector<1xf32>
      %mul3A_538 = vector.broadcast %squeeze3A_537 : f32 to vector<16xf32>
      %mul3A_539 = arith.mulf %mul3A_538, %get3A_13 : vector<16xf32>
      %add3A_540 = arith.addf %add3A_535, %mul3A_539 : vector<16xf32>
      %slice3A_541 = vector.extract_strided_slice %bitcast3A_506 {offsets = [3], sizes = [1], strides = [1]} : vector<16xf32> to vector<1xf32>
      %squeeze3A_542 = vector.extract %slice3A_541[0] : f32 from vector<1xf32>
      %mul3A_543 = vector.broadcast %squeeze3A_542 : f32 to vector<16xf32>
      %mul3A_544 = arith.mulf %mul3A_543, %get3A_15 : vector<16xf32>
      %add3A_545 = arith.addf %add3A_540, %mul3A_544 : vector<16xf32>
      %slice3A_546 = vector.extract_strided_slice %bitcast3A_510 {offsets = [3], sizes = [1], strides = [1]} : vector<16xf32> to vector<1xf32>
      %squeeze3A_547 = vector.extract %slice3A_546[0] : f32 from vector<1xf32>
      %mul3A_548 = vector.broadcast %squeeze3A_547 : f32 to vector<16xf32>
      %mul3A_549 = arith.mulf %mul3A_548, %get3A_17 : vector<16xf32>
      %add3A_550 = arith.addf %add3A_545, %mul3A_549 : vector<16xf32>
      %slice3A_551 = vector.extract_strided_slice %bitcast3A_506 {offsets = [4], sizes = [1], strides = [1]} : vector<16xf32> to vector<1xf32>
      %squeeze3A_552 = vector.extract %slice3A_551[0] : f32 from vector<1xf32>
      %mul3A_553 = vector.broadcast %squeeze3A_552 : f32 to vector<16xf32>
      %mul3A_554 = arith.mulf %mul3A_553, %get3A_19 : vector<16xf32>
      %add3A_555 = arith.addf %add3A_550, %mul3A_554 : vector<16xf32>
      %slice3A_556 = vector.extract_strided_slice %bitcast3A_510 {offsets = [4], sizes = [1], strides = [1]} : vector<16xf32> to vector<1xf32>
      %squeeze3A_557 = vector.extract %slice3A_556[0] : f32 from vector<1xf32>
      %mul3A_558 = vector.broadcast %squeeze3A_557 : f32 to vector<16xf32>
      %mul3A_559 = arith.mulf %mul3A_558, %get3A_21 : vector<16xf32>
      %add3A_560 = arith.addf %add3A_555, %mul3A_559 : vector<16xf32>
      %max3A_561 = arith.constant -5.000000e+01 : f32
      %max3A_562 = vector.broadcast %max3A_561 : f32 to vector<16xf32>
      %max3A_563 = arith.maximumf %add3A_560, %max3A_562 : vector<16xf32>
      %min3A_564 = arith.constant 5.000000e+01 : f32
      %min3A_565 = vector.broadcast %min3A_564 : f32 to vector<16xf32>
      %min3A_566 = arith.minimumf %max3A_563, %min3A_565 : vector<16xf32>
      %exp3A_567 = math.exp %min3A_566 : vector<16xf32>
      %sub3A_568 = arith.constant 1.000000e+00 : f32
      %sub3A_569 = vector.broadcast %sub3A_568 : f32 to vector<16xf32>
      %sub3A_570 = arith.subf %exp3A_567, %sub3A_569 : vector<16xf32>
      %add3A_571 = arith.constant 1.000000e+00 : f32
      %add3A_572 = vector.broadcast %add3A_571 : f32 to vector<16xf32>
      %add3A_573 = arith.addf %exp3A_567, %add3A_572 : vector<16xf32>
      %div3A_574 = arith.divf %sub3A_570, %add3A_573 : vector<16xf32>
      %broadcast_in_dim3A_575 = vector.broadcast %add3A_495 : i32 to vector<16xi32>
      tpu.vector_store_idx %arg15[%broadcast_in_dim3A_575, %iota3A], %div3A_574 masked %lt3A_29 : memref<2048x10xf32, #tpu.memory_space<vmem>>[vector<16xi32>, vector<16xi32>], vector<16xf32>, vector<16xi1>
      %mul3A_576 = arith.constant 16 : i32
      %mul3A_577 = arith.muli %select_n3A_72, %mul3A_576 : i32
      %add3A_578 = arith.constant 6 : i32
      %add3A_579 = arith.addi %mul3A_577, %add3A_578 : i32
      %slice3A_580 = vector.extract_strided_slice %get3A_79 {offsets = [6], sizes = [1], strides = [1]} : vector<16xf32> to vector<1xf32>
      %squeeze3A_581 = vector.extract %slice3A_580[0] : f32 from vector<1xf32>
      %mul3A_582 = vector.broadcast %squeeze3A_581 : f32 to vector<16xf32>
      %mul3A_583 = arith.mulf %mul3A_582, %get3A_23 : vector<16xf32>
      %add3A_584 = arith.addf %mul3A_583, %get3A_25 : vector<16xf32>
      %broadcast_in_dim3A_585 = vector.broadcast %add3A_579 : i32 to vector<16xi32>
      %gather3A_586 = tpu.vector_load_idx %arg14[%broadcast_in_dim3A_585, %min3A_27] : memref<2048x5xi32, #tpu.memory_space<vmem>>[vector<16xi32>, vector<16xi32>], vector<16xi32>,
      %shift_left3A_587 = arith.constant 16 : i32
      %shift_left3A_588 = vector.broadcast %shift_left3A_587 : i32 to vector<16xi32>
      %shift_left3A_589 = arith.shli %gather3A_586, %shift_left3A_588 : vector<16xi32>
      %bitcast3A_590 = vector.bitcast %shift_left3A_589 : vector<16xi32> to vector<16xf32>
      %and3A_591 = arith.constant -65536 : i32
      %and3A_592 = vector.broadcast %and3A_591 : i32 to vector<16xi32>
      %and3A_593 = arith.andi %gather3A_586, %and3A_592 : vector<16xi32>
      %bitcast3A_594 = vector.bitcast %and3A_593 : vector<16xi32> to vector<16xf32>
      %slice3A_595 = vector.extract_strided_slice %bitcast3A_590 {offsets = [0], sizes = [1], strides = [1]} : vector<16xf32> to vector<1xf32>
      %squeeze3A_596 = vector.extract %slice3A_595[0] : f32 from vector<1xf32>
      %mul3A_597 = vector.broadcast %squeeze3A_596 : f32 to vector<16xf32>
      %mul3A_598 = arith.mulf %mul3A_597, %get3A_3 : vector<16xf32>
      %add3A_599 = arith.addf %add3A_584, %mul3A_598 : vector<16xf32>
      %slice3A_600 = vector.extract_strided_slice %bitcast3A_594 {offsets = [0], sizes = [1], strides = [1]} : vector<16xf32> to vector<1xf32>
      %squeeze3A_601 = vector.extract %slice3A_600[0] : f32 from vector<1xf32>
      %mul3A_602 = vector.broadcast %squeeze3A_601 : f32 to vector<16xf32>
      %mul3A_603 = arith.mulf %mul3A_602, %get3A_5 : vector<16xf32>
      %add3A_604 = arith.addf %add3A_599, %mul3A_603 : vector<16xf32>
      %slice3A_605 = vector.extract_strided_slice %bitcast3A_590 {offsets = [1], sizes = [1], strides = [1]} : vector<16xf32> to vector<1xf32>
      %squeeze3A_606 = vector.extract %slice3A_605[0] : f32 from vector<1xf32>
      %mul3A_607 = vector.broadcast %squeeze3A_606 : f32 to vector<16xf32>
      %mul3A_608 = arith.mulf %mul3A_607, %get3A_7 : vector<16xf32>
      %add3A_609 = arith.addf %add3A_604, %mul3A_608 : vector<16xf32>
      %slice3A_610 = vector.extract_strided_slice %bitcast3A_594 {offsets = [1], sizes = [1], strides = [1]} : vector<16xf32> to vector<1xf32>
      %squeeze3A_611 = vector.extract %slice3A_610[0] : f32 from vector<1xf32>
      %mul3A_612 = vector.broadcast %squeeze3A_611 : f32 to vector<16xf32>
      %mul3A_613 = arith.mulf %mul3A_612, %get3A_9 : vector<16xf32>
      %add3A_614 = arith.addf %add3A_609, %mul3A_613 : vector<16xf32>
      %slice3A_615 = vector.extract_strided_slice %bitcast3A_590 {offsets = [2], sizes = [1], strides = [1]} : vector<16xf32> to vector<1xf32>
      %squeeze3A_616 = vector.extract %slice3A_615[0] : f32 from vector<1xf32>
      %mul3A_617 = vector.broadcast %squeeze3A_616 : f32 to vector<16xf32>
      %mul3A_618 = arith.mulf %mul3A_617, %get3A_11 : vector<16xf32>
      %add3A_619 = arith.addf %add3A_614, %mul3A_618 : vector<16xf32>
      %slice3A_620 = vector.extract_strided_slice %bitcast3A_594 {offsets = [2], sizes = [1], strides = [1]} : vector<16xf32> to vector<1xf32>
      %squeeze3A_621 = vector.extract %slice3A_620[0] : f32 from vector<1xf32>
      %mul3A_622 = vector.broadcast %squeeze3A_621 : f32 to vector<16xf32>
      %mul3A_623 = arith.mulf %mul3A_622, %get3A_13 : vector<16xf32>
      %add3A_624 = arith.addf %add3A_619, %mul3A_623 : vector<16xf32>
      %slice3A_625 = vector.extract_strided_slice %bitcast3A_590 {offsets = [3], sizes = [1], strides = [1]} : vector<16xf32> to vector<1xf32>
      %squeeze3A_626 = vector.extract %slice3A_625[0] : f32 from vector<1xf32>
      %mul3A_627 = vector.broadcast %squeeze3A_626 : f32 to vector<16xf32>
      %mul3A_628 = arith.mulf %mul3A_627, %get3A_15 : vector<16xf32>
      %add3A_629 = arith.addf %add3A_624, %mul3A_628 : vector<16xf32>
      %slice3A_630 = vector.extract_strided_slice %bitcast3A_594 {offsets = [3], sizes = [1], strides = [1]} : vector<16xf32> to vector<1xf32>
      %squeeze3A_631 = vector.extract %slice3A_630[0] : f32 from vector<1xf32>
      %mul3A_632 = vector.broadcast %squeeze3A_631 : f32 to vector<16xf32>
      %mul3A_633 = arith.mulf %mul3A_632, %get3A_17 : vector<16xf32>
      %add3A_634 = arith.addf %add3A_629, %mul3A_633 : vector<16xf32>
      %slice3A_635 = vector.extract_strided_slice %bitcast3A_590 {offsets = [4], sizes = [1], strides = [1]} : vector<16xf32> to vector<1xf32>
      %squeeze3A_636 = vector.extract %slice3A_635[0] : f32 from vector<1xf32>
      %mul3A_637 = vector.broadcast %squeeze3A_636 : f32 to vector<16xf32>
      %mul3A_638 = arith.mulf %mul3A_637, %get3A_19 : vector<16xf32>
      %add3A_639 = arith.addf %add3A_634, %mul3A_638 : vector<16xf32>
      %slice3A_640 = vector.extract_strided_slice %bitcast3A_594 {offsets = [4], sizes = [1], strides = [1]} : vector<16xf32> to vector<1xf32>
      %squeeze3A_641 = vector.extract %slice3A_640[0] : f32 from vector<1xf32>
      %mul3A_642 = vector.broadcast %squeeze3A_641 : f32 to vector<16xf32>
      %mul3A_643 = arith.mulf %mul3A_642, %get3A_21 : vector<16xf32>
      %add3A_644 = arith.addf %add3A_639, %mul3A_643 : vector<16xf32>
      %max3A_645 = arith.constant -5.000000e+01 : f32
      %max3A_646 = vector.broadcast %max3A_645 : f32 to vector<16xf32>
      %max3A_647 = arith.maximumf %add3A_644, %max3A_646 : vector<16xf32>
      %min3A_648 = arith.constant 5.000000e+01 : f32
      %min3A_649 = vector.broadcast %min3A_648 : f32 to vector<16xf32>
      %min3A_650 = arith.minimumf %max3A_647, %min3A_649 : vector<16xf32>
      %exp3A_651 = math.exp %min3A_650 : vector<16xf32>
      %sub3A_652 = arith.constant 1.000000e+00 : f32
      %sub3A_653 = vector.broadcast %sub3A_652 : f32 to vector<16xf32>
      %sub3A_654 = arith.subf %exp3A_651, %sub3A_653 : vector<16xf32>
      %add3A_655 = arith.constant 1.000000e+00 : f32
      %add3A_656 = vector.broadcast %add3A_655 : f32 to vector<16xf32>
      %add3A_657 = arith.addf %exp3A_651, %add3A_656 : vector<16xf32>
      %div3A_658 = arith.divf %sub3A_654, %add3A_657 : vector<16xf32>
      %broadcast_in_dim3A_659 = vector.broadcast %add3A_579 : i32 to vector<16xi32>
      tpu.vector_store_idx %arg15[%broadcast_in_dim3A_659, %iota3A], %div3A_658 masked %lt3A_29 : memref<2048x10xf32, #tpu.memory_space<vmem>>[vector<16xi32>, vector<16xi32>], vector<16xf32>, vector<16xi1>
      %mul3A_660 = arith.constant 16 : i32
      %mul3A_661 = arith.muli %select_n3A_72, %mul3A_660 : i32
      %add3A_662 = arith.constant 7 : i32
      %add3A_663 = arith.addi %mul3A_661, %add3A_662 : i32
      %slice3A_664 = vector.extract_strided_slice %get3A_79 {offsets = [7], sizes = [1], strides = [1]} : vector<16xf32> to vector<1xf32>
      %squeeze3A_665 = vector.extract %slice3A_664[0] : f32 from vector<1xf32>
      %mul3A_666 = vector.broadcast %squeeze3A_665 : f32 to vector<16xf32>
      %mul3A_667 = arith.mulf %mul3A_666, %get3A_23 : vector<16xf32>
      %add3A_668 = arith.addf %mul3A_667, %get3A_25 : vector<16xf32>
      %broadcast_in_dim3A_669 = vector.broadcast %add3A_663 : i32 to vector<16xi32>
      %gather3A_670 = tpu.vector_load_idx %arg14[%broadcast_in_dim3A_669, %min3A_27] : memref<2048x5xi32, #tpu.memory_space<vmem>>[vector<16xi32>, vector<16xi32>], vector<16xi32>,
      %shift_left3A_671 = arith.constant 16 : i32
      %shift_left3A_672 = vector.broadcast %shift_left3A_671 : i32 to vector<16xi32>
      %shift_left3A_673 = arith.shli %gather3A_670, %shift_left3A_672 : vector<16xi32>
      %bitcast3A_674 = vector.bitcast %shift_left3A_673 : vector<16xi32> to vector<16xf32>
      %and3A_675 = arith.constant -65536 : i32
      %and3A_676 = vector.broadcast %and3A_675 : i32 to vector<16xi32>
      %and3A_677 = arith.andi %gather3A_670, %and3A_676 : vector<16xi32>
      %bitcast3A_678 = vector.bitcast %and3A_677 : vector<16xi32> to vector<16xf32>
      %slice3A_679 = vector.extract_strided_slice %bitcast3A_674 {offsets = [0], sizes = [1], strides = [1]} : vector<16xf32> to vector<1xf32>
      %squeeze3A_680 = vector.extract %slice3A_679[0] : f32 from vector<1xf32>
      %mul3A_681 = vector.broadcast %squeeze3A_680 : f32 to vector<16xf32>
      %mul3A_682 = arith.mulf %mul3A_681, %get3A_3 : vector<16xf32>
      %add3A_683 = arith.addf %add3A_668, %mul3A_682 : vector<16xf32>
      %slice3A_684 = vector.extract_strided_slice %bitcast3A_678 {offsets = [0], sizes = [1], strides = [1]} : vector<16xf32> to vector<1xf32>
      %squeeze3A_685 = vector.extract %slice3A_684[0] : f32 from vector<1xf32>
      %mul3A_686 = vector.broadcast %squeeze3A_685 : f32 to vector<16xf32>
      %mul3A_687 = arith.mulf %mul3A_686, %get3A_5 : vector<16xf32>
      %add3A_688 = arith.addf %add3A_683, %mul3A_687 : vector<16xf32>
      %slice3A_689 = vector.extract_strided_slice %bitcast3A_674 {offsets = [1], sizes = [1], strides = [1]} : vector<16xf32> to vector<1xf32>
      %squeeze3A_690 = vector.extract %slice3A_689[0] : f32 from vector<1xf32>
      %mul3A_691 = vector.broadcast %squeeze3A_690 : f32 to vector<16xf32>
      %mul3A_692 = arith.mulf %mul3A_691, %get3A_7 : vector<16xf32>
      %add3A_693 = arith.addf %add3A_688, %mul3A_692 : vector<16xf32>
      %slice3A_694 = vector.extract_strided_slice %bitcast3A_678 {offsets = [1], sizes = [1], strides = [1]} : vector<16xf32> to vector<1xf32>
      %squeeze3A_695 = vector.extract %slice3A_694[0] : f32 from vector<1xf32>
      %mul3A_696 = vector.broadcast %squeeze3A_695 : f32 to vector<16xf32>
      %mul3A_697 = arith.mulf %mul3A_696, %get3A_9 : vector<16xf32>
      %add3A_698 = arith.addf %add3A_693, %mul3A_697 : vector<16xf32>
      %slice3A_699 = vector.extract_strided_slice %bitcast3A_674 {offsets = [2], sizes = [1], strides = [1]} : vector<16xf32> to vector<1xf32>
      %squeeze3A_700 = vector.extract %slice3A_699[0] : f32 from vector<1xf32>
      %mul3A_701 = vector.broadcast %squeeze3A_700 : f32 to vector<16xf32>
      %mul3A_702 = arith.mulf %mul3A_701, %get3A_11 : vector<16xf32>
      %add3A_703 = arith.addf %add3A_698, %mul3A_702 : vector<16xf32>
      %slice3A_704 = vector.extract_strided_slice %bitcast3A_678 {offsets = [2], sizes = [1], strides = [1]} : vector<16xf32> to vector<1xf32>
      %squeeze3A_705 = vector.extract %slice3A_704[0] : f32 from vector<1xf32>
      %mul3A_706 = vector.broadcast %squeeze3A_705 : f32 to vector<16xf32>
      %mul3A_707 = arith.mulf %mul3A_706, %get3A_13 : vector<16xf32>
      %add3A_708 = arith.addf %add3A_703, %mul3A_707 : vector<16xf32>
      %slice3A_709 = vector.extract_strided_slice %bitcast3A_674 {offsets = [3], sizes = [1], strides = [1]} : vector<16xf32> to vector<1xf32>
      %squeeze3A_710 = vector.extract %slice3A_709[0] : f32 from vector<1xf32>
      %mul3A_711 = vector.broadcast %squeeze3A_710 : f32 to vector<16xf32>
      %mul3A_712 = arith.mulf %mul3A_711, %get3A_15 : vector<16xf32>
      %add3A_713 = arith.addf %add3A_708, %mul3A_712 : vector<16xf32>
      %slice3A_714 = vector.extract_strided_slice %bitcast3A_678 {offsets = [3], sizes = [1], strides = [1]} : vector<16xf32> to vector<1xf32>
      %squeeze3A_715 = vector.extract %slice3A_714[0] : f32 from vector<1xf32>
      %mul3A_716 = vector.broadcast %squeeze3A_715 : f32 to vector<16xf32>
      %mul3A_717 = arith.mulf %mul3A_716, %get3A_17 : vector<16xf32>
      %add3A_718 = arith.addf %add3A_713, %mul3A_717 : vector<16xf32>
      %slice3A_719 = vector.extract_strided_slice %bitcast3A_674 {offsets = [4], sizes = [1], strides = [1]} : vector<16xf32> to vector<1xf32>
      %squeeze3A_720 = vector.extract %slice3A_719[0] : f32 from vector<1xf32>
      %mul3A_721 = vector.broadcast %squeeze3A_720 : f32 to vector<16xf32>
      %mul3A_722 = arith.mulf %mul3A_721, %get3A_19 : vector<16xf32>
      %add3A_723 = arith.addf %add3A_718, %mul3A_722 : vector<16xf32>
      %slice3A_724 = vector.extract_strided_slice %bitcast3A_678 {offsets = [4], sizes = [1], strides = [1]} : vector<16xf32> to vector<1xf32>
      %squeeze3A_725 = vector.extract %slice3A_724[0] : f32 from vector<1xf32>
      %mul3A_726 = vector.broadcast %squeeze3A_725 : f32 to vector<16xf32>
      %mul3A_727 = arith.mulf %mul3A_726, %get3A_21 : vector<16xf32>
      %add3A_728 = arith.addf %add3A_723, %mul3A_727 : vector<16xf32>
      %max3A_729 = arith.constant -5.000000e+01 : f32
      %max3A_730 = vector.broadcast %max3A_729 : f32 to vector<16xf32>
      %max3A_731 = arith.maximumf %add3A_728, %max3A_730 : vector<16xf32>
      %min3A_732 = arith.constant 5.000000e+01 : f32
      %min3A_733 = vector.broadcast %min3A_732 : f32 to vector<16xf32>
      %min3A_734 = arith.minimumf %max3A_731, %min3A_733 : vector<16xf32>
      %exp3A_735 = math.exp %min3A_734 : vector<16xf32>
      %sub3A_736 = arith.constant 1.000000e+00 : f32
      %sub3A_737 = vector.broadcast %sub3A_736 : f32 to vector<16xf32>
      %sub3A_738 = arith.subf %exp3A_735, %sub3A_737 : vector<16xf32>
      %add3A_739 = arith.constant 1.000000e+00 : f32
      %add3A_740 = vector.broadcast %add3A_739 : f32 to vector<16xf32>
      %add3A_741 = arith.addf %exp3A_735, %add3A_740 : vector<16xf32>
      %div3A_742 = arith.divf %sub3A_738, %add3A_741 : vector<16xf32>
      %broadcast_in_dim3A_743 = vector.broadcast %add3A_663 : i32 to vector<16xi32>
      tpu.vector_store_idx %arg15[%broadcast_in_dim3A_743, %iota3A], %div3A_742 masked %lt3A_29 : memref<2048x10xf32, #tpu.memory_space<vmem>>[vector<16xi32>, vector<16xi32>], vector<16xf32>, vector<16xi1>
      %mul3A_744 = arith.constant 16 : i32
      %mul3A_745 = arith.muli %select_n3A_72, %mul3A_744 : i32
      %add3A_746 = arith.constant 8 : i32
      %add3A_747 = arith.addi %mul3A_745, %add3A_746 : i32
      %slice3A_748 = vector.extract_strided_slice %get3A_79 {offsets = [8], sizes = [1], strides = [1]} : vector<16xf32> to vector<1xf32>
      %squeeze3A_749 = vector.extract %slice3A_748[0] : f32 from vector<1xf32>
      %mul3A_750 = vector.broadcast %squeeze3A_749 : f32 to vector<16xf32>
      %mul3A_751 = arith.mulf %mul3A_750, %get3A_23 : vector<16xf32>
      %add3A_752 = arith.addf %mul3A_751, %get3A_25 : vector<16xf32>
      %broadcast_in_dim3A_753 = vector.broadcast %add3A_747 : i32 to vector<16xi32>
      %gather3A_754 = tpu.vector_load_idx %arg14[%broadcast_in_dim3A_753, %min3A_27] : memref<2048x5xi32, #tpu.memory_space<vmem>>[vector<16xi32>, vector<16xi32>], vector<16xi32>,
      %shift_left3A_755 = arith.constant 16 : i32
      %shift_left3A_756 = vector.broadcast %shift_left3A_755 : i32 to vector<16xi32>
      %shift_left3A_757 = arith.shli %gather3A_754, %shift_left3A_756 : vector<16xi32>
      %bitcast3A_758 = vector.bitcast %shift_left3A_757 : vector<16xi32> to vector<16xf32>
      %and3A_759 = arith.constant -65536 : i32
      %and3A_760 = vector.broadcast %and3A_759 : i32 to vector<16xi32>
      %and3A_761 = arith.andi %gather3A_754, %and3A_760 : vector<16xi32>
      %bitcast3A_762 = vector.bitcast %and3A_761 : vector<16xi32> to vector<16xf32>
      %slice3A_763 = vector.extract_strided_slice %bitcast3A_758 {offsets = [0], sizes = [1], strides = [1]} : vector<16xf32> to vector<1xf32>
      %squeeze3A_764 = vector.extract %slice3A_763[0] : f32 from vector<1xf32>
      %mul3A_765 = vector.broadcast %squeeze3A_764 : f32 to vector<16xf32>
      %mul3A_766 = arith.mulf %mul3A_765, %get3A_3 : vector<16xf32>
      %add3A_767 = arith.addf %add3A_752, %mul3A_766 : vector<16xf32>
      %slice3A_768 = vector.extract_strided_slice %bitcast3A_762 {offsets = [0], sizes = [1], strides = [1]} : vector<16xf32> to vector<1xf32>
      %squeeze3A_769 = vector.extract %slice3A_768[0] : f32 from vector<1xf32>
      %mul3A_770 = vector.broadcast %squeeze3A_769 : f32 to vector<16xf32>
      %mul3A_771 = arith.mulf %mul3A_770, %get3A_5 : vector<16xf32>
      %add3A_772 = arith.addf %add3A_767, %mul3A_771 : vector<16xf32>
      %slice3A_773 = vector.extract_strided_slice %bitcast3A_758 {offsets = [1], sizes = [1], strides = [1]} : vector<16xf32> to vector<1xf32>
      %squeeze3A_774 = vector.extract %slice3A_773[0] : f32 from vector<1xf32>
      %mul3A_775 = vector.broadcast %squeeze3A_774 : f32 to vector<16xf32>
      %mul3A_776 = arith.mulf %mul3A_775, %get3A_7 : vector<16xf32>
      %add3A_777 = arith.addf %add3A_772, %mul3A_776 : vector<16xf32>
      %slice3A_778 = vector.extract_strided_slice %bitcast3A_762 {offsets = [1], sizes = [1], strides = [1]} : vector<16xf32> to vector<1xf32>
      %squeeze3A_779 = vector.extract %slice3A_778[0] : f32 from vector<1xf32>
      %mul3A_780 = vector.broadcast %squeeze3A_779 : f32 to vector<16xf32>
      %mul3A_781 = arith.mulf %mul3A_780, %get3A_9 : vector<16xf32>
      %add3A_782 = arith.addf %add3A_777, %mul3A_781 : vector<16xf32>
      %slice3A_783 = vector.extract_strided_slice %bitcast3A_758 {offsets = [2], sizes = [1], strides = [1]} : vector<16xf32> to vector<1xf32>
      %squeeze3A_784 = vector.extract %slice3A_783[0] : f32 from vector<1xf32>
      %mul3A_785 = vector.broadcast %squeeze3A_784 : f32 to vector<16xf32>
      %mul3A_786 = arith.mulf %mul3A_785, %get3A_11 : vector<16xf32>
      %add3A_787 = arith.addf %add3A_782, %mul3A_786 : vector<16xf32>
      %slice3A_788 = vector.extract_strided_slice %bitcast3A_762 {offsets = [2], sizes = [1], strides = [1]} : vector<16xf32> to vector<1xf32>
      %squeeze3A_789 = vector.extract %slice3A_788[0] : f32 from vector<1xf32>
      %mul3A_790 = vector.broadcast %squeeze3A_789 : f32 to vector<16xf32>
      %mul3A_791 = arith.mulf %mul3A_790, %get3A_13 : vector<16xf32>
      %add3A_792 = arith.addf %add3A_787, %mul3A_791 : vector<16xf32>
      %slice3A_793 = vector.extract_strided_slice %bitcast3A_758 {offsets = [3], sizes = [1], strides = [1]} : vector<16xf32> to vector<1xf32>
      %squeeze3A_794 = vector.extract %slice3A_793[0] : f32 from vector<1xf32>
      %mul3A_795 = vector.broadcast %squeeze3A_794 : f32 to vector<16xf32>
      %mul3A_796 = arith.mulf %mul3A_795, %get3A_15 : vector<16xf32>
      %add3A_797 = arith.addf %add3A_792, %mul3A_796 : vector<16xf32>
      %slice3A_798 = vector.extract_strided_slice %bitcast3A_762 {offsets = [3], sizes = [1], strides = [1]} : vector<16xf32> to vector<1xf32>
      %squeeze3A_799 = vector.extract %slice3A_798[0] : f32 from vector<1xf32>
      %mul3A_800 = vector.broadcast %squeeze3A_799 : f32 to vector<16xf32>
      %mul3A_801 = arith.mulf %mul3A_800, %get3A_17 : vector<16xf32>
      %add3A_802 = arith.addf %add3A_797, %mul3A_801 : vector<16xf32>
      %slice3A_803 = vector.extract_strided_slice %bitcast3A_758 {offsets = [4], sizes = [1], strides = [1]} : vector<16xf32> to vector<1xf32>
      %squeeze3A_804 = vector.extract %slice3A_803[0] : f32 from vector<1xf32>
      %mul3A_805 = vector.broadcast %squeeze3A_804 : f32 to vector<16xf32>
      %mul3A_806 = arith.mulf %mul3A_805, %get3A_19 : vector<16xf32>
      %add3A_807 = arith.addf %add3A_802, %mul3A_806 : vector<16xf32>
      %slice3A_808 = vector.extract_strided_slice %bitcast3A_762 {offsets = [4], sizes = [1], strides = [1]} : vector<16xf32> to vector<1xf32>
      %squeeze3A_809 = vector.extract %slice3A_808[0] : f32 from vector<1xf32>
      %mul3A_810 = vector.broadcast %squeeze3A_809 : f32 to vector<16xf32>
      %mul3A_811 = arith.mulf %mul3A_810, %get3A_21 : vector<16xf32>
      %add3A_812 = arith.addf %add3A_807, %mul3A_811 : vector<16xf32>
      %max3A_813 = arith.constant -5.000000e+01 : f32
      %max3A_814 = vector.broadcast %max3A_813 : f32 to vector<16xf32>
      %max3A_815 = arith.maximumf %add3A_812, %max3A_814 : vector<16xf32>
      %min3A_816 = arith.constant 5.000000e+01 : f32
      %min3A_817 = vector.broadcast %min3A_816 : f32 to vector<16xf32>
      %min3A_818 = arith.minimumf %max3A_815, %min3A_817 : vector<16xf32>
      %exp3A_819 = math.exp %min3A_818 : vector<16xf32>
      %sub3A_820 = arith.constant 1.000000e+00 : f32
      %sub3A_821 = vector.broadcast %sub3A_820 : f32 to vector<16xf32>
      %sub3A_822 = arith.subf %exp3A_819, %sub3A_821 : vector<16xf32>
      %add3A_823 = arith.constant 1.000000e+00 : f32
      %add3A_824 = vector.broadcast %add3A_823 : f32 to vector<16xf32>
      %add3A_825 = arith.addf %exp3A_819, %add3A_824 : vector<16xf32>
      %div3A_826 = arith.divf %sub3A_822, %add3A_825 : vector<16xf32>
      %broadcast_in_dim3A_827 = vector.broadcast %add3A_747 : i32 to vector<16xi32>
      tpu.vector_store_idx %arg15[%broadcast_in_dim3A_827, %iota3A], %div3A_826 masked %lt3A_29 : memref<2048x10xf32, #tpu.memory_space<vmem>>[vector<16xi32>, vector<16xi32>], vector<16xf32>, vector<16xi1>
      %mul3A_828 = arith.constant 16 : i32
      %mul3A_829 = arith.muli %select_n3A_72, %mul3A_828 : i32
      %add3A_830 = arith.constant 9 : i32
      %add3A_831 = arith.addi %mul3A_829, %add3A_830 : i32
      %slice3A_832 = vector.extract_strided_slice %get3A_79 {offsets = [9], sizes = [1], strides = [1]} : vector<16xf32> to vector<1xf32>
      %squeeze3A_833 = vector.extract %slice3A_832[0] : f32 from vector<1xf32>
      %mul3A_834 = vector.broadcast %squeeze3A_833 : f32 to vector<16xf32>
      %mul3A_835 = arith.mulf %mul3A_834, %get3A_23 : vector<16xf32>
      %add3A_836 = arith.addf %mul3A_835, %get3A_25 : vector<16xf32>
      %broadcast_in_dim3A_837 = vector.broadcast %add3A_831 : i32 to vector<16xi32>
      %gather3A_838 = tpu.vector_load_idx %arg14[%broadcast_in_dim3A_837, %min3A_27] : memref<2048x5xi32, #tpu.memory_space<vmem>>[vector<16xi32>, vector<16xi32>], vector<16xi32>,
      %shift_left3A_839 = arith.constant 16 : i32
      %shift_left3A_840 = vector.broadcast %shift_left3A_839 : i32 to vector<16xi32>
      %shift_left3A_841 = arith.shli %gather3A_838, %shift_left3A_840 : vector<16xi32>
      %bitcast3A_842 = vector.bitcast %shift_left3A_841 : vector<16xi32> to vector<16xf32>
      %and3A_843 = arith.constant -65536 : i32
      %and3A_844 = vector.broadcast %and3A_843 : i32 to vector<16xi32>
      %and3A_845 = arith.andi %gather3A_838, %and3A_844 : vector<16xi32>
      %bitcast3A_846 = vector.bitcast %and3A_845 : vector<16xi32> to vector<16xf32>
      %slice3A_847 = vector.extract_strided_slice %bitcast3A_842 {offsets = [0], sizes = [1], strides = [1]} : vector<16xf32> to vector<1xf32>
      %squeeze3A_848 = vector.extract %slice3A_847[0] : f32 from vector<1xf32>
      %mul3A_849 = vector.broadcast %squeeze3A_848 : f32 to vector<16xf32>
      %mul3A_850 = arith.mulf %mul3A_849, %get3A_3 : vector<16xf32>
      %add3A_851 = arith.addf %add3A_836, %mul3A_850 : vector<16xf32>
      %slice3A_852 = vector.extract_strided_slice %bitcast3A_846 {offsets = [0], sizes = [1], strides = [1]} : vector<16xf32> to vector<1xf32>
      %squeeze3A_853 = vector.extract %slice3A_852[0] : f32 from vector<1xf32>
      %mul3A_854 = vector.broadcast %squeeze3A_853 : f32 to vector<16xf32>
      %mul3A_855 = arith.mulf %mul3A_854, %get3A_5 : vector<16xf32>
      %add3A_856 = arith.addf %add3A_851, %mul3A_855 : vector<16xf32>
      %slice3A_857 = vector.extract_strided_slice %bitcast3A_842 {offsets = [1], sizes = [1], strides = [1]} : vector<16xf32> to vector<1xf32>
      %squeeze3A_858 = vector.extract %slice3A_857[0] : f32 from vector<1xf32>
      %mul3A_859 = vector.broadcast %squeeze3A_858 : f32 to vector<16xf32>
      %mul3A_860 = arith.mulf %mul3A_859, %get3A_7 : vector<16xf32>
      %add3A_861 = arith.addf %add3A_856, %mul3A_860 : vector<16xf32>
      %slice3A_862 = vector.extract_strided_slice %bitcast3A_846 {offsets = [1], sizes = [1], strides = [1]} : vector<16xf32> to vector<1xf32>
      %squeeze3A_863 = vector.extract %slice3A_862[0] : f32 from vector<1xf32>
      %mul3A_864 = vector.broadcast %squeeze3A_863 : f32 to vector<16xf32>
      %mul3A_865 = arith.mulf %mul3A_864, %get3A_9 : vector<16xf32>
      %add3A_866 = arith.addf %add3A_861, %mul3A_865 : vector<16xf32>
      %slice3A_867 = vector.extract_strided_slice %bitcast3A_842 {offsets = [2], sizes = [1], strides = [1]} : vector<16xf32> to vector<1xf32>
      %squeeze3A_868 = vector.extract %slice3A_867[0] : f32 from vector<1xf32>
      %mul3A_869 = vector.broadcast %squeeze3A_868 : f32 to vector<16xf32>
      %mul3A_870 = arith.mulf %mul3A_869, %get3A_11 : vector<16xf32>
      %add3A_871 = arith.addf %add3A_866, %mul3A_870 : vector<16xf32>
      %slice3A_872 = vector.extract_strided_slice %bitcast3A_846 {offsets = [2], sizes = [1], strides = [1]} : vector<16xf32> to vector<1xf32>
      %squeeze3A_873 = vector.extract %slice3A_872[0] : f32 from vector<1xf32>
      %mul3A_874 = vector.broadcast %squeeze3A_873 : f32 to vector<16xf32>
      %mul3A_875 = arith.mulf %mul3A_874, %get3A_13 : vector<16xf32>
      %add3A_876 = arith.addf %add3A_871, %mul3A_875 : vector<16xf32>
      %slice3A_877 = vector.extract_strided_slice %bitcast3A_842 {offsets = [3], sizes = [1], strides = [1]} : vector<16xf32> to vector<1xf32>
      %squeeze3A_878 = vector.extract %slice3A_877[0] : f32 from vector<1xf32>
      %mul3A_879 = vector.broadcast %squeeze3A_878 : f32 to vector<16xf32>
      %mul3A_880 = arith.mulf %mul3A_879, %get3A_15 : vector<16xf32>
      %add3A_881 = arith.addf %add3A_876, %mul3A_880 : vector<16xf32>
      %slice3A_882 = vector.extract_strided_slice %bitcast3A_846 {offsets = [3], sizes = [1], strides = [1]} : vector<16xf32> to vector<1xf32>
      %squeeze3A_883 = vector.extract %slice3A_882[0] : f32 from vector<1xf32>
      %mul3A_884 = vector.broadcast %squeeze3A_883 : f32 to vector<16xf32>
      %mul3A_885 = arith.mulf %mul3A_884, %get3A_17 : vector<16xf32>
      %add3A_886 = arith.addf %add3A_881, %mul3A_885 : vector<16xf32>
      %slice3A_887 = vector.extract_strided_slice %bitcast3A_842 {offsets = [4], sizes = [1], strides = [1]} : vector<16xf32> to vector<1xf32>
      %squeeze3A_888 = vector.extract %slice3A_887[0] : f32 from vector<1xf32>
      %mul3A_889 = vector.broadcast %squeeze3A_888 : f32 to vector<16xf32>
      %mul3A_890 = arith.mulf %mul3A_889, %get3A_19 : vector<16xf32>
      %add3A_891 = arith.addf %add3A_886, %mul3A_890 : vector<16xf32>
      %slice3A_892 = vector.extract_strided_slice %bitcast3A_846 {offsets = [4], sizes = [1], strides = [1]} : vector<16xf32> to vector<1xf32>
      %squeeze3A_893 = vector.extract %slice3A_892[0] : f32 from vector<1xf32>
      %mul3A_894 = vector.broadcast %squeeze3A_893 : f32 to vector<16xf32>
      %mul3A_895 = arith.mulf %mul3A_894, %get3A_21 : vector<16xf32>
      %add3A_896 = arith.addf %add3A_891, %mul3A_895 : vector<16xf32>
      %max3A_897 = arith.constant -5.000000e+01 : f32
      %max3A_898 = vector.broadcast %max3A_897 : f32 to vector<16xf32>
      %max3A_899 = arith.maximumf %add3A_896, %max3A_898 : vector<16xf32>
      %min3A_900 = arith.constant 5.000000e+01 : f32
      %min3A_901 = vector.broadcast %min3A_900 : f32 to vector<16xf32>
      %min3A_902 = arith.minimumf %max3A_899, %min3A_901 : vector<16xf32>
      %exp3A_903 = math.exp %min3A_902 : vector<16xf32>
      %sub3A_904 = arith.constant 1.000000e+00 : f32
      %sub3A_905 = vector.broadcast %sub3A_904 : f32 to vector<16xf32>
      %sub3A_906 = arith.subf %exp3A_903, %sub3A_905 : vector<16xf32>
      %add3A_907 = arith.constant 1.000000e+00 : f32
      %add3A_908 = vector.broadcast %add3A_907 : f32 to vector<16xf32>
      %add3A_909 = arith.addf %exp3A_903, %add3A_908 : vector<16xf32>
      %div3A_910 = arith.divf %sub3A_906, %add3A_909 : vector<16xf32>
      %broadcast_in_dim3A_911 = vector.broadcast %add3A_831 : i32 to vector<16xi32>
      tpu.vector_store_idx %arg15[%broadcast_in_dim3A_911, %iota3A], %div3A_910 masked %lt3A_29 : memref<2048x10xf32, #tpu.memory_space<vmem>>[vector<16xi32>, vector<16xi32>], vector<16xf32>, vector<16xi1>
      %mul3A_912 = arith.constant 16 : i32
      %mul3A_913 = arith.muli %select_n3A_72, %mul3A_912 : i32
      %add3A_914 = arith.constant 10 : i32
      %add3A_915 = arith.addi %mul3A_913, %add3A_914 : i32
      %slice3A_916 = vector.extract_strided_slice %get3A_79 {offsets = [10], sizes = [1], strides = [1]} : vector<16xf32> to vector<1xf32>
      %squeeze3A_917 = vector.extract %slice3A_916[0] : f32 from vector<1xf32>
      %mul3A_918 = vector.broadcast %squeeze3A_917 : f32 to vector<16xf32>
      %mul3A_919 = arith.mulf %mul3A_918, %get3A_23 : vector<16xf32>
      %add3A_920 = arith.addf %mul3A_919, %get3A_25 : vector<16xf32>
      %broadcast_in_dim3A_921 = vector.broadcast %add3A_915 : i32 to vector<16xi32>
      %gather3A_922 = tpu.vector_load_idx %arg14[%broadcast_in_dim3A_921, %min3A_27] : memref<2048x5xi32, #tpu.memory_space<vmem>>[vector<16xi32>, vector<16xi32>], vector<16xi32>,
      %shift_left3A_923 = arith.constant 16 : i32
      %shift_left3A_924 = vector.broadcast %shift_left3A_923 : i32 to vector<16xi32>
      %shift_left3A_925 = arith.shli %gather3A_922, %shift_left3A_924 : vector<16xi32>
      %bitcast3A_926 = vector.bitcast %shift_left3A_925 : vector<16xi32> to vector<16xf32>
      %and3A_927 = arith.constant -65536 : i32
      %and3A_928 = vector.broadcast %and3A_927 : i32 to vector<16xi32>
      %and3A_929 = arith.andi %gather3A_922, %and3A_928 : vector<16xi32>
      %bitcast3A_930 = vector.bitcast %and3A_929 : vector<16xi32> to vector<16xf32>
      %slice3A_931 = vector.extract_strided_slice %bitcast3A_926 {offsets = [0], sizes = [1], strides = [1]} : vector<16xf32> to vector<1xf32>
      %squeeze3A_932 = vector.extract %slice3A_931[0] : f32 from vector<1xf32>
      %mul3A_933 = vector.broadcast %squeeze3A_932 : f32 to vector<16xf32>
      %mul3A_934 = arith.mulf %mul3A_933, %get3A_3 : vector<16xf32>
      %add3A_935 = arith.addf %add3A_920, %mul3A_934 : vector<16xf32>
      %slice3A_936 = vector.extract_strided_slice %bitcast3A_930 {offsets = [0], sizes = [1], strides = [1]} : vector<16xf32> to vector<1xf32>
      %squeeze3A_937 = vector.extract %slice3A_936[0] : f32 from vector<1xf32>
      %mul3A_938 = vector.broadcast %squeeze3A_937 : f32 to vector<16xf32>
      %mul3A_939 = arith.mulf %mul3A_938, %get3A_5 : vector<16xf32>
      %add3A_940 = arith.addf %add3A_935, %mul3A_939 : vector<16xf32>
      %slice3A_941 = vector.extract_strided_slice %bitcast3A_926 {offsets = [1], sizes = [1], strides = [1]} : vector<16xf32> to vector<1xf32>
      %squeeze3A_942 = vector.extract %slice3A_941[0] : f32 from vector<1xf32>
      %mul3A_943 = vector.broadcast %squeeze3A_942 : f32 to vector<16xf32>
      %mul3A_944 = arith.mulf %mul3A_943, %get3A_7 : vector<16xf32>
      %add3A_945 = arith.addf %add3A_940, %mul3A_944 : vector<16xf32>
      %slice3A_946 = vector.extract_strided_slice %bitcast3A_930 {offsets = [1], sizes = [1], strides = [1]} : vector<16xf32> to vector<1xf32>
      %squeeze3A_947 = vector.extract %slice3A_946[0] : f32 from vector<1xf32>
      %mul3A_948 = vector.broadcast %squeeze3A_947 : f32 to vector<16xf32>
      %mul3A_949 = arith.mulf %mul3A_948, %get3A_9 : vector<16xf32>
      %add3A_950 = arith.addf %add3A_945, %mul3A_949 : vector<16xf32>
      %slice3A_951 = vector.extract_strided_slice %bitcast3A_926 {offsets = [2], sizes = [1], strides = [1]} : vector<16xf32> to vector<1xf32>
      %squeeze3A_952 = vector.extract %slice3A_951[0] : f32 from vector<1xf32>
      %mul3A_953 = vector.broadcast %squeeze3A_952 : f32 to vector<16xf32>
      %mul3A_954 = arith.mulf %mul3A_953, %get3A_11 : vector<16xf32>
      %add3A_955 = arith.addf %add3A_950, %mul3A_954 : vector<16xf32>
      %slice3A_956 = vector.extract_strided_slice %bitcast3A_930 {offsets = [2], sizes = [1], strides = [1]} : vector<16xf32> to vector<1xf32>
      %squeeze3A_957 = vector.extract %slice3A_956[0] : f32 from vector<1xf32>
      %mul3A_958 = vector.broadcast %squeeze3A_957 : f32 to vector<16xf32>
      %mul3A_959 = arith.mulf %mul3A_958, %get3A_13 : vector<16xf32>
      %add3A_960 = arith.addf %add3A_955, %mul3A_959 : vector<16xf32>
      %slice3A_961 = vector.extract_strided_slice %bitcast3A_926 {offsets = [3], sizes = [1], strides = [1]} : vector<16xf32> to vector<1xf32>
      %squeeze3A_962 = vector.extract %slice3A_961[0] : f32 from vector<1xf32>
      %mul3A_963 = vector.broadcast %squeeze3A_962 : f32 to vector<16xf32>
      %mul3A_964 = arith.mulf %mul3A_963, %get3A_15 : vector<16xf32>
      %add3A_965 = arith.addf %add3A_960, %mul3A_964 : vector<16xf32>
      %slice3A_966 = vector.extract_strided_slice %bitcast3A_930 {offsets = [3], sizes = [1], strides = [1]} : vector<16xf32> to vector<1xf32>
      %squeeze3A_967 = vector.extract %slice3A_966[0] : f32 from vector<1xf32>
      %mul3A_968 = vector.broadcast %squeeze3A_967 : f32 to vector<16xf32>
      %mul3A_969 = arith.mulf %mul3A_968, %get3A_17 : vector<16xf32>
      %add3A_970 = arith.addf %add3A_965, %mul3A_969 : vector<16xf32>
      %slice3A_971 = vector.extract_strided_slice %bitcast3A_926 {offsets = [4], sizes = [1], strides = [1]} : vector<16xf32> to vector<1xf32>
      %squeeze3A_972 = vector.extract %slice3A_971[0] : f32 from vector<1xf32>
      %mul3A_973 = vector.broadcast %squeeze3A_972 : f32 to vector<16xf32>
      %mul3A_974 = arith.mulf %mul3A_973, %get3A_19 : vector<16xf32>
      %add3A_975 = arith.addf %add3A_970, %mul3A_974 : vector<16xf32>
      %slice3A_976 = vector.extract_strided_slice %bitcast3A_930 {offsets = [4], sizes = [1], strides = [1]} : vector<16xf32> to vector<1xf32>
      %squeeze3A_977 = vector.extract %slice3A_976[0] : f32 from vector<1xf32>
      %mul3A_978 = vector.broadcast %squeeze3A_977 : f32 to vector<16xf32>
      %mul3A_979 = arith.mulf %mul3A_978, %get3A_21 : vector<16xf32>
      %add3A_980 = arith.addf %add3A_975, %mul3A_979 : vector<16xf32>
      %max3A_981 = arith.constant -5.000000e+01 : f32
      %max3A_982 = vector.broadcast %max3A_981 : f32 to vector<16xf32>
      %max3A_983 = arith.maximumf %add3A_980, %max3A_982 : vector<16xf32>
      %min3A_984 = arith.constant 5.000000e+01 : f32
      %min3A_985 = vector.broadcast %min3A_984 : f32 to vector<16xf32>
      %min3A_986 = arith.minimumf %max3A_983, %min3A_985 : vector<16xf32>
      %exp3A_987 = math.exp %min3A_986 : vector<16xf32>
      %sub3A_988 = arith.constant 1.000000e+00 : f32
      %sub3A_989 = vector.broadcast %sub3A_988 : f32 to vector<16xf32>
      %sub3A_990 = arith.subf %exp3A_987, %sub3A_989 : vector<16xf32>
      %add3A_991 = arith.constant 1.000000e+00 : f32
      %add3A_992 = vector.broadcast %add3A_991 : f32 to vector<16xf32>
      %add3A_993 = arith.addf %exp3A_987, %add3A_992 : vector<16xf32>
      %div3A_994 = arith.divf %sub3A_990, %add3A_993 : vector<16xf32>
      %broadcast_in_dim3A_995 = vector.broadcast %add3A_915 : i32 to vector<16xi32>
      tpu.vector_store_idx %arg15[%broadcast_in_dim3A_995, %iota3A], %div3A_994 masked %lt3A_29 : memref<2048x10xf32, #tpu.memory_space<vmem>>[vector<16xi32>, vector<16xi32>], vector<16xf32>, vector<16xi1>
      %mul3A_996 = arith.constant 16 : i32
      %mul3A_997 = arith.muli %select_n3A_72, %mul3A_996 : i32
      %add3A_998 = arith.constant 11 : i32
      %add3A_999 = arith.addi %mul3A_997, %add3A_998 : i32
      %slice3A_1000 = vector.extract_strided_slice %get3A_79 {offsets = [11], sizes = [1], strides = [1]} : vector<16xf32> to vector<1xf32>
      %squeeze3A_1001 = vector.extract %slice3A_1000[0] : f32 from vector<1xf32>
      %mul3A_1002 = vector.broadcast %squeeze3A_1001 : f32 to vector<16xf32>
      %mul3A_1003 = arith.mulf %mul3A_1002, %get3A_23 : vector<16xf32>
      %add3A_1004 = arith.addf %mul3A_1003, %get3A_25 : vector<16xf32>
      %broadcast_in_dim3A_1005 = vector.broadcast %add3A_999 : i32 to vector<16xi32>
      %gather3A_1006 = tpu.vector_load_idx %arg14[%broadcast_in_dim3A_1005, %min3A_27] : memref<2048x5xi32, #tpu.memory_space<vmem>>[vector<16xi32>, vector<16xi32>], vector<16xi32>,
      %shift_left3A_1007 = arith.constant 16 : i32
      %shift_left3A_1008 = vector.broadcast %shift_left3A_1007 : i32 to vector<16xi32>
      %shift_left3A_1009 = arith.shli %gather3A_1006, %shift_left3A_1008 : vector<16xi32>
      %bitcast3A_1010 = vector.bitcast %shift_left3A_1009 : vector<16xi32> to vector<16xf32>
      %and3A_1011 = arith.constant -65536 : i32
      %and3A_1012 = vector.broadcast %and3A_1011 : i32 to vector<16xi32>
      %and3A_1013 = arith.andi %gather3A_1006, %and3A_1012 : vector<16xi32>
      %bitcast3A_1014 = vector.bitcast %and3A_1013 : vector<16xi32> to vector<16xf32>
      %slice3A_1015 = vector.extract_strided_slice %bitcast3A_1010 {offsets = [0], sizes = [1], strides = [1]} : vector<16xf32> to vector<1xf32>
      %squeeze3A_1016 = vector.extract %slice3A_1015[0] : f32 from vector<1xf32>
      %mul3A_1017 = vector.broadcast %squeeze3A_1016 : f32 to vector<16xf32>
      %mul3A_1018 = arith.mulf %mul3A_1017, %get3A_3 : vector<16xf32>
      %add3A_1019 = arith.addf %add3A_1004, %mul3A_1018 : vector<16xf32>
      %slice3A_1020 = vector.extract_strided_slice %bitcast3A_1014 {offsets = [0], sizes = [1], strides = [1]} : vector<16xf32> to vector<1xf32>
      %squeeze3A_1021 = vector.extract %slice3A_1020[0] : f32 from vector<1xf32>
      %mul3A_1022 = vector.broadcast %squeeze3A_1021 : f32 to vector<16xf32>
      %mul3A_1023 = arith.mulf %mul3A_1022, %get3A_5 : vector<16xf32>
      %add3A_1024 = arith.addf %add3A_1019, %mul3A_1023 : vector<16xf32>
      %slice3A_1025 = vector.extract_strided_slice %bitcast3A_1010 {offsets = [1], sizes = [1], strides = [1]} : vector<16xf32> to vector<1xf32>
      %squeeze3A_1026 = vector.extract %slice3A_1025[0] : f32 from vector<1xf32>
      %mul3A_1027 = vector.broadcast %squeeze3A_1026 : f32 to vector<16xf32>
      %mul3A_1028 = arith.mulf %mul3A_1027, %get3A_7 : vector<16xf32>
      %add3A_1029 = arith.addf %add3A_1024, %mul3A_1028 : vector<16xf32>
      %slice3A_1030 = vector.extract_strided_slice %bitcast3A_1014 {offsets = [1], sizes = [1], strides = [1]} : vector<16xf32> to vector<1xf32>
      %squeeze3A_1031 = vector.extract %slice3A_1030[0] : f32 from vector<1xf32>
      %mul3A_1032 = vector.broadcast %squeeze3A_1031 : f32 to vector<16xf32>
      %mul3A_1033 = arith.mulf %mul3A_1032, %get3A_9 : vector<16xf32>
      %add3A_1034 = arith.addf %add3A_1029, %mul3A_1033 : vector<16xf32>
      %slice3A_1035 = vector.extract_strided_slice %bitcast3A_1010 {offsets = [2], sizes = [1], strides = [1]} : vector<16xf32> to vector<1xf32>
      %squeeze3A_1036 = vector.extract %slice3A_1035[0] : f32 from vector<1xf32>
      %mul3A_1037 = vector.broadcast %squeeze3A_1036 : f32 to vector<16xf32>
      %mul3A_1038 = arith.mulf %mul3A_1037, %get3A_11 : vector<16xf32>
      %add3A_1039 = arith.addf %add3A_1034, %mul3A_1038 : vector<16xf32>
      %slice3A_1040 = vector.extract_strided_slice %bitcast3A_1014 {offsets = [2], sizes = [1], strides = [1]} : vector<16xf32> to vector<1xf32>
      %squeeze3A_1041 = vector.extract %slice3A_1040[0] : f32 from vector<1xf32>
      %mul3A_1042 = vector.broadcast %squeeze3A_1041 : f32 to vector<16xf32>
      %mul3A_1043 = arith.mulf %mul3A_1042, %get3A_13 : vector<16xf32>
      %add3A_1044 = arith.addf %add3A_1039, %mul3A_1043 : vector<16xf32>
      %slice3A_1045 = vector.extract_strided_slice %bitcast3A_1010 {offsets = [3], sizes = [1], strides = [1]} : vector<16xf32> to vector<1xf32>
      %squeeze3A_1046 = vector.extract %slice3A_1045[0] : f32 from vector<1xf32>
      %mul3A_1047 = vector.broadcast %squeeze3A_1046 : f32 to vector<16xf32>
      %mul3A_1048 = arith.mulf %mul3A_1047, %get3A_15 : vector<16xf32>
      %add3A_1049 = arith.addf %add3A_1044, %mul3A_1048 : vector<16xf32>
      %slice3A_1050 = vector.extract_strided_slice %bitcast3A_1014 {offsets = [3], sizes = [1], strides = [1]} : vector<16xf32> to vector<1xf32>
      %squeeze3A_1051 = vector.extract %slice3A_1050[0] : f32 from vector<1xf32>
      %mul3A_1052 = vector.broadcast %squeeze3A_1051 : f32 to vector<16xf32>
      %mul3A_1053 = arith.mulf %mul3A_1052, %get3A_17 : vector<16xf32>
      %add3A_1054 = arith.addf %add3A_1049, %mul3A_1053 : vector<16xf32>
      %slice3A_1055 = vector.extract_strided_slice %bitcast3A_1010 {offsets = [4], sizes = [1], strides = [1]} : vector<16xf32> to vector<1xf32>
      %squeeze3A_1056 = vector.extract %slice3A_1055[0] : f32 from vector<1xf32>
      %mul3A_1057 = vector.broadcast %squeeze3A_1056 : f32 to vector<16xf32>
      %mul3A_1058 = arith.mulf %mul3A_1057, %get3A_19 : vector<16xf32>
      %add3A_1059 = arith.addf %add3A_1054, %mul3A_1058 : vector<16xf32>
      %slice3A_1060 = vector.extract_strided_slice %bitcast3A_1014 {offsets = [4], sizes = [1], strides = [1]} : vector<16xf32> to vector<1xf32>
      %squeeze3A_1061 = vector.extract %slice3A_1060[0] : f32 from vector<1xf32>
      %mul3A_1062 = vector.broadcast %squeeze3A_1061 : f32 to vector<16xf32>
      %mul3A_1063 = arith.mulf %mul3A_1062, %get3A_21 : vector<16xf32>
      %add3A_1064 = arith.addf %add3A_1059, %mul3A_1063 : vector<16xf32>
      %max3A_1065 = arith.constant -5.000000e+01 : f32
      %max3A_1066 = vector.broadcast %max3A_1065 : f32 to vector<16xf32>
      %max3A_1067 = arith.maximumf %add3A_1064, %max3A_1066 : vector<16xf32>
      %min3A_1068 = arith.constant 5.000000e+01 : f32
      %min3A_1069 = vector.broadcast %min3A_1068 : f32 to vector<16xf32>
      %min3A_1070 = arith.minimumf %max3A_1067, %min3A_1069 : vector<16xf32>
      %exp3A_1071 = math.exp %min3A_1070 : vector<16xf32>
      %sub3A_1072 = arith.constant 1.000000e+00 : f32
      %sub3A_1073 = vector.broadcast %sub3A_1072 : f32 to vector<16xf32>
      %sub3A_1074 = arith.subf %exp3A_1071, %sub3A_1073 : vector<16xf32>
      %add3A_1075 = arith.constant 1.000000e+00 : f32
      %add3A_1076 = vector.broadcast %add3A_1075 : f32 to vector<16xf32>
      %add3A_1077 = arith.addf %exp3A_1071, %add3A_1076 : vector<16xf32>
      %div3A_1078 = arith.divf %sub3A_1074, %add3A_1077 : vector<16xf32>
      %broadcast_in_dim3A_1079 = vector.broadcast %add3A_999 : i32 to vector<16xi32>
      tpu.vector_store_idx %arg15[%broadcast_in_dim3A_1079, %iota3A], %div3A_1078 masked %lt3A_29 : memref<2048x10xf32, #tpu.memory_space<vmem>>[vector<16xi32>, vector<16xi32>], vector<16xf32>, vector<16xi1>
      %mul3A_1080 = arith.constant 16 : i32
      %mul3A_1081 = arith.muli %select_n3A_72, %mul3A_1080 : i32
      %add3A_1082 = arith.constant 12 : i32
      %add3A_1083 = arith.addi %mul3A_1081, %add3A_1082 : i32
      %slice3A_1084 = vector.extract_strided_slice %get3A_79 {offsets = [12], sizes = [1], strides = [1]} : vector<16xf32> to vector<1xf32>
      %squeeze3A_1085 = vector.extract %slice3A_1084[0] : f32 from vector<1xf32>
      %mul3A_1086 = vector.broadcast %squeeze3A_1085 : f32 to vector<16xf32>
      %mul3A_1087 = arith.mulf %mul3A_1086, %get3A_23 : vector<16xf32>
      %add3A_1088 = arith.addf %mul3A_1087, %get3A_25 : vector<16xf32>
      %broadcast_in_dim3A_1089 = vector.broadcast %add3A_1083 : i32 to vector<16xi32>
      %gather3A_1090 = tpu.vector_load_idx %arg14[%broadcast_in_dim3A_1089, %min3A_27] : memref<2048x5xi32, #tpu.memory_space<vmem>>[vector<16xi32>, vector<16xi32>], vector<16xi32>,
      %shift_left3A_1091 = arith.constant 16 : i32
      %shift_left3A_1092 = vector.broadcast %shift_left3A_1091 : i32 to vector<16xi32>
      %shift_left3A_1093 = arith.shli %gather3A_1090, %shift_left3A_1092 : vector<16xi32>
      %bitcast3A_1094 = vector.bitcast %shift_left3A_1093 : vector<16xi32> to vector<16xf32>
      %and3A_1095 = arith.constant -65536 : i32
      %and3A_1096 = vector.broadcast %and3A_1095 : i32 to vector<16xi32>
      %and3A_1097 = arith.andi %gather3A_1090, %and3A_1096 : vector<16xi32>
      %bitcast3A_1098 = vector.bitcast %and3A_1097 : vector<16xi32> to vector<16xf32>
      %slice3A_1099 = vector.extract_strided_slice %bitcast3A_1094 {offsets = [0], sizes = [1], strides = [1]} : vector<16xf32> to vector<1xf32>
      %squeeze3A_1100 = vector.extract %slice3A_1099[0] : f32 from vector<1xf32>
      %mul3A_1101 = vector.broadcast %squeeze3A_1100 : f32 to vector<16xf32>
      %mul3A_1102 = arith.mulf %mul3A_1101, %get3A_3 : vector<16xf32>
      %add3A_1103 = arith.addf %add3A_1088, %mul3A_1102 : vector<16xf32>
      %slice3A_1104 = vector.extract_strided_slice %bitcast3A_1098 {offsets = [0], sizes = [1], strides = [1]} : vector<16xf32> to vector<1xf32>
      %squeeze3A_1105 = vector.extract %slice3A_1104[0] : f32 from vector<1xf32>
      %mul3A_1106 = vector.broadcast %squeeze3A_1105 : f32 to vector<16xf32>
      %mul3A_1107 = arith.mulf %mul3A_1106, %get3A_5 : vector<16xf32>
      %add3A_1108 = arith.addf %add3A_1103, %mul3A_1107 : vector<16xf32>
      %slice3A_1109 = vector.extract_strided_slice %bitcast3A_1094 {offsets = [1], sizes = [1], strides = [1]} : vector<16xf32> to vector<1xf32>
      %squeeze3A_1110 = vector.extract %slice3A_1109[0] : f32 from vector<1xf32>
      %mul3A_1111 = vector.broadcast %squeeze3A_1110 : f32 to vector<16xf32>
      %mul3A_1112 = arith.mulf %mul3A_1111, %get3A_7 : vector<16xf32>
      %add3A_1113 = arith.addf %add3A_1108, %mul3A_1112 : vector<16xf32>
      %slice3A_1114 = vector.extract_strided_slice %bitcast3A_1098 {offsets = [1], sizes = [1], strides = [1]} : vector<16xf32> to vector<1xf32>
      %squeeze3A_1115 = vector.extract %slice3A_1114[0] : f32 from vector<1xf32>
      %mul3A_1116 = vector.broadcast %squeeze3A_1115 : f32 to vector<16xf32>
      %mul3A_1117 = arith.mulf %mul3A_1116, %get3A_9 : vector<16xf32>
      %add3A_1118 = arith.addf %add3A_1113, %mul3A_1117 : vector<16xf32>
      %slice3A_1119 = vector.extract_strided_slice %bitcast3A_1094 {offsets = [2], sizes = [1], strides = [1]} : vector<16xf32> to vector<1xf32>
      %squeeze3A_1120 = vector.extract %slice3A_1119[0] : f32 from vector<1xf32>
      %mul3A_1121 = vector.broadcast %squeeze3A_1120 : f32 to vector<16xf32>
      %mul3A_1122 = arith.mulf %mul3A_1121, %get3A_11 : vector<16xf32>
      %add3A_1123 = arith.addf %add3A_1118, %mul3A_1122 : vector<16xf32>
      %slice3A_1124 = vector.extract_strided_slice %bitcast3A_1098 {offsets = [2], sizes = [1], strides = [1]} : vector<16xf32> to vector<1xf32>
      %squeeze3A_1125 = vector.extract %slice3A_1124[0] : f32 from vector<1xf32>
      %mul3A_1126 = vector.broadcast %squeeze3A_1125 : f32 to vector<16xf32>
      %mul3A_1127 = arith.mulf %mul3A_1126, %get3A_13 : vector<16xf32>
      %add3A_1128 = arith.addf %add3A_1123, %mul3A_1127 : vector<16xf32>
      %slice3A_1129 = vector.extract_strided_slice %bitcast3A_1094 {offsets = [3], sizes = [1], strides = [1]} : vector<16xf32> to vector<1xf32>
      %squeeze3A_1130 = vector.extract %slice3A_1129[0] : f32 from vector<1xf32>
      %mul3A_1131 = vector.broadcast %squeeze3A_1130 : f32 to vector<16xf32>
      %mul3A_1132 = arith.mulf %mul3A_1131, %get3A_15 : vector<16xf32>
      %add3A_1133 = arith.addf %add3A_1128, %mul3A_1132 : vector<16xf32>
      %slice3A_1134 = vector.extract_strided_slice %bitcast3A_1098 {offsets = [3], sizes = [1], strides = [1]} : vector<16xf32> to vector<1xf32>
      %squeeze3A_1135 = vector.extract %slice3A_1134[0] : f32 from vector<1xf32>
      %mul3A_1136 = vector.broadcast %squeeze3A_1135 : f32 to vector<16xf32>
      %mul3A_1137 = arith.mulf %mul3A_1136, %get3A_17 : vector<16xf32>
      %add3A_1138 = arith.addf %add3A_1133, %mul3A_1137 : vector<16xf32>
      %slice3A_1139 = vector.extract_strided_slice %bitcast3A_1094 {offsets = [4], sizes = [1], strides = [1]} : vector<16xf32> to vector<1xf32>
      %squeeze3A_1140 = vector.extract %slice3A_1139[0] : f32 from vector<1xf32>
      %mul3A_1141 = vector.broadcast %squeeze3A_1140 : f32 to vector<16xf32>
      %mul3A_1142 = arith.mulf %mul3A_1141, %get3A_19 : vector<16xf32>
      %add3A_1143 = arith.addf %add3A_1138, %mul3A_1142 : vector<16xf32>
      %slice3A_1144 = vector.extract_strided_slice %bitcast3A_1098 {offsets = [4], sizes = [1], strides = [1]} : vector<16xf32> to vector<1xf32>
      %squeeze3A_1145 = vector.extract %slice3A_1144[0] : f32 from vector<1xf32>
      %mul3A_1146 = vector.broadcast %squeeze3A_1145 : f32 to vector<16xf32>
      %mul3A_1147 = arith.mulf %mul3A_1146, %get3A_21 : vector<16xf32>
      %add3A_1148 = arith.addf %add3A_1143, %mul3A_1147 : vector<16xf32>
      %max3A_1149 = arith.constant -5.000000e+01 : f32
      %max3A_1150 = vector.broadcast %max3A_1149 : f32 to vector<16xf32>
      %max3A_1151 = arith.maximumf %add3A_1148, %max3A_1150 : vector<16xf32>
      %min3A_1152 = arith.constant 5.000000e+01 : f32
      %min3A_1153 = vector.broadcast %min3A_1152 : f32 to vector<16xf32>
      %min3A_1154 = arith.minimumf %max3A_1151, %min3A_1153 : vector<16xf32>
      %exp3A_1155 = math.exp %min3A_1154 : vector<16xf32>
      %sub3A_1156 = arith.constant 1.000000e+00 : f32
      %sub3A_1157 = vector.broadcast %sub3A_1156 : f32 to vector<16xf32>
      %sub3A_1158 = arith.subf %exp3A_1155, %sub3A_1157 : vector<16xf32>
      %add3A_1159 = arith.constant 1.000000e+00 : f32
      %add3A_1160 = vector.broadcast %add3A_1159 : f32 to vector<16xf32>
      %add3A_1161 = arith.addf %exp3A_1155, %add3A_1160 : vector<16xf32>
      %div3A_1162 = arith.divf %sub3A_1158, %add3A_1161 : vector<16xf32>
      %broadcast_in_dim3A_1163 = vector.broadcast %add3A_1083 : i32 to vector<16xi32>
      tpu.vector_store_idx %arg15[%broadcast_in_dim3A_1163, %iota3A], %div3A_1162 masked %lt3A_29 : memref<2048x10xf32, #tpu.memory_space<vmem>>[vector<16xi32>, vector<16xi32>], vector<16xf32>, vector<16xi1>
      %mul3A_1164 = arith.constant 16 : i32
      %mul3A_1165 = arith.muli %select_n3A_72, %mul3A_1164 : i32
      %add3A_1166 = arith.constant 13 : i32
      %add3A_1167 = arith.addi %mul3A_1165, %add3A_1166 : i32
      %slice3A_1168 = vector.extract_strided_slice %get3A_79 {offsets = [13], sizes = [1], strides = [1]} : vector<16xf32> to vector<1xf32>
      %squeeze3A_1169 = vector.extract %slice3A_1168[0] : f32 from vector<1xf32>
      %mul3A_1170 = vector.broadcast %squeeze3A_1169 : f32 to vector<16xf32>
      %mul3A_1171 = arith.mulf %mul3A_1170, %get3A_23 : vector<16xf32>
      %add3A_1172 = arith.addf %mul3A_1171, %get3A_25 : vector<16xf32>
      %broadcast_in_dim3A_1173 = vector.broadcast %add3A_1167 : i32 to vector<16xi32>
      %gather3A_1174 = tpu.vector_load_idx %arg14[%broadcast_in_dim3A_1173, %min3A_27] : memref<2048x5xi32, #tpu.memory_space<vmem>>[vector<16xi32>, vector<16xi32>], vector<16xi32>,
      %shift_left3A_1175 = arith.constant 16 : i32
      %shift_left3A_1176 = vector.broadcast %shift_left3A_1175 : i32 to vector<16xi32>
      %shift_left3A_1177 = arith.shli %gather3A_1174, %shift_left3A_1176 : vector<16xi32>
      %bitcast3A_1178 = vector.bitcast %shift_left3A_1177 : vector<16xi32> to vector<16xf32>
      %and3A_1179 = arith.constant -65536 : i32
      %and3A_1180 = vector.broadcast %and3A_1179 : i32 to vector<16xi32>
      %and3A_1181 = arith.andi %gather3A_1174, %and3A_1180 : vector<16xi32>
      %bitcast3A_1182 = vector.bitcast %and3A_1181 : vector<16xi32> to vector<16xf32>
      %slice3A_1183 = vector.extract_strided_slice %bitcast3A_1178 {offsets = [0], sizes = [1], strides = [1]} : vector<16xf32> to vector<1xf32>
      %squeeze3A_1184 = vector.extract %slice3A_1183[0] : f32 from vector<1xf32>
      %mul3A_1185 = vector.broadcast %squeeze3A_1184 : f32 to vector<16xf32>
      %mul3A_1186 = arith.mulf %mul3A_1185, %get3A_3 : vector<16xf32>
      %add3A_1187 = arith.addf %add3A_1172, %mul3A_1186 : vector<16xf32>
      %slice3A_1188 = vector.extract_strided_slice %bitcast3A_1182 {offsets = [0], sizes = [1], strides = [1]} : vector<16xf32> to vector<1xf32>
      %squeeze3A_1189 = vector.extract %slice3A_1188[0] : f32 from vector<1xf32>
      %mul3A_1190 = vector.broadcast %squeeze3A_1189 : f32 to vector<16xf32>
      %mul3A_1191 = arith.mulf %mul3A_1190, %get3A_5 : vector<16xf32>
      %add3A_1192 = arith.addf %add3A_1187, %mul3A_1191 : vector<16xf32>
      %slice3A_1193 = vector.extract_strided_slice %bitcast3A_1178 {offsets = [1], sizes = [1], strides = [1]} : vector<16xf32> to vector<1xf32>
      %squeeze3A_1194 = vector.extract %slice3A_1193[0] : f32 from vector<1xf32>
      %mul3A_1195 = vector.broadcast %squeeze3A_1194 : f32 to vector<16xf32>
      %mul3A_1196 = arith.mulf %mul3A_1195, %get3A_7 : vector<16xf32>
      %add3A_1197 = arith.addf %add3A_1192, %mul3A_1196 : vector<16xf32>
      %slice3A_1198 = vector.extract_strided_slice %bitcast3A_1182 {offsets = [1], sizes = [1], strides = [1]} : vector<16xf32> to vector<1xf32>
      %squeeze3A_1199 = vector.extract %slice3A_1198[0] : f32 from vector<1xf32>
      %mul3A_1200 = vector.broadcast %squeeze3A_1199 : f32 to vector<16xf32>
      %mul3A_1201 = arith.mulf %mul3A_1200, %get3A_9 : vector<16xf32>
      %add3A_1202 = arith.addf %add3A_1197, %mul3A_1201 : vector<16xf32>
      %slice3A_1203 = vector.extract_strided_slice %bitcast3A_1178 {offsets = [2], sizes = [1], strides = [1]} : vector<16xf32> to vector<1xf32>
      %squeeze3A_1204 = vector.extract %slice3A_1203[0] : f32 from vector<1xf32>
      %mul3A_1205 = vector.broadcast %squeeze3A_1204 : f32 to vector<16xf32>
      %mul3A_1206 = arith.mulf %mul3A_1205, %get3A_11 : vector<16xf32>
      %add3A_1207 = arith.addf %add3A_1202, %mul3A_1206 : vector<16xf32>
      %slice3A_1208 = vector.extract_strided_slice %bitcast3A_1182 {offsets = [2], sizes = [1], strides = [1]} : vector<16xf32> to vector<1xf32>
      %squeeze3A_1209 = vector.extract %slice3A_1208[0] : f32 from vector<1xf32>
      %mul3A_1210 = vector.broadcast %squeeze3A_1209 : f32 to vector<16xf32>
      %mul3A_1211 = arith.mulf %mul3A_1210, %get3A_13 : vector<16xf32>
      %add3A_1212 = arith.addf %add3A_1207, %mul3A_1211 : vector<16xf32>
      %slice3A_1213 = vector.extract_strided_slice %bitcast3A_1178 {offsets = [3], sizes = [1], strides = [1]} : vector<16xf32> to vector<1xf32>
      %squeeze3A_1214 = vector.extract %slice3A_1213[0] : f32 from vector<1xf32>
      %mul3A_1215 = vector.broadcast %squeeze3A_1214 : f32 to vector<16xf32>
      %mul3A_1216 = arith.mulf %mul3A_1215, %get3A_15 : vector<16xf32>
      %add3A_1217 = arith.addf %add3A_1212, %mul3A_1216 : vector<16xf32>
      %slice3A_1218 = vector.extract_strided_slice %bitcast3A_1182 {offsets = [3], sizes = [1], strides = [1]} : vector<16xf32> to vector<1xf32>
      %squeeze3A_1219 = vector.extract %slice3A_1218[0] : f32 from vector<1xf32>
      %mul3A_1220 = vector.broadcast %squeeze3A_1219 : f32 to vector<16xf32>
      %mul3A_1221 = arith.mulf %mul3A_1220, %get3A_17 : vector<16xf32>
      %add3A_1222 = arith.addf %add3A_1217, %mul3A_1221 : vector<16xf32>
      %slice3A_1223 = vector.extract_strided_slice %bitcast3A_1178 {offsets = [4], sizes = [1], strides = [1]} : vector<16xf32> to vector<1xf32>
      %squeeze3A_1224 = vector.extract %slice3A_1223[0] : f32 from vector<1xf32>
      %mul3A_1225 = vector.broadcast %squeeze3A_1224 : f32 to vector<16xf32>
      %mul3A_1226 = arith.mulf %mul3A_1225, %get3A_19 : vector<16xf32>
      %add3A_1227 = arith.addf %add3A_1222, %mul3A_1226 : vector<16xf32>
      %slice3A_1228 = vector.extract_strided_slice %bitcast3A_1182 {offsets = [4], sizes = [1], strides = [1]} : vector<16xf32> to vector<1xf32>
      %squeeze3A_1229 = vector.extract %slice3A_1228[0] : f32 from vector<1xf32>
      %mul3A_1230 = vector.broadcast %squeeze3A_1229 : f32 to vector<16xf32>
      %mul3A_1231 = arith.mulf %mul3A_1230, %get3A_21 : vector<16xf32>
      %add3A_1232 = arith.addf %add3A_1227, %mul3A_1231 : vector<16xf32>
      %max3A_1233 = arith.constant -5.000000e+01 : f32
      %max3A_1234 = vector.broadcast %max3A_1233 : f32 to vector<16xf32>
      %max3A_1235 = arith.maximumf %add3A_1232, %max3A_1234 : vector<16xf32>
      %min3A_1236 = arith.constant 5.000000e+01 : f32
      %min3A_1237 = vector.broadcast %min3A_1236 : f32 to vector<16xf32>
      %min3A_1238 = arith.minimumf %max3A_1235, %min3A_1237 : vector<16xf32>
      %exp3A_1239 = math.exp %min3A_1238 : vector<16xf32>
      %sub3A_1240 = arith.constant 1.000000e+00 : f32
      %sub3A_1241 = vector.broadcast %sub3A_1240 : f32 to vector<16xf32>
      %sub3A_1242 = arith.subf %exp3A_1239, %sub3A_1241 : vector<16xf32>
      %add3A_1243 = arith.constant 1.000000e+00 : f32
      %add3A_1244 = vector.broadcast %add3A_1243 : f32 to vector<16xf32>
      %add3A_1245 = arith.addf %exp3A_1239, %add3A_1244 : vector<16xf32>
      %div3A_1246 = arith.divf %sub3A_1242, %add3A_1245 : vector<16xf32>
      %broadcast_in_dim3A_1247 = vector.broadcast %add3A_1167 : i32 to vector<16xi32>
      tpu.vector_store_idx %arg15[%broadcast_in_dim3A_1247, %iota3A], %div3A_1246 masked %lt3A_29 : memref<2048x10xf32, #tpu.memory_space<vmem>>[vector<16xi32>, vector<16xi32>], vector<16xf32>, vector<16xi1>
      %mul3A_1248 = arith.constant 16 : i32
      %mul3A_1249 = arith.muli %select_n3A_72, %mul3A_1248 : i32
      %add3A_1250 = arith.constant 14 : i32
      %add3A_1251 = arith.addi %mul3A_1249, %add3A_1250 : i32
      %slice3A_1252 = vector.extract_strided_slice %get3A_79 {offsets = [14], sizes = [1], strides = [1]} : vector<16xf32> to vector<1xf32>
      %squeeze3A_1253 = vector.extract %slice3A_1252[0] : f32 from vector<1xf32>
      %mul3A_1254 = vector.broadcast %squeeze3A_1253 : f32 to vector<16xf32>
      %mul3A_1255 = arith.mulf %mul3A_1254, %get3A_23 : vector<16xf32>
      %add3A_1256 = arith.addf %mul3A_1255, %get3A_25 : vector<16xf32>
      %broadcast_in_dim3A_1257 = vector.broadcast %add3A_1251 : i32 to vector<16xi32>
      %gather3A_1258 = tpu.vector_load_idx %arg14[%broadcast_in_dim3A_1257, %min3A_27] : memref<2048x5xi32, #tpu.memory_space<vmem>>[vector<16xi32>, vector<16xi32>], vector<16xi32>,
      %shift_left3A_1259 = arith.constant 16 : i32
      %shift_left3A_1260 = vector.broadcast %shift_left3A_1259 : i32 to vector<16xi32>
      %shift_left3A_1261 = arith.shli %gather3A_1258, %shift_left3A_1260 : vector<16xi32>
      %bitcast3A_1262 = vector.bitcast %shift_left3A_1261 : vector<16xi32> to vector<16xf32>
      %and3A_1263 = arith.constant -65536 : i32
      %and3A_1264 = vector.broadcast %and3A_1263 : i32 to vector<16xi32>
      %and3A_1265 = arith.andi %gather3A_1258, %and3A_1264 : vector<16xi32>
      %bitcast3A_1266 = vector.bitcast %and3A_1265 : vector<16xi32> to vector<16xf32>
      %slice3A_1267 = vector.extract_strided_slice %bitcast3A_1262 {offsets = [0], sizes = [1], strides = [1]} : vector<16xf32> to vector<1xf32>
      %squeeze3A_1268 = vector.extract %slice3A_1267[0] : f32 from vector<1xf32>
      %mul3A_1269 = vector.broadcast %squeeze3A_1268 : f32 to vector<16xf32>
      %mul3A_1270 = arith.mulf %mul3A_1269, %get3A_3 : vector<16xf32>
      %add3A_1271 = arith.addf %add3A_1256, %mul3A_1270 : vector<16xf32>
      %slice3A_1272 = vector.extract_strided_slice %bitcast3A_1266 {offsets = [0], sizes = [1], strides = [1]} : vector<16xf32> to vector<1xf32>
      %squeeze3A_1273 = vector.extract %slice3A_1272[0] : f32 from vector<1xf32>
      %mul3A_1274 = vector.broadcast %squeeze3A_1273 : f32 to vector<16xf32>
      %mul3A_1275 = arith.mulf %mul3A_1274, %get3A_5 : vector<16xf32>
      %add3A_1276 = arith.addf %add3A_1271, %mul3A_1275 : vector<16xf32>
      %slice3A_1277 = vector.extract_strided_slice %bitcast3A_1262 {offsets = [1], sizes = [1], strides = [1]} : vector<16xf32> to vector<1xf32>
      %squeeze3A_1278 = vector.extract %slice3A_1277[0] : f32 from vector<1xf32>
      %mul3A_1279 = vector.broadcast %squeeze3A_1278 : f32 to vector<16xf32>
      %mul3A_1280 = arith.mulf %mul3A_1279, %get3A_7 : vector<16xf32>
      %add3A_1281 = arith.addf %add3A_1276, %mul3A_1280 : vector<16xf32>
      %slice3A_1282 = vector.extract_strided_slice %bitcast3A_1266 {offsets = [1], sizes = [1], strides = [1]} : vector<16xf32> to vector<1xf32>
      %squeeze3A_1283 = vector.extract %slice3A_1282[0] : f32 from vector<1xf32>
      %mul3A_1284 = vector.broadcast %squeeze3A_1283 : f32 to vector<16xf32>
      %mul3A_1285 = arith.mulf %mul3A_1284, %get3A_9 : vector<16xf32>
      %add3A_1286 = arith.addf %add3A_1281, %mul3A_1285 : vector<16xf32>
      %slice3A_1287 = vector.extract_strided_slice %bitcast3A_1262 {offsets = [2], sizes = [1], strides = [1]} : vector<16xf32> to vector<1xf32>
      %squeeze3A_1288 = vector.extract %slice3A_1287[0] : f32 from vector<1xf32>
      %mul3A_1289 = vector.broadcast %squeeze3A_1288 : f32 to vector<16xf32>
      %mul3A_1290 = arith.mulf %mul3A_1289, %get3A_11 : vector<16xf32>
      %add3A_1291 = arith.addf %add3A_1286, %mul3A_1290 : vector<16xf32>
      %slice3A_1292 = vector.extract_strided_slice %bitcast3A_1266 {offsets = [2], sizes = [1], strides = [1]} : vector<16xf32> to vector<1xf32>
      %squeeze3A_1293 = vector.extract %slice3A_1292[0] : f32 from vector<1xf32>
      %mul3A_1294 = vector.broadcast %squeeze3A_1293 : f32 to vector<16xf32>
      %mul3A_1295 = arith.mulf %mul3A_1294, %get3A_13 : vector<16xf32>
      %add3A_1296 = arith.addf %add3A_1291, %mul3A_1295 : vector<16xf32>
      %slice3A_1297 = vector.extract_strided_slice %bitcast3A_1262 {offsets = [3], sizes = [1], strides = [1]} : vector<16xf32> to vector<1xf32>
      %squeeze3A_1298 = vector.extract %slice3A_1297[0] : f32 from vector<1xf32>
      %mul3A_1299 = vector.broadcast %squeeze3A_1298 : f32 to vector<16xf32>
      %mul3A_1300 = arith.mulf %mul3A_1299, %get3A_15 : vector<16xf32>
      %add3A_1301 = arith.addf %add3A_1296, %mul3A_1300 : vector<16xf32>
      %slice3A_1302 = vector.extract_strided_slice %bitcast3A_1266 {offsets = [3], sizes = [1], strides = [1]} : vector<16xf32> to vector<1xf32>
      %squeeze3A_1303 = vector.extract %slice3A_1302[0] : f32 from vector<1xf32>
      %mul3A_1304 = vector.broadcast %squeeze3A_1303 : f32 to vector<16xf32>
      %mul3A_1305 = arith.mulf %mul3A_1304, %get3A_17 : vector<16xf32>
      %add3A_1306 = arith.addf %add3A_1301, %mul3A_1305 : vector<16xf32>
      %slice3A_1307 = vector.extract_strided_slice %bitcast3A_1262 {offsets = [4], sizes = [1], strides = [1]} : vector<16xf32> to vector<1xf32>
      %squeeze3A_1308 = vector.extract %slice3A_1307[0] : f32 from vector<1xf32>
      %mul3A_1309 = vector.broadcast %squeeze3A_1308 : f32 to vector<16xf32>
      %mul3A_1310 = arith.mulf %mul3A_1309, %get3A_19 : vector<16xf32>
      %add3A_1311 = arith.addf %add3A_1306, %mul3A_1310 : vector<16xf32>
      %slice3A_1312 = vector.extract_strided_slice %bitcast3A_1266 {offsets = [4], sizes = [1], strides = [1]} : vector<16xf32> to vector<1xf32>
      %squeeze3A_1313 = vector.extract %slice3A_1312[0] : f32 from vector<1xf32>
      %mul3A_1314 = vector.broadcast %squeeze3A_1313 : f32 to vector<16xf32>
      %mul3A_1315 = arith.mulf %mul3A_1314, %get3A_21 : vector<16xf32>
      %add3A_1316 = arith.addf %add3A_1311, %mul3A_1315 : vector<16xf32>
      %max3A_1317 = arith.constant -5.000000e+01 : f32
      %max3A_1318 = vector.broadcast %max3A_1317 : f32 to vector<16xf32>
      %max3A_1319 = arith.maximumf %add3A_1316, %max3A_1318 : vector<16xf32>
      %min3A_1320 = arith.constant 5.000000e+01 : f32
      %min3A_1321 = vector.broadcast %min3A_1320 : f32 to vector<16xf32>
      %min3A_1322 = arith.minimumf %max3A_1319, %min3A_1321 : vector<16xf32>
      %exp3A_1323 = math.exp %min3A_1322 : vector<16xf32>
      %sub3A_1324 = arith.constant 1.000000e+00 : f32
      %sub3A_1325 = vector.broadcast %sub3A_1324 : f32 to vector<16xf32>
      %sub3A_1326 = arith.subf %exp3A_1323, %sub3A_1325 : vector<16xf32>
      %add3A_1327 = arith.constant 1.000000e+00 : f32
      %add3A_1328 = vector.broadcast %add3A_1327 : f32 to vector<16xf32>
      %add3A_1329 = arith.addf %exp3A_1323, %add3A_1328 : vector<16xf32>
      %div3A_1330 = arith.divf %sub3A_1326, %add3A_1329 : vector<16xf32>
      %broadcast_in_dim3A_1331 = vector.broadcast %add3A_1251 : i32 to vector<16xi32>
      tpu.vector_store_idx %arg15[%broadcast_in_dim3A_1331, %iota3A], %div3A_1330 masked %lt3A_29 : memref<2048x10xf32, #tpu.memory_space<vmem>>[vector<16xi32>, vector<16xi32>], vector<16xf32>, vector<16xi1>
      %mul3A_1332 = arith.constant 16 : i32
      %mul3A_1333 = arith.muli %select_n3A_72, %mul3A_1332 : i32
      %add3A_1334 = arith.constant 15 : i32
      %add3A_1335 = arith.addi %mul3A_1333, %add3A_1334 : i32
      %slice3A_1336 = vector.extract_strided_slice %get3A_79 {offsets = [15], sizes = [1], strides = [1]} : vector<16xf32> to vector<1xf32>
      %squeeze3A_1337 = vector.extract %slice3A_1336[0] : f32 from vector<1xf32>
      %mul3A_1338 = vector.broadcast %squeeze3A_1337 : f32 to vector<16xf32>
      %mul3A_1339 = arith.mulf %mul3A_1338, %get3A_23 : vector<16xf32>
      %add3A_1340 = arith.addf %mul3A_1339, %get3A_25 : vector<16xf32>
      %broadcast_in_dim3A_1341 = vector.broadcast %add3A_1335 : i32 to vector<16xi32>
      %gather3A_1342 = tpu.vector_load_idx %arg14[%broadcast_in_dim3A_1341, %min3A_27] : memref<2048x5xi32, #tpu.memory_space<vmem>>[vector<16xi32>, vector<16xi32>], vector<16xi32>,
      %shift_left3A_1343 = arith.constant 16 : i32
      %shift_left3A_1344 = vector.broadcast %shift_left3A_1343 : i32 to vector<16xi32>
      %shift_left3A_1345 = arith.shli %gather3A_1342, %shift_left3A_1344 : vector<16xi32>
      %bitcast3A_1346 = vector.bitcast %shift_left3A_1345 : vector<16xi32> to vector<16xf32>
      %and3A_1347 = arith.constant -65536 : i32
      %and3A_1348 = vector.broadcast %and3A_1347 : i32 to vector<16xi32>
      %and3A_1349 = arith.andi %gather3A_1342, %and3A_1348 : vector<16xi32>
      %bitcast3A_1350 = vector.bitcast %and3A_1349 : vector<16xi32> to vector<16xf32>
      %slice3A_1351 = vector.extract_strided_slice %bitcast3A_1346 {offsets = [0], sizes = [1], strides = [1]} : vector<16xf32> to vector<1xf32>
      %squeeze3A_1352 = vector.extract %slice3A_1351[0] : f32 from vector<1xf32>
      %mul3A_1353 = vector.broadcast %squeeze3A_1352 : f32 to vector<16xf32>
      %mul3A_1354 = arith.mulf %mul3A_1353, %get3A_3 : vector<16xf32>
      %add3A_1355 = arith.addf %add3A_1340, %mul3A_1354 : vector<16xf32>
      %slice3A_1356 = vector.extract_strided_slice %bitcast3A_1350 {offsets = [0], sizes = [1], strides = [1]} : vector<16xf32> to vector<1xf32>
      %squeeze3A_1357 = vector.extract %slice3A_1356[0] : f32 from vector<1xf32>
      %mul3A_1358 = vector.broadcast %squeeze3A_1357 : f32 to vector<16xf32>
      %mul3A_1359 = arith.mulf %mul3A_1358, %get3A_5 : vector<16xf32>
      %add3A_1360 = arith.addf %add3A_1355, %mul3A_1359 : vector<16xf32>
      %slice3A_1361 = vector.extract_strided_slice %bitcast3A_1346 {offsets = [1], sizes = [1], strides = [1]} : vector<16xf32> to vector<1xf32>
      %squeeze3A_1362 = vector.extract %slice3A_1361[0] : f32 from vector<1xf32>
      %mul3A_1363 = vector.broadcast %squeeze3A_1362 : f32 to vector<16xf32>
      %mul3A_1364 = arith.mulf %mul3A_1363, %get3A_7 : vector<16xf32>
      %add3A_1365 = arith.addf %add3A_1360, %mul3A_1364 : vector<16xf32>
      %slice3A_1366 = vector.extract_strided_slice %bitcast3A_1350 {offsets = [1], sizes = [1], strides = [1]} : vector<16xf32> to vector<1xf32>
      %squeeze3A_1367 = vector.extract %slice3A_1366[0] : f32 from vector<1xf32>
      %mul3A_1368 = vector.broadcast %squeeze3A_1367 : f32 to vector<16xf32>
      %mul3A_1369 = arith.mulf %mul3A_1368, %get3A_9 : vector<16xf32>
      %add3A_1370 = arith.addf %add3A_1365, %mul3A_1369 : vector<16xf32>
      %slice3A_1371 = vector.extract_strided_slice %bitcast3A_1346 {offsets = [2], sizes = [1], strides = [1]} : vector<16xf32> to vector<1xf32>
      %squeeze3A_1372 = vector.extract %slice3A_1371[0] : f32 from vector<1xf32>
      %mul3A_1373 = vector.broadcast %squeeze3A_1372 : f32 to vector<16xf32>
      %mul3A_1374 = arith.mulf %mul3A_1373, %get3A_11 : vector<16xf32>
      %add3A_1375 = arith.addf %add3A_1370, %mul3A_1374 : vector<16xf32>
      %slice3A_1376 = vector.extract_strided_slice %bitcast3A_1350 {offsets = [2], sizes = [1], strides = [1]} : vector<16xf32> to vector<1xf32>
      %squeeze3A_1377 = vector.extract %slice3A_1376[0] : f32 from vector<1xf32>
      %mul3A_1378 = vector.broadcast %squeeze3A_1377 : f32 to vector<16xf32>
      %mul3A_1379 = arith.mulf %mul3A_1378, %get3A_13 : vector<16xf32>
      %add3A_1380 = arith.addf %add3A_1375, %mul3A_1379 : vector<16xf32>
      %slice3A_1381 = vector.extract_strided_slice %bitcast3A_1346 {offsets = [3], sizes = [1], strides = [1]} : vector<16xf32> to vector<1xf32>
      %squeeze3A_1382 = vector.extract %slice3A_1381[0] : f32 from vector<1xf32>
      %mul3A_1383 = vector.broadcast %squeeze3A_1382 : f32 to vector<16xf32>
      %mul3A_1384 = arith.mulf %mul3A_1383, %get3A_15 : vector<16xf32>
      %add3A_1385 = arith.addf %add3A_1380, %mul3A_1384 : vector<16xf32>
      %slice3A_1386 = vector.extract_strided_slice %bitcast3A_1350 {offsets = [3], sizes = [1], strides = [1]} : vector<16xf32> to vector<1xf32>
      %squeeze3A_1387 = vector.extract %slice3A_1386[0] : f32 from vector<1xf32>
      %mul3A_1388 = vector.broadcast %squeeze3A_1387 : f32 to vector<16xf32>
      %mul3A_1389 = arith.mulf %mul3A_1388, %get3A_17 : vector<16xf32>
      %add3A_1390 = arith.addf %add3A_1385, %mul3A_1389 : vector<16xf32>
      %slice3A_1391 = vector.extract_strided_slice %bitcast3A_1346 {offsets = [4], sizes = [1], strides = [1]} : vector<16xf32> to vector<1xf32>
      %squeeze3A_1392 = vector.extract %slice3A_1391[0] : f32 from vector<1xf32>
      %mul3A_1393 = vector.broadcast %squeeze3A_1392 : f32 to vector<16xf32>
      %mul3A_1394 = arith.mulf %mul3A_1393, %get3A_19 : vector<16xf32>
      %add3A_1395 = arith.addf %add3A_1390, %mul3A_1394 : vector<16xf32>
      %slice3A_1396 = vector.extract_strided_slice %bitcast3A_1350 {offsets = [4], sizes = [1], strides = [1]} : vector<16xf32> to vector<1xf32>
      %squeeze3A_1397 = vector.extract %slice3A_1396[0] : f32 from vector<1xf32>
      %mul3A_1398 = vector.broadcast %squeeze3A_1397 : f32 to vector<16xf32>
      %mul3A_1399 = arith.mulf %mul3A_1398, %get3A_21 : vector<16xf32>
      %add3A_1400 = arith.addf %add3A_1395, %mul3A_1399 : vector<16xf32>
      %max3A_1401 = arith.constant -5.000000e+01 : f32
      %max3A_1402 = vector.broadcast %max3A_1401 : f32 to vector<16xf32>
      %max3A_1403 = arith.maximumf %add3A_1400, %max3A_1402 : vector<16xf32>
      %min3A_1404 = arith.constant 5.000000e+01 : f32
      %min3A_1405 = vector.broadcast %min3A_1404 : f32 to vector<16xf32>
      %min3A_1406 = arith.minimumf %max3A_1403, %min3A_1405 : vector<16xf32>
      %exp3A_1407 = math.exp %min3A_1406 : vector<16xf32>
      %sub3A_1408 = arith.constant 1.000000e+00 : f32
      %sub3A_1409 = vector.broadcast %sub3A_1408 : f32 to vector<16xf32>
      %sub3A_1410 = arith.subf %exp3A_1407, %sub3A_1409 : vector<16xf32>
      %add3A_1411 = arith.constant 1.000000e+00 : f32
      %add3A_1412 = vector.broadcast %add3A_1411 : f32 to vector<16xf32>
      %add3A_1413 = arith.addf %exp3A_1407, %add3A_1412 : vector<16xf32>
      %div3A_1414 = arith.divf %sub3A_1410, %add3A_1413 : vector<16xf32>
      %broadcast_in_dim3A_1415 = vector.broadcast %add3A_1335 : i32 to vector<16xi32>
      tpu.vector_store_idx %arg15[%broadcast_in_dim3A_1415, %iota3A], %div3A_1414 masked %lt3A_29 : memref<2048x10xf32, #tpu.memory_space<vmem>>[vector<16xi32>, vector<16xi32>], vector<16xf32>, vector<16xi1>
      %eq3A_1416 = arith.constant 127 : i32
      %eq3A_1417 = arith.cmpi eq, %select_n3A_72, %eq3A_1416 : i32
      %convert_element_type3A_1418 = arith.extui %eq3A_1417 : i1 to i32
      %cond3A_1419 = arith.constant 0 : i32
      %cond3A_1420 = arith.cmpi ne, %convert_element_type3A_1418, %cond3A_1419 : i32
      scf.if %cond3A_1420 {
        %run_scoped3A = arith.constant 0 : i32
        "tpu.region"() ({
          %run_scoped3A_1436 = tpu.sem_alloc : memref<!tpu.dma_semaphore, #tpu.memory_space<semaphore_mem>>
          %dma_start3A = arith.constant 0 : i32
          %dma_start3A_1437 = arith.constant 0 : i32
          %dma_start3A_1438 = tpu.memref_slice %arg15[%dma_start3A, %dma_start3A_1437] : memref<2048x10xf32, #tpu.memory_space<vmem>> -> memref<128x10xf32, #tpu.memory_space<vmem>>
          %dma_start3A_1439 = arith.constant 0 : i32
          %dma_start3A_1440 = tpu.memref_slice %arg12[%run_scoped3A, %dma_start3A_1439] : memref<16x128xi32, #tpu.memory_space<vmem>> -> memref<1x128xi32, #tpu.memory_space<vmem>>
          %dma_start3A_1441 = tpu.memref_squeeze %dma_start3A_1440 : memref<1x128xi32, #tpu.memory_space<vmem>> -> memref<128xi32, #tpu.memory_space<vmem>>
          %dma_start3A_1442 = arith.constant 0 : i32
          %dma_start3A_1443 = arith.constant 0 : i32
          %dma_start3A_1444 = tpu.memref_slice %arg16[%dma_start3A_1442, %dma_start3A_1443] : memref<50192x10xf32, #tpu.memory_space<vmem_shared>> -> memref<50192x10xf32, #tpu.memory_space<vmem_shared>>
          tpu.enqueue_indirect_dma source(%dma_start3A_1438 : memref<128x10xf32, #tpu.memory_space<vmem>>) target(%dma_start3A_1444 : memref<50192x10xf32, #tpu.memory_space<vmem_shared>>) offsets(%dma_start3A_1441 : memref<128xi32, #tpu.memory_space<vmem>>) semaphore(%run_scoped3A_1436 : memref<!tpu.dma_semaphore, #tpu.memory_space<semaphore_mem>>) {add = true}
          %dma_wait3A = arith.constant 0 : i32
          %dma_wait3A_1445 = arith.constant 0 : i32
          %dma_wait3A_1446 = tpu.memref_slice %arg15[%dma_wait3A, %dma_wait3A_1445] : memref<2048x10xf32, #tpu.memory_space<vmem>> -> memref<128x10xf32, #tpu.memory_space<vmem>>
          %dma_wait3A_1447 = arith.constant 0 : i32
          %dma_wait3A_1448 = tpu.memref_slice %arg12[%run_scoped3A, %dma_wait3A_1447] : memref<16x128xi32, #tpu.memory_space<vmem>> -> memref<1x128xi32, #tpu.memory_space<vmem>>
          %dma_wait3A_1449 = tpu.memref_squeeze %dma_wait3A_1448 : memref<1x128xi32, #tpu.memory_space<vmem>> -> memref<128xi32, #tpu.memory_space<vmem>>
          %dma_wait3A_1450 = arith.constant 0 : i32
          %dma_wait3A_1451 = arith.constant 0 : i32
          %dma_wait3A_1452 = tpu.memref_slice %arg16[%dma_wait3A_1450, %dma_wait3A_1451] : memref<50192x10xf32, #tpu.memory_space<vmem_shared>> -> memref<50192x10xf32, #tpu.memory_space<vmem_shared>>
          tpu.wait_indirect_dma semaphore(%run_scoped3A_1436 : memref<!tpu.dma_semaphore, #tpu.memory_space<semaphore_mem>>) src(%dma_wait3A_1446 : memref<128x10xf32, #tpu.memory_space<vmem>>) dst(%dma_wait3A_1452 : memref<50192x10xf32, #tpu.memory_space<vmem_shared>>)
          tpu.yield
        }) : () -> ()
        %run_scoped3A_1421 = arith.constant 1 : i32
        "tpu.region"() ({
          %run_scoped3A_1436 = tpu.sem_alloc : memref<!tpu.dma_semaphore, #tpu.memory_space<semaphore_mem>>
          %dma_start3A = arith.constant 128 : i32
          %dma_start3A_1437 = arith.constant 0 : i32
          %dma_start3A_1438 = tpu.memref_slice %arg15[%dma_start3A, %dma_start3A_1437] : memref<2048x10xf32, #tpu.memory_space<vmem>> -> memref<128x10xf32, #tpu.memory_space<vmem>>
          %dma_start3A_1439 = arith.constant 0 : i32
          %dma_start3A_1440 = tpu.memref_slice %arg12[%run_scoped3A_1421, %dma_start3A_1439] : memref<16x128xi32, #tpu.memory_space<vmem>> -> memref<1x128xi32, #tpu.memory_space<vmem>>
          %dma_start3A_1441 = tpu.memref_squeeze %dma_start3A_1440 : memref<1x128xi32, #tpu.memory_space<vmem>> -> memref<128xi32, #tpu.memory_space<vmem>>
          %dma_start3A_1442 = arith.constant 0 : i32
          %dma_start3A_1443 = arith.constant 0 : i32
          %dma_start3A_1444 = tpu.memref_slice %arg16[%dma_start3A_1442, %dma_start3A_1443] : memref<50192x10xf32, #tpu.memory_space<vmem_shared>> -> memref<50192x10xf32, #tpu.memory_space<vmem_shared>>
          tpu.enqueue_indirect_dma source(%dma_start3A_1438 : memref<128x10xf32, #tpu.memory_space<vmem>>) target(%dma_start3A_1444 : memref<50192x10xf32, #tpu.memory_space<vmem_shared>>) offsets(%dma_start3A_1441 : memref<128xi32, #tpu.memory_space<vmem>>) semaphore(%run_scoped3A_1436 : memref<!tpu.dma_semaphore, #tpu.memory_space<semaphore_mem>>) {add = true}
          %dma_wait3A = arith.constant 128 : i32
          %dma_wait3A_1445 = arith.constant 0 : i32
          %dma_wait3A_1446 = tpu.memref_slice %arg15[%dma_wait3A, %dma_wait3A_1445] : memref<2048x10xf32, #tpu.memory_space<vmem>> -> memref<128x10xf32, #tpu.memory_space<vmem>>
          %dma_wait3A_1447 = arith.constant 0 : i32
          %dma_wait3A_1448 = tpu.memref_slice %arg12[%run_scoped3A_1421, %dma_wait3A_1447] : memref<16x128xi32, #tpu.memory_space<vmem>> -> memref<1x128xi32, #tpu.memory_space<vmem>>
          %dma_wait3A_1449 = tpu.memref_squeeze %dma_wait3A_1448 : memref<1x128xi32, #tpu.memory_space<vmem>> -> memref<128xi32, #tpu.memory_space<vmem>>
          %dma_wait3A_1450 = arith.constant 0 : i32
          %dma_wait3A_1451 = arith.constant 0 : i32
          %dma_wait3A_1452 = tpu.memref_slice %arg16[%dma_wait3A_1450, %dma_wait3A_1451] : memref<50192x10xf32, #tpu.memory_space<vmem_shared>> -> memref<50192x10xf32, #tpu.memory_space<vmem_shared>>
          tpu.wait_indirect_dma semaphore(%run_scoped3A_1436 : memref<!tpu.dma_semaphore, #tpu.memory_space<semaphore_mem>>) src(%dma_wait3A_1446 : memref<128x10xf32, #tpu.memory_space<vmem>>) dst(%dma_wait3A_1452 : memref<50192x10xf32, #tpu.memory_space<vmem_shared>>)
          tpu.yield
        }) : () -> ()
        %run_scoped3A_1422 = arith.constant 2 : i32
        "tpu.region"() ({
          %run_scoped3A_1436 = tpu.sem_alloc : memref<!tpu.dma_semaphore, #tpu.memory_space<semaphore_mem>>
          %dma_start3A = arith.constant 256 : i32
          %dma_start3A_1437 = arith.constant 0 : i32
          %dma_start3A_1438 = tpu.memref_slice %arg15[%dma_start3A, %dma_start3A_1437] : memref<2048x10xf32, #tpu.memory_space<vmem>> -> memref<128x10xf32, #tpu.memory_space<vmem>>
          %dma_start3A_1439 = arith.constant 0 : i32
          %dma_start3A_1440 = tpu.memref_slice %arg12[%run_scoped3A_1422, %dma_start3A_1439] : memref<16x128xi32, #tpu.memory_space<vmem>> -> memref<1x128xi32, #tpu.memory_space<vmem>>
          %dma_start3A_1441 = tpu.memref_squeeze %dma_start3A_1440 : memref<1x128xi32, #tpu.memory_space<vmem>> -> memref<128xi32, #tpu.memory_space<vmem>>
          %dma_start3A_1442 = arith.constant 0 : i32
          %dma_start3A_1443 = arith.constant 0 : i32
          %dma_start3A_1444 = tpu.memref_slice %arg16[%dma_start3A_1442, %dma_start3A_1443] : memref<50192x10xf32, #tpu.memory_space<vmem_shared>> -> memref<50192x10xf32, #tpu.memory_space<vmem_shared>>
          tpu.enqueue_indirect_dma source(%dma_start3A_1438 : memref<128x10xf32, #tpu.memory_space<vmem>>) target(%dma_start3A_1444 : memref<50192x10xf32, #tpu.memory_space<vmem_shared>>) offsets(%dma_start3A_1441 : memref<128xi32, #tpu.memory_space<vmem>>) semaphore(%run_scoped3A_1436 : memref<!tpu.dma_semaphore, #tpu.memory_space<semaphore_mem>>) {add = true}
          %dma_wait3A = arith.constant 256 : i32
          %dma_wait3A_1445 = arith.constant 0 : i32
          %dma_wait3A_1446 = tpu.memref_slice %arg15[%dma_wait3A, %dma_wait3A_1445] : memref<2048x10xf32, #tpu.memory_space<vmem>> -> memref<128x10xf32, #tpu.memory_space<vmem>>
          %dma_wait3A_1447 = arith.constant 0 : i32
          %dma_wait3A_1448 = tpu.memref_slice %arg12[%run_scoped3A_1422, %dma_wait3A_1447] : memref<16x128xi32, #tpu.memory_space<vmem>> -> memref<1x128xi32, #tpu.memory_space<vmem>>
          %dma_wait3A_1449 = tpu.memref_squeeze %dma_wait3A_1448 : memref<1x128xi32, #tpu.memory_space<vmem>> -> memref<128xi32, #tpu.memory_space<vmem>>
          %dma_wait3A_1450 = arith.constant 0 : i32
          %dma_wait3A_1451 = arith.constant 0 : i32
          %dma_wait3A_1452 = tpu.memref_slice %arg16[%dma_wait3A_1450, %dma_wait3A_1451] : memref<50192x10xf32, #tpu.memory_space<vmem_shared>> -> memref<50192x10xf32, #tpu.memory_space<vmem_shared>>
          tpu.wait_indirect_dma semaphore(%run_scoped3A_1436 : memref<!tpu.dma_semaphore, #tpu.memory_space<semaphore_mem>>) src(%dma_wait3A_1446 : memref<128x10xf32, #tpu.memory_space<vmem>>) dst(%dma_wait3A_1452 : memref<50192x10xf32, #tpu.memory_space<vmem_shared>>)
          tpu.yield
        }) : () -> ()
        %run_scoped3A_1423 = arith.constant 3 : i32
        "tpu.region"() ({
          %run_scoped3A_1436 = tpu.sem_alloc : memref<!tpu.dma_semaphore, #tpu.memory_space<semaphore_mem>>
          %dma_start3A = arith.constant 384 : i32
          %dma_start3A_1437 = arith.constant 0 : i32
          %dma_start3A_1438 = tpu.memref_slice %arg15[%dma_start3A, %dma_start3A_1437] : memref<2048x10xf32, #tpu.memory_space<vmem>> -> memref<128x10xf32, #tpu.memory_space<vmem>>
          %dma_start3A_1439 = arith.constant 0 : i32
          %dma_start3A_1440 = tpu.memref_slice %arg12[%run_scoped3A_1423, %dma_start3A_1439] : memref<16x128xi32, #tpu.memory_space<vmem>> -> memref<1x128xi32, #tpu.memory_space<vmem>>
          %dma_start3A_1441 = tpu.memref_squeeze %dma_start3A_1440 : memref<1x128xi32, #tpu.memory_space<vmem>> -> memref<128xi32, #tpu.memory_space<vmem>>
          %dma_start3A_1442 = arith.constant 0 : i32
          %dma_start3A_1443 = arith.constant 0 : i32
          %dma_start3A_1444 = tpu.memref_slice %arg16[%dma_start3A_1442, %dma_start3A_1443] : memref<50192x10xf32, #tpu.memory_space<vmem_shared>> -> memref<50192x10xf32, #tpu.memory_space<vmem_shared>>
          tpu.enqueue_indirect_dma source(%dma_start3A_1438 : memref<128x10xf32, #tpu.memory_space<vmem>>) target(%dma_start3A_1444 : memref<50192x10xf32, #tpu.memory_space<vmem_shared>>) offsets(%dma_start3A_1441 : memref<128xi32, #tpu.memory_space<vmem>>) semaphore(%run_scoped3A_1436 : memref<!tpu.dma_semaphore, #tpu.memory_space<semaphore_mem>>) {add = true}
          %dma_wait3A = arith.constant 384 : i32
          %dma_wait3A_1445 = arith.constant 0 : i32
          %dma_wait3A_1446 = tpu.memref_slice %arg15[%dma_wait3A, %dma_wait3A_1445] : memref<2048x10xf32, #tpu.memory_space<vmem>> -> memref<128x10xf32, #tpu.memory_space<vmem>>
          %dma_wait3A_1447 = arith.constant 0 : i32
          %dma_wait3A_1448 = tpu.memref_slice %arg12[%run_scoped3A_1423, %dma_wait3A_1447] : memref<16x128xi32, #tpu.memory_space<vmem>> -> memref<1x128xi32, #tpu.memory_space<vmem>>
          %dma_wait3A_1449 = tpu.memref_squeeze %dma_wait3A_1448 : memref<1x128xi32, #tpu.memory_space<vmem>> -> memref<128xi32, #tpu.memory_space<vmem>>
          %dma_wait3A_1450 = arith.constant 0 : i32
          %dma_wait3A_1451 = arith.constant 0 : i32
          %dma_wait3A_1452 = tpu.memref_slice %arg16[%dma_wait3A_1450, %dma_wait3A_1451] : memref<50192x10xf32, #tpu.memory_space<vmem_shared>> -> memref<50192x10xf32, #tpu.memory_space<vmem_shared>>
          tpu.wait_indirect_dma semaphore(%run_scoped3A_1436 : memref<!tpu.dma_semaphore, #tpu.memory_space<semaphore_mem>>) src(%dma_wait3A_1446 : memref<128x10xf32, #tpu.memory_space<vmem>>) dst(%dma_wait3A_1452 : memref<50192x10xf32, #tpu.memory_space<vmem_shared>>)
          tpu.yield
        }) : () -> ()
        %run_scoped3A_1424 = arith.constant 4 : i32
        "tpu.region"() ({
          %run_scoped3A_1436 = tpu.sem_alloc : memref<!tpu.dma_semaphore, #tpu.memory_space<semaphore_mem>>
          %dma_start3A = arith.constant 512 : i32
          %dma_start3A_1437 = arith.constant 0 : i32
          %dma_start3A_1438 = tpu.memref_slice %arg15[%dma_start3A, %dma_start3A_1437] : memref<2048x10xf32, #tpu.memory_space<vmem>> -> memref<128x10xf32, #tpu.memory_space<vmem>>
          %dma_start3A_1439 = arith.constant 0 : i32
          %dma_start3A_1440 = tpu.memref_slice %arg12[%run_scoped3A_1424, %dma_start3A_1439] : memref<16x128xi32, #tpu.memory_space<vmem>> -> memref<1x128xi32, #tpu.memory_space<vmem>>
          %dma_start3A_1441 = tpu.memref_squeeze %dma_start3A_1440 : memref<1x128xi32, #tpu.memory_space<vmem>> -> memref<128xi32, #tpu.memory_space<vmem>>
          %dma_start3A_1442 = arith.constant 0 : i32
          %dma_start3A_1443 = arith.constant 0 : i32
          %dma_start3A_1444 = tpu.memref_slice %arg16[%dma_start3A_1442, %dma_start3A_1443] : memref<50192x10xf32, #tpu.memory_space<vmem_shared>> -> memref<50192x10xf32, #tpu.memory_space<vmem_shared>>
          tpu.enqueue_indirect_dma source(%dma_start3A_1438 : memref<128x10xf32, #tpu.memory_space<vmem>>) target(%dma_start3A_1444 : memref<50192x10xf32, #tpu.memory_space<vmem_shared>>) offsets(%dma_start3A_1441 : memref<128xi32, #tpu.memory_space<vmem>>) semaphore(%run_scoped3A_1436 : memref<!tpu.dma_semaphore, #tpu.memory_space<semaphore_mem>>) {add = true}
          %dma_wait3A = arith.constant 512 : i32
          %dma_wait3A_1445 = arith.constant 0 : i32
          %dma_wait3A_1446 = tpu.memref_slice %arg15[%dma_wait3A, %dma_wait3A_1445] : memref<2048x10xf32, #tpu.memory_space<vmem>> -> memref<128x10xf32, #tpu.memory_space<vmem>>
          %dma_wait3A_1447 = arith.constant 0 : i32
          %dma_wait3A_1448 = tpu.memref_slice %arg12[%run_scoped3A_1424, %dma_wait3A_1447] : memref<16x128xi32, #tpu.memory_space<vmem>> -> memref<1x128xi32, #tpu.memory_space<vmem>>
          %dma_wait3A_1449 = tpu.memref_squeeze %dma_wait3A_1448 : memref<1x128xi32, #tpu.memory_space<vmem>> -> memref<128xi32, #tpu.memory_space<vmem>>
          %dma_wait3A_1450 = arith.constant 0 : i32
          %dma_wait3A_1451 = arith.constant 0 : i32
          %dma_wait3A_1452 = tpu.memref_slice %arg16[%dma_wait3A_1450, %dma_wait3A_1451] : memref<50192x10xf32, #tpu.memory_space<vmem_shared>> -> memref<50192x10xf32, #tpu.memory_space<vmem_shared>>
          tpu.wait_indirect_dma semaphore(%run_scoped3A_1436 : memref<!tpu.dma_semaphore, #tpu.memory_space<semaphore_mem>>) src(%dma_wait3A_1446 : memref<128x10xf32, #tpu.memory_space<vmem>>) dst(%dma_wait3A_1452 : memref<50192x10xf32, #tpu.memory_space<vmem_shared>>)
          tpu.yield
        }) : () -> ()
        %run_scoped3A_1425 = arith.constant 5 : i32
        "tpu.region"() ({
          %run_scoped3A_1436 = tpu.sem_alloc : memref<!tpu.dma_semaphore, #tpu.memory_space<semaphore_mem>>
          %dma_start3A = arith.constant 640 : i32
          %dma_start3A_1437 = arith.constant 0 : i32
          %dma_start3A_1438 = tpu.memref_slice %arg15[%dma_start3A, %dma_start3A_1437] : memref<2048x10xf32, #tpu.memory_space<vmem>> -> memref<128x10xf32, #tpu.memory_space<vmem>>
          %dma_start3A_1439 = arith.constant 0 : i32
          %dma_start3A_1440 = tpu.memref_slice %arg12[%run_scoped3A_1425, %dma_start3A_1439] : memref<16x128xi32, #tpu.memory_space<vmem>> -> memref<1x128xi32, #tpu.memory_space<vmem>>
          %dma_start3A_1441 = tpu.memref_squeeze %dma_start3A_1440 : memref<1x128xi32, #tpu.memory_space<vmem>> -> memref<128xi32, #tpu.memory_space<vmem>>
          %dma_start3A_1442 = arith.constant 0 : i32
          %dma_start3A_1443 = arith.constant 0 : i32
          %dma_start3A_1444 = tpu.memref_slice %arg16[%dma_start3A_1442, %dma_start3A_1443] : memref<50192x10xf32, #tpu.memory_space<vmem_shared>> -> memref<50192x10xf32, #tpu.memory_space<vmem_shared>>
          tpu.enqueue_indirect_dma source(%dma_start3A_1438 : memref<128x10xf32, #tpu.memory_space<vmem>>) target(%dma_start3A_1444 : memref<50192x10xf32, #tpu.memory_space<vmem_shared>>) offsets(%dma_start3A_1441 : memref<128xi32, #tpu.memory_space<vmem>>) semaphore(%run_scoped3A_1436 : memref<!tpu.dma_semaphore, #tpu.memory_space<semaphore_mem>>) {add = true}
          %dma_wait3A = arith.constant 640 : i32
          %dma_wait3A_1445 = arith.constant 0 : i32
          %dma_wait3A_1446 = tpu.memref_slice %arg15[%dma_wait3A, %dma_wait3A_1445] : memref<2048x10xf32, #tpu.memory_space<vmem>> -> memref<128x10xf32, #tpu.memory_space<vmem>>
          %dma_wait3A_1447 = arith.constant 0 : i32
          %dma_wait3A_1448 = tpu.memref_slice %arg12[%run_scoped3A_1425, %dma_wait3A_1447] : memref<16x128xi32, #tpu.memory_space<vmem>> -> memref<1x128xi32, #tpu.memory_space<vmem>>
          %dma_wait3A_1449 = tpu.memref_squeeze %dma_wait3A_1448 : memref<1x128xi32, #tpu.memory_space<vmem>> -> memref<128xi32, #tpu.memory_space<vmem>>
          %dma_wait3A_1450 = arith.constant 0 : i32
          %dma_wait3A_1451 = arith.constant 0 : i32
          %dma_wait3A_1452 = tpu.memref_slice %arg16[%dma_wait3A_1450, %dma_wait3A_1451] : memref<50192x10xf32, #tpu.memory_space<vmem_shared>> -> memref<50192x10xf32, #tpu.memory_space<vmem_shared>>
          tpu.wait_indirect_dma semaphore(%run_scoped3A_1436 : memref<!tpu.dma_semaphore, #tpu.memory_space<semaphore_mem>>) src(%dma_wait3A_1446 : memref<128x10xf32, #tpu.memory_space<vmem>>) dst(%dma_wait3A_1452 : memref<50192x10xf32, #tpu.memory_space<vmem_shared>>)
          tpu.yield
        }) : () -> ()
        %run_scoped3A_1426 = arith.constant 6 : i32
        "tpu.region"() ({
          %run_scoped3A_1436 = tpu.sem_alloc : memref<!tpu.dma_semaphore, #tpu.memory_space<semaphore_mem>>
          %dma_start3A = arith.constant 768 : i32
          %dma_start3A_1437 = arith.constant 0 : i32
          %dma_start3A_1438 = tpu.memref_slice %arg15[%dma_start3A, %dma_start3A_1437] : memref<2048x10xf32, #tpu.memory_space<vmem>> -> memref<128x10xf32, #tpu.memory_space<vmem>>
          %dma_start3A_1439 = arith.constant 0 : i32
          %dma_start3A_1440 = tpu.memref_slice %arg12[%run_scoped3A_1426, %dma_start3A_1439] : memref<16x128xi32, #tpu.memory_space<vmem>> -> memref<1x128xi32, #tpu.memory_space<vmem>>
          %dma_start3A_1441 = tpu.memref_squeeze %dma_start3A_1440 : memref<1x128xi32, #tpu.memory_space<vmem>> -> memref<128xi32, #tpu.memory_space<vmem>>
          %dma_start3A_1442 = arith.constant 0 : i32
          %dma_start3A_1443 = arith.constant 0 : i32
          %dma_start3A_1444 = tpu.memref_slice %arg16[%dma_start3A_1442, %dma_start3A_1443] : memref<50192x10xf32, #tpu.memory_space<vmem_shared>> -> memref<50192x10xf32, #tpu.memory_space<vmem_shared>>
          tpu.enqueue_indirect_dma source(%dma_start3A_1438 : memref<128x10xf32, #tpu.memory_space<vmem>>) target(%dma_start3A_1444 : memref<50192x10xf32, #tpu.memory_space<vmem_shared>>) offsets(%dma_start3A_1441 : memref<128xi32, #tpu.memory_space<vmem>>) semaphore(%run_scoped3A_1436 : memref<!tpu.dma_semaphore, #tpu.memory_space<semaphore_mem>>) {add = true}
          %dma_wait3A = arith.constant 768 : i32
          %dma_wait3A_1445 = arith.constant 0 : i32
          %dma_wait3A_1446 = tpu.memref_slice %arg15[%dma_wait3A, %dma_wait3A_1445] : memref<2048x10xf32, #tpu.memory_space<vmem>> -> memref<128x10xf32, #tpu.memory_space<vmem>>
          %dma_wait3A_1447 = arith.constant 0 : i32
          %dma_wait3A_1448 = tpu.memref_slice %arg12[%run_scoped3A_1426, %dma_wait3A_1447] : memref<16x128xi32, #tpu.memory_space<vmem>> -> memref<1x128xi32, #tpu.memory_space<vmem>>
          %dma_wait3A_1449 = tpu.memref_squeeze %dma_wait3A_1448 : memref<1x128xi32, #tpu.memory_space<vmem>> -> memref<128xi32, #tpu.memory_space<vmem>>
          %dma_wait3A_1450 = arith.constant 0 : i32
          %dma_wait3A_1451 = arith.constant 0 : i32
          %dma_wait3A_1452 = tpu.memref_slice %arg16[%dma_wait3A_1450, %dma_wait3A_1451] : memref<50192x10xf32, #tpu.memory_space<vmem_shared>> -> memref<50192x10xf32, #tpu.memory_space<vmem_shared>>
          tpu.wait_indirect_dma semaphore(%run_scoped3A_1436 : memref<!tpu.dma_semaphore, #tpu.memory_space<semaphore_mem>>) src(%dma_wait3A_1446 : memref<128x10xf32, #tpu.memory_space<vmem>>) dst(%dma_wait3A_1452 : memref<50192x10xf32, #tpu.memory_space<vmem_shared>>)
          tpu.yield
        }) : () -> ()
        %run_scoped3A_1427 = arith.constant 7 : i32
        "tpu.region"() ({
          %run_scoped3A_1436 = tpu.sem_alloc : memref<!tpu.dma_semaphore, #tpu.memory_space<semaphore_mem>>
          %dma_start3A = arith.constant 896 : i32
          %dma_start3A_1437 = arith.constant 0 : i32
          %dma_start3A_1438 = tpu.memref_slice %arg15[%dma_start3A, %dma_start3A_1437] : memref<2048x10xf32, #tpu.memory_space<vmem>> -> memref<128x10xf32, #tpu.memory_space<vmem>>
          %dma_start3A_1439 = arith.constant 0 : i32
          %dma_start3A_1440 = tpu.memref_slice %arg12[%run_scoped3A_1427, %dma_start3A_1439] : memref<16x128xi32, #tpu.memory_space<vmem>> -> memref<1x128xi32, #tpu.memory_space<vmem>>
          %dma_start3A_1441 = tpu.memref_squeeze %dma_start3A_1440 : memref<1x128xi32, #tpu.memory_space<vmem>> -> memref<128xi32, #tpu.memory_space<vmem>>
          %dma_start3A_1442 = arith.constant 0 : i32
          %dma_start3A_1443 = arith.constant 0 : i32
          %dma_start3A_1444 = tpu.memref_slice %arg16[%dma_start3A_1442, %dma_start3A_1443] : memref<50192x10xf32, #tpu.memory_space<vmem_shared>> -> memref<50192x10xf32, #tpu.memory_space<vmem_shared>>
          tpu.enqueue_indirect_dma source(%dma_start3A_1438 : memref<128x10xf32, #tpu.memory_space<vmem>>) target(%dma_start3A_1444 : memref<50192x10xf32, #tpu.memory_space<vmem_shared>>) offsets(%dma_start3A_1441 : memref<128xi32, #tpu.memory_space<vmem>>) semaphore(%run_scoped3A_1436 : memref<!tpu.dma_semaphore, #tpu.memory_space<semaphore_mem>>) {add = true}
          %dma_wait3A = arith.constant 896 : i32
          %dma_wait3A_1445 = arith.constant 0 : i32
          %dma_wait3A_1446 = tpu.memref_slice %arg15[%dma_wait3A, %dma_wait3A_1445] : memref<2048x10xf32, #tpu.memory_space<vmem>> -> memref<128x10xf32, #tpu.memory_space<vmem>>
          %dma_wait3A_1447 = arith.constant 0 : i32
          %dma_wait3A_1448 = tpu.memref_slice %arg12[%run_scoped3A_1427, %dma_wait3A_1447] : memref<16x128xi32, #tpu.memory_space<vmem>> -> memref<1x128xi32, #tpu.memory_space<vmem>>
          %dma_wait3A_1449 = tpu.memref_squeeze %dma_wait3A_1448 : memref<1x128xi32, #tpu.memory_space<vmem>> -> memref<128xi32, #tpu.memory_space<vmem>>
          %dma_wait3A_1450 = arith.constant 0 : i32
          %dma_wait3A_1451 = arith.constant 0 : i32
          %dma_wait3A_1452 = tpu.memref_slice %arg16[%dma_wait3A_1450, %dma_wait3A_1451] : memref<50192x10xf32, #tpu.memory_space<vmem_shared>> -> memref<50192x10xf32, #tpu.memory_space<vmem_shared>>
          tpu.wait_indirect_dma semaphore(%run_scoped3A_1436 : memref<!tpu.dma_semaphore, #tpu.memory_space<semaphore_mem>>) src(%dma_wait3A_1446 : memref<128x10xf32, #tpu.memory_space<vmem>>) dst(%dma_wait3A_1452 : memref<50192x10xf32, #tpu.memory_space<vmem_shared>>)
          tpu.yield
        }) : () -> ()
        %run_scoped3A_1428 = arith.constant 8 : i32
        "tpu.region"() ({
          %run_scoped3A_1436 = tpu.sem_alloc : memref<!tpu.dma_semaphore, #tpu.memory_space<semaphore_mem>>
          %dma_start3A = arith.constant 1024 : i32
          %dma_start3A_1437 = arith.constant 0 : i32
          %dma_start3A_1438 = tpu.memref_slice %arg15[%dma_start3A, %dma_start3A_1437] : memref<2048x10xf32, #tpu.memory_space<vmem>> -> memref<128x10xf32, #tpu.memory_space<vmem>>
          %dma_start3A_1439 = arith.constant 0 : i32
          %dma_start3A_1440 = tpu.memref_slice %arg12[%run_scoped3A_1428, %dma_start3A_1439] : memref<16x128xi32, #tpu.memory_space<vmem>> -> memref<1x128xi32, #tpu.memory_space<vmem>>
          %dma_start3A_1441 = tpu.memref_squeeze %dma_start3A_1440 : memref<1x128xi32, #tpu.memory_space<vmem>> -> memref<128xi32, #tpu.memory_space<vmem>>
          %dma_start3A_1442 = arith.constant 0 : i32
          %dma_start3A_1443 = arith.constant 0 : i32
          %dma_start3A_1444 = tpu.memref_slice %arg16[%dma_start3A_1442, %dma_start3A_1443] : memref<50192x10xf32, #tpu.memory_space<vmem_shared>> -> memref<50192x10xf32, #tpu.memory_space<vmem_shared>>
          tpu.enqueue_indirect_dma source(%dma_start3A_1438 : memref<128x10xf32, #tpu.memory_space<vmem>>) target(%dma_start3A_1444 : memref<50192x10xf32, #tpu.memory_space<vmem_shared>>) offsets(%dma_start3A_1441 : memref<128xi32, #tpu.memory_space<vmem>>) semaphore(%run_scoped3A_1436 : memref<!tpu.dma_semaphore, #tpu.memory_space<semaphore_mem>>) {add = true}
          %dma_wait3A = arith.constant 1024 : i32
          %dma_wait3A_1445 = arith.constant 0 : i32
          %dma_wait3A_1446 = tpu.memref_slice %arg15[%dma_wait3A, %dma_wait3A_1445] : memref<2048x10xf32, #tpu.memory_space<vmem>> -> memref<128x10xf32, #tpu.memory_space<vmem>>
          %dma_wait3A_1447 = arith.constant 0 : i32
          %dma_wait3A_1448 = tpu.memref_slice %arg12[%run_scoped3A_1428, %dma_wait3A_1447] : memref<16x128xi32, #tpu.memory_space<vmem>> -> memref<1x128xi32, #tpu.memory_space<vmem>>
          %dma_wait3A_1449 = tpu.memref_squeeze %dma_wait3A_1448 : memref<1x128xi32, #tpu.memory_space<vmem>> -> memref<128xi32, #tpu.memory_space<vmem>>
          %dma_wait3A_1450 = arith.constant 0 : i32
          %dma_wait3A_1451 = arith.constant 0 : i32
          %dma_wait3A_1452 = tpu.memref_slice %arg16[%dma_wait3A_1450, %dma_wait3A_1451] : memref<50192x10xf32, #tpu.memory_space<vmem_shared>> -> memref<50192x10xf32, #tpu.memory_space<vmem_shared>>
          tpu.wait_indirect_dma semaphore(%run_scoped3A_1436 : memref<!tpu.dma_semaphore, #tpu.memory_space<semaphore_mem>>) src(%dma_wait3A_1446 : memref<128x10xf32, #tpu.memory_space<vmem>>) dst(%dma_wait3A_1452 : memref<50192x10xf32, #tpu.memory_space<vmem_shared>>)
          tpu.yield
        }) : () -> ()
        %run_scoped3A_1429 = arith.constant 9 : i32
        "tpu.region"() ({
          %run_scoped3A_1436 = tpu.sem_alloc : memref<!tpu.dma_semaphore, #tpu.memory_space<semaphore_mem>>
          %dma_start3A = arith.constant 1152 : i32
          %dma_start3A_1437 = arith.constant 0 : i32
          %dma_start3A_1438 = tpu.memref_slice %arg15[%dma_start3A, %dma_start3A_1437] : memref<2048x10xf32, #tpu.memory_space<vmem>> -> memref<128x10xf32, #tpu.memory_space<vmem>>
          %dma_start3A_1439 = arith.constant 0 : i32
          %dma_start3A_1440 = tpu.memref_slice %arg12[%run_scoped3A_1429, %dma_start3A_1439] : memref<16x128xi32, #tpu.memory_space<vmem>> -> memref<1x128xi32, #tpu.memory_space<vmem>>
          %dma_start3A_1441 = tpu.memref_squeeze %dma_start3A_1440 : memref<1x128xi32, #tpu.memory_space<vmem>> -> memref<128xi32, #tpu.memory_space<vmem>>
          %dma_start3A_1442 = arith.constant 0 : i32
          %dma_start3A_1443 = arith.constant 0 : i32
          %dma_start3A_1444 = tpu.memref_slice %arg16[%dma_start3A_1442, %dma_start3A_1443] : memref<50192x10xf32, #tpu.memory_space<vmem_shared>> -> memref<50192x10xf32, #tpu.memory_space<vmem_shared>>
          tpu.enqueue_indirect_dma source(%dma_start3A_1438 : memref<128x10xf32, #tpu.memory_space<vmem>>) target(%dma_start3A_1444 : memref<50192x10xf32, #tpu.memory_space<vmem_shared>>) offsets(%dma_start3A_1441 : memref<128xi32, #tpu.memory_space<vmem>>) semaphore(%run_scoped3A_1436 : memref<!tpu.dma_semaphore, #tpu.memory_space<semaphore_mem>>) {add = true}
          %dma_wait3A = arith.constant 1152 : i32
          %dma_wait3A_1445 = arith.constant 0 : i32
          %dma_wait3A_1446 = tpu.memref_slice %arg15[%dma_wait3A, %dma_wait3A_1445] : memref<2048x10xf32, #tpu.memory_space<vmem>> -> memref<128x10xf32, #tpu.memory_space<vmem>>
          %dma_wait3A_1447 = arith.constant 0 : i32
          %dma_wait3A_1448 = tpu.memref_slice %arg12[%run_scoped3A_1429, %dma_wait3A_1447] : memref<16x128xi32, #tpu.memory_space<vmem>> -> memref<1x128xi32, #tpu.memory_space<vmem>>
          %dma_wait3A_1449 = tpu.memref_squeeze %dma_wait3A_1448 : memref<1x128xi32, #tpu.memory_space<vmem>> -> memref<128xi32, #tpu.memory_space<vmem>>
          %dma_wait3A_1450 = arith.constant 0 : i32
          %dma_wait3A_1451 = arith.constant 0 : i32
          %dma_wait3A_1452 = tpu.memref_slice %arg16[%dma_wait3A_1450, %dma_wait3A_1451] : memref<50192x10xf32, #tpu.memory_space<vmem_shared>> -> memref<50192x10xf32, #tpu.memory_space<vmem_shared>>
          tpu.wait_indirect_dma semaphore(%run_scoped3A_1436 : memref<!tpu.dma_semaphore, #tpu.memory_space<semaphore_mem>>) src(%dma_wait3A_1446 : memref<128x10xf32, #tpu.memory_space<vmem>>) dst(%dma_wait3A_1452 : memref<50192x10xf32, #tpu.memory_space<vmem_shared>>)
          tpu.yield
        }) : () -> ()
        %run_scoped3A_1430 = arith.constant 10 : i32
        "tpu.region"() ({
          %run_scoped3A_1436 = tpu.sem_alloc : memref<!tpu.dma_semaphore, #tpu.memory_space<semaphore_mem>>
          %dma_start3A = arith.constant 1280 : i32
          %dma_start3A_1437 = arith.constant 0 : i32
          %dma_start3A_1438 = tpu.memref_slice %arg15[%dma_start3A, %dma_start3A_1437] : memref<2048x10xf32, #tpu.memory_space<vmem>> -> memref<128x10xf32, #tpu.memory_space<vmem>>
          %dma_start3A_1439 = arith.constant 0 : i32
          %dma_start3A_1440 = tpu.memref_slice %arg12[%run_scoped3A_1430, %dma_start3A_1439] : memref<16x128xi32, #tpu.memory_space<vmem>> -> memref<1x128xi32, #tpu.memory_space<vmem>>
          %dma_start3A_1441 = tpu.memref_squeeze %dma_start3A_1440 : memref<1x128xi32, #tpu.memory_space<vmem>> -> memref<128xi32, #tpu.memory_space<vmem>>
          %dma_start3A_1442 = arith.constant 0 : i32
          %dma_start3A_1443 = arith.constant 0 : i32
          %dma_start3A_1444 = tpu.memref_slice %arg16[%dma_start3A_1442, %dma_start3A_1443] : memref<50192x10xf32, #tpu.memory_space<vmem_shared>> -> memref<50192x10xf32, #tpu.memory_space<vmem_shared>>
          tpu.enqueue_indirect_dma source(%dma_start3A_1438 : memref<128x10xf32, #tpu.memory_space<vmem>>) target(%dma_start3A_1444 : memref<50192x10xf32, #tpu.memory_space<vmem_shared>>) offsets(%dma_start3A_1441 : memref<128xi32, #tpu.memory_space<vmem>>) semaphore(%run_scoped3A_1436 : memref<!tpu.dma_semaphore, #tpu.memory_space<semaphore_mem>>) {add = true}
          %dma_wait3A = arith.constant 1280 : i32
          %dma_wait3A_1445 = arith.constant 0 : i32
          %dma_wait3A_1446 = tpu.memref_slice %arg15[%dma_wait3A, %dma_wait3A_1445] : memref<2048x10xf32, #tpu.memory_space<vmem>> -> memref<128x10xf32, #tpu.memory_space<vmem>>
          %dma_wait3A_1447 = arith.constant 0 : i32
          %dma_wait3A_1448 = tpu.memref_slice %arg12[%run_scoped3A_1430, %dma_wait3A_1447] : memref<16x128xi32, #tpu.memory_space<vmem>> -> memref<1x128xi32, #tpu.memory_space<vmem>>
          %dma_wait3A_1449 = tpu.memref_squeeze %dma_wait3A_1448 : memref<1x128xi32, #tpu.memory_space<vmem>> -> memref<128xi32, #tpu.memory_space<vmem>>
          %dma_wait3A_1450 = arith.constant 0 : i32
          %dma_wait3A_1451 = arith.constant 0 : i32
          %dma_wait3A_1452 = tpu.memref_slice %arg16[%dma_wait3A_1450, %dma_wait3A_1451] : memref<50192x10xf32, #tpu.memory_space<vmem_shared>> -> memref<50192x10xf32, #tpu.memory_space<vmem_shared>>
          tpu.wait_indirect_dma semaphore(%run_scoped3A_1436 : memref<!tpu.dma_semaphore, #tpu.memory_space<semaphore_mem>>) src(%dma_wait3A_1446 : memref<128x10xf32, #tpu.memory_space<vmem>>) dst(%dma_wait3A_1452 : memref<50192x10xf32, #tpu.memory_space<vmem_shared>>)
          tpu.yield
        }) : () -> ()
        %run_scoped3A_1431 = arith.constant 11 : i32
        "tpu.region"() ({
          %run_scoped3A_1436 = tpu.sem_alloc : memref<!tpu.dma_semaphore, #tpu.memory_space<semaphore_mem>>
          %dma_start3A = arith.constant 1408 : i32
          %dma_start3A_1437 = arith.constant 0 : i32
          %dma_start3A_1438 = tpu.memref_slice %arg15[%dma_start3A, %dma_start3A_1437] : memref<2048x10xf32, #tpu.memory_space<vmem>> -> memref<128x10xf32, #tpu.memory_space<vmem>>
          %dma_start3A_1439 = arith.constant 0 : i32
          %dma_start3A_1440 = tpu.memref_slice %arg12[%run_scoped3A_1431, %dma_start3A_1439] : memref<16x128xi32, #tpu.memory_space<vmem>> -> memref<1x128xi32, #tpu.memory_space<vmem>>
          %dma_start3A_1441 = tpu.memref_squeeze %dma_start3A_1440 : memref<1x128xi32, #tpu.memory_space<vmem>> -> memref<128xi32, #tpu.memory_space<vmem>>
          %dma_start3A_1442 = arith.constant 0 : i32
          %dma_start3A_1443 = arith.constant 0 : i32
          %dma_start3A_1444 = tpu.memref_slice %arg16[%dma_start3A_1442, %dma_start3A_1443] : memref<50192x10xf32, #tpu.memory_space<vmem_shared>> -> memref<50192x10xf32, #tpu.memory_space<vmem_shared>>
          tpu.enqueue_indirect_dma source(%dma_start3A_1438 : memref<128x10xf32, #tpu.memory_space<vmem>>) target(%dma_start3A_1444 : memref<50192x10xf32, #tpu.memory_space<vmem_shared>>) offsets(%dma_start3A_1441 : memref<128xi32, #tpu.memory_space<vmem>>) semaphore(%run_scoped3A_1436 : memref<!tpu.dma_semaphore, #tpu.memory_space<semaphore_mem>>) {add = true}
          %dma_wait3A = arith.constant 1408 : i32
          %dma_wait3A_1445 = arith.constant 0 : i32
          %dma_wait3A_1446 = tpu.memref_slice %arg15[%dma_wait3A, %dma_wait3A_1445] : memref<2048x10xf32, #tpu.memory_space<vmem>> -> memref<128x10xf32, #tpu.memory_space<vmem>>
          %dma_wait3A_1447 = arith.constant 0 : i32
          %dma_wait3A_1448 = tpu.memref_slice %arg12[%run_scoped3A_1431, %dma_wait3A_1447] : memref<16x128xi32, #tpu.memory_space<vmem>> -> memref<1x128xi32, #tpu.memory_space<vmem>>
          %dma_wait3A_1449 = tpu.memref_squeeze %dma_wait3A_1448 : memref<1x128xi32, #tpu.memory_space<vmem>> -> memref<128xi32, #tpu.memory_space<vmem>>
          %dma_wait3A_1450 = arith.constant 0 : i32
          %dma_wait3A_1451 = arith.constant 0 : i32
          %dma_wait3A_1452 = tpu.memref_slice %arg16[%dma_wait3A_1450, %dma_wait3A_1451] : memref<50192x10xf32, #tpu.memory_space<vmem_shared>> -> memref<50192x10xf32, #tpu.memory_space<vmem_shared>>
          tpu.wait_indirect_dma semaphore(%run_scoped3A_1436 : memref<!tpu.dma_semaphore, #tpu.memory_space<semaphore_mem>>) src(%dma_wait3A_1446 : memref<128x10xf32, #tpu.memory_space<vmem>>) dst(%dma_wait3A_1452 : memref<50192x10xf32, #tpu.memory_space<vmem_shared>>)
          tpu.yield
        }) : () -> ()
        %run_scoped3A_1432 = arith.constant 12 : i32
        "tpu.region"() ({
          %run_scoped3A_1436 = tpu.sem_alloc : memref<!tpu.dma_semaphore, #tpu.memory_space<semaphore_mem>>
          %dma_start3A = arith.constant 1536 : i32
          %dma_start3A_1437 = arith.constant 0 : i32
          %dma_start3A_1438 = tpu.memref_slice %arg15[%dma_start3A, %dma_start3A_1437] : memref<2048x10xf32, #tpu.memory_space<vmem>> -> memref<128x10xf32, #tpu.memory_space<vmem>>
          %dma_start3A_1439 = arith.constant 0 : i32
          %dma_start3A_1440 = tpu.memref_slice %arg12[%run_scoped3A_1432, %dma_start3A_1439] : memref<16x128xi32, #tpu.memory_space<vmem>> -> memref<1x128xi32, #tpu.memory_space<vmem>>
          %dma_start3A_1441 = tpu.memref_squeeze %dma_start3A_1440 : memref<1x128xi32, #tpu.memory_space<vmem>> -> memref<128xi32, #tpu.memory_space<vmem>>
          %dma_start3A_1442 = arith.constant 0 : i32
          %dma_start3A_1443 = arith.constant 0 : i32
          %dma_start3A_1444 = tpu.memref_slice %arg16[%dma_start3A_1442, %dma_start3A_1443] : memref<50192x10xf32, #tpu.memory_space<vmem_shared>> -> memref<50192x10xf32, #tpu.memory_space<vmem_shared>>
          tpu.enqueue_indirect_dma source(%dma_start3A_1438 : memref<128x10xf32, #tpu.memory_space<vmem>>) target(%dma_start3A_1444 : memref<50192x10xf32, #tpu.memory_space<vmem_shared>>) offsets(%dma_start3A_1441 : memref<128xi32, #tpu.memory_space<vmem>>) semaphore(%run_scoped3A_1436 : memref<!tpu.dma_semaphore, #tpu.memory_space<semaphore_mem>>) {add = true}
          %dma_wait3A = arith.constant 1536 : i32
          %dma_wait3A_1445 = arith.constant 0 : i32
          %dma_wait3A_1446 = tpu.memref_slice %arg15[%dma_wait3A, %dma_wait3A_1445] : memref<2048x10xf32, #tpu.memory_space<vmem>> -> memref<128x10xf32, #tpu.memory_space<vmem>>
          %dma_wait3A_1447 = arith.constant 0 : i32
          %dma_wait3A_1448 = tpu.memref_slice %arg12[%run_scoped3A_1432, %dma_wait3A_1447] : memref<16x128xi32, #tpu.memory_space<vmem>> -> memref<1x128xi32, #tpu.memory_space<vmem>>
          %dma_wait3A_1449 = tpu.memref_squeeze %dma_wait3A_1448 : memref<1x128xi32, #tpu.memory_space<vmem>> -> memref<128xi32, #tpu.memory_space<vmem>>
          %dma_wait3A_1450 = arith.constant 0 : i32
          %dma_wait3A_1451 = arith.constant 0 : i32
          %dma_wait3A_1452 = tpu.memref_slice %arg16[%dma_wait3A_1450, %dma_wait3A_1451] : memref<50192x10xf32, #tpu.memory_space<vmem_shared>> -> memref<50192x10xf32, #tpu.memory_space<vmem_shared>>
          tpu.wait_indirect_dma semaphore(%run_scoped3A_1436 : memref<!tpu.dma_semaphore, #tpu.memory_space<semaphore_mem>>) src(%dma_wait3A_1446 : memref<128x10xf32, #tpu.memory_space<vmem>>) dst(%dma_wait3A_1452 : memref<50192x10xf32, #tpu.memory_space<vmem_shared>>)
          tpu.yield
        }) : () -> ()
        %run_scoped3A_1433 = arith.constant 13 : i32
        "tpu.region"() ({
          %run_scoped3A_1436 = tpu.sem_alloc : memref<!tpu.dma_semaphore, #tpu.memory_space<semaphore_mem>>
          %dma_start3A = arith.constant 1664 : i32
          %dma_start3A_1437 = arith.constant 0 : i32
          %dma_start3A_1438 = tpu.memref_slice %arg15[%dma_start3A, %dma_start3A_1437] : memref<2048x10xf32, #tpu.memory_space<vmem>> -> memref<128x10xf32, #tpu.memory_space<vmem>>
          %dma_start3A_1439 = arith.constant 0 : i32
          %dma_start3A_1440 = tpu.memref_slice %arg12[%run_scoped3A_1433, %dma_start3A_1439] : memref<16x128xi32, #tpu.memory_space<vmem>> -> memref<1x128xi32, #tpu.memory_space<vmem>>
          %dma_start3A_1441 = tpu.memref_squeeze %dma_start3A_1440 : memref<1x128xi32, #tpu.memory_space<vmem>> -> memref<128xi32, #tpu.memory_space<vmem>>
          %dma_start3A_1442 = arith.constant 0 : i32
          %dma_start3A_1443 = arith.constant 0 : i32
          %dma_start3A_1444 = tpu.memref_slice %arg16[%dma_start3A_1442, %dma_start3A_1443] : memref<50192x10xf32, #tpu.memory_space<vmem_shared>> -> memref<50192x10xf32, #tpu.memory_space<vmem_shared>>
          tpu.enqueue_indirect_dma source(%dma_start3A_1438 : memref<128x10xf32, #tpu.memory_space<vmem>>) target(%dma_start3A_1444 : memref<50192x10xf32, #tpu.memory_space<vmem_shared>>) offsets(%dma_start3A_1441 : memref<128xi32, #tpu.memory_space<vmem>>) semaphore(%run_scoped3A_1436 : memref<!tpu.dma_semaphore, #tpu.memory_space<semaphore_mem>>) {add = true}
          %dma_wait3A = arith.constant 1664 : i32
          %dma_wait3A_1445 = arith.constant 0 : i32
          %dma_wait3A_1446 = tpu.memref_slice %arg15[%dma_wait3A, %dma_wait3A_1445] : memref<2048x10xf32, #tpu.memory_space<vmem>> -> memref<128x10xf32, #tpu.memory_space<vmem>>
          %dma_wait3A_1447 = arith.constant 0 : i32
          %dma_wait3A_1448 = tpu.memref_slice %arg12[%run_scoped3A_1433, %dma_wait3A_1447] : memref<16x128xi32, #tpu.memory_space<vmem>> -> memref<1x128xi32, #tpu.memory_space<vmem>>
          %dma_wait3A_1449 = tpu.memref_squeeze %dma_wait3A_1448 : memref<1x128xi32, #tpu.memory_space<vmem>> -> memref<128xi32, #tpu.memory_space<vmem>>
          %dma_wait3A_1450 = arith.constant 0 : i32
          %dma_wait3A_1451 = arith.constant 0 : i32
          %dma_wait3A_1452 = tpu.memref_slice %arg16[%dma_wait3A_1450, %dma_wait3A_1451] : memref<50192x10xf32, #tpu.memory_space<vmem_shared>> -> memref<50192x10xf32, #tpu.memory_space<vmem_shared>>
          tpu.wait_indirect_dma semaphore(%run_scoped3A_1436 : memref<!tpu.dma_semaphore, #tpu.memory_space<semaphore_mem>>) src(%dma_wait3A_1446 : memref<128x10xf32, #tpu.memory_space<vmem>>) dst(%dma_wait3A_1452 : memref<50192x10xf32, #tpu.memory_space<vmem_shared>>)
          tpu.yield
        }) : () -> ()
        %run_scoped3A_1434 = arith.constant 14 : i32
        "tpu.region"() ({
          %run_scoped3A_1436 = tpu.sem_alloc : memref<!tpu.dma_semaphore, #tpu.memory_space<semaphore_mem>>
          %dma_start3A = arith.constant 1792 : i32
          %dma_start3A_1437 = arith.constant 0 : i32
          %dma_start3A_1438 = tpu.memref_slice %arg15[%dma_start3A, %dma_start3A_1437] : memref<2048x10xf32, #tpu.memory_space<vmem>> -> memref<128x10xf32, #tpu.memory_space<vmem>>
          %dma_start3A_1439 = arith.constant 0 : i32
          %dma_start3A_1440 = tpu.memref_slice %arg12[%run_scoped3A_1434, %dma_start3A_1439] : memref<16x128xi32, #tpu.memory_space<vmem>> -> memref<1x128xi32, #tpu.memory_space<vmem>>
          %dma_start3A_1441 = tpu.memref_squeeze %dma_start3A_1440 : memref<1x128xi32, #tpu.memory_space<vmem>> -> memref<128xi32, #tpu.memory_space<vmem>>
          %dma_start3A_1442 = arith.constant 0 : i32
          %dma_start3A_1443 = arith.constant 0 : i32
          %dma_start3A_1444 = tpu.memref_slice %arg16[%dma_start3A_1442, %dma_start3A_1443] : memref<50192x10xf32, #tpu.memory_space<vmem_shared>> -> memref<50192x10xf32, #tpu.memory_space<vmem_shared>>
          tpu.enqueue_indirect_dma source(%dma_start3A_1438 : memref<128x10xf32, #tpu.memory_space<vmem>>) target(%dma_start3A_1444 : memref<50192x10xf32, #tpu.memory_space<vmem_shared>>) offsets(%dma_start3A_1441 : memref<128xi32, #tpu.memory_space<vmem>>) semaphore(%run_scoped3A_1436 : memref<!tpu.dma_semaphore, #tpu.memory_space<semaphore_mem>>) {add = true}
          %dma_wait3A = arith.constant 1792 : i32
          %dma_wait3A_1445 = arith.constant 0 : i32
          %dma_wait3A_1446 = tpu.memref_slice %arg15[%dma_wait3A, %dma_wait3A_1445] : memref<2048x10xf32, #tpu.memory_space<vmem>> -> memref<128x10xf32, #tpu.memory_space<vmem>>
          %dma_wait3A_1447 = arith.constant 0 : i32
          %dma_wait3A_1448 = tpu.memref_slice %arg12[%run_scoped3A_1434, %dma_wait3A_1447] : memref<16x128xi32, #tpu.memory_space<vmem>> -> memref<1x128xi32, #tpu.memory_space<vmem>>
          %dma_wait3A_1449 = tpu.memref_squeeze %dma_wait3A_1448 : memref<1x128xi32, #tpu.memory_space<vmem>> -> memref<128xi32, #tpu.memory_space<vmem>>
          %dma_wait3A_1450 = arith.constant 0 : i32
          %dma_wait3A_1451 = arith.constant 0 : i32
          %dma_wait3A_1452 = tpu.memref_slice %arg16[%dma_wait3A_1450, %dma_wait3A_1451] : memref<50192x10xf32, #tpu.memory_space<vmem_shared>> -> memref<50192x10xf32, #tpu.memory_space<vmem_shared>>
          tpu.wait_indirect_dma semaphore(%run_scoped3A_1436 : memref<!tpu.dma_semaphore, #tpu.memory_space<semaphore_mem>>) src(%dma_wait3A_1446 : memref<128x10xf32, #tpu.memory_space<vmem>>) dst(%dma_wait3A_1452 : memref<50192x10xf32, #tpu.memory_space<vmem_shared>>)
          tpu.yield
        }) : () -> ()
        %run_scoped3A_1435 = arith.constant 15 : i32
        "tpu.region"() ({
          %run_scoped3A_1436 = tpu.sem_alloc : memref<!tpu.dma_semaphore, #tpu.memory_space<semaphore_mem>>
          %dma_start3A = arith.constant 1920 : i32
          %dma_start3A_1437 = arith.constant 0 : i32
          %dma_start3A_1438 = tpu.memref_slice %arg15[%dma_start3A, %dma_start3A_1437] : memref<2048x10xf32, #tpu.memory_space<vmem>> -> memref<128x10xf32, #tpu.memory_space<vmem>>
          %dma_start3A_1439 = arith.constant 0 : i32
          %dma_start3A_1440 = tpu.memref_slice %arg12[%run_scoped3A_1435, %dma_start3A_1439] : memref<16x128xi32, #tpu.memory_space<vmem>> -> memref<1x128xi32, #tpu.memory_space<vmem>>
          %dma_start3A_1441 = tpu.memref_squeeze %dma_start3A_1440 : memref<1x128xi32, #tpu.memory_space<vmem>> -> memref<128xi32, #tpu.memory_space<vmem>>
          %dma_start3A_1442 = arith.constant 0 : i32
          %dma_start3A_1443 = arith.constant 0 : i32
          %dma_start3A_1444 = tpu.memref_slice %arg16[%dma_start3A_1442, %dma_start3A_1443] : memref<50192x10xf32, #tpu.memory_space<vmem_shared>> -> memref<50192x10xf32, #tpu.memory_space<vmem_shared>>
          tpu.enqueue_indirect_dma source(%dma_start3A_1438 : memref<128x10xf32, #tpu.memory_space<vmem>>) target(%dma_start3A_1444 : memref<50192x10xf32, #tpu.memory_space<vmem_shared>>) offsets(%dma_start3A_1441 : memref<128xi32, #tpu.memory_space<vmem>>) semaphore(%run_scoped3A_1436 : memref<!tpu.dma_semaphore, #tpu.memory_space<semaphore_mem>>) {add = true}
          %dma_wait3A = arith.constant 1920 : i32
          %dma_wait3A_1445 = arith.constant 0 : i32
          %dma_wait3A_1446 = tpu.memref_slice %arg15[%dma_wait3A, %dma_wait3A_1445] : memref<2048x10xf32, #tpu.memory_space<vmem>> -> memref<128x10xf32, #tpu.memory_space<vmem>>
          %dma_wait3A_1447 = arith.constant 0 : i32
          %dma_wait3A_1448 = tpu.memref_slice %arg12[%run_scoped3A_1435, %dma_wait3A_1447] : memref<16x128xi32, #tpu.memory_space<vmem>> -> memref<1x128xi32, #tpu.memory_space<vmem>>
          %dma_wait3A_1449 = tpu.memref_squeeze %dma_wait3A_1448 : memref<1x128xi32, #tpu.memory_space<vmem>> -> memref<128xi32, #tpu.memory_space<vmem>>
          %dma_wait3A_1450 = arith.constant 0 : i32
          %dma_wait3A_1451 = arith.constant 0 : i32
          %dma_wait3A_1452 = tpu.memref_slice %arg16[%dma_wait3A_1450, %dma_wait3A_1451] : memref<50192x10xf32, #tpu.memory_space<vmem_shared>> -> memref<50192x10xf32, #tpu.memory_space<vmem_shared>>
          tpu.wait_indirect_dma semaphore(%run_scoped3A_1436 : memref<!tpu.dma_semaphore, #tpu.memory_space<semaphore_mem>>) src(%dma_wait3A_1446 : memref<128x10xf32, #tpu.memory_space<vmem>>) dst(%dma_wait3A_1452 : memref<50192x10xf32, #tpu.memory_space<vmem_shared>>)
          tpu.yield
        }) : () -> ()
      } else {
      }
    }
    %scan3A_36 = arith.constant 25088 : i32
    %barrier3A_37 = arith.constant 0 : index
    tpu.barrier barrier_id(%barrier3A_37)
    %mul3A_38 = arith.constant 50176 : i32
    %mul3A_39 = arith.muli %arg0, %mul3A_38 : i32
    %add3A_40 = arith.addi %mul3A_39, %mul3A_0 : i32
    "tpu.region"() ({
      %run_scoped3A = tpu.sem_alloc : memref<!tpu.dma_semaphore, #tpu.memory_space<semaphore_mem>>
      %dma_start3A = arith.constant 0 : i32
      %dma_start3A_41 = tpu.memref_slice %arg9[%add3A_40, %dma_start3A] : memref<100352x10xf32, #tpu.memory_space<hbm>> -> memref<3136x10xf32, #tpu.memory_space<hbm>>
      %dma_start3A_42 = arith.constant 0 : i32
      %dma_start3A_43 = tpu.memref_slice %arg16[%mul3A_0, %dma_start3A_42] : memref<50192x10xf32, #tpu.memory_space<vmem_shared>> -> memref<3136x10xf32, #tpu.memory_space<vmem_shared>>
      tpu.enqueue_dma source(%dma_start3A_43 : memref<3136x10xf32, #tpu.memory_space<vmem_shared>>) target(%dma_start3A_41 : memref<3136x10xf32, #tpu.memory_space<hbm>>) target_semaphore(%run_scoped3A : memref<!tpu.dma_semaphore, #tpu.memory_space<semaphore_mem>>)
      %dma_wait3A = arith.constant 0 : i32
      %dma_wait3A_44 = tpu.memref_slice %arg9[%add3A_40, %dma_wait3A] : memref<100352x10xf32, #tpu.memory_space<hbm>> -> memref<3136x10xf32, #tpu.memory_space<hbm>>
      %dma_wait3A_45 = arith.constant 0 : i32
      %dma_wait3A_46 = tpu.memref_slice %arg16[%mul3A_0, %dma_wait3A_45] : memref<50192x10xf32, #tpu.memory_space<vmem_shared>> -> memref<3136x10xf32, #tpu.memory_space<vmem_shared>>
      tpu.wait_dma2 semaphore(%run_scoped3A : memref<!tpu.dma_semaphore, #tpu.memory_space<semaphore_mem>>) src(%dma_wait3A_46 : memref<3136x10xf32, #tpu.memory_space<vmem_shared>>) dst(%dma_wait3A_44 : memref<3136x10xf32, #tpu.memory_space<hbm>>)
      tpu.yield
    }) : () -> ()
    return
  }
}

#map = affine_map<(d0, d1) -> (0)>
#map1 = affine_map<(d0, d1) -> (0, 0)>
#map2 = affine_map<(d0, d1) -> (0, 0, 0)>
module attributes {stable_mosaic.version = 14 : i64} {
  func.func @_final(%arg0: i32, %arg1: i32, %arg2: memref<1003520xf32, #tpu.memory_space<hbm>>, %arg3: memref<100352xi32, #tpu.memory_space<hbm>>, %arg4: memref<32xf32, #tpu.memory_space<hbm>>, %arg5: memref<4x128xi32, #tpu.memory_space<hbm>>, %arg6: memref<2x512x2xf32, #tpu.memory_space<hbm>>, %arg7: memref<32xf32, #tpu.memory_space<vmem>>, %arg8: memref<3136xi32, #tpu.memory_space<vmem>>, %arg9: memref<31376xf32, #tpu.memory_space<vmem>>, %arg10: memref<520x16xf32, #tpu.memory_space<vmem>>, %arg11: memref<4x128xi32, #tpu.memory_space<vmem>>, %arg12: memref<32x16xf32, #tpu.memory_space<vmem>>, %arg13: memref<32x2xf32, #tpu.memory_space<vmem>>, %arg14: memref<512x16xf32, #tpu.memory_space<vmem_shared>>) attributes {dimension_semantics = [#tpu.dimension_semantics<core_parallel>, #tpu.dimension_semantics<subcore_parallel>], iteration_bounds = array<i64: 2, 16>, scalar_prefetch = 0 : i64, scratch_operands = 8 : i64, tpu.core_type = #tpu.core_type<sc_vector_subcore>, window_params = [{transform_indices = #map}, {transform_indices = #map}, {transform_indices = #map}, {transform_indices = #map1}, {transform_indices = #map2}]} {
    %mul3A = arith.constant 16 : i32
    %mul3A_0 = arith.muli %arg0, %mul3A : i32
    %add3A = arith.addi %mul3A_0, %arg1 : i32
    "tpu.region"() ({
      %run_scoped3A_299 = tpu.sem_alloc : memref<!tpu.dma_semaphore, #tpu.memory_space<semaphore_mem>>
      tpu.enqueue_dma source(%arg4 : memref<32xf32, #tpu.memory_space<hbm>>) target(%arg7 : memref<32xf32, #tpu.memory_space<vmem>>) target_semaphore(%run_scoped3A_299 : memref<!tpu.dma_semaphore, #tpu.memory_space<semaphore_mem>>)
      tpu.wait_dma2 semaphore(%run_scoped3A_299 : memref<!tpu.dma_semaphore, #tpu.memory_space<semaphore_mem>>) src(%arg4 : memref<32xf32, #tpu.memory_space<hbm>>) dst(%arg7 : memref<32xf32, #tpu.memory_space<vmem>>)
      tpu.yield
    }) : () -> ()
    "tpu.region"() ({
      %run_scoped3A_299 = tpu.sem_alloc : memref<!tpu.dma_semaphore, #tpu.memory_space<semaphore_mem>>
      tpu.enqueue_dma source(%arg5 : memref<4x128xi32, #tpu.memory_space<hbm>>) target(%arg11 : memref<4x128xi32, #tpu.memory_space<vmem>>) target_semaphore(%run_scoped3A_299 : memref<!tpu.dma_semaphore, #tpu.memory_space<semaphore_mem>>)
      tpu.wait_dma2 semaphore(%run_scoped3A_299 : memref<!tpu.dma_semaphore, #tpu.memory_space<semaphore_mem>>) src(%arg5 : memref<4x128xi32, #tpu.memory_space<hbm>>) dst(%arg11 : memref<4x128xi32, #tpu.memory_space<vmem>>)
      tpu.yield
    }) : () -> ()
    %mul3A_1 = arith.constant 3136 : i32
    %mul3A_2 = arith.muli %add3A, %mul3A_1 : i32
    "tpu.region"() ({
      %run_scoped3A_299 = tpu.sem_alloc : memref<!tpu.dma_semaphore, #tpu.memory_space<semaphore_mem>>
      %dma_start3A = tpu.memref_slice %arg3[%mul3A_2] : memref<100352xi32, #tpu.memory_space<hbm>> -> memref<3136xi32, #tpu.memory_space<hbm>>
      %dma_start3A_300 = tpu.memref_slice %arg3[%mul3A_2] : memref<100352xi32, #tpu.memory_space<hbm>> -> memref<3136xi32, #tpu.memory_space<hbm>>
      tpu.enqueue_dma source(%dma_start3A_300 : memref<3136xi32, #tpu.memory_space<hbm>>) target(%arg8 : memref<3136xi32, #tpu.memory_space<vmem>>) target_semaphore(%run_scoped3A_299 : memref<!tpu.dma_semaphore, #tpu.memory_space<semaphore_mem>>)
      %dma_wait3A = tpu.memref_slice %arg3[%mul3A_2] : memref<100352xi32, #tpu.memory_space<hbm>> -> memref<3136xi32, #tpu.memory_space<hbm>>
      %dma_wait3A_301 = tpu.memref_slice %arg3[%mul3A_2] : memref<100352xi32, #tpu.memory_space<hbm>> -> memref<3136xi32, #tpu.memory_space<hbm>>
      tpu.wait_dma2 semaphore(%run_scoped3A_299 : memref<!tpu.dma_semaphore, #tpu.memory_space<semaphore_mem>>) src(%dma_wait3A_301 : memref<3136xi32, #tpu.memory_space<hbm>>) dst(%arg8 : memref<3136xi32, #tpu.memory_space<vmem>>)
      tpu.yield
    }) : () -> ()
    %mul3A_3 = arith.constant 31360 : i32
    %mul3A_4 = arith.muli %add3A, %mul3A_3 : i32
    "tpu.region"() ({
      %run_scoped3A_299 = tpu.sem_alloc : memref<!tpu.dma_semaphore, #tpu.memory_space<semaphore_mem>>
      %dma_start3A = arith.constant 0 : i32
      %dma_start3A_300 = tpu.memref_slice %arg9[%dma_start3A] : memref<31376xf32, #tpu.memory_space<vmem>> -> memref<31360xf32, #tpu.memory_space<vmem>>
      %dma_start3A_301 = tpu.memref_slice %arg2[%mul3A_4] : memref<1003520xf32, #tpu.memory_space<hbm>> -> memref<31360xf32, #tpu.memory_space<hbm>>
      %dma_start3A_302 = arith.constant 0 : i32
      %dma_start3A_303 = tpu.memref_slice %arg9[%dma_start3A_302] : memref<31376xf32, #tpu.memory_space<vmem>> -> memref<31360xf32, #tpu.memory_space<vmem>>
      %dma_start3A_304 = tpu.memref_slice %arg2[%mul3A_4] : memref<1003520xf32, #tpu.memory_space<hbm>> -> memref<31360xf32, #tpu.memory_space<hbm>>
      tpu.enqueue_dma source(%dma_start3A_304 : memref<31360xf32, #tpu.memory_space<hbm>>) target(%dma_start3A_303 : memref<31360xf32, #tpu.memory_space<vmem>>) target_semaphore(%run_scoped3A_299 : memref<!tpu.dma_semaphore, #tpu.memory_space<semaphore_mem>>)
      %dma_wait3A = arith.constant 0 : i32
      %dma_wait3A_305 = tpu.memref_slice %arg9[%dma_wait3A] : memref<31376xf32, #tpu.memory_space<vmem>> -> memref<31360xf32, #tpu.memory_space<vmem>>
      %dma_wait3A_306 = tpu.memref_slice %arg2[%mul3A_4] : memref<1003520xf32, #tpu.memory_space<hbm>> -> memref<31360xf32, #tpu.memory_space<hbm>>
      %dma_wait3A_307 = arith.constant 0 : i32
      %dma_wait3A_308 = tpu.memref_slice %arg9[%dma_wait3A_307] : memref<31376xf32, #tpu.memory_space<vmem>> -> memref<31360xf32, #tpu.memory_space<vmem>>
      %dma_wait3A_309 = tpu.memref_slice %arg2[%mul3A_4] : memref<1003520xf32, #tpu.memory_space<hbm>> -> memref<31360xf32, #tpu.memory_space<hbm>>
      tpu.wait_dma2 semaphore(%run_scoped3A_299 : memref<!tpu.dma_semaphore, #tpu.memory_space<semaphore_mem>>) src(%dma_wait3A_309 : memref<31360xf32, #tpu.memory_space<hbm>>) dst(%dma_wait3A_308 : memref<31360xf32, #tpu.memory_space<vmem>>)
      tpu.yield
    }) : () -> ()
    %iota3A = tpu.iota {dimensions = array<i32: 0>} : vector<16xi32>
    %broadcast_in_dim3A = arith.constant 0.000000e+00 : f32
    %broadcast_in_dim3A_5 = vector.broadcast %broadcast_in_dim3A : f32 to vector<16xf32>
    %scan3A = arith.constant 0 : i32
    %scan3A_6 = arith.constant 0 : i32
    %scan3A_7 = arith.constant 520 : i32
    %scan3A_8 = arith.addi %scan3A_6, %scan3A_7 : i32
    %scan3A_9 = arith.constant 1 : i32
    scf.for %scan3A_299 = %scan3A_6 to %scan3A_8 step %scan3A_9  : i32 {
      %broadcast_in_dim3A_300 = vector.broadcast %scan3A_299 : i32 to vector<16xi32>
      tpu.vector_store_idx %arg10[%broadcast_in_dim3A_300, %iota3A], %broadcast_in_dim3A_5 : memref<520x16xf32, #tpu.memory_space<vmem>>[vector<16xi32>, vector<16xi32>], vector<16xf32>,
    }
    %scan3A_10 = arith.constant 520 : i32
    %mul3A_11 = arith.constant 32 : i32
    %mul3A_12 = arith.muli %arg1, %mul3A_11 : i32
    %mul3A_13 = arith.constant 32 : i32
    %mul3A_14 = arith.muli %arg1, %mul3A_13 : i32
    "tpu.region"() ({
      %run_scoped3A_299 = tpu.sem_alloc : memref<!tpu.dma_semaphore, #tpu.memory_space<semaphore_mem>>
      %dma_start3A = arith.constant 0 : i32
      %dma_start3A_300 = tpu.memref_slice %arg10[%mul3A_12, %dma_start3A] : memref<520x16xf32, #tpu.memory_space<vmem>> -> memref<32x16xf32, #tpu.memory_space<vmem>>
      %dma_start3A_301 = arith.constant 0 : i32
      %dma_start3A_302 = tpu.memref_slice %arg14[%mul3A_14, %dma_start3A_301] : memref<512x16xf32, #tpu.memory_space<vmem_shared>> -> memref<32x16xf32, #tpu.memory_space<vmem_shared>>
      %dma_start3A_303 = arith.constant 0 : i32
      %dma_start3A_304 = tpu.memref_slice %arg14[%mul3A_14, %dma_start3A_303] : memref<512x16xf32, #tpu.memory_space<vmem_shared>> -> memref<32x16xf32, #tpu.memory_space<vmem_shared>>
      %dma_start3A_305 = arith.constant 0 : i32
      %dma_start3A_306 = tpu.memref_slice %arg10[%mul3A_12, %dma_start3A_305] : memref<520x16xf32, #tpu.memory_space<vmem>> -> memref<32x16xf32, #tpu.memory_space<vmem>>
      tpu.enqueue_dma source(%dma_start3A_306 : memref<32x16xf32, #tpu.memory_space<vmem>>) target(%dma_start3A_304 : memref<32x16xf32, #tpu.memory_space<vmem_shared>>) target_semaphore(%run_scoped3A_299 : memref<!tpu.dma_semaphore, #tpu.memory_space<semaphore_mem>>)
      %dma_wait3A = arith.constant 0 : i32
      %dma_wait3A_307 = tpu.memref_slice %arg10[%mul3A_12, %dma_wait3A] : memref<520x16xf32, #tpu.memory_space<vmem>> -> memref<32x16xf32, #tpu.memory_space<vmem>>
      %dma_wait3A_308 = arith.constant 0 : i32
      %dma_wait3A_309 = tpu.memref_slice %arg14[%mul3A_14, %dma_wait3A_308] : memref<512x16xf32, #tpu.memory_space<vmem_shared>> -> memref<32x16xf32, #tpu.memory_space<vmem_shared>>
      %dma_wait3A_310 = arith.constant 0 : i32
      %dma_wait3A_311 = tpu.memref_slice %arg14[%mul3A_14, %dma_wait3A_310] : memref<512x16xf32, #tpu.memory_space<vmem_shared>> -> memref<32x16xf32, #tpu.memory_space<vmem_shared>>
      %dma_wait3A_312 = arith.constant 0 : i32
      %dma_wait3A_313 = tpu.memref_slice %arg10[%mul3A_12, %dma_wait3A_312] : memref<520x16xf32, #tpu.memory_space<vmem>> -> memref<32x16xf32, #tpu.memory_space<vmem>>
      tpu.wait_dma2 semaphore(%run_scoped3A_299 : memref<!tpu.dma_semaphore, #tpu.memory_space<semaphore_mem>>) src(%dma_wait3A_313 : memref<32x16xf32, #tpu.memory_space<vmem>>) dst(%dma_wait3A_311 : memref<32x16xf32, #tpu.memory_space<vmem_shared>>)
      tpu.yield
    }) : () -> ()
    %barrier3A = arith.constant 0 : index
    tpu.barrier barrier_id(%barrier3A)
    %scan3A_15 = arith.constant 0 : i32
    %scan3A_16 = arith.constant 0 : i32
    %scan3A_17 = arith.constant 196 : i32
    %scan3A_18 = arith.addi %scan3A_16, %scan3A_17 : i32
    %scan3A_19 = arith.constant 1 : i32
    scf.for %scan3A_299 = %scan3A_16 to %scan3A_18 step %scan3A_19  : i32 {
      %mul3A_300 = arith.constant 16 : i32
      %mul3A_301 = arith.muli %scan3A_299, %mul3A_300 : i32
      %get3A_302 = arith.index_cast %mul3A_301 : i32 to index
      %get3A_303 = tpu.vector_load %arg8[%get3A_302] {strides = array<i32>} : memref<3136xi32, #tpu.memory_space<vmem>>, vector<16xi32>,
      %slice3A_304 = vector.extract_strided_slice %get3A_303 {offsets = [0], sizes = [1], strides = [1]} : vector<16xi32> to vector<1xi32>
      %squeeze3A_305 = vector.extract %slice3A_304[0] : i32 from vector<1xi32>
      %mul3A_306 = arith.constant 16 : i32
      %mul3A_307 = arith.muli %scan3A_299, %mul3A_306 : i32
      %mul3A_308 = arith.constant 10 : i32
      %mul3A_309 = arith.muli %mul3A_307, %mul3A_308 : i32
      %add3A_310 = arith.constant 0 : i32
      %add3A_311 = arith.addi %mul3A_309, %add3A_310 : i32
      %get3A_312 = arith.index_cast %add3A_311 : i32 to index
      %get3A_313 = tpu.vector_load %arg9[%get3A_312] {strides = array<i32>} : memref<31376xf32, #tpu.memory_space<vmem>>, vector<16xf32>,
      %broadcast_in_dim3A_314 = vector.broadcast %squeeze3A_305 : i32 to vector<16xi32>
      tpu.vector_store_idx %arg10[%broadcast_in_dim3A_314, %iota3A], %get3A_313 {add = true} : memref<520x16xf32, #tpu.memory_space<vmem>>[vector<16xi32>, vector<16xi32>], vector<16xf32>,
      %slice3A_315 = vector.extract_strided_slice %get3A_303 {offsets = [1], sizes = [1], strides = [1]} : vector<16xi32> to vector<1xi32>
      %squeeze3A_316 = vector.extract %slice3A_315[0] : i32 from vector<1xi32>
      %mul3A_317 = arith.constant 16 : i32
      %mul3A_318 = arith.muli %scan3A_299, %mul3A_317 : i32
      %mul3A_319 = arith.constant 10 : i32
      %mul3A_320 = arith.muli %mul3A_318, %mul3A_319 : i32
      %add3A_321 = arith.constant 10 : i32
      %add3A_322 = arith.addi %mul3A_320, %add3A_321 : i32
      %get3A_323 = arith.index_cast %add3A_322 : i32 to index
      %get3A_324 = tpu.vector_load %arg9[%get3A_323] {strides = array<i32>} : memref<31376xf32, #tpu.memory_space<vmem>>, vector<16xf32>,
      %broadcast_in_dim3A_325 = vector.broadcast %squeeze3A_316 : i32 to vector<16xi32>
      tpu.vector_store_idx %arg10[%broadcast_in_dim3A_325, %iota3A], %get3A_324 {add = true} : memref<520x16xf32, #tpu.memory_space<vmem>>[vector<16xi32>, vector<16xi32>], vector<16xf32>,
      %slice3A_326 = vector.extract_strided_slice %get3A_303 {offsets = [2], sizes = [1], strides = [1]} : vector<16xi32> to vector<1xi32>
      %squeeze3A_327 = vector.extract %slice3A_326[0] : i32 from vector<1xi32>
      %mul3A_328 = arith.constant 16 : i32
      %mul3A_329 = arith.muli %scan3A_299, %mul3A_328 : i32
      %mul3A_330 = arith.constant 10 : i32
      %mul3A_331 = arith.muli %mul3A_329, %mul3A_330 : i32
      %add3A_332 = arith.constant 20 : i32
      %add3A_333 = arith.addi %mul3A_331, %add3A_332 : i32
      %get3A_334 = arith.index_cast %add3A_333 : i32 to index
      %get3A_335 = tpu.vector_load %arg9[%get3A_334] {strides = array<i32>} : memref<31376xf32, #tpu.memory_space<vmem>>, vector<16xf32>,
      %broadcast_in_dim3A_336 = vector.broadcast %squeeze3A_327 : i32 to vector<16xi32>
      tpu.vector_store_idx %arg10[%broadcast_in_dim3A_336, %iota3A], %get3A_335 {add = true} : memref<520x16xf32, #tpu.memory_space<vmem>>[vector<16xi32>, vector<16xi32>], vector<16xf32>,
      %slice3A_337 = vector.extract_strided_slice %get3A_303 {offsets = [3], sizes = [1], strides = [1]} : vector<16xi32> to vector<1xi32>
      %squeeze3A_338 = vector.extract %slice3A_337[0] : i32 from vector<1xi32>
      %mul3A_339 = arith.constant 16 : i32
      %mul3A_340 = arith.muli %scan3A_299, %mul3A_339 : i32
      %mul3A_341 = arith.constant 10 : i32
      %mul3A_342 = arith.muli %mul3A_340, %mul3A_341 : i32
      %add3A_343 = arith.constant 30 : i32
      %add3A_344 = arith.addi %mul3A_342, %add3A_343 : i32
      %get3A_345 = arith.index_cast %add3A_344 : i32 to index
      %get3A_346 = tpu.vector_load %arg9[%get3A_345] {strides = array<i32>} : memref<31376xf32, #tpu.memory_space<vmem>>, vector<16xf32>,
      %broadcast_in_dim3A_347 = vector.broadcast %squeeze3A_338 : i32 to vector<16xi32>
      tpu.vector_store_idx %arg10[%broadcast_in_dim3A_347, %iota3A], %get3A_346 {add = true} : memref<520x16xf32, #tpu.memory_space<vmem>>[vector<16xi32>, vector<16xi32>], vector<16xf32>,
      %slice3A_348 = vector.extract_strided_slice %get3A_303 {offsets = [4], sizes = [1], strides = [1]} : vector<16xi32> to vector<1xi32>
      %squeeze3A_349 = vector.extract %slice3A_348[0] : i32 from vector<1xi32>
      %mul3A_350 = arith.constant 16 : i32
      %mul3A_351 = arith.muli %scan3A_299, %mul3A_350 : i32
      %mul3A_352 = arith.constant 10 : i32
      %mul3A_353 = arith.muli %mul3A_351, %mul3A_352 : i32
      %add3A_354 = arith.constant 40 : i32
      %add3A_355 = arith.addi %mul3A_353, %add3A_354 : i32
      %get3A_356 = arith.index_cast %add3A_355 : i32 to index
      %get3A_357 = tpu.vector_load %arg9[%get3A_356] {strides = array<i32>} : memref<31376xf32, #tpu.memory_space<vmem>>, vector<16xf32>,
      %broadcast_in_dim3A_358 = vector.broadcast %squeeze3A_349 : i32 to vector<16xi32>
      tpu.vector_store_idx %arg10[%broadcast_in_dim3A_358, %iota3A], %get3A_357 {add = true} : memref<520x16xf32, #tpu.memory_space<vmem>>[vector<16xi32>, vector<16xi32>], vector<16xf32>,
      %slice3A_359 = vector.extract_strided_slice %get3A_303 {offsets = [5], sizes = [1], strides = [1]} : vector<16xi32> to vector<1xi32>
      %squeeze3A_360 = vector.extract %slice3A_359[0] : i32 from vector<1xi32>
      %mul3A_361 = arith.constant 16 : i32
      %mul3A_362 = arith.muli %scan3A_299, %mul3A_361 : i32
      %mul3A_363 = arith.constant 10 : i32
      %mul3A_364 = arith.muli %mul3A_362, %mul3A_363 : i32
      %add3A_365 = arith.constant 50 : i32
      %add3A_366 = arith.addi %mul3A_364, %add3A_365 : i32
      %get3A_367 = arith.index_cast %add3A_366 : i32 to index
      %get3A_368 = tpu.vector_load %arg9[%get3A_367] {strides = array<i32>} : memref<31376xf32, #tpu.memory_space<vmem>>, vector<16xf32>,
      %broadcast_in_dim3A_369 = vector.broadcast %squeeze3A_360 : i32 to vector<16xi32>
      tpu.vector_store_idx %arg10[%broadcast_in_dim3A_369, %iota3A], %get3A_368 {add = true} : memref<520x16xf32, #tpu.memory_space<vmem>>[vector<16xi32>, vector<16xi32>], vector<16xf32>,
      %slice3A_370 = vector.extract_strided_slice %get3A_303 {offsets = [6], sizes = [1], strides = [1]} : vector<16xi32> to vector<1xi32>
      %squeeze3A_371 = vector.extract %slice3A_370[0] : i32 from vector<1xi32>
      %mul3A_372 = arith.constant 16 : i32
      %mul3A_373 = arith.muli %scan3A_299, %mul3A_372 : i32
      %mul3A_374 = arith.constant 10 : i32
      %mul3A_375 = arith.muli %mul3A_373, %mul3A_374 : i32
      %add3A_376 = arith.constant 60 : i32
      %add3A_377 = arith.addi %mul3A_375, %add3A_376 : i32
      %get3A_378 = arith.index_cast %add3A_377 : i32 to index
      %get3A_379 = tpu.vector_load %arg9[%get3A_378] {strides = array<i32>} : memref<31376xf32, #tpu.memory_space<vmem>>, vector<16xf32>,
      %broadcast_in_dim3A_380 = vector.broadcast %squeeze3A_371 : i32 to vector<16xi32>
      tpu.vector_store_idx %arg10[%broadcast_in_dim3A_380, %iota3A], %get3A_379 {add = true} : memref<520x16xf32, #tpu.memory_space<vmem>>[vector<16xi32>, vector<16xi32>], vector<16xf32>,
      %slice3A_381 = vector.extract_strided_slice %get3A_303 {offsets = [7], sizes = [1], strides = [1]} : vector<16xi32> to vector<1xi32>
      %squeeze3A_382 = vector.extract %slice3A_381[0] : i32 from vector<1xi32>
      %mul3A_383 = arith.constant 16 : i32
      %mul3A_384 = arith.muli %scan3A_299, %mul3A_383 : i32
      %mul3A_385 = arith.constant 10 : i32
      %mul3A_386 = arith.muli %mul3A_384, %mul3A_385 : i32
      %add3A_387 = arith.constant 70 : i32
      %add3A_388 = arith.addi %mul3A_386, %add3A_387 : i32
      %get3A_389 = arith.index_cast %add3A_388 : i32 to index
      %get3A_390 = tpu.vector_load %arg9[%get3A_389] {strides = array<i32>} : memref<31376xf32, #tpu.memory_space<vmem>>, vector<16xf32>,
      %broadcast_in_dim3A_391 = vector.broadcast %squeeze3A_382 : i32 to vector<16xi32>
      tpu.vector_store_idx %arg10[%broadcast_in_dim3A_391, %iota3A], %get3A_390 {add = true} : memref<520x16xf32, #tpu.memory_space<vmem>>[vector<16xi32>, vector<16xi32>], vector<16xf32>,
      %slice3A_392 = vector.extract_strided_slice %get3A_303 {offsets = [8], sizes = [1], strides = [1]} : vector<16xi32> to vector<1xi32>
      %squeeze3A_393 = vector.extract %slice3A_392[0] : i32 from vector<1xi32>
      %mul3A_394 = arith.constant 16 : i32
      %mul3A_395 = arith.muli %scan3A_299, %mul3A_394 : i32
      %mul3A_396 = arith.constant 10 : i32
      %mul3A_397 = arith.muli %mul3A_395, %mul3A_396 : i32
      %add3A_398 = arith.constant 80 : i32
      %add3A_399 = arith.addi %mul3A_397, %add3A_398 : i32
      %get3A_400 = arith.index_cast %add3A_399 : i32 to index
      %get3A_401 = tpu.vector_load %arg9[%get3A_400] {strides = array<i32>} : memref<31376xf32, #tpu.memory_space<vmem>>, vector<16xf32>,
      %broadcast_in_dim3A_402 = vector.broadcast %squeeze3A_393 : i32 to vector<16xi32>
      tpu.vector_store_idx %arg10[%broadcast_in_dim3A_402, %iota3A], %get3A_401 {add = true} : memref<520x16xf32, #tpu.memory_space<vmem>>[vector<16xi32>, vector<16xi32>], vector<16xf32>,
      %slice3A_403 = vector.extract_strided_slice %get3A_303 {offsets = [9], sizes = [1], strides = [1]} : vector<16xi32> to vector<1xi32>
      %squeeze3A_404 = vector.extract %slice3A_403[0] : i32 from vector<1xi32>
      %mul3A_405 = arith.constant 16 : i32
      %mul3A_406 = arith.muli %scan3A_299, %mul3A_405 : i32
      %mul3A_407 = arith.constant 10 : i32
      %mul3A_408 = arith.muli %mul3A_406, %mul3A_407 : i32
      %add3A_409 = arith.constant 90 : i32
      %add3A_410 = arith.addi %mul3A_408, %add3A_409 : i32
      %get3A_411 = arith.index_cast %add3A_410 : i32 to index
      %get3A_412 = tpu.vector_load %arg9[%get3A_411] {strides = array<i32>} : memref<31376xf32, #tpu.memory_space<vmem>>, vector<16xf32>,
      %broadcast_in_dim3A_413 = vector.broadcast %squeeze3A_404 : i32 to vector<16xi32>
      tpu.vector_store_idx %arg10[%broadcast_in_dim3A_413, %iota3A], %get3A_412 {add = true} : memref<520x16xf32, #tpu.memory_space<vmem>>[vector<16xi32>, vector<16xi32>], vector<16xf32>,
      %slice3A_414 = vector.extract_strided_slice %get3A_303 {offsets = [10], sizes = [1], strides = [1]} : vector<16xi32> to vector<1xi32>
      %squeeze3A_415 = vector.extract %slice3A_414[0] : i32 from vector<1xi32>
      %mul3A_416 = arith.constant 16 : i32
      %mul3A_417 = arith.muli %scan3A_299, %mul3A_416 : i32
      %mul3A_418 = arith.constant 10 : i32
      %mul3A_419 = arith.muli %mul3A_417, %mul3A_418 : i32
      %add3A_420 = arith.constant 100 : i32
      %add3A_421 = arith.addi %mul3A_419, %add3A_420 : i32
      %get3A_422 = arith.index_cast %add3A_421 : i32 to index
      %get3A_423 = tpu.vector_load %arg9[%get3A_422] {strides = array<i32>} : memref<31376xf32, #tpu.memory_space<vmem>>, vector<16xf32>,
      %broadcast_in_dim3A_424 = vector.broadcast %squeeze3A_415 : i32 to vector<16xi32>
      tpu.vector_store_idx %arg10[%broadcast_in_dim3A_424, %iota3A], %get3A_423 {add = true} : memref<520x16xf32, #tpu.memory_space<vmem>>[vector<16xi32>, vector<16xi32>], vector<16xf32>,
      %slice3A_425 = vector.extract_strided_slice %get3A_303 {offsets = [11], sizes = [1], strides = [1]} : vector<16xi32> to vector<1xi32>
      %squeeze3A_426 = vector.extract %slice3A_425[0] : i32 from vector<1xi32>
      %mul3A_427 = arith.constant 16 : i32
      %mul3A_428 = arith.muli %scan3A_299, %mul3A_427 : i32
      %mul3A_429 = arith.constant 10 : i32
      %mul3A_430 = arith.muli %mul3A_428, %mul3A_429 : i32
      %add3A_431 = arith.constant 110 : i32
      %add3A_432 = arith.addi %mul3A_430, %add3A_431 : i32
      %get3A_433 = arith.index_cast %add3A_432 : i32 to index
      %get3A_434 = tpu.vector_load %arg9[%get3A_433] {strides = array<i32>} : memref<31376xf32, #tpu.memory_space<vmem>>, vector<16xf32>,
      %broadcast_in_dim3A_435 = vector.broadcast %squeeze3A_426 : i32 to vector<16xi32>
      tpu.vector_store_idx %arg10[%broadcast_in_dim3A_435, %iota3A], %get3A_434 {add = true} : memref<520x16xf32, #tpu.memory_space<vmem>>[vector<16xi32>, vector<16xi32>], vector<16xf32>,
      %slice3A_436 = vector.extract_strided_slice %get3A_303 {offsets = [12], sizes = [1], strides = [1]} : vector<16xi32> to vector<1xi32>
      %squeeze3A_437 = vector.extract %slice3A_436[0] : i32 from vector<1xi32>
      %mul3A_438 = arith.constant 16 : i32
      %mul3A_439 = arith.muli %scan3A_299, %mul3A_438 : i32
      %mul3A_440 = arith.constant 10 : i32
      %mul3A_441 = arith.muli %mul3A_439, %mul3A_440 : i32
      %add3A_442 = arith.constant 120 : i32
      %add3A_443 = arith.addi %mul3A_441, %add3A_442 : i32
      %get3A_444 = arith.index_cast %add3A_443 : i32 to index
      %get3A_445 = tpu.vector_load %arg9[%get3A_444] {strides = array<i32>} : memref<31376xf32, #tpu.memory_space<vmem>>, vector<16xf32>,
      %broadcast_in_dim3A_446 = vector.broadcast %squeeze3A_437 : i32 to vector<16xi32>
      tpu.vector_store_idx %arg10[%broadcast_in_dim3A_446, %iota3A], %get3A_445 {add = true} : memref<520x16xf32, #tpu.memory_space<vmem>>[vector<16xi32>, vector<16xi32>], vector<16xf32>,
      %slice3A_447 = vector.extract_strided_slice %get3A_303 {offsets = [13], sizes = [1], strides = [1]} : vector<16xi32> to vector<1xi32>
      %squeeze3A_448 = vector.extract %slice3A_447[0] : i32 from vector<1xi32>
      %mul3A_449 = arith.constant 16 : i32
      %mul3A_450 = arith.muli %scan3A_299, %mul3A_449 : i32
      %mul3A_451 = arith.constant 10 : i32
      %mul3A_452 = arith.muli %mul3A_450, %mul3A_451 : i32
      %add3A_453 = arith.constant 130 : i32
      %add3A_454 = arith.addi %mul3A_452, %add3A_453 : i32
      %get3A_455 = arith.index_cast %add3A_454 : i32 to index
      %get3A_456 = tpu.vector_load %arg9[%get3A_455] {strides = array<i32>} : memref<31376xf32, #tpu.memory_space<vmem>>, vector<16xf32>,
      %broadcast_in_dim3A_457 = vector.broadcast %squeeze3A_448 : i32 to vector<16xi32>
      tpu.vector_store_idx %arg10[%broadcast_in_dim3A_457, %iota3A], %get3A_456 {add = true} : memref<520x16xf32, #tpu.memory_space<vmem>>[vector<16xi32>, vector<16xi32>], vector<16xf32>,
      %slice3A_458 = vector.extract_strided_slice %get3A_303 {offsets = [14], sizes = [1], strides = [1]} : vector<16xi32> to vector<1xi32>
      %squeeze3A_459 = vector.extract %slice3A_458[0] : i32 from vector<1xi32>
      %mul3A_460 = arith.constant 16 : i32
      %mul3A_461 = arith.muli %scan3A_299, %mul3A_460 : i32
      %mul3A_462 = arith.constant 10 : i32
      %mul3A_463 = arith.muli %mul3A_461, %mul3A_462 : i32
      %add3A_464 = arith.constant 140 : i32
      %add3A_465 = arith.addi %mul3A_463, %add3A_464 : i32
      %get3A_466 = arith.index_cast %add3A_465 : i32 to index
      %get3A_467 = tpu.vector_load %arg9[%get3A_466] {strides = array<i32>} : memref<31376xf32, #tpu.memory_space<vmem>>, vector<16xf32>,
      %broadcast_in_dim3A_468 = vector.broadcast %squeeze3A_459 : i32 to vector<16xi32>
      tpu.vector_store_idx %arg10[%broadcast_in_dim3A_468, %iota3A], %get3A_467 {add = true} : memref<520x16xf32, #tpu.memory_space<vmem>>[vector<16xi32>, vector<16xi32>], vector<16xf32>,
      %slice3A_469 = vector.extract_strided_slice %get3A_303 {offsets = [15], sizes = [1], strides = [1]} : vector<16xi32> to vector<1xi32>
      %squeeze3A_470 = vector.extract %slice3A_469[0] : i32 from vector<1xi32>
      %mul3A_471 = arith.constant 16 : i32
      %mul3A_472 = arith.muli %scan3A_299, %mul3A_471 : i32
      %mul3A_473 = arith.constant 10 : i32
      %mul3A_474 = arith.muli %mul3A_472, %mul3A_473 : i32
      %add3A_475 = arith.constant 150 : i32
      %add3A_476 = arith.addi %mul3A_474, %add3A_475 : i32
      %get3A_477 = arith.index_cast %add3A_476 : i32 to index
      %get3A_478 = tpu.vector_load %arg9[%get3A_477] {strides = array<i32>} : memref<31376xf32, #tpu.memory_space<vmem>>, vector<16xf32>,
      %broadcast_in_dim3A_479 = vector.broadcast %squeeze3A_470 : i32 to vector<16xi32>
      tpu.vector_store_idx %arg10[%broadcast_in_dim3A_479, %iota3A], %get3A_478 {add = true} : memref<520x16xf32, #tpu.memory_space<vmem>>[vector<16xi32>, vector<16xi32>], vector<16xf32>,
    }
    %scan3A_20 = arith.constant 196 : i32
    %run_scoped3A = arith.constant 0 : i32
    "tpu.region"() ({
      %run_scoped3A_299 = tpu.sem_alloc : memref<!tpu.dma_semaphore, #tpu.memory_space<semaphore_mem>>
      %dma_start3A = arith.constant 0 : i32
      %dma_start3A_300 = arith.constant 0 : i32
      %dma_start3A_301 = tpu.memref_slice %arg10[%dma_start3A, %dma_start3A_300] : memref<520x16xf32, #tpu.memory_space<vmem>> -> memref<128x16xf32, #tpu.memory_space<vmem>>
      %dma_start3A_302 = arith.constant 0 : i32
      %dma_start3A_303 = tpu.memref_slice %arg11[%run_scoped3A, %dma_start3A_302] : memref<4x128xi32, #tpu.memory_space<vmem>> -> memref<1x128xi32, #tpu.memory_space<vmem>>
      %dma_start3A_304 = tpu.memref_squeeze %dma_start3A_303 : memref<1x128xi32, #tpu.memory_space<vmem>> -> memref<128xi32, #tpu.memory_space<vmem>>
      %dma_start3A_305 = arith.constant 0 : i32
      %dma_start3A_306 = arith.constant 0 : i32
      %dma_start3A_307 = tpu.memref_slice %arg14[%dma_start3A_305, %dma_start3A_306] : memref<512x16xf32, #tpu.memory_space<vmem_shared>> -> memref<512x16xf32, #tpu.memory_space<vmem_shared>>
      tpu.enqueue_indirect_dma source(%dma_start3A_301 : memref<128x16xf32, #tpu.memory_space<vmem>>) target(%dma_start3A_307 : memref<512x16xf32, #tpu.memory_space<vmem_shared>>) offsets(%dma_start3A_304 : memref<128xi32, #tpu.memory_space<vmem>>) semaphore(%run_scoped3A_299 : memref<!tpu.dma_semaphore, #tpu.memory_space<semaphore_mem>>) {add = true}
      %dma_wait3A = arith.constant 0 : i32
      %dma_wait3A_308 = arith.constant 0 : i32
      %dma_wait3A_309 = tpu.memref_slice %arg10[%dma_wait3A, %dma_wait3A_308] : memref<520x16xf32, #tpu.memory_space<vmem>> -> memref<128x16xf32, #tpu.memory_space<vmem>>
      %dma_wait3A_310 = arith.constant 0 : i32
      %dma_wait3A_311 = tpu.memref_slice %arg11[%run_scoped3A, %dma_wait3A_310] : memref<4x128xi32, #tpu.memory_space<vmem>> -> memref<1x128xi32, #tpu.memory_space<vmem>>
      %dma_wait3A_312 = tpu.memref_squeeze %dma_wait3A_311 : memref<1x128xi32, #tpu.memory_space<vmem>> -> memref<128xi32, #tpu.memory_space<vmem>>
      %dma_wait3A_313 = arith.constant 0 : i32
      %dma_wait3A_314 = arith.constant 0 : i32
      %dma_wait3A_315 = tpu.memref_slice %arg14[%dma_wait3A_313, %dma_wait3A_314] : memref<512x16xf32, #tpu.memory_space<vmem_shared>> -> memref<512x16xf32, #tpu.memory_space<vmem_shared>>
      tpu.wait_indirect_dma semaphore(%run_scoped3A_299 : memref<!tpu.dma_semaphore, #tpu.memory_space<semaphore_mem>>) src(%dma_wait3A_309 : memref<128x16xf32, #tpu.memory_space<vmem>>) dst(%dma_wait3A_315 : memref<512x16xf32, #tpu.memory_space<vmem_shared>>)
      tpu.yield
    }) : () -> ()
    %run_scoped3A_21 = arith.constant 1 : i32
    "tpu.region"() ({
      %run_scoped3A_299 = tpu.sem_alloc : memref<!tpu.dma_semaphore, #tpu.memory_space<semaphore_mem>>
      %dma_start3A = arith.constant 128 : i32
      %dma_start3A_300 = arith.constant 0 : i32
      %dma_start3A_301 = tpu.memref_slice %arg10[%dma_start3A, %dma_start3A_300] : memref<520x16xf32, #tpu.memory_space<vmem>> -> memref<128x16xf32, #tpu.memory_space<vmem>>
      %dma_start3A_302 = arith.constant 0 : i32
      %dma_start3A_303 = tpu.memref_slice %arg11[%run_scoped3A_21, %dma_start3A_302] : memref<4x128xi32, #tpu.memory_space<vmem>> -> memref<1x128xi32, #tpu.memory_space<vmem>>
      %dma_start3A_304 = tpu.memref_squeeze %dma_start3A_303 : memref<1x128xi32, #tpu.memory_space<vmem>> -> memref<128xi32, #tpu.memory_space<vmem>>
      %dma_start3A_305 = arith.constant 0 : i32
      %dma_start3A_306 = arith.constant 0 : i32
      %dma_start3A_307 = tpu.memref_slice %arg14[%dma_start3A_305, %dma_start3A_306] : memref<512x16xf32, #tpu.memory_space<vmem_shared>> -> memref<512x16xf32, #tpu.memory_space<vmem_shared>>
      tpu.enqueue_indirect_dma source(%dma_start3A_301 : memref<128x16xf32, #tpu.memory_space<vmem>>) target(%dma_start3A_307 : memref<512x16xf32, #tpu.memory_space<vmem_shared>>) offsets(%dma_start3A_304 : memref<128xi32, #tpu.memory_space<vmem>>) semaphore(%run_scoped3A_299 : memref<!tpu.dma_semaphore, #tpu.memory_space<semaphore_mem>>) {add = true}
      %dma_wait3A = arith.constant 128 : i32
      %dma_wait3A_308 = arith.constant 0 : i32
      %dma_wait3A_309 = tpu.memref_slice %arg10[%dma_wait3A, %dma_wait3A_308] : memref<520x16xf32, #tpu.memory_space<vmem>> -> memref<128x16xf32, #tpu.memory_space<vmem>>
      %dma_wait3A_310 = arith.constant 0 : i32
      %dma_wait3A_311 = tpu.memref_slice %arg11[%run_scoped3A_21, %dma_wait3A_310] : memref<4x128xi32, #tpu.memory_space<vmem>> -> memref<1x128xi32, #tpu.memory_space<vmem>>
      %dma_wait3A_312 = tpu.memref_squeeze %dma_wait3A_311 : memref<1x128xi32, #tpu.memory_space<vmem>> -> memref<128xi32, #tpu.memory_space<vmem>>
      %dma_wait3A_313 = arith.constant 0 : i32
      %dma_wait3A_314 = arith.constant 0 : i32
      %dma_wait3A_315 = tpu.memref_slice %arg14[%dma_wait3A_313, %dma_wait3A_314] : memref<512x16xf32, #tpu.memory_space<vmem_shared>> -> memref<512x16xf32, #tpu.memory_space<vmem_shared>>
      tpu.wait_indirect_dma semaphore(%run_scoped3A_299 : memref<!tpu.dma_semaphore, #tpu.memory_space<semaphore_mem>>) src(%dma_wait3A_309 : memref<128x16xf32, #tpu.memory_space<vmem>>) dst(%dma_wait3A_315 : memref<512x16xf32, #tpu.memory_space<vmem_shared>>)
      tpu.yield
    }) : () -> ()
    %run_scoped3A_22 = arith.constant 2 : i32
    "tpu.region"() ({
      %run_scoped3A_299 = tpu.sem_alloc : memref<!tpu.dma_semaphore, #tpu.memory_space<semaphore_mem>>
      %dma_start3A = arith.constant 256 : i32
      %dma_start3A_300 = arith.constant 0 : i32
      %dma_start3A_301 = tpu.memref_slice %arg10[%dma_start3A, %dma_start3A_300] : memref<520x16xf32, #tpu.memory_space<vmem>> -> memref<128x16xf32, #tpu.memory_space<vmem>>
      %dma_start3A_302 = arith.constant 0 : i32
      %dma_start3A_303 = tpu.memref_slice %arg11[%run_scoped3A_22, %dma_start3A_302] : memref<4x128xi32, #tpu.memory_space<vmem>> -> memref<1x128xi32, #tpu.memory_space<vmem>>
      %dma_start3A_304 = tpu.memref_squeeze %dma_start3A_303 : memref<1x128xi32, #tpu.memory_space<vmem>> -> memref<128xi32, #tpu.memory_space<vmem>>
      %dma_start3A_305 = arith.constant 0 : i32
      %dma_start3A_306 = arith.constant 0 : i32
      %dma_start3A_307 = tpu.memref_slice %arg14[%dma_start3A_305, %dma_start3A_306] : memref<512x16xf32, #tpu.memory_space<vmem_shared>> -> memref<512x16xf32, #tpu.memory_space<vmem_shared>>
      tpu.enqueue_indirect_dma source(%dma_start3A_301 : memref<128x16xf32, #tpu.memory_space<vmem>>) target(%dma_start3A_307 : memref<512x16xf32, #tpu.memory_space<vmem_shared>>) offsets(%dma_start3A_304 : memref<128xi32, #tpu.memory_space<vmem>>) semaphore(%run_scoped3A_299 : memref<!tpu.dma_semaphore, #tpu.memory_space<semaphore_mem>>) {add = true}
      %dma_wait3A = arith.constant 256 : i32
      %dma_wait3A_308 = arith.constant 0 : i32
      %dma_wait3A_309 = tpu.memref_slice %arg10[%dma_wait3A, %dma_wait3A_308] : memref<520x16xf32, #tpu.memory_space<vmem>> -> memref<128x16xf32, #tpu.memory_space<vmem>>
      %dma_wait3A_310 = arith.constant 0 : i32
      %dma_wait3A_311 = tpu.memref_slice %arg11[%run_scoped3A_22, %dma_wait3A_310] : memref<4x128xi32, #tpu.memory_space<vmem>> -> memref<1x128xi32, #tpu.memory_space<vmem>>
      %dma_wait3A_312 = tpu.memref_squeeze %dma_wait3A_311 : memref<1x128xi32, #tpu.memory_space<vmem>> -> memref<128xi32, #tpu.memory_space<vmem>>
      %dma_wait3A_313 = arith.constant 0 : i32
      %dma_wait3A_314 = arith.constant 0 : i32
      %dma_wait3A_315 = tpu.memref_slice %arg14[%dma_wait3A_313, %dma_wait3A_314] : memref<512x16xf32, #tpu.memory_space<vmem_shared>> -> memref<512x16xf32, #tpu.memory_space<vmem_shared>>
      tpu.wait_indirect_dma semaphore(%run_scoped3A_299 : memref<!tpu.dma_semaphore, #tpu.memory_space<semaphore_mem>>) src(%dma_wait3A_309 : memref<128x16xf32, #tpu.memory_space<vmem>>) dst(%dma_wait3A_315 : memref<512x16xf32, #tpu.memory_space<vmem_shared>>)
      tpu.yield
    }) : () -> ()
    %run_scoped3A_23 = arith.constant 3 : i32
    "tpu.region"() ({
      %run_scoped3A_299 = tpu.sem_alloc : memref<!tpu.dma_semaphore, #tpu.memory_space<semaphore_mem>>
      %dma_start3A = arith.constant 384 : i32
      %dma_start3A_300 = arith.constant 0 : i32
      %dma_start3A_301 = tpu.memref_slice %arg10[%dma_start3A, %dma_start3A_300] : memref<520x16xf32, #tpu.memory_space<vmem>> -> memref<128x16xf32, #tpu.memory_space<vmem>>
      %dma_start3A_302 = arith.constant 0 : i32
      %dma_start3A_303 = tpu.memref_slice %arg11[%run_scoped3A_23, %dma_start3A_302] : memref<4x128xi32, #tpu.memory_space<vmem>> -> memref<1x128xi32, #tpu.memory_space<vmem>>
      %dma_start3A_304 = tpu.memref_squeeze %dma_start3A_303 : memref<1x128xi32, #tpu.memory_space<vmem>> -> memref<128xi32, #tpu.memory_space<vmem>>
      %dma_start3A_305 = arith.constant 0 : i32
      %dma_start3A_306 = arith.constant 0 : i32
      %dma_start3A_307 = tpu.memref_slice %arg14[%dma_start3A_305, %dma_start3A_306] : memref<512x16xf32, #tpu.memory_space<vmem_shared>> -> memref<512x16xf32, #tpu.memory_space<vmem_shared>>
      tpu.enqueue_indirect_dma source(%dma_start3A_301 : memref<128x16xf32, #tpu.memory_space<vmem>>) target(%dma_start3A_307 : memref<512x16xf32, #tpu.memory_space<vmem_shared>>) offsets(%dma_start3A_304 : memref<128xi32, #tpu.memory_space<vmem>>) semaphore(%run_scoped3A_299 : memref<!tpu.dma_semaphore, #tpu.memory_space<semaphore_mem>>) {add = true}
      %dma_wait3A = arith.constant 384 : i32
      %dma_wait3A_308 = arith.constant 0 : i32
      %dma_wait3A_309 = tpu.memref_slice %arg10[%dma_wait3A, %dma_wait3A_308] : memref<520x16xf32, #tpu.memory_space<vmem>> -> memref<128x16xf32, #tpu.memory_space<vmem>>
      %dma_wait3A_310 = arith.constant 0 : i32
      %dma_wait3A_311 = tpu.memref_slice %arg11[%run_scoped3A_23, %dma_wait3A_310] : memref<4x128xi32, #tpu.memory_space<vmem>> -> memref<1x128xi32, #tpu.memory_space<vmem>>
      %dma_wait3A_312 = tpu.memref_squeeze %dma_wait3A_311 : memref<1x128xi32, #tpu.memory_space<vmem>> -> memref<128xi32, #tpu.memory_space<vmem>>
      %dma_wait3A_313 = arith.constant 0 : i32
      %dma_wait3A_314 = arith.constant 0 : i32
      %dma_wait3A_315 = tpu.memref_slice %arg14[%dma_wait3A_313, %dma_wait3A_314] : memref<512x16xf32, #tpu.memory_space<vmem_shared>> -> memref<512x16xf32, #tpu.memory_space<vmem_shared>>
      tpu.wait_indirect_dma semaphore(%run_scoped3A_299 : memref<!tpu.dma_semaphore, #tpu.memory_space<semaphore_mem>>) src(%dma_wait3A_309 : memref<128x16xf32, #tpu.memory_space<vmem>>) dst(%dma_wait3A_315 : memref<512x16xf32, #tpu.memory_space<vmem_shared>>)
      tpu.yield
    }) : () -> ()
    %barrier3A_24 = arith.constant 0 : index
    tpu.barrier barrier_id(%barrier3A_24)
    %mul3A_25 = arith.constant 32 : i32
    %mul3A_26 = arith.muli %arg1, %mul3A_25 : i32
    "tpu.region"() ({
      %run_scoped3A_299 = tpu.sem_alloc : memref<!tpu.dma_semaphore, #tpu.memory_space<semaphore_mem>>
      %dma_start3A = arith.constant 0 : i32
      %dma_start3A_300 = tpu.memref_slice %arg14[%mul3A_26, %dma_start3A] : memref<512x16xf32, #tpu.memory_space<vmem_shared>> -> memref<32x16xf32, #tpu.memory_space<vmem_shared>>
      %dma_start3A_301 = arith.constant 0 : i32
      %dma_start3A_302 = tpu.memref_slice %arg14[%mul3A_26, %dma_start3A_301] : memref<512x16xf32, #tpu.memory_space<vmem_shared>> -> memref<32x16xf32, #tpu.memory_space<vmem_shared>>
      tpu.enqueue_dma source(%dma_start3A_302 : memref<32x16xf32, #tpu.memory_space<vmem_shared>>) target(%arg12 : memref<32x16xf32, #tpu.memory_space<vmem>>) target_semaphore(%run_scoped3A_299 : memref<!tpu.dma_semaphore, #tpu.memory_space<semaphore_mem>>)
      %dma_wait3A = arith.constant 0 : i32
      %dma_wait3A_303 = tpu.memref_slice %arg14[%mul3A_26, %dma_wait3A] : memref<512x16xf32, #tpu.memory_space<vmem_shared>> -> memref<32x16xf32, #tpu.memory_space<vmem_shared>>
      %dma_wait3A_304 = arith.constant 0 : i32
      %dma_wait3A_305 = tpu.memref_slice %arg14[%mul3A_26, %dma_wait3A_304] : memref<512x16xf32, #tpu.memory_space<vmem_shared>> -> memref<32x16xf32, #tpu.memory_space<vmem_shared>>
      tpu.wait_dma2 semaphore(%run_scoped3A_299 : memref<!tpu.dma_semaphore, #tpu.memory_space<semaphore_mem>>) src(%dma_wait3A_305 : memref<32x16xf32, #tpu.memory_space<vmem_shared>>) dst(%arg12 : memref<32x16xf32, #tpu.memory_space<vmem>>)
      tpu.yield
    }) : () -> ()
    %get3A = arith.constant 0 : index
    %get3A_27 = tpu.vector_load %arg7[%get3A] {strides = array<i32>} : memref<32xf32, #tpu.memory_space<vmem>>, vector<16xf32>,
    %get3A_28 = arith.constant 16 : index
    %get3A_29 = tpu.vector_load %arg7[%get3A_28] {strides = array<i32>} : memref<32xf32, #tpu.memory_space<vmem>>, vector<16xf32>,
    %add3A_30 = arith.constant 0 : i32
    %add3A_31 = vector.broadcast %add3A_30 : i32 to vector<16xi32>
    %add3A_32 = arith.addi %add3A_31, %iota3A : vector<16xi32>
    %broadcast_in_dim3A_33 = arith.constant 0 : i32
    %broadcast_in_dim3A_34 = vector.broadcast %broadcast_in_dim3A_33 : i32 to vector<16xi32>
    %gather3A = tpu.vector_load_idx %arg12[%add3A_32, %broadcast_in_dim3A_34] : memref<32x16xf32, #tpu.memory_space<vmem>>[vector<16xi32>, vector<16xi32>], vector<16xf32>,
    %broadcast_in_dim3A_35 = arith.constant 1 : i32
    %broadcast_in_dim3A_36 = vector.broadcast %broadcast_in_dim3A_35 : i32 to vector<16xi32>
    %gather3A_37 = tpu.vector_load_idx %arg12[%add3A_32, %broadcast_in_dim3A_36] : memref<32x16xf32, #tpu.memory_space<vmem>>[vector<16xi32>, vector<16xi32>], vector<16xf32>,
    %broadcast_in_dim3A_38 = arith.constant 2 : i32
    %broadcast_in_dim3A_39 = vector.broadcast %broadcast_in_dim3A_38 : i32 to vector<16xi32>
    %gather3A_40 = tpu.vector_load_idx %arg12[%add3A_32, %broadcast_in_dim3A_39] : memref<32x16xf32, #tpu.memory_space<vmem>>[vector<16xi32>, vector<16xi32>], vector<16xf32>,
    %broadcast_in_dim3A_41 = arith.constant 3 : i32
    %broadcast_in_dim3A_42 = vector.broadcast %broadcast_in_dim3A_41 : i32 to vector<16xi32>
    %gather3A_43 = tpu.vector_load_idx %arg12[%add3A_32, %broadcast_in_dim3A_42] : memref<32x16xf32, #tpu.memory_space<vmem>>[vector<16xi32>, vector<16xi32>], vector<16xf32>,
    %broadcast_in_dim3A_44 = arith.constant 4 : i32
    %broadcast_in_dim3A_45 = vector.broadcast %broadcast_in_dim3A_44 : i32 to vector<16xi32>
    %gather3A_46 = tpu.vector_load_idx %arg12[%add3A_32, %broadcast_in_dim3A_45] : memref<32x16xf32, #tpu.memory_space<vmem>>[vector<16xi32>, vector<16xi32>], vector<16xf32>,
    %broadcast_in_dim3A_47 = arith.constant 5 : i32
    %broadcast_in_dim3A_48 = vector.broadcast %broadcast_in_dim3A_47 : i32 to vector<16xi32>
    %gather3A_49 = tpu.vector_load_idx %arg12[%add3A_32, %broadcast_in_dim3A_48] : memref<32x16xf32, #tpu.memory_space<vmem>>[vector<16xi32>, vector<16xi32>], vector<16xf32>,
    %broadcast_in_dim3A_50 = arith.constant 6 : i32
    %broadcast_in_dim3A_51 = vector.broadcast %broadcast_in_dim3A_50 : i32 to vector<16xi32>
    %gather3A_52 = tpu.vector_load_idx %arg12[%add3A_32, %broadcast_in_dim3A_51] : memref<32x16xf32, #tpu.memory_space<vmem>>[vector<16xi32>, vector<16xi32>], vector<16xf32>,
    %broadcast_in_dim3A_53 = arith.constant 7 : i32
    %broadcast_in_dim3A_54 = vector.broadcast %broadcast_in_dim3A_53 : i32 to vector<16xi32>
    %gather3A_55 = tpu.vector_load_idx %arg12[%add3A_32, %broadcast_in_dim3A_54] : memref<32x16xf32, #tpu.memory_space<vmem>>[vector<16xi32>, vector<16xi32>], vector<16xf32>,
    %broadcast_in_dim3A_56 = arith.constant 8 : i32
    %broadcast_in_dim3A_57 = vector.broadcast %broadcast_in_dim3A_56 : i32 to vector<16xi32>
    %gather3A_58 = tpu.vector_load_idx %arg12[%add3A_32, %broadcast_in_dim3A_57] : memref<32x16xf32, #tpu.memory_space<vmem>>[vector<16xi32>, vector<16xi32>], vector<16xf32>,
    %broadcast_in_dim3A_59 = arith.constant 9 : i32
    %broadcast_in_dim3A_60 = vector.broadcast %broadcast_in_dim3A_59 : i32 to vector<16xi32>
    %gather3A_61 = tpu.vector_load_idx %arg12[%add3A_32, %broadcast_in_dim3A_60] : memref<32x16xf32, #tpu.memory_space<vmem>>[vector<16xi32>, vector<16xi32>], vector<16xf32>,
    %slice3A = vector.extract_strided_slice %get3A_27 {offsets = [0], sizes = [1], strides = [1]} : vector<16xf32> to vector<1xf32>
    %squeeze3A = vector.extract %slice3A[0] : f32 from vector<1xf32>
    %mul3A_62 = vector.broadcast %squeeze3A : f32 to vector<16xf32>
    %mul3A_63 = arith.mulf %gather3A, %mul3A_62 : vector<16xf32>
    %slice3A_64 = vector.extract_strided_slice %get3A_27 {offsets = [10], sizes = [1], strides = [1]} : vector<16xf32> to vector<1xf32>
    %squeeze3A_65 = vector.extract %slice3A_64[0] : f32 from vector<1xf32>
    %mul3A_66 = vector.broadcast %squeeze3A_65 : f32 to vector<16xf32>
    %mul3A_67 = arith.mulf %gather3A, %mul3A_66 : vector<16xf32>
    %slice3A_68 = vector.extract_strided_slice %get3A_27 {offsets = [1], sizes = [1], strides = [1]} : vector<16xf32> to vector<1xf32>
    %squeeze3A_69 = vector.extract %slice3A_68[0] : f32 from vector<1xf32>
    %mul3A_70 = vector.broadcast %squeeze3A_69 : f32 to vector<16xf32>
    %mul3A_71 = arith.mulf %gather3A_37, %mul3A_70 : vector<16xf32>
    %add3A_72 = arith.addf %mul3A_63, %mul3A_71 : vector<16xf32>
    %slice3A_73 = vector.extract_strided_slice %get3A_27 {offsets = [11], sizes = [1], strides = [1]} : vector<16xf32> to vector<1xf32>
    %squeeze3A_74 = vector.extract %slice3A_73[0] : f32 from vector<1xf32>
    %mul3A_75 = vector.broadcast %squeeze3A_74 : f32 to vector<16xf32>
    %mul3A_76 = arith.mulf %gather3A_37, %mul3A_75 : vector<16xf32>
    %add3A_77 = arith.addf %mul3A_67, %mul3A_76 : vector<16xf32>
    %slice3A_78 = vector.extract_strided_slice %get3A_27 {offsets = [2], sizes = [1], strides = [1]} : vector<16xf32> to vector<1xf32>
    %squeeze3A_79 = vector.extract %slice3A_78[0] : f32 from vector<1xf32>
    %mul3A_80 = vector.broadcast %squeeze3A_79 : f32 to vector<16xf32>
    %mul3A_81 = arith.mulf %gather3A_40, %mul3A_80 : vector<16xf32>
    %add3A_82 = arith.addf %add3A_72, %mul3A_81 : vector<16xf32>
    %slice3A_83 = vector.extract_strided_slice %get3A_27 {offsets = [12], sizes = [1], strides = [1]} : vector<16xf32> to vector<1xf32>
    %squeeze3A_84 = vector.extract %slice3A_83[0] : f32 from vector<1xf32>
    %mul3A_85 = vector.broadcast %squeeze3A_84 : f32 to vector<16xf32>
    %mul3A_86 = arith.mulf %gather3A_40, %mul3A_85 : vector<16xf32>
    %add3A_87 = arith.addf %add3A_77, %mul3A_86 : vector<16xf32>
    %slice3A_88 = vector.extract_strided_slice %get3A_27 {offsets = [3], sizes = [1], strides = [1]} : vector<16xf32> to vector<1xf32>
    %squeeze3A_89 = vector.extract %slice3A_88[0] : f32 from vector<1xf32>
    %mul3A_90 = vector.broadcast %squeeze3A_89 : f32 to vector<16xf32>
    %mul3A_91 = arith.mulf %gather3A_43, %mul3A_90 : vector<16xf32>
    %add3A_92 = arith.addf %add3A_82, %mul3A_91 : vector<16xf32>
    %slice3A_93 = vector.extract_strided_slice %get3A_27 {offsets = [13], sizes = [1], strides = [1]} : vector<16xf32> to vector<1xf32>
    %squeeze3A_94 = vector.extract %slice3A_93[0] : f32 from vector<1xf32>
    %mul3A_95 = vector.broadcast %squeeze3A_94 : f32 to vector<16xf32>
    %mul3A_96 = arith.mulf %gather3A_43, %mul3A_95 : vector<16xf32>
    %add3A_97 = arith.addf %add3A_87, %mul3A_96 : vector<16xf32>
    %slice3A_98 = vector.extract_strided_slice %get3A_27 {offsets = [4], sizes = [1], strides = [1]} : vector<16xf32> to vector<1xf32>
    %squeeze3A_99 = vector.extract %slice3A_98[0] : f32 from vector<1xf32>
    %mul3A_100 = vector.broadcast %squeeze3A_99 : f32 to vector<16xf32>
    %mul3A_101 = arith.mulf %gather3A_46, %mul3A_100 : vector<16xf32>
    %add3A_102 = arith.addf %add3A_92, %mul3A_101 : vector<16xf32>
    %slice3A_103 = vector.extract_strided_slice %get3A_27 {offsets = [14], sizes = [1], strides = [1]} : vector<16xf32> to vector<1xf32>
    %squeeze3A_104 = vector.extract %slice3A_103[0] : f32 from vector<1xf32>
    %mul3A_105 = vector.broadcast %squeeze3A_104 : f32 to vector<16xf32>
    %mul3A_106 = arith.mulf %gather3A_46, %mul3A_105 : vector<16xf32>
    %add3A_107 = arith.addf %add3A_97, %mul3A_106 : vector<16xf32>
    %slice3A_108 = vector.extract_strided_slice %get3A_27 {offsets = [5], sizes = [1], strides = [1]} : vector<16xf32> to vector<1xf32>
    %squeeze3A_109 = vector.extract %slice3A_108[0] : f32 from vector<1xf32>
    %mul3A_110 = vector.broadcast %squeeze3A_109 : f32 to vector<16xf32>
    %mul3A_111 = arith.mulf %gather3A_49, %mul3A_110 : vector<16xf32>
    %add3A_112 = arith.addf %add3A_102, %mul3A_111 : vector<16xf32>
    %slice3A_113 = vector.extract_strided_slice %get3A_27 {offsets = [15], sizes = [1], strides = [1]} : vector<16xf32> to vector<1xf32>
    %squeeze3A_114 = vector.extract %slice3A_113[0] : f32 from vector<1xf32>
    %mul3A_115 = vector.broadcast %squeeze3A_114 : f32 to vector<16xf32>
    %mul3A_116 = arith.mulf %gather3A_49, %mul3A_115 : vector<16xf32>
    %add3A_117 = arith.addf %add3A_107, %mul3A_116 : vector<16xf32>
    %slice3A_118 = vector.extract_strided_slice %get3A_27 {offsets = [6], sizes = [1], strides = [1]} : vector<16xf32> to vector<1xf32>
    %squeeze3A_119 = vector.extract %slice3A_118[0] : f32 from vector<1xf32>
    %mul3A_120 = vector.broadcast %squeeze3A_119 : f32 to vector<16xf32>
    %mul3A_121 = arith.mulf %gather3A_52, %mul3A_120 : vector<16xf32>
    %add3A_122 = arith.addf %add3A_112, %mul3A_121 : vector<16xf32>
    %slice3A_123 = vector.extract_strided_slice %get3A_29 {offsets = [0], sizes = [1], strides = [1]} : vector<16xf32> to vector<1xf32>
    %squeeze3A_124 = vector.extract %slice3A_123[0] : f32 from vector<1xf32>
    %mul3A_125 = vector.broadcast %squeeze3A_124 : f32 to vector<16xf32>
    %mul3A_126 = arith.mulf %gather3A_52, %mul3A_125 : vector<16xf32>
    %add3A_127 = arith.addf %add3A_117, %mul3A_126 : vector<16xf32>
    %slice3A_128 = vector.extract_strided_slice %get3A_27 {offsets = [7], sizes = [1], strides = [1]} : vector<16xf32> to vector<1xf32>
    %squeeze3A_129 = vector.extract %slice3A_128[0] : f32 from vector<1xf32>
    %mul3A_130 = vector.broadcast %squeeze3A_129 : f32 to vector<16xf32>
    %mul3A_131 = arith.mulf %gather3A_55, %mul3A_130 : vector<16xf32>
    %add3A_132 = arith.addf %add3A_122, %mul3A_131 : vector<16xf32>
    %slice3A_133 = vector.extract_strided_slice %get3A_29 {offsets = [1], sizes = [1], strides = [1]} : vector<16xf32> to vector<1xf32>
    %squeeze3A_134 = vector.extract %slice3A_133[0] : f32 from vector<1xf32>
    %mul3A_135 = vector.broadcast %squeeze3A_134 : f32 to vector<16xf32>
    %mul3A_136 = arith.mulf %gather3A_55, %mul3A_135 : vector<16xf32>
    %add3A_137 = arith.addf %add3A_127, %mul3A_136 : vector<16xf32>
    %slice3A_138 = vector.extract_strided_slice %get3A_27 {offsets = [8], sizes = [1], strides = [1]} : vector<16xf32> to vector<1xf32>
    %squeeze3A_139 = vector.extract %slice3A_138[0] : f32 from vector<1xf32>
    %mul3A_140 = vector.broadcast %squeeze3A_139 : f32 to vector<16xf32>
    %mul3A_141 = arith.mulf %gather3A_58, %mul3A_140 : vector<16xf32>
    %add3A_142 = arith.addf %add3A_132, %mul3A_141 : vector<16xf32>
    %slice3A_143 = vector.extract_strided_slice %get3A_29 {offsets = [2], sizes = [1], strides = [1]} : vector<16xf32> to vector<1xf32>
    %squeeze3A_144 = vector.extract %slice3A_143[0] : f32 from vector<1xf32>
    %mul3A_145 = vector.broadcast %squeeze3A_144 : f32 to vector<16xf32>
    %mul3A_146 = arith.mulf %gather3A_58, %mul3A_145 : vector<16xf32>
    %add3A_147 = arith.addf %add3A_137, %mul3A_146 : vector<16xf32>
    %slice3A_148 = vector.extract_strided_slice %get3A_27 {offsets = [9], sizes = [1], strides = [1]} : vector<16xf32> to vector<1xf32>
    %squeeze3A_149 = vector.extract %slice3A_148[0] : f32 from vector<1xf32>
    %mul3A_150 = vector.broadcast %squeeze3A_149 : f32 to vector<16xf32>
    %mul3A_151 = arith.mulf %gather3A_61, %mul3A_150 : vector<16xf32>
    %add3A_152 = arith.addf %add3A_142, %mul3A_151 : vector<16xf32>
    %slice3A_153 = vector.extract_strided_slice %get3A_29 {offsets = [3], sizes = [1], strides = [1]} : vector<16xf32> to vector<1xf32>
    %squeeze3A_154 = vector.extract %slice3A_153[0] : f32 from vector<1xf32>
    %mul3A_155 = vector.broadcast %squeeze3A_154 : f32 to vector<16xf32>
    %mul3A_156 = arith.mulf %gather3A_61, %mul3A_155 : vector<16xf32>
    %add3A_157 = arith.addf %add3A_147, %mul3A_156 : vector<16xf32>
    %broadcast_in_dim3A_158 = arith.constant 0 : i32
    %broadcast_in_dim3A_159 = vector.broadcast %broadcast_in_dim3A_158 : i32 to vector<16xi32>
    tpu.vector_store_idx %arg13[%add3A_32, %broadcast_in_dim3A_159], %add3A_152 : memref<32x2xf32, #tpu.memory_space<vmem>>[vector<16xi32>, vector<16xi32>], vector<16xf32>,
    %broadcast_in_dim3A_160 = arith.constant 1 : i32
    %broadcast_in_dim3A_161 = vector.broadcast %broadcast_in_dim3A_160 : i32 to vector<16xi32>
    tpu.vector_store_idx %arg13[%add3A_32, %broadcast_in_dim3A_161], %add3A_157 : memref<32x2xf32, #tpu.memory_space<vmem>>[vector<16xi32>, vector<16xi32>], vector<16xf32>,
    %add3A_162 = arith.constant 16 : i32
    %add3A_163 = vector.broadcast %add3A_162 : i32 to vector<16xi32>
    %add3A_164 = arith.addi %add3A_163, %iota3A : vector<16xi32>
    %broadcast_in_dim3A_165 = arith.constant 0 : i32
    %broadcast_in_dim3A_166 = vector.broadcast %broadcast_in_dim3A_165 : i32 to vector<16xi32>
    %gather3A_167 = tpu.vector_load_idx %arg12[%add3A_164, %broadcast_in_dim3A_166] : memref<32x16xf32, #tpu.memory_space<vmem>>[vector<16xi32>, vector<16xi32>], vector<16xf32>,
    %broadcast_in_dim3A_168 = arith.constant 1 : i32
    %broadcast_in_dim3A_169 = vector.broadcast %broadcast_in_dim3A_168 : i32 to vector<16xi32>
    %gather3A_170 = tpu.vector_load_idx %arg12[%add3A_164, %broadcast_in_dim3A_169] : memref<32x16xf32, #tpu.memory_space<vmem>>[vector<16xi32>, vector<16xi32>], vector<16xf32>,
    %broadcast_in_dim3A_171 = arith.constant 2 : i32
    %broadcast_in_dim3A_172 = vector.broadcast %broadcast_in_dim3A_171 : i32 to vector<16xi32>
    %gather3A_173 = tpu.vector_load_idx %arg12[%add3A_164, %broadcast_in_dim3A_172] : memref<32x16xf32, #tpu.memory_space<vmem>>[vector<16xi32>, vector<16xi32>], vector<16xf32>,
    %broadcast_in_dim3A_174 = arith.constant 3 : i32
    %broadcast_in_dim3A_175 = vector.broadcast %broadcast_in_dim3A_174 : i32 to vector<16xi32>
    %gather3A_176 = tpu.vector_load_idx %arg12[%add3A_164, %broadcast_in_dim3A_175] : memref<32x16xf32, #tpu.memory_space<vmem>>[vector<16xi32>, vector<16xi32>], vector<16xf32>,
    %broadcast_in_dim3A_177 = arith.constant 4 : i32
    %broadcast_in_dim3A_178 = vector.broadcast %broadcast_in_dim3A_177 : i32 to vector<16xi32>
    %gather3A_179 = tpu.vector_load_idx %arg12[%add3A_164, %broadcast_in_dim3A_178] : memref<32x16xf32, #tpu.memory_space<vmem>>[vector<16xi32>, vector<16xi32>], vector<16xf32>,
    %broadcast_in_dim3A_180 = arith.constant 5 : i32
    %broadcast_in_dim3A_181 = vector.broadcast %broadcast_in_dim3A_180 : i32 to vector<16xi32>
    %gather3A_182 = tpu.vector_load_idx %arg12[%add3A_164, %broadcast_in_dim3A_181] : memref<32x16xf32, #tpu.memory_space<vmem>>[vector<16xi32>, vector<16xi32>], vector<16xf32>,
    %broadcast_in_dim3A_183 = arith.constant 6 : i32
    %broadcast_in_dim3A_184 = vector.broadcast %broadcast_in_dim3A_183 : i32 to vector<16xi32>
    %gather3A_185 = tpu.vector_load_idx %arg12[%add3A_164, %broadcast_in_dim3A_184] : memref<32x16xf32, #tpu.memory_space<vmem>>[vector<16xi32>, vector<16xi32>], vector<16xf32>,
    %broadcast_in_dim3A_186 = arith.constant 7 : i32
    %broadcast_in_dim3A_187 = vector.broadcast %broadcast_in_dim3A_186 : i32 to vector<16xi32>
    %gather3A_188 = tpu.vector_load_idx %arg12[%add3A_164, %broadcast_in_dim3A_187] : memref<32x16xf32, #tpu.memory_space<vmem>>[vector<16xi32>, vector<16xi32>], vector<16xf32>,
    %broadcast_in_dim3A_189 = arith.constant 8 : i32
    %broadcast_in_dim3A_190 = vector.broadcast %broadcast_in_dim3A_189 : i32 to vector<16xi32>
    %gather3A_191 = tpu.vector_load_idx %arg12[%add3A_164, %broadcast_in_dim3A_190] : memref<32x16xf32, #tpu.memory_space<vmem>>[vector<16xi32>, vector<16xi32>], vector<16xf32>,
    %broadcast_in_dim3A_192 = arith.constant 9 : i32
    %broadcast_in_dim3A_193 = vector.broadcast %broadcast_in_dim3A_192 : i32 to vector<16xi32>
    %gather3A_194 = tpu.vector_load_idx %arg12[%add3A_164, %broadcast_in_dim3A_193] : memref<32x16xf32, #tpu.memory_space<vmem>>[vector<16xi32>, vector<16xi32>], vector<16xf32>,
    %slice3A_195 = vector.extract_strided_slice %get3A_27 {offsets = [0], sizes = [1], strides = [1]} : vector<16xf32> to vector<1xf32>
    %squeeze3A_196 = vector.extract %slice3A_195[0] : f32 from vector<1xf32>
    %mul3A_197 = vector.broadcast %squeeze3A_196 : f32 to vector<16xf32>
    %mul3A_198 = arith.mulf %gather3A_167, %mul3A_197 : vector<16xf32>
    %slice3A_199 = vector.extract_strided_slice %get3A_27 {offsets = [10], sizes = [1], strides = [1]} : vector<16xf32> to vector<1xf32>
    %squeeze3A_200 = vector.extract %slice3A_199[0] : f32 from vector<1xf32>
    %mul3A_201 = vector.broadcast %squeeze3A_200 : f32 to vector<16xf32>
    %mul3A_202 = arith.mulf %gather3A_167, %mul3A_201 : vector<16xf32>
    %slice3A_203 = vector.extract_strided_slice %get3A_27 {offsets = [1], sizes = [1], strides = [1]} : vector<16xf32> to vector<1xf32>
    %squeeze3A_204 = vector.extract %slice3A_203[0] : f32 from vector<1xf32>
    %mul3A_205 = vector.broadcast %squeeze3A_204 : f32 to vector<16xf32>
    %mul3A_206 = arith.mulf %gather3A_170, %mul3A_205 : vector<16xf32>
    %add3A_207 = arith.addf %mul3A_198, %mul3A_206 : vector<16xf32>
    %slice3A_208 = vector.extract_strided_slice %get3A_27 {offsets = [11], sizes = [1], strides = [1]} : vector<16xf32> to vector<1xf32>
    %squeeze3A_209 = vector.extract %slice3A_208[0] : f32 from vector<1xf32>
    %mul3A_210 = vector.broadcast %squeeze3A_209 : f32 to vector<16xf32>
    %mul3A_211 = arith.mulf %gather3A_170, %mul3A_210 : vector<16xf32>
    %add3A_212 = arith.addf %mul3A_202, %mul3A_211 : vector<16xf32>
    %slice3A_213 = vector.extract_strided_slice %get3A_27 {offsets = [2], sizes = [1], strides = [1]} : vector<16xf32> to vector<1xf32>
    %squeeze3A_214 = vector.extract %slice3A_213[0] : f32 from vector<1xf32>
    %mul3A_215 = vector.broadcast %squeeze3A_214 : f32 to vector<16xf32>
    %mul3A_216 = arith.mulf %gather3A_173, %mul3A_215 : vector<16xf32>
    %add3A_217 = arith.addf %add3A_207, %mul3A_216 : vector<16xf32>
    %slice3A_218 = vector.extract_strided_slice %get3A_27 {offsets = [12], sizes = [1], strides = [1]} : vector<16xf32> to vector<1xf32>
    %squeeze3A_219 = vector.extract %slice3A_218[0] : f32 from vector<1xf32>
    %mul3A_220 = vector.broadcast %squeeze3A_219 : f32 to vector<16xf32>
    %mul3A_221 = arith.mulf %gather3A_173, %mul3A_220 : vector<16xf32>
    %add3A_222 = arith.addf %add3A_212, %mul3A_221 : vector<16xf32>
    %slice3A_223 = vector.extract_strided_slice %get3A_27 {offsets = [3], sizes = [1], strides = [1]} : vector<16xf32> to vector<1xf32>
    %squeeze3A_224 = vector.extract %slice3A_223[0] : f32 from vector<1xf32>
    %mul3A_225 = vector.broadcast %squeeze3A_224 : f32 to vector<16xf32>
    %mul3A_226 = arith.mulf %gather3A_176, %mul3A_225 : vector<16xf32>
    %add3A_227 = arith.addf %add3A_217, %mul3A_226 : vector<16xf32>
    %slice3A_228 = vector.extract_strided_slice %get3A_27 {offsets = [13], sizes = [1], strides = [1]} : vector<16xf32> to vector<1xf32>
    %squeeze3A_229 = vector.extract %slice3A_228[0] : f32 from vector<1xf32>
    %mul3A_230 = vector.broadcast %squeeze3A_229 : f32 to vector<16xf32>
    %mul3A_231 = arith.mulf %gather3A_176, %mul3A_230 : vector<16xf32>
    %add3A_232 = arith.addf %add3A_222, %mul3A_231 : vector<16xf32>
    %slice3A_233 = vector.extract_strided_slice %get3A_27 {offsets = [4], sizes = [1], strides = [1]} : vector<16xf32> to vector<1xf32>
    %squeeze3A_234 = vector.extract %slice3A_233[0] : f32 from vector<1xf32>
    %mul3A_235 = vector.broadcast %squeeze3A_234 : f32 to vector<16xf32>
    %mul3A_236 = arith.mulf %gather3A_179, %mul3A_235 : vector<16xf32>
    %add3A_237 = arith.addf %add3A_227, %mul3A_236 : vector<16xf32>
    %slice3A_238 = vector.extract_strided_slice %get3A_27 {offsets = [14], sizes = [1], strides = [1]} : vector<16xf32> to vector<1xf32>
    %squeeze3A_239 = vector.extract %slice3A_238[0] : f32 from vector<1xf32>
    %mul3A_240 = vector.broadcast %squeeze3A_239 : f32 to vector<16xf32>
    %mul3A_241 = arith.mulf %gather3A_179, %mul3A_240 : vector<16xf32>
    %add3A_242 = arith.addf %add3A_232, %mul3A_241 : vector<16xf32>
    %slice3A_243 = vector.extract_strided_slice %get3A_27 {offsets = [5], sizes = [1], strides = [1]} : vector<16xf32> to vector<1xf32>
    %squeeze3A_244 = vector.extract %slice3A_243[0] : f32 from vector<1xf32>
    %mul3A_245 = vector.broadcast %squeeze3A_244 : f32 to vector<16xf32>
    %mul3A_246 = arith.mulf %gather3A_182, %mul3A_245 : vector<16xf32>
    %add3A_247 = arith.addf %add3A_237, %mul3A_246 : vector<16xf32>
    %slice3A_248 = vector.extract_strided_slice %get3A_27 {offsets = [15], sizes = [1], strides = [1]} : vector<16xf32> to vector<1xf32>
    %squeeze3A_249 = vector.extract %slice3A_248[0] : f32 from vector<1xf32>
    %mul3A_250 = vector.broadcast %squeeze3A_249 : f32 to vector<16xf32>
    %mul3A_251 = arith.mulf %gather3A_182, %mul3A_250 : vector<16xf32>
    %add3A_252 = arith.addf %add3A_242, %mul3A_251 : vector<16xf32>
    %slice3A_253 = vector.extract_strided_slice %get3A_27 {offsets = [6], sizes = [1], strides = [1]} : vector<16xf32> to vector<1xf32>
    %squeeze3A_254 = vector.extract %slice3A_253[0] : f32 from vector<1xf32>
    %mul3A_255 = vector.broadcast %squeeze3A_254 : f32 to vector<16xf32>
    %mul3A_256 = arith.mulf %gather3A_185, %mul3A_255 : vector<16xf32>
    %add3A_257 = arith.addf %add3A_247, %mul3A_256 : vector<16xf32>
    %slice3A_258 = vector.extract_strided_slice %get3A_29 {offsets = [0], sizes = [1], strides = [1]} : vector<16xf32> to vector<1xf32>
    %squeeze3A_259 = vector.extract %slice3A_258[0] : f32 from vector<1xf32>
    %mul3A_260 = vector.broadcast %squeeze3A_259 : f32 to vector<16xf32>
    %mul3A_261 = arith.mulf %gather3A_185, %mul3A_260 : vector<16xf32>
    %add3A_262 = arith.addf %add3A_252, %mul3A_261 : vector<16xf32>
    %slice3A_263 = vector.extract_strided_slice %get3A_27 {offsets = [7], sizes = [1], strides = [1]} : vector<16xf32> to vector<1xf32>
    %squeeze3A_264 = vector.extract %slice3A_263[0] : f32 from vector<1xf32>
    %mul3A_265 = vector.broadcast %squeeze3A_264 : f32 to vector<16xf32>
    %mul3A_266 = arith.mulf %gather3A_188, %mul3A_265 : vector<16xf32>
    %add3A_267 = arith.addf %add3A_257, %mul3A_266 : vector<16xf32>
    %slice3A_268 = vector.extract_strided_slice %get3A_29 {offsets = [1], sizes = [1], strides = [1]} : vector<16xf32> to vector<1xf32>
    %squeeze3A_269 = vector.extract %slice3A_268[0] : f32 from vector<1xf32>
    %mul3A_270 = vector.broadcast %squeeze3A_269 : f32 to vector<16xf32>
    %mul3A_271 = arith.mulf %gather3A_188, %mul3A_270 : vector<16xf32>
    %add3A_272 = arith.addf %add3A_262, %mul3A_271 : vector<16xf32>
    %slice3A_273 = vector.extract_strided_slice %get3A_27 {offsets = [8], sizes = [1], strides = [1]} : vector<16xf32> to vector<1xf32>
    %squeeze3A_274 = vector.extract %slice3A_273[0] : f32 from vector<1xf32>
    %mul3A_275 = vector.broadcast %squeeze3A_274 : f32 to vector<16xf32>
    %mul3A_276 = arith.mulf %gather3A_191, %mul3A_275 : vector<16xf32>
    %add3A_277 = arith.addf %add3A_267, %mul3A_276 : vector<16xf32>
    %slice3A_278 = vector.extract_strided_slice %get3A_29 {offsets = [2], sizes = [1], strides = [1]} : vector<16xf32> to vector<1xf32>
    %squeeze3A_279 = vector.extract %slice3A_278[0] : f32 from vector<1xf32>
    %mul3A_280 = vector.broadcast %squeeze3A_279 : f32 to vector<16xf32>
    %mul3A_281 = arith.mulf %gather3A_191, %mul3A_280 : vector<16xf32>
    %add3A_282 = arith.addf %add3A_272, %mul3A_281 : vector<16xf32>
    %slice3A_283 = vector.extract_strided_slice %get3A_27 {offsets = [9], sizes = [1], strides = [1]} : vector<16xf32> to vector<1xf32>
    %squeeze3A_284 = vector.extract %slice3A_283[0] : f32 from vector<1xf32>
    %mul3A_285 = vector.broadcast %squeeze3A_284 : f32 to vector<16xf32>
    %mul3A_286 = arith.mulf %gather3A_194, %mul3A_285 : vector<16xf32>
    %add3A_287 = arith.addf %add3A_277, %mul3A_286 : vector<16xf32>
    %slice3A_288 = vector.extract_strided_slice %get3A_29 {offsets = [3], sizes = [1], strides = [1]} : vector<16xf32> to vector<1xf32>
    %squeeze3A_289 = vector.extract %slice3A_288[0] : f32 from vector<1xf32>
    %mul3A_290 = vector.broadcast %squeeze3A_289 : f32 to vector<16xf32>
    %mul3A_291 = arith.mulf %gather3A_194, %mul3A_290 : vector<16xf32>
    %add3A_292 = arith.addf %add3A_282, %mul3A_291 : vector<16xf32>
    %broadcast_in_dim3A_293 = arith.constant 0 : i32
    %broadcast_in_dim3A_294 = vector.broadcast %broadcast_in_dim3A_293 : i32 to vector<16xi32>
    tpu.vector_store_idx %arg13[%add3A_164, %broadcast_in_dim3A_294], %add3A_287 : memref<32x2xf32, #tpu.memory_space<vmem>>[vector<16xi32>, vector<16xi32>], vector<16xf32>,
    %broadcast_in_dim3A_295 = arith.constant 1 : i32
    %broadcast_in_dim3A_296 = vector.broadcast %broadcast_in_dim3A_295 : i32 to vector<16xi32>
    tpu.vector_store_idx %arg13[%add3A_164, %broadcast_in_dim3A_296], %add3A_292 : memref<32x2xf32, #tpu.memory_space<vmem>>[vector<16xi32>, vector<16xi32>], vector<16xf32>,
    %mul3A_297 = arith.constant 32 : i32
    %mul3A_298 = arith.muli %arg1, %mul3A_297 : i32
    "tpu.region"() ({
      %run_scoped3A_299 = tpu.sem_alloc : memref<!tpu.dma_semaphore, #tpu.memory_space<semaphore_mem>>
      %dma_start3A = arith.constant 0 : i32
      %dma_start3A_300 = tpu.memref_slice %arg6[%arg0, %mul3A_298, %dma_start3A] : memref<2x512x2xf32, #tpu.memory_space<hbm>> -> memref<1x32x2xf32, #tpu.memory_space<hbm>>
      %dma_start3A_301 = tpu.memref_squeeze %dma_start3A_300 : memref<1x32x2xf32, #tpu.memory_space<hbm>> -> memref<32x2xf32, #tpu.memory_space<hbm>>
      %dma_start3A_302 = arith.constant 0 : i32
      %dma_start3A_303 = tpu.memref_slice %arg6[%arg0, %mul3A_298, %dma_start3A_302] : memref<2x512x2xf32, #tpu.memory_space<hbm>> -> memref<1x32x2xf32, #tpu.memory_space<hbm>>
      %dma_start3A_304 = tpu.memref_squeeze %dma_start3A_303 : memref<1x32x2xf32, #tpu.memory_space<hbm>> -> memref<32x2xf32, #tpu.memory_space<hbm>>
      tpu.enqueue_dma source(%arg13 : memref<32x2xf32, #tpu.memory_space<vmem>>) target(%dma_start3A_304 : memref<32x2xf32, #tpu.memory_space<hbm>>) target_semaphore(%run_scoped3A_299 : memref<!tpu.dma_semaphore, #tpu.memory_space<semaphore_mem>>)
      %dma_wait3A = arith.constant 0 : i32
      %dma_wait3A_305 = tpu.memref_slice %arg6[%arg0, %mul3A_298, %dma_wait3A] : memref<2x512x2xf32, #tpu.memory_space<hbm>> -> memref<1x32x2xf32, #tpu.memory_space<hbm>>
      %dma_wait3A_306 = tpu.memref_squeeze %dma_wait3A_305 : memref<1x32x2xf32, #tpu.memory_space<hbm>> -> memref<32x2xf32, #tpu.memory_space<hbm>>
      %dma_wait3A_307 = arith.constant 0 : i32
      %dma_wait3A_308 = tpu.memref_slice %arg6[%arg0, %mul3A_298, %dma_wait3A_307] : memref<2x512x2xf32, #tpu.memory_space<hbm>> -> memref<1x32x2xf32, #tpu.memory_space<hbm>>
      %dma_wait3A_309 = tpu.memref_squeeze %dma_wait3A_308 : memref<1x32x2xf32, #tpu.memory_space<hbm>> -> memref<32x2xf32, #tpu.memory_space<hbm>>
      tpu.wait_dma2 semaphore(%run_scoped3A_299 : memref<!tpu.dma_semaphore, #tpu.memory_space<semaphore_mem>>) src(%arg13 : memref<32x2xf32, #tpu.memory_space<vmem>>) dst(%dma_wait3A_309 : memref<32x2xf32, #tpu.memory_space<hbm>>)
      tpu.yield
    }) : () -> ()
    return
  }
}

</mosaic_0001>

<sc_bundles>
// kernel: closed_call.6.cloned.1.call-start
scs
__scs_entry_jumppad:
0x0: {  	(pc) =	sbr.rel $0x88, $3  }
0x1: {  	(tag) =	ssettag $0x0;
	lr =	simm.s32 $0x1  }
0x2: {  	[smem:$0x3F99] =	sst lr;
	_ =	strace $0xD0000000  }
0x3: {  	_ = 	snop  }
0x4: {  	_ = 	snop  }
0x5: {  	_ = 	snop  }
0x6: {  	_ = 	snop  }
0x7: {  	_ = 	snop  }
__scs_overlays_trampoline_lowered:
0x8: {  	[smem:$0x3FA8] =	sst s0  }
0x9: {  	[smem:$0x3FA9] =	sst s1  }
0xa: {  	[smem:$0x3FAA] =	sst s2  }
0xb: {  	[smem:$0x3FAB] =	sst s3  }
0xc: {  	[smem:$0x3FAC] =	sst s4  }
0xd: {  	[smem:$0x3FAD] =	sst s5  }
0xe: {  	[smem:$0x3FAE] =	sst s6  }
0xf: {  	[smem:$0x3FAF] =	sst s7  }
0x10: {  	[smem:$0x3FB0] =	sst s8  }
0x11: {  	[smem:$0x3FB1] =	sst s9;
	s0 =	simm.s32 @!p0 $0x0  }
0x12: {  	s1 =	sld [smem:$0x3F97];
	s0 =	simm.s32 @p0 $0x1  }
0x13: {  	[smem:$0x3FB2] =	sst s0;
	s0 =	simm.s32 @!p1 $0x0  }
0x14: {  	s2 =	sld [smem:$0x3F96];
	s0 =	simm.s32 @p1 $0x1  }
0x15: {  	[smem:$0x3FB3] =	sst s0;
	s0 =	simm.s32 @!p2 $0x0  }
0x16: {  	s3 =	sld [smem:$0x3FDB];
	s0 =	simm.s32 @p2 $0x1  }
0x17: {  	s4 =	simm.s32 $0x1BF5;
	[smem:$0x3FB5] =	sst s0  }
0x18: {  	s0 =	sld [smem:$0x3F98];
	_ =	swait.ge [sflag:s4], $0x0  }
0x19: {  	s7 =	sld [smem:$0x3F99]  }
0x1a: {  	s8 =	sadd.s32 $0xFFFFE003, lr  }
0x1b: {  	s9 =	sadd.s32 $0xFFFFFEF7, lr;
	s5 =	simm.s32 $0xFFFFFFFF;
	p2 =	slt.u32 s8, $0xFFFFF086  }
0x1c: {  	p1 =	slt.u32 s9, $0xF7A;
	s5 =	simm.s32 @!p2 $0x0  }
0x1d: {  	s5 =	simm.s32 @p1 $0x1;
	p0 =	seq.s32 s7, s2  }
0x1e: {  	s7 =	smul.u32 @!p0 $0xF7A, s2;
	p2 =	seq.s32 @!p0 s5, $0x0  }
0x1f: {  	s9 =	smul.u32 $0xF7A, s1;
	s8 =	simm.s32 @!p0 $0x1BF5;
	p2 =	por !p2, p0  }
0x20: {  	[sflag:s8] =	ssyncset.s32 @!p0 $0xFFFFF086;
	s6 =	sadd.s32 @!p0 s3, s7;
	s7 =	simm.s32 @!p0 $0x108  }
0x21: {  	s3 =	sadd.s32 s3, s9;
	s6 =	sadd.s32 @!p0 $0x88, s6;
	s7 =	simm.s32 @p2 $0x1082  }
0x22: {  	[simem:s7], [sflag:s8] =	dma.local @!p0 [hbm:s6], $0xF7A  }
0x23: {  	s9 =	sor.u32 $0xD0000000, s2;
	s6 =	simm.s32 $0x108;
	_ =	swait.ge @!p0 [sflag:s8], $0x0  }
0x24: {  	s3 =	sadd.s32 $0x88, s3;
	s6 =	simm.s32 @!p1 $0x1082;
	[sflag:s4] =	ssyncset.s32 $0xFFFFF086  }
0x25: {  	[simem:s6], [sflag:s4] =	dma.local [hbm:s3], $0xF7A  }
0x26: {  	[smem:$0x3F99] =	sst s1;
	(tag) =	ssettag s2;
	_ =	strace s9  }
0x27: {  	s1 =	sld [smem:$0x3FA9]  }
0x28: {  	s2 =	sld [smem:$0x3FAA]  }
0x29: {  	s4 =	sld [smem:$0x3FAC]  }
0x2a: {  	p0 =	seq.s32 s5, $0x0;
	s5 =	sld [smem:$0x3FAD]  }
0x2b: {  	s6 =	sld [smem:$0x3FAE]  }
0x2c: {  	s7 =	sld [smem:$0x3FAF]  }
0x2d: {  	s3 =	simm.s32 $0x108;
	s8 =	sld [smem:$0x3FB0]  }
0x2e: {  	s3 =	simm.s32 @!p0 $0x1082;
	s9 =	sld [smem:$0x3FB1]  }
0x2f: {  	lr =	sadd.s32 s0, s3;
	s0 =	sld [smem:$0x3FA8]  }
0x30: {  	s3 =	sld [smem:$0x3FAB]  }
0x31: {  	[smem:$0x3FB4] =	sst s10  }
0x32: {  	s10 =	sld [smem:$0x3FB2];
	_ =	sdelay $0x3  }
0x33: {  	p0 =	seq.s32 s10, $0x1;
	s10 =	sld [smem:$0x3FB4];
	_ =	sdelay $0x3  }
0x34: {  	[smem:$0x3FB4] =	sst s10  }
0x35: {  	s10 =	sld [smem:$0x3FB3];
	_ =	sdelay $0x3  }
0x36: {  	p1 =	seq.s32 s10, $0x1;
	s10 =	sld [smem:$0x3FB4];
	_ =	sdelay $0x3  }
0x37: {  	[smem:$0x3FB4] =	sst s10  }
0x38: {  	s10 =	sld [smem:$0x3FB5]  }
0x39: {  	_ = 	snop;
	(pc) =	sbr.ind lr, $3  }
0x3a: {  	_ = 	snop  }
0x3b: {  	_ = 	snop  }
0x3c: {  	p2 =	seq.s32 s10, $0x1;
	s10 =	sld [smem:$0x3FB4]  }
0x3d: {  	_ =	shalt  }
0x3e: {  	_ =	shalt  }
0x3f: {  	_ =	shalt  }
0x40: {  	_ =	shalt  }
0x41: {  	_ =	shalt  }
0x42: {  	_ =	shalt  }
0x43: {  	_ =	shalt  }
0x44: {  	_ =	shalt  }
0x45: {  	_ =	shalt  }
0x46: {  	_ =	shalt  }
0x47: {  	_ =	shalt  }
0x48: {  	_ =	shalt  }
0x49: {  	_ =	shalt  }
0x4a: {  	_ =	shalt  }
0x4b: {  	_ =	shalt  }
0x4c: {  	_ =	shalt  }
0x4d: {  	_ =	shalt  }
0x4e: {  	_ =	shalt  }
0x4f: {  	_ =	shalt  }
0x50: {  	_ =	shalt  }
0x51: {  	_ =	shalt  }
0x52: {  	_ =	shalt  }
0x53: {  	_ =	shalt  }
0x54: {  	_ =	shalt  }
0x55: {  	_ =	shalt  }
0x56: {  	_ =	shalt  }
0x57: {  	_ =	shalt  }
0x58: {  	_ =	shalt  }
0x59: {  	_ =	shalt  }
0x5a: {  	_ =	shalt  }
0x5b: {  	_ =	shalt  }
0x5c: {  	_ =	shalt  }
0x5d: {  	_ =	shalt  }
0x5e: {  	_ =	shalt  }
0x5f: {  	_ =	shalt  }
0x60: {  	_ =	shalt  }
0x61: {  	_ =	shalt  }
0x62: {  	_ =	shalt  }
0x63: {  	_ =	shalt  }
0x64: {  	_ =	shalt  }
0x65: {  	_ =	shalt  }
0x66: {  	_ =	shalt  }
0x67: {  	_ =	shalt  }
0x68: {  	_ =	shalt  }
0x69: {  	_ =	shalt  }
0x6a: {  	_ =	shalt  }
0x6b: {  	_ =	shalt  }
0x6c: {  	_ =	shalt  }
0x6d: {  	_ =	shalt  }
0x6e: {  	_ =	shalt  }
0x6f: {  	_ =	shalt  }
0x70: {  	_ =	shalt  }
0x71: {  	_ =	shalt  }
0x72: {  	_ =	shalt  }
0x73: {  	_ =	shalt  }
0x74: {  	_ =	shalt  }
0x75: {  	_ =	shalt  }
0x76: {  	_ =	shalt  }
0x77: {  	_ =	shalt  }
0x78: {  	_ =	shalt  }
0x79: {  	_ =	shalt  }
0x7a: {  	_ =	shalt  }
0x7b: {  	_ =	shalt  }
0x7c: {  	_ =	shalt  }
0x7d: {  	_ =	shalt  }
0x7e: {  	_ =	shalt  }
0x7f: {  	_ =	shalt  }
0x80: {  	_ =	shalt  }
0x81: {  	_ =	shalt  }
0x82: {  	_ =	shalt  }
0x83: {  	_ =	shalt  }
0x84: {  	_ =	shalt  }
0x85: {  	_ =	shalt  }
0x86: {  	_ =	shalt  }
0x87: {  	_ =	shalt  }
.Lfunc_end0:
.L_simem_size_0:
called_computation_lowered:
.L_overlay_start_0:
0x88: {  	s2 =	sld [smem:$0x3FD9]  }
0x89: {  	s3 =	sld [smem:$0x3FFE];
	_ =	sdelay $0x1  }
0x8a: {  	s1 =	srdreg.scid  }
0x8b: {  	s0 =	sand.u32 $0x1, s1  }
0x8c: {  	s16 =	sshll.u32 s0, $0xA;
	s2 =	sadd.s32 s3, s2  }
0x8d: {  	s2 =	sadd.s32 s2, s16  }
0x8e: {  	[smem:$0x3FC0] =	sst s2  }
0x8f: {  	_ = 	snop  }
0x90: {  	(tm) =	ssettm $0x1  }
0x91: {  	s17 =	sld [smem:$0x3FFB];
	_ =	sdelay $0x3  }
0x92: {  	_ =	strace s17  }
0x93: {  	s2 =	sld [smem:$0x3FFC];
	_ =	sdelay $0x3  }
0x94: {  	_ =	strace s2  }
0x95: {  	s2 =	sld [smem:$0x3FFD];
	_ =	sdelay $0x3  }
0x96: {  	_ =	strace s2  }
0x97: {  	_ =	strace $0x8FFFFFFF  }
0x98: {  	s18 =	sld [smem:$0x3FDB];
	_ =	sdelay $0x1  }
0x99: {  	s19 =	simm.s32 $_scs_section_size  }
0x9a: {  	s4 =	simm.s32 $_size__tile_overlayer_lowered;
	s5 =	simm.s32 $_tile_overlayer_lowered  }
0x9b: {  	s22 =	simm.s32 $0x1BFF;
	s21 =	sshll.u32 s5, $0x1;
	s2 =	sadd.s32 s19, s18  }
0x9c: {  	s6 =	simm.s32 $0x0;
	s20 =	sshll.u32 s4, $0x1;
	s4 =	sadd.s32 s21, s2  }
0x9d: {  	[timem:s6], [sflag:s22] =	dma.local [hbm:s4], s20  }
0x9e: {  	_ =	swait.ge [sflag:s22], s20  }
0x9f: {  	s3 =	ssub.s32 $0x0, s20;
	[sflag:s22] =	ssyncset.done $0x0  }
0xa0: {  	[sflag:s22] =	ssyncadd.s32 s3;
	_ =	sdelay $0x1  }
0xa1: {  	s23 =	simm.s32 $0x1B8B  }
0xa2: {  	_ =	swait.ge [sflag:s23], $0x1  }
0xa3: {  	[sflag:s23] =	ssyncset.done $0x0  }
0xa4: {  	s25 =	simm.s32 $0x1B8E;
	s24 =	sld [smem:$0x3FFE];
	[sflag:s23] =	ssyncadd.s32 $0xFFFFFFFF  }
0xa5: {  	s26 =	simm.s32 $execute0_lowered;
	[smem:$0x3FD2] =	sst s25  }
0xa6: {  	s4 =	sshll.u32 s26, $0x1;
	_ =	strace $0x80000049;
	[dreg:$0x1] =	wrdreg $0xFFFFFFFF  }
0xa7: {  	s28 =	simm.s32 $_size_execute0_lowered;
	s2 =	sadd.s32 s2, s4;
	[dreg:$0x0] =	wrdreg $0x0  }
0xa8: {  	s4 =	sshll.u32 s28, $0x1;
	[dreg:$0x2] =	wrdreg s2  }
0xa9: {  	[dreg:$0x3] =	wrdreg s4  }
0xaa: {  	[dreg:$0x4] =	wrdreg $0xC0  }
0xab: {  	_ =	task [dreg:s6], $0x5FFFF  }
0xac: {  	[dreg:$0x1] =	wrdreg $0xFFFFFFFF  }
0xad: {  	[dreg:$0x0] =	wrdreg $0x60  }
0xae: {  	[dreg:$0x2] =	wrdreg s24  }
0xaf: {  	[dreg:$0x3] =	wrdreg $0xD8C00  }
0xb0: {  	[dreg:$0x4] =	wrdreg $0x9  }
0xb1: {  	_ =	task.clear_ibuf [dreg:s6], $0x5FFFF;
	_ =	strace $0x90000049  }
0xb2: {  	s29 =	simm.s32 $0x9;
	_ =	strace $0x8000004B  }
0xb3: {  	_ =	swait.ge [sflag:s29], $0x1  }
0xb4: {  	[sflag:s29] =	ssyncadd.s32 $0xFFFFFFFF  }
0xb5: {  	_ =	strace $0x9000004B  }
0xb6: {  	_ =	sfence  }
0xb7: {  	s30 =	sld [smem:$0x0];
	_ =	sdelay $0x2  }
0xb8: {  	s31 =	sshll.u32 s1, $0xD;
	s1 =	sshrl.u32 s1, $0x2  }
0xb9: {  	s3 =	sand.u32 $0x4000, s31;
	s1 =	sadd.s32 s1, s30  }
0xba: {  	s0 =	sor.u32 s3, s0;
	s1 =	sshll.u32 s1, $0x11  }
0xbb: {  	s0 =	sor.u32 s1, s0  }
0xbc: {  	s0 =	sadd.s32 $0x8F2B, s0  }
0xbd: {  	[sflag:s0] =	ssyncadd.remote.s32 $0x1  }
0xbe: {  	_ =	sfence.sel $0xFFFF  }
0xbf: {  	[dreg:$0x0] =	wrdreg $0xFFFFFFFF;
	(pc) =	sbr.abs _section_cstart, $3  }
0xc0: {  	[dreg:$0x1] =	wrdreg $0xFFFFFFFF  }
0xc1: {  	_ =	task.clear_ibuf [dreg:s6], $0x2FFFF;
	_ =	strace $0x9FFFFFFF  }
0xc2: {  	(tm) =	ssettm $0x7FFFFFFF  }
0xc3: {  	_ =	shalt  }
tec
execute0_lowered:
.L_overlay_start_1:
0x0: {  	(tag) =	ssettag $0x1  }
0x1: {  	s0 =	rddreg [dreg:$0x0];
	s10 =	stileid.u32  }
0x2: {  	s1 =	srdreg.scid;
	s2 =	rddreg [dreg:$0x1]  }
0x3: {  	s3 =	simm.s32 $0x0;
	s12 =	simm.s32 $0x2;
	s15 =	simm.s32 $0xC0  }
0x4: {  	s16 =	simm.s32 $0x3;
	s17 =	simm.s32 $0x8C0;
	s30 =	simm.s32 $0x1  }
0x5: {  	s31 =	simm.s32 $0x58C0;
	s28 =	simm.s32 $0xDC0;
	s29 =	simm.s32 $0xA8C0  }
0x6: {  	s13 =	simm.s32 $0xD0C0;
	s5 =	smul.u32 $0xC400, s10;
	s1 =	sand.u32 $0x1, s1  }
0x7: {  	[smem:$0x7FF] =	sst s3;
	s7 =	smul.u32 $0xC40, s10;
	s4 =	sadd.s32 $0x499800, s0  }
0x8: {  	s9 =	smul.u32 $0x31000, s10;
	s11 =	sadd.s32 $0xC5600, s0;
	s26 =	sshll.u32 s10, $0x6  }
0x9: {  	s10 =	simm.s32 $0xC8C0;
	s6 =	smul.u32 $0xC400, s1;
	_ =	strace $0x8000004A  }
0xa: {  	s18 =	ssub.s32 $0x2, s1;
	[dreg:$0x3] =	wrdreg s11;
	p0 =	seq.s32 s1, $0x0  }
0xb: {  	s1 =	simm.s32 $0x24D800;
	s11 =	simm.s32 $0x1040;
	s5 =	sadd.s32 s5, s0  }
0xc: {  	s8 =	sshrl.u32 s18, $0x1;
	s20 =	sshrl.u32 s9, $0x2;
	s1 =	simm.s32 @!p0 $0x189800  }
0xd: {  	s9 =	simm.s32 $0xFC0;
	s6 =	sadd.s32 s7, s6;
	s19 =	ssub.s32 s18, s8  }
0xe: {  	s7 =	sadd.s32 s20, s2;
	s23 =	sadd.s32 s1, s5;
	s24 =	sadd.s32 $0x1600, s5  }
0xf: {  	s25 =	sadd.s32 $0xC5800, s5;
	s18 =	sor.u32 $0x1C02, s26;
	s20 =	simm.s32 $0x18C0  }
0x10: {  	s26 =	simm.s32 $0xA0C0;
	s1 =	simm.s32 $0xE40;
	[dreg:$0x7] =	wrdreg s23  }
0x11: {  	s5 =	simm.s32 $0xEC0;
	s8 =	simm.s32 $0xC0C0;
	[dreg:$0x8] =	wrdreg s24  }
0x12: {  	s6 =	sshll.u32 s6, $0x1;
	s22 =	smax.u32 s19, $0x1;
	[dreg:$0x9] =	wrdreg s25  }
.Ltmp0:
0x13: {  	[dreg:$0xa] =	wrdreg s18;
	s0 =	sadd.s32 s6, s0;
	(pc) =	sbr.rel .LBB2_1-.Ltmp0, $4  }
0x14: {  	v0 =	vimm.s32 $0x3020100;
	s19 =	simm.s32 $0x80;
	[dreg:$0x6] =	wrdreg s22;
	s21 =	sadd.s32 $0x7A9800, s0  }
0x15: {  	v0 =	vunpack.c.0.s8.s32 v0;
	s6 =	simm.s32 $0xB8C0;
	s0 =	sadd.s32 $0x4B2000, s0;
	[dreg:$0x4] =	wrdreg s21  }
0x16: {  	vm0 =	vcmask $0xF00;
	s22 =	simm.s32 $0x0;
	[dreg:$0x5] =	wrdreg s0;
	s21 =	sshrl.u32 s7, $0x3  }
0x17: {  	v1 =	vlaneseq.u32;
	v0 =	vnsel vm0, $0x4, v0;
	s0 =	simm.s32 $0xB0C0;
	s7 =	simm.s32 $0xF40;
	[dreg:$0xb] =	wrdreg s21  }
.LBB2_7:
0x18: {  	[bflag:$0x0] =	sbarrier.arrive $0xFFFF  }
0x19: {  	s14 =	rddreg [dreg:$0x5]  }
0x1a: {  	s18 =	rddreg [dreg:$0xa]  }
0x1b: {  	s21 =	rddreg [dreg:$0xb]  }
0x1c: {  	[hbm:s14], [sflag:s18] =	dma.local [spmem:s21], $0x1880  }
0x1d: {  	_ =	swait.ge [sflag:s12], $0x1880  }
0x1e: {  	s22 =	rddreg [dreg:$0xc]  }
0x1f: {  	s25 =	rddreg [dreg:$0x6];
	s22 =	sadd.s32 $0x1, s22  }
0x20: {  	p0 =	sne.s32 s22, s25  }
.Ltmp1:
0x21: {  	_ = 	snop;
	(pc) =	sbr.rel @!p0 .LBB2_8-.Ltmp1, $3  }
0x22: {  	_ =	sdelay $0x1  }
0x23: {  	[sflag:s12] =	ssyncset.done $0x0  }
0x24: {  	[sflag:s12] =	ssyncadd.s32 $0xFFFFE780  }
.LBB2_1:
0x25: {  	[dreg:$0xc] =	wrdreg s22  }
0x26: {  	s14 =	rddreg [dreg:$0x3]  }
0x27: {  	[tilespmem:s3], [sflag:$0x2] =	stream.linear.gather [hbm4b:s14+s3], $0xC0, $0x38;
	[tilespmem:$0x15350] =	vst v63  }
0x28: {  	_ =	swait.ge [sflag:s12], $0xC0  }
0x29: {  	[sflag:s12] =	ssyncset.done $0x0  }
0x2a: {  	s25 =	rddreg [dreg:$0x4];
	[sflag:s12] =	ssyncadd.s32 $0xFFFFFF40  }
0x2b: {  	[spmem:s21], [sflag:s18] =	dma.local [hbm:s25], $0x1880  }
0x2c: {  	_ =	swait.ge [sflag:s12], $0x1880  }
0x2d: {  	[sflag:s12] =	ssyncset.done $0x0  }
0x2e: {  	[sflag:s12] =	ssyncadd.s32 $0xFFFFE780  }
0x2f: {  	[bflag:$0x0] =	sbarrier.arrive $0xFFFF  }
0x30: {  	v2 =	vld [tilespmem:$0x0]  }
0x31: {  	v3 =	vld [tilespmem:$0x10]  }
0x32: {  	v4 =	vld [tilespmem:$0x20]  }
0x33: {  	v5 =	vld [tilespmem:$0x30]  }
0x34: {  	v6 =	vld [tilespmem:$0x40]  }
0x35: {  	v7 =	vld [tilespmem:$0x50]  }
0x36: {  	v8 =	vld [tilespmem:$0x60]  }
.Ltmp2:
0x37: {  	v9 =	vld [tilespmem:$0x70];
	(pc) =	sbr.rel .LBB2_2-.Ltmp2, $4  }
0x38: {  	v10 =	vld [tilespmem:$0x80]  }
0x39: {  	v11 =	vld [tilespmem:$0x90];
	s14 =	rddreg [dreg:$0x9]  }
0x3a: {  	v12 =	vld [tilespmem:$0xA0];
	s18 =	rddreg [dreg:$0x8]  }
0x3b: {  	s22 =	simm.s32 $0x0;
	v13 =	vld [tilespmem:$0xB0];
	s21 =	rddreg [dreg:$0x7]  }
.LBB2_6:
0x3c: {  	s22 =	sadd.s32 $0x1, s22  }
0x3d: {  	p0 =	sne.s32 s22, $0x6200  }
.Ltmp3:
0x3e: {  	_ = 	snop;
	(pc) =	sbr.rel @!p0 .LBB2_7-.Ltmp3, $2  }
0x3f: {  	_ =	sdelay $0x2  }
0x40: {  	s21 =	sadd.s32 $0x2, s21;
	s18 =	sadd.s32 $0x2, s18;
	s14 =	sadd.s32 $0x2, s14  }
.LBB2_2:
0x41: {  	s23 =	sand.u32 $0x7F, s22  }
0x42: {  	p0 =	sne.s32 s23, $0x0  }
.Ltmp4:
0x43: {  	_ = 	snop;
	(pc) =	sbr.rel @p0 .LBB2_4-.Ltmp4, $1  }
0x44: {  	_ =	sdelay $0x3  }
0x45: {  	[tilespmem:s15], [sflag:$0x3] =	stream.linear.gather [hbm4b:s14+s3], $0x800, $0x38;
	[tilespmem:$0x15350] =	vst v63  }
0x46: {  	_ =	swait.ge [sflag:s16], $0x800  }
0x47: {  	[sflag:s16] =	ssyncset.done $0x0  }
0x48: {  	[sflag:s16] =	ssyncadd.s32 $0xFFFFF800  }
0x49: {  	[tilespmem:s17], [sflag:$0x3] =	stream.linear.gather [hbm4b:s21+s3], $0x800, $0x38;
	[tilespmem:$0x15350] =	vst v63  }
0x4a: {  	_ =	swait.ge [sflag:s16], $0x800  }
0x4b: {  	[sflag:s16] =	ssyncset.done $0x0  }
0x4c: {  	s24 =	simm.s32 $0x10C0;
	[sflag:s16] =	ssyncadd.s32 $0xFFFFF800  }
0x4d: {  	[tilespmem:s24], [sflag:$0x3] =	stream.linear.gather [hbm4b:s18+s3], $0x800, $0x38;
	[tilespmem:$0x15350] =	vst v63  }
0x4e: {  	_ =	swait.ge [sflag:s16], $0x800  }
0x4f: {  	[sflag:s16] =	ssyncset.done $0x0  }
0x50: {  	[sflag:s16] =	ssyncadd.s32 $0xFFFFF800  }
0x51: {  	[tilespmem:s20], [sflag:$0x1] =	stream.indirect.gather [hbm4b:s4+s19], $0x5, s15, s19, $0xb8;
	[tilespmem:$0x15350] =	vst v63  }
0x52: {  	s25 =	simm.s32 $0x1CC0;
	s24 =	simm.s32 $0x140  }
0x53: {  	[tilespmem:s25], [sflag:$0x1] =	stream.indirect.gather [hbm4b:s4+s19], $0x5, s24, s19, $0xb8;
	[tilespmem:$0x15350] =	vst v63  }
0x54: {  	s24 =	simm.s32 $0x1C0;
	s25 =	simm.s32 $0x20C0  }
0x55: {  	[tilespmem:s25], [sflag:$0x1] =	stream.indirect.gather [hbm4b:s4+s19], $0x5, s24, s19, $0xb8;
	[tilespmem:$0x15350] =	vst v63  }
0x56: {  	s24 =	simm.s32 $0x240;
	s25 =	simm.s32 $0x24C0  }
0x57: {  	[tilespmem:s25], [sflag:$0x1] =	stream.indirect.gather [hbm4b:s4+s19], $0x5, s24, s19, $0xb8;
	[tilespmem:$0x15350] =	vst v63  }
0x58: {  	s24 =	simm.s32 $0x2C0;
	s25 =	simm.s32 $0x28C0  }
0x59: {  	[tilespmem:s25], [sflag:$0x1] =	stream.indirect.gather [hbm4b:s4+s19], $0x5, s24, s19, $0xb8;
	[tilespmem:$0x15350] =	vst v63  }
0x5a: {  	s24 =	simm.s32 $0x340;
	s25 =	simm.s32 $0x2CC0  }
0x5b: {  	[tilespmem:s25], [sflag:$0x1] =	stream.indirect.gather [hbm4b:s4+s19], $0x5, s24, s19, $0xb8;
	[tilespmem:$0x15350] =	vst v63  }
0x5c: {  	s24 =	simm.s32 $0x3C0;
	s25 =	simm.s32 $0x30C0  }
0x5d: {  	[tilespmem:s25], [sflag:$0x1] =	stream.indirect.gather [hbm4b:s4+s19], $0x5, s24, s19, $0xb8;
	[tilespmem:$0x15350] =	vst v63  }
0x5e: {  	s24 =	simm.s32 $0x440;
	s25 =	simm.s32 $0x34C0  }
0x5f: {  	[tilespmem:s25], [sflag:$0x1] =	stream.indirect.gather [hbm4b:s4+s19], $0x5, s24, s19, $0xb8;
	[tilespmem:$0x15350] =	vst v63  }
0x60: {  	s24 =	simm.s32 $0x4C0;
	s25 =	simm.s32 $0x38C0  }
0x61: {  	[tilespmem:s25], [sflag:$0x1] =	stream.indirect.gather [hbm4b:s4+s19], $0x5, s24, s19, $0xb8;
	[tilespmem:$0x15350] =	vst v63  }
0x62: {  	s24 =	simm.s32 $0x540;
	s25 =	simm.s32 $0x3CC0  }
0x63: {  	[tilespmem:s25], [sflag:$0x1] =	stream.indirect.gather [hbm4b:s4+s19], $0x5, s24, s19, $0xb8;
	[tilespmem:$0x15350] =	vst v63  }
0x64: {  	s24 =	simm.s32 $0x5C0;
	s25 =	simm.s32 $0x40C0  }
0x65: {  	[tilespmem:s25], [sflag:$0x1] =	stream.indirect.gather [hbm4b:s4+s19], $0x5, s24, s19, $0xb8;
	[tilespmem:$0x15350] =	vst v63  }
0x66: {  	s24 =	simm.s32 $0x640;
	s25 =	simm.s32 $0x44C0  }
0x67: {  	[tilespmem:s25], [sflag:$0x1] =	stream.indirect.gather [hbm4b:s4+s19], $0x5, s24, s19, $0xb8;
	[tilespmem:$0x15350] =	vst v63  }
0x68: {  	s24 =	simm.s32 $0x6C0;
	s25 =	simm.s32 $0x48C0  }
0x69: {  	[tilespmem:s25], [sflag:$0x1] =	stream.indirect.gather [hbm4b:s4+s19], $0x5, s24, s19, $0xb8;
	[tilespmem:$0x15350] =	vst v63  }
0x6a: {  	s24 =	simm.s32 $0x740;
	s25 =	simm.s32 $0x4CC0  }
0x6b: {  	[tilespmem:s25], [sflag:$0x1] =	stream.indirect.gather [hbm4b:s4+s19], $0x5, s24, s19, $0xb8;
	[tilespmem:$0x15350] =	vst v63  }
0x6c: {  	s24 =	simm.s32 $0x7C0;
	s25 =	simm.s32 $0x50C0  }
0x6d: {  	[tilespmem:s25], [sflag:$0x1] =	stream.indirect.gather [hbm4b:s4+s19], $0x5, s24, s19, $0xb8;
	[tilespmem:$0x15350] =	vst v63  }
0x6e: {  	s24 =	simm.s32 $0x840;
	s25 =	simm.s32 $0x54C0  }
0x6f: {  	[tilespmem:s25], [sflag:$0x1] =	stream.indirect.gather [hbm4b:s4+s19], $0x5, s24, s19, $0xb8;
	[tilespmem:$0x15350] =	vst v63  }
0x70: {  	_ =	swait.ge [sflag:s30], $0x280  }
0x71: {  	[sflag:s30] =	ssyncset.done $0x0  }
0x72: {  	[sflag:s30] =	ssyncadd.s32 $0xFFFFFD80  }
0x73: {  	_ =	swait.ge [sflag:s30], $0x280  }
0x74: {  	[sflag:s30] =	ssyncset.done $0x0  }
0x75: {  	[sflag:s30] =	ssyncadd.s32 $0xFFFFFD80  }
0x76: {  	_ =	swait.ge [sflag:s30], $0x280  }
0x77: {  	[sflag:s30] =	ssyncset.done $0x0  }
0x78: {  	[sflag:s30] =	ssyncadd.s32 $0xFFFFFD80  }
0x79: {  	_ =	swait.ge [sflag:s30], $0x280  }
0x7a: {  	[sflag:s30] =	ssyncset.done $0x0  }
0x7b: {  	[sflag:s30] =	ssyncadd.s32 $0xFFFFFD80  }
0x7c: {  	_ =	swait.ge [sflag:s30], $0x280  }
0x7d: {  	[sflag:s30] =	ssyncset.done $0x0  }
0x7e: {  	[sflag:s30] =	ssyncadd.s32 $0xFFFFFD80  }
0x7f: {  	_ =	swait.ge [sflag:s30], $0x280  }
0x80: {  	[sflag:s30] =	ssyncset.done $0x0  }
0x81: {  	[sflag:s30] =	ssyncadd.s32 $0xFFFFFD80  }
0x82: {  	_ =	swait.ge [sflag:s30], $0x280  }
0x83: {  	[sflag:s30] =	ssyncset.done $0x0  }
0x84: {  	[sflag:s30] =	ssyncadd.s32 $0xFFFFFD80  }
0x85: {  	_ =	swait.ge [sflag:s30], $0x280  }
0x86: {  	[sflag:s30] =	ssyncset.done $0x0  }
0x87: {  	[sflag:s30] =	ssyncadd.s32 $0xFFFFFD80  }
0x88: {  	_ =	swait.ge [sflag:s30], $0x280  }
0x89: {  	[sflag:s30] =	ssyncset.done $0x0  }
0x8a: {  	[sflag:s30] =	ssyncadd.s32 $0xFFFFFD80  }
0x8b: {  	_ =	swait.ge [sflag:s30], $0x280  }
0x8c: {  	[sflag:s30] =	ssyncset.done $0x0  }
0x8d: {  	[sflag:s30] =	ssyncadd.s32 $0xFFFFFD80  }
0x8e: {  	_ =	swait.ge [sflag:s30], $0x280  }
0x8f: {  	[sflag:s30] =	ssyncset.done $0x0  }
0x90: {  	[sflag:s30] =	ssyncadd.s32 $0xFFFFFD80  }
0x91: {  	_ =	swait.ge [sflag:s30], $0x280  }
0x92: {  	[sflag:s30] =	ssyncset.done $0x0  }
0x93: {  	[sflag:s30] =	ssyncadd.s32 $0xFFFFFD80  }
0x94: {  	_ =	swait.ge [sflag:s30], $0x280  }
0x95: {  	[sflag:s30] =	ssyncset.done $0x0  }
0x96: {  	[sflag:s30] =	ssyncadd.s32 $0xFFFFFD80  }
0x97: {  	_ =	swait.ge [sflag:s30], $0x280  }
0x98: {  	[sflag:s30] =	ssyncset.done $0x0  }
0x99: {  	[sflag:s30] =	ssyncadd.s32 $0xFFFFFD80  }
0x9a: {  	_ =	swait.ge [sflag:s30], $0x280  }
0x9b: {  	[sflag:s30] =	ssyncset.done $0x0  }
0x9c: {  	[sflag:s30] =	ssyncadd.s32 $0xFFFFFD80  }
0x9d: {  	_ =	swait.ge [sflag:s30], $0x280  }
0x9e: {  	[sflag:s30] =	ssyncset.done $0x0  }
0x9f: {  	[sflag:s30] =	ssyncadd.s32 $0xFFFFFD80  }
.LBB2_4:
0xa0: {  	s24 =	sshll.u32 s23, $0x4  }
0xa1: {  	v15 =	vmov s24  }
0xa2: {  	v14 =	vshll.u32 v15, $0x3  }
0xa3: {  	v16 =	vor.u32 v0, v14;
	_ =	sdelay $0x3  }
0xa4: {  	v14 =	vld [tilespmem:s24+$0x10C0]  }
0xa5: {  	v16 =	vld.idx.msk [tilespmem:v16+s20+$0x0], $0xffff;
	_ =	sdelay $0x3  }
0xa6: {  	v17 =	vbroadcast v14, $0x0  }
0xa7: {  	v18 =	vshll.u32 v16, $0x10  }
0xa8: {  	v17 =	vmul.f32 v17, v12;
	v19 =	vbroadcast v18, $0x0  }
0xa9: {  	v16 =	vand.u32 $0xFFFF0000, v16  }
0xaa: {  	v17 =	vadd.f32 v17, v13;
	v20 =	vbroadcast v16, $0x0;
	v19 =	vmul.f32 v19, v2;
	_ =	sdelay $0x1  }
0xab: {  	v29 =	vbroadcast v18, $0x1;
	v28 =	vmul.f32 v20, v3;
	v17 =	vadd.f32 v19, v17;
	_ =	sdelay $0x1  }
0xac: {  	v31 =	vbroadcast v16, $0x1;
	v30 =	vmul.f32 v29, v4;
	v17 =	vadd.f32 v17, v28;
	_ =	sdelay $0x1  }
0xad: {  	v33 =	vbroadcast v18, $0x2;
	v32 =	vmul.f32 v31, v5;
	v17 =	vadd.f32 v17, v30;
	_ =	sdelay $0x1  }
0xae: {  	v35 =	vbroadcast v16, $0x2;
	v34 =	vmul.f32 v33, v6;
	v17 =	vadd.f32 v17, v32;
	_ =	sdelay $0x1  }
0xaf: {  	v37 =	vbroadcast v18, $0x3;
	v36 =	vmul.f32 v35, v7;
	v17 =	vadd.f32 v17, v34;
	_ =	sdelay $0x1  }
0xb0: {  	v39 =	vbroadcast v16, $0x3;
	v38 =	vmul.f32 v37, v8;
	v17 =	vadd.f32 v17, v36;
	_ =	sdelay $0x1  }
0xb1: {  	v18 =	vbroadcast v18, $0x4;
	v40 =	vmul.f32 v39, v9;
	v17 =	vadd.f32 v17, v38;
	_ =	sdelay $0x1  }
0xb2: {  	v16 =	vbroadcast v16, $0x4;
	v18 =	vmul.f32 v18, v10;
	v17 =	vadd.f32 v17, v40;
	_ =	sdelay $0x1  }
0xb3: {  	v16 =	vmul.f32 v16, v11;
	v17 =	vadd.f32 v17, v18;
	_ =	sdelay $0x1  }
0xb4: {  	v16 =	vadd.f32 v17, v16;
	_ =	sdelay $0x1  }
0xb5: {  	v16 =	vmax.f32 v16, $-5.000000000e+01  }
0xb6: {  	v16 =	vmin.f32 v16, $5.000000000e+01  }
0xb7: {  	v16 =	vmul.f32 $1.442695020e+00, v16;
	_ =	sdelay $0x1  }
0xb8: {  	(erf) = vpow2.f32 v16;
	_ =	sdelay $0x8  }
0xb9: {  	v16 =	vpop (erf)  }
0xba: {  	v41 =	vadd.f32 $1.000000000e+00, v16;
	_ =	sdelay $0x1  }
0xbb: {  	(erf) = vrcp.f32 v41;
	_ =	sdelay $0x4  }
0xbc: {  	s25 =	sor.u32 $0x1, s24  }
0xbd: {  	v15 =	vshll.u32 v15, $0x4;
	v42 =	vmov s25  }
0xbe: {  	v15 =	vor.u32 v1, v15;
	v43 =	vshll.u32 v42, $0x3  }
0xbf: {  	v18 =	vor.u32 v0, v43;
	v16 =	vadd.f32 $-1.000000000e+00, v16  }
0xc0: {  	v44 =	vpop (erf)  }
0xc1: {  	v16 =	vmul.f32 v44, v16;
	_ =	sdelay $0x1  }
0xc2: {  	[tilespmem:v15+s31+$0x0] =	vst.idx.msk $0x3ff, v16  }
0xc3: {  	v15 =	vld.idx.msk [tilespmem:v18+s20+$0x0], $0xffff;
	_ =	sdelay $0x3  }
0xc4: {  	v45 =	vbroadcast v14, $0x1  }
0xc5: {  	v18 =	vshll.u32 v15, $0x10  }
0xc6: {  	v16 =	vmul.f32 v45, v12;
	v46 =	vbroadcast v18, $0x0  }
0xc7: {  	v15 =	vand.u32 $0xFFFF0000, v15  }
0xc8: {  	v16 =	vadd.f32 v16, v13;
	v47 =	vbroadcast v15, $0x0;
	v19 =	vmul.f32 v46, v2;
	_ =	sdelay $0x1  }
0xc9: {  	v49 =	vbroadcast v18, $0x1;
	v48 =	vmul.f32 v47, v3;
	v16 =	vadd.f32 v19, v16;
	_ =	sdelay $0x1  }
0xca: {  	v51 =	vbroadcast v15, $0x1;
	v50 =	vmul.f32 v49, v4;
	v16 =	vadd.f32 v16, v48;
	_ =	sdelay $0x1  }
0xcb: {  	v53 =	vbroadcast v18, $0x2;
	v52 =	vmul.f32 v51, v5;
	v16 =	vadd.f32 v16, v50;
	_ =	sdelay $0x1  }
0xcc: {  	v55 =	vbroadcast v15, $0x2;
	v54 =	vmul.f32 v53, v6;
	v16 =	vadd.f32 v16, v52;
	_ =	sdelay $0x1  }
0xcd: {  	v57 =	vbroadcast v18, $0x3;
	v56 =	vmul.f32 v55, v7;
	v16 =	vadd.f32 v16, v54;
	_ =	sdelay $0x1  }
0xce: {  	v59 =	vbroadcast v15, $0x3;
	v58 =	vmul.f32 v57, v8;
	v16 =	vadd.f32 v16, v56;
	_ =	sdelay $0x1  }
0xcf: {  	v18 =	vbroadcast v18, $0x4;
	v60 =	vmul.f32 v59, v9;
	v16 =	vadd.f32 v16, v58;
	_ =	sdelay $0x1  }
0xd0: {  	v15 =	vbroadcast v15, $0x4;
	v18 =	vmul.f32 v18, v10;
	v16 =	vadd.f32 v16, v60;
	_ =	sdelay $0x1  }
0xd1: {  	v15 =	vmul.f32 v15, v11;
	v16 =	vadd.f32 v16, v18;
	_ =	sdelay $0x1  }
0xd2: {  	v15 =	vadd.f32 v16, v15;
	_ =	sdelay $0x1  }
0xd3: {  	v15 =	vmax.f32 v15, $-5.000000000e+01  }
0xd4: {  	v15 =	vmin.f32 v15, $5.000000000e+01  }
0xd5: {  	v15 =	vmul.f32 $1.442695020e+00, v15;
	_ =	sdelay $0x1  }
0xd6: {  	(erf) = vpow2.f32 v15;
	_ =	sdelay $0x8  }
0xd7: {  	v15 =	vpop (erf)  }
0xd8: {  	v61 =	vadd.f32 $1.000000000e+00, v15;
	_ =	sdelay $0x1  }
0xd9: {  	(erf) = vrcp.f32 v61;
	_ =	sdelay $0x4  }
0xda: {  	s25 =	sor.u32 $0x2, s24  }
0xdb: {  	v62 =	vshll.u32 v42, $0x4;
	v63 =	vmov s25  }
0xdc: {  	v22 =	vshll.u32 v63, $0x3;
	v16 =	vor.u32 v1, v62  }
0xdd: {  	v18 =	vor.u32 v0, v22;
	v15 =	vadd.f32 $-1.000000000e+00, v15  }
0xde: {  	v23 =	vpop (erf)  }
0xdf: {  	v15 =	vmul.f32 v23, v15;
	_ =	sdelay $0x1  }
0xe0: {  	[tilespmem:v16+s31+$0x0] =	vst.idx.msk $0x3ff, v15  }
0xe1: {  	v15 =	vld.idx.msk [tilespmem:v18+s20+$0x0], $0xffff;
	_ =	sdelay $0x3  }
0xe2: {  	v24 =	vbroadcast v14, $0x2  }
0xe3: {  	v18 =	vshll.u32 v15, $0x10  }
0xe4: {  	v16 =	vmul.f32 v24, v12;
	v25 =	vbroadcast v18, $0x0  }
0xe5: {  	v15 =	vand.u32 $0xFFFF0000, v15  }
0xe6: {  	v16 =	vadd.f32 v16, v13;
	v26 =	vbroadcast v15, $0x0;
	v19 =	vmul.f32 v25, v2;
	_ =	sdelay $0x1  }
0xe7: {  	v28 =	vbroadcast v18, $0x1;
	v27 =	vmul.f32 v26, v3;
	v16 =	vadd.f32 v19, v16;
	_ =	sdelay $0x1  }
0xe8: {  	v30 =	vbroadcast v15, $0x1;
	v29 =	vmul.f32 v28, v4;
	v16 =	vadd.f32 v16, v27;
	_ =	sdelay $0x1  }
0xe9: {  	v32 =	vbroadcast v18, $0x2;
	v31 =	vmul.f32 v30, v5;
	v16 =	vadd.f32 v16, v29;
	_ =	sdelay $0x1  }
0xea: {  	v34 =	vbroadcast v15, $0x2;
	v33 =	vmul.f32 v32, v6;
	v16 =	vadd.f32 v16, v31;
	_ =	sdelay $0x1  }
0xeb: {  	v36 =	vbroadcast v18, $0x3;
	v35 =	vmul.f32 v34, v7;
	v16 =	vadd.f32 v16, v33;
	_ =	sdelay $0x1  }
0xec: {  	v38 =	vbroadcast v15, $0x3;
	v37 =	vmul.f32 v36, v8;
	v16 =	vadd.f32 v16, v35;
	_ =	sdelay $0x1  }
0xed: {  	v18 =	vbroadcast v18, $0x4;
	v39 =	vmul.f32 v38, v9;
	v16 =	vadd.f32 v16, v37;
	_ =	sdelay $0x1  }
0xee: {  	v15 =	vbroadcast v15, $0x4;
	v18 =	vmul.f32 v18, v10;
	v16 =	vadd.f32 v16, v39;
	_ =	sdelay $0x1  }
0xef: {  	v15 =	vmul.f32 v15, v11;
	v16 =	vadd.f32 v16, v18;
	_ =	sdelay $0x1  }
0xf0: {  	v15 =	vadd.f32 v16, v15;
	_ =	sdelay $0x1  }
0xf1: {  	v15 =	vmax.f32 v15, $-5.000000000e+01  }
0xf2: {  	v15 =	vmin.f32 v15, $5.000000000e+01  }
0xf3: {  	v15 =	vmul.f32 $1.442695020e+00, v15;
	_ =	sdelay $0x1  }
0xf4: {  	(erf) = vpow2.f32 v15;
	_ =	sdelay $0x8  }
0xf5: {  	v15 =	vpop (erf)  }
0xf6: {  	v40 =	vadd.f32 $1.000000000e+00, v15;
	_ =	sdelay $0x1  }
0xf7: {  	(erf) = vrcp.f32 v40;
	_ =	sdelay $0x4  }
0xf8: {  	s25 =	sor.u32 $0x3, s24  }
0xf9: {  	v42 =	vmov s25;
	v41 =	vshll.u32 v63, $0x4  }
0xfa: {  	v43 =	vshll.u32 v42, $0x3;
	v16 =	vor.u32 v1, v41  }
0xfb: {  	v18 =	vor.u32 v0, v43;
	v15 =	vadd.f32 $-1.000000000e+00, v15  }
0xfc: {  	v44 =	vpop (erf)  }
0xfd: {  	v15 =	vmul.f32 v44, v15;
	_ =	sdelay $0x1  }
0xfe: {  	[tilespmem:v16+s31+$0x0] =	vst.idx.msk $0x3ff, v15  }
0xff: {  	v15 =	vld.idx.msk [tilespmem:v18+s20+$0x0], $0xffff;
	_ =	sdelay $0x3  }
0x100: {  	v45 =	vbroadcast v14, $0x3  }
0x101: {  	v18 =	vshll.u32 v15, $0x10  }
0x102: {  	v16 =	vmul.f32 v45, v12;
	v46 =	vbroadcast v18, $0x0  }
0x103: {  	v15 =	vand.u32 $0xFFFF0000, v15  }
0x104: {  	v16 =	vadd.f32 v16, v13;
	v47 =	vbroadcast v15, $0x0;
	v19 =	vmul.f32 v46, v2;
	_ =	sdelay $0x1  }
0x105: {  	v49 =	vbroadcast v18, $0x1;
	v48 =	vmul.f32 v47, v3;
	v16 =	vadd.f32 v19, v16;
	_ =	sdelay $0x1  }
0x106: {  	v51 =	vbroadcast v15, $0x1;
	v50 =	vmul.f32 v49, v4;
	v16 =	vadd.f32 v16, v48;
	_ =	sdelay $0x1  }
0x107: {  	v53 =	vbroadcast v18, $0x2;
	v52 =	vmul.f32 v51, v5;
	v16 =	vadd.f32 v16, v50;
	_ =	sdelay $0x1  }
0x108: {  	v55 =	vbroadcast v15, $0x2;
	v54 =	vmul.f32 v53, v6;
	v16 =	vadd.f32 v16, v52;
	_ =	sdelay $0x1  }
0x109: {  	v57 =	vbroadcast v18, $0x3;
	v56 =	vmul.f32 v55, v7;
	v16 =	vadd.f32 v16, v54;
	_ =	sdelay $0x1  }
0x10a: {  	v59 =	vbroadcast v15, $0x3;
	v58 =	vmul.f32 v57, v8;
	v16 =	vadd.f32 v16, v56;
	_ =	sdelay $0x1  }
0x10b: {  	v18 =	vbroadcast v18, $0x4;
	v60 =	vmul.f32 v59, v9;
	v16 =	vadd.f32 v16, v58;
	_ =	sdelay $0x1  }
0x10c: {  	v15 =	vbroadcast v15, $0x4;
	v18 =	vmul.f32 v18, v10;
	v16 =	vadd.f32 v16, v60;
	_ =	sdelay $0x1  }
0x10d: {  	v15 =	vmul.f32 v15, v11;
	v16 =	vadd.f32 v16, v18;
	_ =	sdelay $0x1  }
0x10e: {  	v15 =	vadd.f32 v16, v15;
	_ =	sdelay $0x1  }
0x10f: {  	v15 =	vmax.f32 v15, $-5.000000000e+01  }
0x110: {  	v15 =	vmin.f32 v15, $5.000000000e+01  }
0x111: {  	v15 =	vmul.f32 $1.442695020e+00, v15;
	_ =	sdelay $0x1  }
0x112: {  	(erf) = vpow2.f32 v15;
	_ =	sdelay $0x8  }
0x113: {  	v15 =	vpop (erf)  }
0x114: {  	v61 =	vadd.f32 $1.000000000e+00, v15;
	_ =	sdelay $0x1  }
0x115: {  	(erf) = vrcp.f32 v61;
	_ =	sdelay $0x4  }
0x116: {  	s25 =	sor.u32 $0x4, s24  }
0x117: {  	v63 =	vmov s25;
	v62 =	vshll.u32 v42, $0x4  }
0x118: {  	v22 =	vshll.u32 v63, $0x3;
	v16 =	vor.u32 v1, v62  }
0x119: {  	v18 =	vor.u32 v0, v22;
	v15 =	vadd.f32 $-1.000000000e+00, v15  }
0x11a: {  	v23 =	vpop (erf)  }
0x11b: {  	v15 =	vmul.f32 v23, v15;
	_ =	sdelay $0x1  }
0x11c: {  	[tilespmem:v16+s31+$0x0] =	vst.idx.msk $0x3ff, v15  }
0x11d: {  	v15 =	vld.idx.msk [tilespmem:v18+s20+$0x0], $0xffff;
	_ =	sdelay $0x3  }
0x11e: {  	v24 =	vbroadcast v14, $0x4  }
0x11f: {  	v18 =	vshll.u32 v15, $0x10  }
0x120: {  	v16 =	vmul.f32 v24, v12;
	v25 =	vbroadcast v18, $0x0  }
0x121: {  	v15 =	vand.u32 $0xFFFF0000, v15  }
0x122: {  	v16 =	vadd.f32 v16, v13;
	v26 =	vbroadcast v15, $0x0;
	v19 =	vmul.f32 v25, v2;
	_ =	sdelay $0x1  }
0x123: {  	v28 =	vbroadcast v18, $0x1;
	v27 =	vmul.f32 v26, v3;
	v16 =	vadd.f32 v19, v16;
	_ =	sdelay $0x1  }
0x124: {  	v30 =	vbroadcast v15, $0x1;
	v29 =	vmul.f32 v28, v4;
	v16 =	vadd.f32 v16, v27;
	_ =	sdelay $0x1  }
0x125: {  	v32 =	vbroadcast v18, $0x2;
	v31 =	vmul.f32 v30, v5;
	v16 =	vadd.f32 v16, v29;
	_ =	sdelay $0x1  }
0x126: {  	v34 =	vbroadcast v15, $0x2;
	v33 =	vmul.f32 v32, v6;
	v16 =	vadd.f32 v16, v31;
	_ =	sdelay $0x1  }
0x127: {  	v36 =	vbroadcast v18, $0x3;
	v35 =	vmul.f32 v34, v7;
	v16 =	vadd.f32 v16, v33;
	_ =	sdelay $0x1  }
0x128: {  	v38 =	vbroadcast v15, $0x3;
	v37 =	vmul.f32 v36, v8;
	v16 =	vadd.f32 v16, v35;
	_ =	sdelay $0x1  }
0x129: {  	v18 =	vbroadcast v18, $0x4;
	v39 =	vmul.f32 v38, v9;
	v16 =	vadd.f32 v16, v37;
	_ =	sdelay $0x1  }
0x12a: {  	v15 =	vbroadcast v15, $0x4;
	v18 =	vmul.f32 v18, v10;
	v16 =	vadd.f32 v16, v39;
	_ =	sdelay $0x1  }
0x12b: {  	v15 =	vmul.f32 v15, v11;
	v16 =	vadd.f32 v16, v18;
	_ =	sdelay $0x1  }
0x12c: {  	v15 =	vadd.f32 v16, v15;
	_ =	sdelay $0x1  }
0x12d: {  	v15 =	vmax.f32 v15, $-5.000000000e+01  }
0x12e: {  	v15 =	vmin.f32 v15, $5.000000000e+01  }
0x12f: {  	v15 =	vmul.f32 $1.442695020e+00, v15;
	_ =	sdelay $0x1  }
0x130: {  	(erf) = vpow2.f32 v15;
	_ =	sdelay $0x8  }
0x131: {  	v15 =	vpop (erf)  }
0x132: {  	v40 =	vadd.f32 $1.000000000e+00, v15;
	_ =	sdelay $0x1  }
0x133: {  	(erf) = vrcp.f32 v40;
	_ =	sdelay $0x4  }
0x134: {  	s25 =	sor.u32 $0x5, s24  }
0x135: {  	v42 =	vmov s25;
	v41 =	vshll.u32 v63, $0x4  }
0x136: {  	v43 =	vshll.u32 v42, $0x3;
	v16 =	vor.u32 v1, v41  }
0x137: {  	v18 =	vor.u32 v0, v43;
	v15 =	vadd.f32 $-1.000000000e+00, v15  }
0x138: {  	v44 =	vpop (erf)  }
0x139: {  	v15 =	vmul.f32 v44, v15;
	_ =	sdelay $0x1  }
0x13a: {  	[tilespmem:v16+s31+$0x0] =	vst.idx.msk $0x3ff, v15  }
0x13b: {  	v15 =	vld.idx.msk [tilespmem:v18+s20+$0x0], $0xffff;
	_ =	sdelay $0x3  }
0x13c: {  	v45 =	vbroadcast v14, $0x5  }
0x13d: {  	v18 =	vshll.u32 v15, $0x10  }
0x13e: {  	v16 =	vmul.f32 v45, v12;
	v46 =	vbroadcast v18, $0x0  }
0x13f: {  	v15 =	vand.u32 $0xFFFF0000, v15  }
0x140: {  	v16 =	vadd.f32 v16, v13;
	v47 =	vbroadcast v15, $0x0;
	v19 =	vmul.f32 v46, v2;
	_ =	sdelay $0x1  }
0x141: {  	v49 =	vbroadcast v18, $0x1;
	v48 =	vmul.f32 v47, v3;
	v16 =	vadd.f32 v19, v16;
	_ =	sdelay $0x1  }
0x142: {  	v51 =	vbroadcast v15, $0x1;
	v50 =	vmul.f32 v49, v4;
	v16 =	vadd.f32 v16, v48;
	_ =	sdelay $0x1  }
0x143: {  	v53 =	vbroadcast v18, $0x2;
	v52 =	vmul.f32 v51, v5;
	v16 =	vadd.f32 v16, v50;
	_ =	sdelay $0x1  }
0x144: {  	v55 =	vbroadcast v15, $0x2;
	v54 =	vmul.f32 v53, v6;
	v16 =	vadd.f32 v16, v52;
	_ =	sdelay $0x1  }
0x145: {  	v57 =	vbroadcast v18, $0x3;
	v56 =	vmul.f32 v55, v7;
	v16 =	vadd.f32 v16, v54;
	_ =	sdelay $0x1  }
0x146: {  	v59 =	vbroadcast v15, $0x3;
	v58 =	vmul.f32 v57, v8;
	v16 =	vadd.f32 v16, v56;
	_ =	sdelay $0x1  }
0x147: {  	v18 =	vbroadcast v18, $0x4;
	v60 =	vmul.f32 v59, v9;
	v16 =	vadd.f32 v16, v58;
	_ =	sdelay $0x1  }
0x148: {  	v15 =	vbroadcast v15, $0x4;
	v18 =	vmul.f32 v18, v10;
	v16 =	vadd.f32 v16, v60;
	_ =	sdelay $0x1  }
0x149: {  	v15 =	vmul.f32 v15, v11;
	v16 =	vadd.f32 v16, v18;
	_ =	sdelay $0x1  }
0x14a: {  	v15 =	vadd.f32 v16, v15;
	_ =	sdelay $0x1  }
0x14b: {  	v15 =	vmax.f32 v15, $-5.000000000e+01  }
0x14c: {  	v15 =	vmin.f32 v15, $5.000000000e+01  }
0x14d: {  	v15 =	vmul.f32 $1.442695020e+00, v15;
	_ =	sdelay $0x1  }
0x14e: {  	(erf) = vpow2.f32 v15;
	_ =	sdelay $0x8  }
0x14f: {  	v15 =	vpop (erf)  }
0x150: {  	v61 =	vadd.f32 $1.000000000e+00, v15;
	_ =	sdelay $0x1  }
0x151: {  	(erf) = vrcp.f32 v61;
	_ =	sdelay $0x4  }
0x152: {  	s25 =	sor.u32 $0x6, s24  }
0x153: {  	v63 =	vmov s25;
	v62 =	vshll.u32 v42, $0x4  }
0x154: {  	v22 =	vshll.u32 v63, $0x3;
	v16 =	vor.u32 v1, v62  }
0x155: {  	v18 =	vor.u32 v0, v22;
	v15 =	vadd.f32 $-1.000000000e+00, v15  }
0x156: {  	v23 =	vpop (erf)  }
0x157: {  	v15 =	vmul.f32 v23, v15;
	_ =	sdelay $0x1  }
0x158: {  	[tilespmem:v16+s31+$0x0] =	vst.idx.msk $0x3ff, v15  }
0x159: {  	v15 =	vld.idx.msk [tilespmem:v18+s20+$0x0], $0xffff;
	_ =	sdelay $0x3  }
0x15a: {  	v24 =	vbroadcast v14, $0x6  }
0x15b: {  	v18 =	vshll.u32 v15, $0x10  }
0x15c: {  	v16 =	vmul.f32 v24, v12;
	v25 =	vbroadcast v18, $0x0  }
0x15d: {  	v15 =	vand.u32 $0xFFFF0000, v15  }
0x15e: {  	v16 =	vadd.f32 v16, v13;
	v26 =	vbroadcast v15, $0x0;
	v19 =	vmul.f32 v25, v2;
	_ =	sdelay $0x1  }
0x15f: {  	v28 =	vbroadcast v18, $0x1;
	v27 =	vmul.f32 v26, v3;
	v16 =	vadd.f32 v19, v16;
	_ =	sdelay $0x1  }
0x160: {  	v30 =	vbroadcast v15, $0x1;
	v29 =	vmul.f32 v28, v4;
	v16 =	vadd.f32 v16, v27;
	_ =	sdelay $0x1  }
0x161: {  	v32 =	vbroadcast v18, $0x2;
	v31 =	vmul.f32 v30, v5;
	v16 =	vadd.f32 v16, v29;
	_ =	sdelay $0x1  }
0x162: {  	v34 =	vbroadcast v15, $0x2;
	v33 =	vmul.f32 v32, v6;
	v16 =	vadd.f32 v16, v31;
	_ =	sdelay $0x1  }
0x163: {  	v36 =	vbroadcast v18, $0x3;
	v35 =	vmul.f32 v34, v7;
	v16 =	vadd.f32 v16, v33;
	_ =	sdelay $0x1  }
0x164: {  	v38 =	vbroadcast v15, $0x3;
	v37 =	vmul.f32 v36, v8;
	v16 =	vadd.f32 v16, v35;
	_ =	sdelay $0x1  }
0x165: {  	v18 =	vbroadcast v18, $0x4;
	v39 =	vmul.f32 v38, v9;
	v16 =	vadd.f32 v16, v37;
	_ =	sdelay $0x1  }
0x166: {  	v15 =	vbroadcast v15, $0x4;
	v18 =	vmul.f32 v18, v10;
	v16 =	vadd.f32 v16, v39;
	_ =	sdelay $0x1  }
0x167: {  	v15 =	vmul.f32 v15, v11;
	v16 =	vadd.f32 v16, v18;
	_ =	sdelay $0x1  }
0x168: {  	v15 =	vadd.f32 v16, v15;
	_ =	sdelay $0x1  }
0x169: {  	v15 =	vmax.f32 v15, $-5.000000000e+01  }
0x16a: {  	v15 =	vmin.f32 v15, $5.000000000e+01  }
0x16b: {  	v15 =	vmul.f32 $1.442695020e+00, v15;
	_ =	sdelay $0x1  }
0x16c: {  	(erf) = vpow2.f32 v15;
	_ =	sdelay $0x8  }
0x16d: {  	v15 =	vpop (erf)  }
0x16e: {  	v40 =	vadd.f32 $1.000000000e+00, v15;
	_ =	sdelay $0x1  }
0x16f: {  	(erf) = vrcp.f32 v40;
	_ =	sdelay $0x4  }
0x170: {  	s25 =	sor.u32 $0x7, s24  }
0x171: {  	v42 =	vmov s25;
	v41 =	vshll.u32 v63, $0x4  }
0x172: {  	v43 =	vshll.u32 v42, $0x3;
	v16 =	vor.u32 v1, v41  }
0x173: {  	v18 =	vor.u32 v0, v43;
	v15 =	vadd.f32 $-1.000000000e+00, v15  }
0x174: {  	v44 =	vpop (erf)  }
0x175: {  	v15 =	vmul.f32 v44, v15;
	_ =	sdelay $0x1  }
0x176: {  	[tilespmem:v16+s31+$0x0] =	vst.idx.msk $0x3ff, v15  }
0x177: {  	v15 =	vld.idx.msk [tilespmem:v18+s20+$0x0], $0xffff;
	_ =	sdelay $0x3  }
0x178: {  	v45 =	vbroadcast v14, $0x7  }
0x179: {  	v18 =	vshll.u32 v15, $0x10  }
0x17a: {  	v16 =	vmul.f32 v45, v12;
	v46 =	vbroadcast v18, $0x0  }
0x17b: {  	v15 =	vand.u32 $0xFFFF0000, v15  }
0x17c: {  	v16 =	vadd.f32 v16, v13;
	v47 =	vbroadcast v15, $0x0;
	v19 =	vmul.f32 v46, v2;
	_ =	sdelay $0x1  }
0x17d: {  	v49 =	vbroadcast v18, $0x1;
	v48 =	vmul.f32 v47, v3;
	v16 =	vadd.f32 v19, v16;
	_ =	sdelay $0x1  }
0x17e: {  	v51 =	vbroadcast v15, $0x1;
	v50 =	vmul.f32 v49, v4;
	v16 =	vadd.f32 v16, v48;
	_ =	sdelay $0x1  }
0x17f: {  	v53 =	vbroadcast v18, $0x2;
	v52 =	vmul.f32 v51, v5;
	v16 =	vadd.f32 v16, v50;
	_ =	sdelay $0x1  }
0x180: {  	v55 =	vbroadcast v15, $0x2;
	v54 =	vmul.f32 v53, v6;
	v16 =	vadd.f32 v16, v52;
	_ =	sdelay $0x1  }
0x181: {  	v57 =	vbroadcast v18, $0x3;
	v56 =	vmul.f32 v55, v7;
	v16 =	vadd.f32 v16, v54;
	_ =	sdelay $0x1  }
0x182: {  	v59 =	vbroadcast v15, $0x3;
	v58 =	vmul.f32 v57, v8;
	v16 =	vadd.f32 v16, v56;
	_ =	sdelay $0x1  }
0x183: {  	v18 =	vbroadcast v18, $0x4;
	v60 =	vmul.f32 v59, v9;
	v16 =	vadd.f32 v16, v58;
	_ =	sdelay $0x1  }
0x184: {  	v15 =	vbroadcast v15, $0x4;
	v18 =	vmul.f32 v18, v10;
	v16 =	vadd.f32 v16, v60;
	_ =	sdelay $0x1  }
0x185: {  	v15 =	vmul.f32 v15, v11;
	v16 =	vadd.f32 v16, v18;
	_ =	sdelay $0x1  }
0x186: {  	v15 =	vadd.f32 v16, v15;
	_ =	sdelay $0x1  }
0x187: {  	v15 =	vmax.f32 v15, $-5.000000000e+01  }
0x188: {  	v15 =	vmin.f32 v15, $5.000000000e+01  }
0x189: {  	v15 =	vmul.f32 $1.442695020e+00, v15;
	_ =	sdelay $0x1  }
0x18a: {  	(erf) = vpow2.f32 v15;
	_ =	sdelay $0x8  }
0x18b: {  	v15 =	vpop (erf)  }
0x18c: {  	v61 =	vadd.f32 $1.000000000e+00, v15;
	_ =	sdelay $0x1  }
0x18d: {  	(erf) = vrcp.f32 v61;
	_ =	sdelay $0x4  }
0x18e: {  	s25 =	sor.u32 $0x8, s24  }
0x18f: {  	v63 =	vmov s25;
	v62 =	vshll.u32 v42, $0x4  }
0x190: {  	v22 =	vshll.u32 v63, $0x3;
	v16 =	vor.u32 v1, v62  }
0x191: {  	v18 =	vor.u32 v0, v22;
	v15 =	vadd.f32 $-1.000000000e+00, v15  }
0x192: {  	v23 =	vpop (erf)  }
0x193: {  	v15 =	vmul.f32 v23, v15;
	_ =	sdelay $0x1  }
0x194: {  	[tilespmem:v16+s31+$0x0] =	vst.idx.msk $0x3ff, v15  }
0x195: {  	v15 =	vld.idx.msk [tilespmem:v18+s20+$0x0], $0xffff;
	_ =	sdelay $0x3  }
0x196: {  	v24 =	vbroadcast v14, $0x8  }
0x197: {  	v18 =	vshll.u32 v15, $0x10  }
0x198: {  	v16 =	vmul.f32 v24, v12;
	v25 =	vbroadcast v18, $0x0  }
0x199: {  	v15 =	vand.u32 $0xFFFF0000, v15  }
0x19a: {  	v16 =	vadd.f32 v16, v13;
	v26 =	vbroadcast v15, $0x0;
	v19 =	vmul.f32 v25, v2;
	_ =	sdelay $0x1  }
0x19b: {  	v28 =	vbroadcast v18, $0x1;
	v27 =	vmul.f32 v26, v3;
	v16 =	vadd.f32 v19, v16;
	_ =	sdelay $0x1  }
0x19c: {  	v30 =	vbroadcast v15, $0x1;
	v29 =	vmul.f32 v28, v4;
	v16 =	vadd.f32 v16, v27;
	_ =	sdelay $0x1  }
0x19d: {  	v32 =	vbroadcast v18, $0x2;
	v31 =	vmul.f32 v30, v5;
	v16 =	vadd.f32 v16, v29;
	_ =	sdelay $0x1  }
0x19e: {  	v34 =	vbroadcast v15, $0x2;
	v33 =	vmul.f32 v32, v6;
	v16 =	vadd.f32 v16, v31;
	_ =	sdelay $0x1  }
0x19f: {  	v36 =	vbroadcast v18, $0x3;
	v35 =	vmul.f32 v34, v7;
	v16 =	vadd.f32 v16, v33;
	_ =	sdelay $0x1  }
0x1a0: {  	v38 =	vbroadcast v15, $0x3;
	v37 =	vmul.f32 v36, v8;
	v16 =	vadd.f32 v16, v35;
	_ =	sdelay $0x1  }
0x1a1: {  	v18 =	vbroadcast v18, $0x4;
	v39 =	vmul.f32 v38, v9;
	v16 =	vadd.f32 v16, v37;
	_ =	sdelay $0x1  }
0x1a2: {  	v15 =	vbroadcast v15, $0x4;
	v18 =	vmul.f32 v18, v10;
	v16 =	vadd.f32 v16, v39;
	_ =	sdelay $0x1  }
0x1a3: {  	v15 =	vmul.f32 v15, v11;
	v16 =	vadd.f32 v16, v18;
	_ =	sdelay $0x1  }
0x1a4: {  	v15 =	vadd.f32 v16, v15;
	_ =	sdelay $0x1  }
0x1a5: {  	v15 =	vmax.f32 v15, $-5.000000000e+01  }
0x1a6: {  	v15 =	vmin.f32 v15, $5.000000000e+01  }
0x1a7: {  	v15 =	vmul.f32 $1.442695020e+00, v15;
	_ =	sdelay $0x1  }
0x1a8: {  	(erf) = vpow2.f32 v15;
	_ =	sdelay $0x8  }
0x1a9: {  	v15 =	vpop (erf)  }
0x1aa: {  	v40 =	vadd.f32 $1.000000000e+00, v15;
	_ =	sdelay $0x1  }
0x1ab: {  	(erf) = vrcp.f32 v40;
	_ =	sdelay $0x4  }
0x1ac: {  	s25 =	sor.u32 $0x9, s24  }
0x1ad: {  	v42 =	vmov s25;
	v41 =	vshll.u32 v63, $0x4  }
0x1ae: {  	v43 =	vshll.u32 v42, $0x3;
	v16 =	vor.u32 v1, v41  }
0x1af: {  	v18 =	vor.u32 v0, v43;
	v15 =	vadd.f32 $-1.000000000e+00, v15  }
0x1b0: {  	v44 =	vpop (erf)  }
0x1b1: {  	v15 =	vmul.f32 v44, v15;
	_ =	sdelay $0x1  }
0x1b2: {  	[tilespmem:v16+s31+$0x0] =	vst.idx.msk $0x3ff, v15  }
0x1b3: {  	v15 =	vld.idx.msk [tilespmem:v18+s20+$0x0], $0xffff;
	_ =	sdelay $0x3  }
0x1b4: {  	v45 =	vbroadcast v14, $0x9  }
0x1b5: {  	v18 =	vshll.u32 v15, $0x10  }
0x1b6: {  	v16 =	vmul.f32 v45, v12;
	v46 =	vbroadcast v18, $0x0  }
0x1b7: {  	v15 =	vand.u32 $0xFFFF0000, v15  }
0x1b8: {  	v16 =	vadd.f32 v16, v13;
	v47 =	vbroadcast v15, $0x0;
	v19 =	vmul.f32 v46, v2;
	_ =	sdelay $0x1  }
0x1b9: {  	v49 =	vbroadcast v18, $0x1;
	v48 =	vmul.f32 v47, v3;
	v16 =	vadd.f32 v19, v16;
	_ =	sdelay $0x1  }
0x1ba: {  	v51 =	vbroadcast v15, $0x1;
	v50 =	vmul.f32 v49, v4;
	v16 =	vadd.f32 v16, v48;
	_ =	sdelay $0x1  }
0x1bb: {  	v53 =	vbroadcast v18, $0x2;
	v52 =	vmul.f32 v51, v5;
	v16 =	vadd.f32 v16, v50;
	_ =	sdelay $0x1  }
0x1bc: {  	v55 =	vbroadcast v15, $0x2;
	v54 =	vmul.f32 v53, v6;
	v16 =	vadd.f32 v16, v52;
	_ =	sdelay $0x1  }
0x1bd: {  	v57 =	vbroadcast v18, $0x3;
	v56 =	vmul.f32 v55, v7;
	v16 =	vadd.f32 v16, v54;
	_ =	sdelay $0x1  }
0x1be: {  	v59 =	vbroadcast v15, $0x3;
	v58 =	vmul.f32 v57, v8;
	v16 =	vadd.f32 v16, v56;
	_ =	sdelay $0x1  }
0x1bf: {  	v18 =	vbroadcast v18, $0x4;
	v60 =	vmul.f32 v59, v9;
	v16 =	vadd.f32 v16, v58;
	_ =	sdelay $0x1  }
0x1c0: {  	v15 =	vbroadcast v15, $0x4;
	v18 =	vmul.f32 v18, v10;
	v16 =	vadd.f32 v16, v60;
	_ =	sdelay $0x1  }
0x1c1: {  	v15 =	vmul.f32 v15, v11;
	v16 =	vadd.f32 v16, v18;
	_ =	sdelay $0x1  }
0x1c2: {  	v15 =	vadd.f32 v16, v15;
	_ =	sdelay $0x1  }
0x1c3: {  	v15 =	vmax.f32 v15, $-5.000000000e+01  }
0x1c4: {  	v15 =	vmin.f32 v15, $5.000000000e+01  }
0x1c5: {  	v15 =	vmul.f32 $1.442695020e+00, v15;
	_ =	sdelay $0x1  }
0x1c6: {  	(erf) = vpow2.f32 v15;
	_ =	sdelay $0x8  }
0x1c7: {  	v15 =	vpop (erf)  }
0x1c8: {  	v61 =	vadd.f32 $1.000000000e+00, v15;
	_ =	sdelay $0x1  }
0x1c9: {  	(erf) = vrcp.f32 v61;
	_ =	sdelay $0x4  }
0x1ca: {  	s25 =	sor.u32 $0xA, s24  }
0x1cb: {  	v63 =	vmov s25;
	v62 =	vshll.u32 v42, $0x4  }
0x1cc: {  	v22 =	vshll.u32 v63, $0x3;
	v16 =	vor.u32 v1, v62  }
0x1cd: {  	v18 =	vor.u32 v0, v22;
	v15 =	vadd.f32 $-1.000000000e+00, v15  }
0x1ce: {  	v23 =	vpop (erf)  }
0x1cf: {  	v15 =	vmul.f32 v23, v15;
	_ =	sdelay $0x1  }
0x1d0: {  	[tilespmem:v16+s31+$0x0] =	vst.idx.msk $0x3ff, v15  }
0x1d1: {  	v15 =	vld.idx.msk [tilespmem:v18+s20+$0x0], $0xffff;
	_ =	sdelay $0x3  }
0x1d2: {  	v24 =	vbroadcast v14, $0xA  }
0x1d3: {  	v18 =	vshll.u32 v15, $0x10  }
0x1d4: {  	v16 =	vmul.f32 v24, v12;
	v25 =	vbroadcast v18, $0x0  }
0x1d5: {  	v15 =	vand.u32 $0xFFFF0000, v15  }
0x1d6: {  	v16 =	vadd.f32 v16, v13;
	v26 =	vbroadcast v15, $0x0;
	v19 =	vmul.f32 v25, v2;
	_ =	sdelay $0x1  }
0x1d7: {  	v28 =	vbroadcast v18, $0x1;
	v27 =	vmul.f32 v26, v3;
	v16 =	vadd.f32 v19, v16;
	_ =	sdelay $0x1  }
0x1d8: {  	v30 =	vbroadcast v15, $0x1;
	v29 =	vmul.f32 v28, v4;
	v16 =	vadd.f32 v16, v27;
	_ =	sdelay $0x1  }
0x1d9: {  	v32 =	vbroadcast v18, $0x2;
	v31 =	vmul.f32 v30, v5;
	v16 =	vadd.f32 v16, v29;
	_ =	sdelay $0x1  }
0x1da: {  	v34 =	vbroadcast v15, $0x2;
	v33 =	vmul.f32 v32, v6;
	v16 =	vadd.f32 v16, v31;
	_ =	sdelay $0x1  }
0x1db: {  	v36 =	vbroadcast v18, $0x3;
	v35 =	vmul.f32 v34, v7;
	v16 =	vadd.f32 v16, v33;
	_ =	sdelay $0x1  }
0x1dc: {  	v38 =	vbroadcast v15, $0x3;
	v37 =	vmul.f32 v36, v8;
	v16 =	vadd.f32 v16, v35;
	_ =	sdelay $0x1  }
0x1dd: {  	v18 =	vbroadcast v18, $0x4;
	v39 =	vmul.f32 v38, v9;
	v16 =	vadd.f32 v16, v37;
	_ =	sdelay $0x1  }
0x1de: {  	v15 =	vbroadcast v15, $0x4;
	v18 =	vmul.f32 v18, v10;
	v16 =	vadd.f32 v16, v39;
	_ =	sdelay $0x1  }
0x1df: {  	v15 =	vmul.f32 v15, v11;
	v16 =	vadd.f32 v16, v18;
	_ =	sdelay $0x1  }
0x1e0: {  	v15 =	vadd.f32 v16, v15;
	_ =	sdelay $0x1  }
0x1e1: {  	v15 =	vmax.f32 v15, $-5.000000000e+01  }
0x1e2: {  	v15 =	vmin.f32 v15, $5.000000000e+01  }
0x1e3: {  	v15 =	vmul.f32 $1.442695020e+00, v15;
	_ =	sdelay $0x1  }
0x1e4: {  	(erf) = vpow2.f32 v15;
	_ =	sdelay $0x8  }
0x1e5: {  	v15 =	vpop (erf)  }
0x1e6: {  	v40 =	vadd.f32 $1.000000000e+00, v15;
	_ =	sdelay $0x1  }
0x1e7: {  	(erf) = vrcp.f32 v40;
	_ =	sdelay $0x4  }
0x1e8: {  	s25 =	sor.u32 $0xB, s24  }
0x1e9: {  	v42 =	vmov s25;
	v41 =	vshll.u32 v63, $0x4  }
0x1ea: {  	v43 =	vshll.u32 v42, $0x3;
	v16 =	vor.u32 v1, v41  }
0x1eb: {  	v18 =	vor.u32 v0, v43;
	v15 =	vadd.f32 $-1.000000000e+00, v15  }
0x1ec: {  	v44 =	vpop (erf)  }
0x1ed: {  	v15 =	vmul.f32 v44, v15;
	_ =	sdelay $0x1  }
0x1ee: {  	[tilespmem:v16+s31+$0x0] =	vst.idx.msk $0x3ff, v15  }
0x1ef: {  	v15 =	vld.idx.msk [tilespmem:v18+s20+$0x0], $0xffff;
	_ =	sdelay $0x3  }
0x1f0: {  	v45 =	vbroadcast v14, $0xB  }
0x1f1: {  	v18 =	vshll.u32 v15, $0x10  }
0x1f2: {  	v16 =	vmul.f32 v45, v12;
	v46 =	vbroadcast v18, $0x0  }
0x1f3: {  	v15 =	vand.u32 $0xFFFF0000, v15  }
0x1f4: {  	v16 =	vadd.f32 v16, v13;
	v47 =	vbroadcast v15, $0x0;
	v19 =	vmul.f32 v46, v2;
	_ =	sdelay $0x1  }
0x1f5: {  	v49 =	vbroadcast v18, $0x1;
	v48 =	vmul.f32 v47, v3;
	v16 =	vadd.f32 v19, v16;
	_ =	sdelay $0x1  }
0x1f6: {  	v51 =	vbroadcast v15, $0x1;
	v50 =	vmul.f32 v49, v4;
	v16 =	vadd.f32 v16, v48;
	_ =	sdelay $0x1  }
0x1f7: {  	v53 =	vbroadcast v18, $0x2;
	v52 =	vmul.f32 v51, v5;
	v16 =	vadd.f32 v16, v50;
	_ =	sdelay $0x1  }
0x1f8: {  	v55 =	vbroadcast v15, $0x2;
	v54 =	vmul.f32 v53, v6;
	v16 =	vadd.f32 v16, v52;
	_ =	sdelay $0x1  }
0x1f9: {  	v57 =	vbroadcast v18, $0x3;
	v56 =	vmul.f32 v55, v7;
	v16 =	vadd.f32 v16, v54;
	_ =	sdelay $0x1  }
0x1fa: {  	v59 =	vbroadcast v15, $0x3;
	v58 =	vmul.f32 v57, v8;
	v16 =	vadd.f32 v16, v56;
	_ =	sdelay $0x1  }
0x1fb: {  	v18 =	vbroadcast v18, $0x4;
	v60 =	vmul.f32 v59, v9;
	v16 =	vadd.f32 v16, v58;
	_ =	sdelay $0x1  }
0x1fc: {  	v15 =	vbroadcast v15, $0x4;
	v18 =	vmul.f32 v18, v10;
	v16 =	vadd.f32 v16, v60;
	_ =	sdelay $0x1  }
0x1fd: {  	v15 =	vmul.f32 v15, v11;
	v16 =	vadd.f32 v16, v18;
	_ =	sdelay $0x1  }
0x1fe: {  	v15 =	vadd.f32 v16, v15;
	_ =	sdelay $0x1  }
0x1ff: {  	v15 =	vmax.f32 v15, $-5.000000000e+01  }
0x200: {  	v15 =	vmin.f32 v15, $5.000000000e+01  }
0x201: {  	v15 =	vmul.f32 $1.442695020e+00, v15;
	_ =	sdelay $0x1  }
0x202: {  	(erf) = vpow2.f32 v15;
	_ =	sdelay $0x8  }
0x203: {  	v15 =	vpop (erf)  }
0x204: {  	v61 =	vadd.f32 $1.000000000e+00, v15;
	_ =	sdelay $0x1  }
0x205: {  	(erf) = vrcp.f32 v61;
	_ =	sdelay $0x4  }
0x206: {  	s25 =	sor.u32 $0xC, s24  }
0x207: {  	v63 =	vmov s25;
	v62 =	vshll.u32 v42, $0x4  }
0x208: {  	v22 =	vshll.u32 v63, $0x3;
	v16 =	vor.u32 v1, v62  }
0x209: {  	v18 =	vor.u32 v0, v22;
	v15 =	vadd.f32 $-1.000000000e+00, v15  }
0x20a: {  	v23 =	vpop (erf)  }
0x20b: {  	v15 =	vmul.f32 v23, v15;
	_ =	sdelay $0x1  }
0x20c: {  	[tilespmem:v16+s31+$0x0] =	vst.idx.msk $0x3ff, v15  }
0x20d: {  	v15 =	vld.idx.msk [tilespmem:v18+s20+$0x0], $0xffff;
	_ =	sdelay $0x3  }
0x20e: {  	v24 =	vbroadcast v14, $0xC  }
0x20f: {  	v18 =	vshll.u32 v15, $0x10  }
0x210: {  	v16 =	vmul.f32 v24, v12;
	v25 =	vbroadcast v18, $0x0  }
0x211: {  	v15 =	vand.u32 $0xFFFF0000, v15  }
0x212: {  	v16 =	vadd.f32 v16, v13;
	v26 =	vbroadcast v15, $0x0;
	v19 =	vmul.f32 v25, v2;
	_ =	sdelay $0x1  }
0x213: {  	v28 =	vbroadcast v18, $0x1;
	v27 =	vmul.f32 v26, v3;
	v16 =	vadd.f32 v19, v16;
	_ =	sdelay $0x1  }
0x214: {  	v30 =	vbroadcast v15, $0x1;
	v29 =	vmul.f32 v28, v4;
	v16 =	vadd.f32 v16, v27;
	_ =	sdelay $0x1  }
0x215: {  	v32 =	vbroadcast v18, $0x2;
	v31 =	vmul.f32 v30, v5;
	v16 =	vadd.f32 v16, v29;
	_ =	sdelay $0x1  }
0x216: {  	v34 =	vbroadcast v15, $0x2;
	v33 =	vmul.f32 v32, v6;
	v16 =	vadd.f32 v16, v31;
	_ =	sdelay $0x1  }
0x217: {  	v36 =	vbroadcast v18, $0x3;
	v35 =	vmul.f32 v34, v7;
	v16 =	vadd.f32 v16, v33;
	_ =	sdelay $0x1  }
0x218: {  	v38 =	vbroadcast v15, $0x3;
	v37 =	vmul.f32 v36, v8;
	v16 =	vadd.f32 v16, v35;
	_ =	sdelay $0x1  }
0x219: {  	v18 =	vbroadcast v18, $0x4;
	v39 =	vmul.f32 v38, v9;
	v16 =	vadd.f32 v16, v37;
	_ =	sdelay $0x1  }
0x21a: {  	v15 =	vbroadcast v15, $0x4;
	v18 =	vmul.f32 v18, v10;
	v16 =	vadd.f32 v16, v39;
	_ =	sdelay $0x1  }
0x21b: {  	v15 =	vmul.f32 v15, v11;
	v16 =	vadd.f32 v16, v18;
	_ =	sdelay $0x1  }
0x21c: {  	v15 =	vadd.f32 v16, v15;
	_ =	sdelay $0x1  }
0x21d: {  	v15 =	vmax.f32 v15, $-5.000000000e+01  }
0x21e: {  	v15 =	vmin.f32 v15, $5.000000000e+01  }
0x21f: {  	v15 =	vmul.f32 $1.442695020e+00, v15;
	_ =	sdelay $0x1  }
0x220: {  	(erf) = vpow2.f32 v15;
	_ =	sdelay $0x8  }
0x221: {  	v15 =	vpop (erf)  }
0x222: {  	v40 =	vadd.f32 $1.000000000e+00, v15;
	_ =	sdelay $0x1  }
0x223: {  	(erf) = vrcp.f32 v40;
	_ =	sdelay $0x4  }
0x224: {  	s25 =	sor.u32 $0xD, s24  }
0x225: {  	v42 =	vmov s25;
	v41 =	vshll.u32 v63, $0x4  }
0x226: {  	v43 =	vshll.u32 v42, $0x3;
	v16 =	vor.u32 v1, v41  }
0x227: {  	v18 =	vor.u32 v0, v43;
	v15 =	vadd.f32 $-1.000000000e+00, v15  }
0x228: {  	v44 =	vpop (erf)  }
0x229: {  	v15 =	vmul.f32 v44, v15;
	_ =	sdelay $0x1  }
0x22a: {  	[tilespmem:v16+s31+$0x0] =	vst.idx.msk $0x3ff, v15  }
0x22b: {  	v15 =	vld.idx.msk [tilespmem:v18+s20+$0x0], $0xffff;
	_ =	sdelay $0x3  }
0x22c: {  	v45 =	vbroadcast v14, $0xD  }
0x22d: {  	v18 =	vshll.u32 v15, $0x10  }
0x22e: {  	v16 =	vmul.f32 v45, v12;
	v46 =	vbroadcast v18, $0x0  }
0x22f: {  	v15 =	vand.u32 $0xFFFF0000, v15  }
0x230: {  	v16 =	vadd.f32 v16, v13;
	v47 =	vbroadcast v15, $0x0;
	v19 =	vmul.f32 v46, v2;
	_ =	sdelay $0x1  }
0x231: {  	v49 =	vbroadcast v18, $0x1;
	v48 =	vmul.f32 v47, v3;
	v16 =	vadd.f32 v19, v16;
	_ =	sdelay $0x1  }
0x232: {  	v51 =	vbroadcast v15, $0x1;
	v50 =	vmul.f32 v49, v4;
	v16 =	vadd.f32 v16, v48;
	_ =	sdelay $0x1  }
0x233: {  	v53 =	vbroadcast v18, $0x2;
	v52 =	vmul.f32 v51, v5;
	v16 =	vadd.f32 v16, v50;
	_ =	sdelay $0x1  }
0x234: {  	v55 =	vbroadcast v15, $0x2;
	v54 =	vmul.f32 v53, v6;
	v16 =	vadd.f32 v16, v52;
	_ =	sdelay $0x1  }
0x235: {  	v57 =	vbroadcast v18, $0x3;
	v56 =	vmul.f32 v55, v7;
	v16 =	vadd.f32 v16, v54;
	_ =	sdelay $0x1  }
0x236: {  	v59 =	vbroadcast v15, $0x3;
	v58 =	vmul.f32 v57, v8;
	v16 =	vadd.f32 v16, v56;
	_ =	sdelay $0x1  }
0x237: {  	v18 =	vbroadcast v18, $0x4;
	v60 =	vmul.f32 v59, v9;
	v16 =	vadd.f32 v16, v58;
	_ =	sdelay $0x1  }
0x238: {  	v15 =	vbroadcast v15, $0x4;
	v18 =	vmul.f32 v18, v10;
	v16 =	vadd.f32 v16, v60;
	_ =	sdelay $0x1  }
0x239: {  	v15 =	vmul.f32 v15, v11;
	v16 =	vadd.f32 v16, v18;
	_ =	sdelay $0x1  }
0x23a: {  	v15 =	vadd.f32 v16, v15;
	_ =	sdelay $0x1  }
0x23b: {  	v15 =	vmax.f32 v15, $-5.000000000e+01  }
0x23c: {  	v15 =	vmin.f32 v15, $5.000000000e+01  }
0x23d: {  	v15 =	vmul.f32 $1.442695020e+00, v15;
	_ =	sdelay $0x1  }
0x23e: {  	(erf) = vpow2.f32 v15;
	_ =	sdelay $0x8  }
0x23f: {  	v15 =	vpop (erf)  }
0x240: {  	v61 =	vadd.f32 $1.000000000e+00, v15;
	_ =	sdelay $0x1  }
0x241: {  	(erf) = vrcp.f32 v61;
	_ =	sdelay $0x4  }
0x242: {  	s24 =	sor.u32 $0xE, s24  }
0x243: {  	v63 =	vmov s24;
	v62 =	vshll.u32 v42, $0x4  }
0x244: {  	v24 =	vshll.u32 v63, $0x3;
	v16 =	vor.u32 v1, v62  }
0x245: {  	v18 =	vor.u32 v0, v24;
	v15 =	vadd.f32 $-1.000000000e+00, v15  }
0x246: {  	v25 =	vpop (erf)  }
0x247: {  	v15 =	vmul.f32 v25, v15;
	_ =	sdelay $0x1  }
0x248: {  	[tilespmem:v16+s31+$0x0] =	vst.idx.msk $0x3ff, v15  }
0x249: {  	v15 =	vld.idx.msk [tilespmem:v18+s20+$0x0], $0xffff;
	_ =	sdelay $0x3  }
0x24a: {  	v26 =	vbroadcast v14, $0xE  }
0x24b: {  	v18 =	vshll.u32 v15, $0x10  }
0x24c: {  	v16 =	vmul.f32 v26, v12;
	v27 =	vbroadcast v18, $0x0  }
0x24d: {  	v15 =	vand.u32 $0xFFFF0000, v15  }
0x24e: {  	v16 =	vadd.f32 v16, v13;
	v28 =	vbroadcast v15, $0x0;
	v19 =	vmul.f32 v27, v2;
	_ =	sdelay $0x1  }
0x24f: {  	v30 =	vbroadcast v18, $0x1;
	v29 =	vmul.f32 v28, v3;
	v16 =	vadd.f32 v19, v16;
	_ =	sdelay $0x1  }
0x250: {  	v32 =	vbroadcast v15, $0x1;
	v31 =	vmul.f32 v30, v4;
	v16 =	vadd.f32 v16, v29;
	_ =	sdelay $0x1  }
0x251: {  	v34 =	vbroadcast v18, $0x2;
	v33 =	vmul.f32 v32, v5;
	v16 =	vadd.f32 v16, v31;
	_ =	sdelay $0x1  }
0x252: {  	v36 =	vbroadcast v15, $0x2;
	v35 =	vmul.f32 v34, v6;
	v16 =	vadd.f32 v16, v33;
	_ =	sdelay $0x1  }
0x253: {  	v38 =	vbroadcast v18, $0x3;
	v37 =	vmul.f32 v36, v7;
	v16 =	vadd.f32 v16, v35;
	_ =	sdelay $0x1  }
0x254: {  	v40 =	vbroadcast v15, $0x3;
	v39 =	vmul.f32 v38, v8;
	v16 =	vadd.f32 v16, v37;
	_ =	sdelay $0x1  }
0x255: {  	v18 =	vbroadcast v18, $0x4;
	v41 =	vmul.f32 v40, v9;
	v16 =	vadd.f32 v16, v39;
	_ =	sdelay $0x1  }
0x256: {  	v15 =	vbroadcast v15, $0x4;
	v18 =	vmul.f32 v18, v10;
	v16 =	vadd.f32 v16, v41;
	_ =	sdelay $0x1  }
0x257: {  	v15 =	vmul.f32 v15, v11;
	v16 =	vadd.f32 v16, v18;
	_ =	sdelay $0x1  }
0x258: {  	v15 =	vadd.f32 v16, v15;
	_ =	sdelay $0x1  }
0x259: {  	v15 =	vmax.f32 v15, $-5.000000000e+01  }
0x25a: {  	v15 =	vmin.f32 v15, $5.000000000e+01  }
0x25b: {  	v15 =	vmul.f32 $1.442695020e+00, v15;
	_ =	sdelay $0x1  }
0x25c: {  	(erf) = vpow2.f32 v15;
	_ =	sdelay $0x8  }
0x25d: {  	v15 =	vpop (erf)  }
0x25e: {  	v42 =	vadd.f32 $1.000000000e+00, v15;
	_ =	sdelay $0x1  }
0x25f: {  	(erf) = vrcp.f32 v42;
	_ =	sdelay $0x4  }
0x260: {  	s25 =	sshllo.u32 s23, $0x4  }
0x261: {  	v43 =	vshll.u32 v63, $0x4;
	v44 =	vmov s25  }
0x262: {  	v45 =	vshll.u32 v44, $0x3;
	v16 =	vor.u32 v1, v43  }
0x263: {  	v18 =	vor.u32 v0, v45;
	v15 =	vadd.f32 $-1.000000000e+00, v15  }
0x264: {  	v46 =	vpop (erf)  }
0x265: {  	v15 =	vmul.f32 v46, v15;
	_ =	sdelay $0x1  }
0x266: {  	[tilespmem:v16+s31+$0x0] =	vst.idx.msk $0x3ff, v15  }
0x267: {  	v15 =	vld.idx.msk [tilespmem:v18+s20+$0x0], $0xffff;
	_ =	sdelay $0x3  }
0x268: {  	v14 =	vbroadcast v14, $0xF  }
0x269: {  	v47 =	vshll.u32 v15, $0x10  }
0x26a: {  	v14 =	vmul.f32 v14, v12;
	v48 =	vbroadcast v47, $0x0  }
0x26b: {  	v15 =	vand.u32 $0xFFFF0000, v15  }
0x26c: {  	v14 =	vadd.f32 v14, v13;
	v49 =	vbroadcast v15, $0x0;
	v18 =	vmul.f32 v48, v2;
	_ =	sdelay $0x1  }
0x26d: {  	v51 =	vbroadcast v47, $0x1;
	v50 =	vmul.f32 v49, v3;
	v14 =	vadd.f32 v18, v14;
	_ =	sdelay $0x1  }
0x26e: {  	v53 =	vbroadcast v15, $0x1;
	v52 =	vmul.f32 v51, v4;
	v14 =	vadd.f32 v14, v50;
	_ =	sdelay $0x1  }
0x26f: {  	v55 =	vbroadcast v47, $0x2;
	v54 =	vmul.f32 v53, v5;
	v14 =	vadd.f32 v14, v52;
	_ =	sdelay $0x1  }
0x270: {  	v57 =	vbroadcast v15, $0x2;
	v56 =	vmul.f32 v55, v6;
	v14 =	vadd.f32 v14, v54;
	_ =	sdelay $0x1  }
0x271: {  	v59 =	vbroadcast v47, $0x3;
	v58 =	vmul.f32 v57, v7;
	v14 =	vadd.f32 v14, v56;
	_ =	sdelay $0x1  }
0x272: {  	v61 =	vbroadcast v15, $0x3;
	v60 =	vmul.f32 v59, v8;
	v14 =	vadd.f32 v14, v58;
	_ =	sdelay $0x1  }
0x273: {  	v16 =	vbroadcast v47, $0x4;
	v62 =	vmul.f32 v61, v9;
	v14 =	vadd.f32 v14, v60;
	_ =	sdelay $0x1  }
0x274: {  	v15 =	vbroadcast v15, $0x4;
	v16 =	vmul.f32 v16, v10;
	v14 =	vadd.f32 v14, v62;
	_ =	sdelay $0x1  }
0x275: {  	v15 =	vmul.f32 v15, v11;
	v14 =	vadd.f32 v14, v16;
	_ =	sdelay $0x1  }
0x276: {  	v14 =	vadd.f32 v14, v15;
	_ =	sdelay $0x1  }
0x277: {  	v14 =	vmax.f32 v14, $-5.000000000e+01  }
0x278: {  	v14 =	vmin.f32 v14, $5.000000000e+01  }
0x279: {  	v14 =	vmul.f32 $1.442695020e+00, v14;
	_ =	sdelay $0x1  }
0x27a: {  	(erf) = vpow2.f32 v14;
	_ =	sdelay $0x8  }
0x27b: {  	v14 =	vpop (erf)  }
0x27c: {  	v15 =	vadd.f32 $1.000000000e+00, v14;
	_ =	sdelay $0x1  }
0x27d: {  	(erf) = vrcp.f32 v15;
	_ =	sdelay $0x5  }
0x27e: {  	v15 =	vshll.u32 v44, $0x4  }
0x27f: {  	p0 =	sne.s32 s23, $0x7F;
	v15 =	vor.u32 v1, v15  }
.Ltmp5:
0x280: {  	v14 =	vadd.f32 $-1.000000000e+00, v14;
	(pc) =	sbr.rel @p0 .LBB2_6-.Ltmp5, $3  }
0x281: {  	v63 =	vpop (erf)  }
0x282: {  	v14 =	vmul.f32 v63, v14;
	_ =	sdelay $0x1  }
0x283: {  	[tilespmem:v15+s31+$0x0] =	vst.idx.msk $0x3ff, v14  }
0x284: {  	[spmem:s2] =	stream.indirect.scatter.add.f32 [tilespmem:s31], [sflag:$0x3], $0xA, s17, s19, $0xb8;
	[tilespmem:$0x15350] =	vst v63  }
0x285: {  	_ =	swait.ge [sflag:s16], $0x500  }
0x286: {  	[sflag:s16] =	ssyncset.done $0x0  }
0x287: {  	s23 =	simm.s32 $0x940;
	s24 =	simm.s32 $0x60C0;
	[sflag:s16] =	ssyncadd.s32 $0xFFFFFB00  }
0x288: {  	[spmem:s2] =	stream.indirect.scatter.add.f32 [tilespmem:s24], [sflag:$0x3], $0xA, s23, s19, $0xb8;
	[tilespmem:$0x15350] =	vst v63  }
0x289: {  	_ =	swait.ge [sflag:s16], $0x500  }
0x28a: {  	[sflag:s16] =	ssyncset.done $0x0  }
0x28b: {  	s25 =	simm.s32 $0x68C0;
	s24 =	simm.s32 $0x9C0;
	[sflag:s16] =	ssyncadd.s32 $0xFFFFFB00  }
0x28c: {  	[spmem:s2] =	stream.indirect.scatter.add.f32 [tilespmem:s25], [sflag:$0x3], $0xA, s24, s19, $0xb8;
	[tilespmem:$0x15350] =	vst v63  }
0x28d: {  	_ =	swait.ge [sflag:s16], $0x500  }
0x28e: {  	[sflag:s16] =	ssyncset.done $0x0  }
0x28f: {  	s24 =	simm.s32 $0xA40;
	s25 =	simm.s32 $0x70C0;
	[sflag:s16] =	ssyncadd.s32 $0xFFFFFB00  }
0x290: {  	[spmem:s2] =	stream.indirect.scatter.add.f32 [tilespmem:s25], [sflag:$0x3], $0xA, s24, s19, $0xb8;
	[tilespmem:$0x15350] =	vst v63  }
0x291: {  	_ =	swait.ge [sflag:s16], $0x500  }
0x292: {  	[sflag:s16] =	ssyncset.done $0x0  }
0x293: {  	s24 =	simm.s32 $0xAC0;
	s25 =	simm.s32 $0x78C0;
	[sflag:s16] =	ssyncadd.s32 $0xFFFFFB00  }
0x294: {  	[spmem:s2] =	stream.indirect.scatter.add.f32 [tilespmem:s25], [sflag:$0x3], $0xA, s24, s19, $0xb8;
	[tilespmem:$0x15350] =	vst v63  }
0x295: {  	_ =	swait.ge [sflag:s16], $0x500  }
0x296: {  	[sflag:s16] =	ssyncset.done $0x0  }
0x297: {  	s24 =	simm.s32 $0xB40;
	s25 =	simm.s32 $0x80C0;
	[sflag:s16] =	ssyncadd.s32 $0xFFFFFB00  }
0x298: {  	[spmem:s2] =	stream.indirect.scatter.add.f32 [tilespmem:s25], [sflag:$0x3], $0xA, s24, s19, $0xb8;
	[tilespmem:$0x15350] =	vst v63  }
0x299: {  	_ =	swait.ge [sflag:s16], $0x500  }
0x29a: {  	[sflag:s16] =	ssyncset.done $0x0  }
0x29b: {  	s24 =	simm.s32 $0xBC0;
	s25 =	simm.s32 $0x88C0;
	[sflag:s16] =	ssyncadd.s32 $0xFFFFFB00  }
0x29c: {  	[spmem:s2] =	stream.indirect.scatter.add.f32 [tilespmem:s25], [sflag:$0x3], $0xA, s24, s19, $0xb8;
	[tilespmem:$0x15350] =	vst v63  }
0x29d: {  	_ =	swait.ge [sflag:s16], $0x500  }
0x29e: {  	[sflag:s16] =	ssyncset.done $0x0  }
0x29f: {  	s24 =	simm.s32 $0xC40;
	s25 =	simm.s32 $0x90C0;
	[sflag:s16] =	ssyncadd.s32 $0xFFFFFB00  }
0x2a0: {  	[spmem:s2] =	stream.indirect.scatter.add.f32 [tilespmem:s25], [sflag:$0x3], $0xA, s24, s19, $0xb8;
	[tilespmem:$0x15350] =	vst v63  }
0x2a1: {  	_ =	swait.ge [sflag:s16], $0x500  }
0x2a2: {  	[sflag:s16] =	ssyncset.done $0x0  }
0x2a3: {  	s24 =	simm.s32 $0xCC0;
	s25 =	simm.s32 $0x98C0;
	[sflag:s16] =	ssyncadd.s32 $0xFFFFFB00  }
0x2a4: {  	[spmem:s2] =	stream.indirect.scatter.add.f32 [tilespmem:s25], [sflag:$0x3], $0xA, s24, s19, $0xb8;
	[tilespmem:$0x15350] =	vst v63  }
0x2a5: {  	_ =	swait.ge [sflag:s16], $0x500  }
0x2a6: {  	[sflag:s16] =	ssyncset.done $0x0  }
0x2a7: {  	s25 =	simm.s32 $0xD40;
	[sflag:s16] =	ssyncadd.s32 $0xFFFFFB00  }
0x2a8: {  	[spmem:s2] =	stream.indirect.scatter.add.f32 [tilespmem:s26], [sflag:$0x3], $0xA, s25, s19, $0xb8;
	[tilespmem:$0x15350] =	vst v63  }
0x2a9: {  	_ =	swait.ge [sflag:s16], $0x500  }
0x2aa: {  	[sflag:s16] =	ssyncset.done $0x0  }
0x2ab: {  	[sflag:s16] =	ssyncadd.s32 $0xFFFFFB00  }
0x2ac: {  	[spmem:s2] =	stream.indirect.scatter.add.f32 [tilespmem:s29], [sflag:$0x3], $0xA, s28, s19, $0xb8;
	[tilespmem:$0x15350] =	vst v63  }
0x2ad: {  	_ =	swait.ge [sflag:s16], $0x500  }
0x2ae: {  	[sflag:s16] =	ssyncset.done $0x0  }
0x2af: {  	[sflag:s16] =	ssyncadd.s32 $0xFFFFFB00  }
0x2b0: {  	[spmem:s2] =	stream.indirect.scatter.add.f32 [tilespmem:s0], [sflag:$0x3], $0xA, s1, s19, $0xb8;
	[tilespmem:$0x15350] =	vst v63  }
0x2b1: {  	_ =	swait.ge [sflag:s16], $0x500  }
0x2b2: {  	[sflag:s16] =	ssyncset.done $0x0  }
0x2b3: {  	[sflag:s16] =	ssyncadd.s32 $0xFFFFFB00  }
0x2b4: {  	[spmem:s2] =	stream.indirect.scatter.add.f32 [tilespmem:s6], [sflag:$0x3], $0xA, s5, s19, $0xb8;
	[tilespmem:$0x15350] =	vst v63  }
0x2b5: {  	_ =	swait.ge [sflag:s16], $0x500  }
0x2b6: {  	[sflag:s16] =	ssyncset.done $0x0  }
0x2b7: {  	[sflag:s16] =	ssyncadd.s32 $0xFFFFFB00  }
0x2b8: {  	[spmem:s2] =	stream.indirect.scatter.add.f32 [tilespmem:s8], [sflag:$0x3], $0xA, s7, s19, $0xb8;
	[tilespmem:$0x15350] =	vst v63  }
0x2b9: {  	_ =	swait.ge [sflag:s16], $0x500  }
0x2ba: {  	[sflag:s16] =	ssyncset.done $0x0  }
0x2bb: {  	[sflag:s16] =	ssyncadd.s32 $0xFFFFFB00  }
0x2bc: {  	[spmem:s2] =	stream.indirect.scatter.add.f32 [tilespmem:s10], [sflag:$0x3], $0xA, s9, s19, $0xb8;
	[tilespmem:$0x15350] =	vst v63  }
0x2bd: {  	_ =	swait.ge [sflag:s16], $0x500  }
0x2be: {  	[sflag:s16] =	ssyncset.done $0x0  }
.Ltmp6:
0x2bf: {  	[sflag:s16] =	ssyncadd.s32 $0xFFFFFB00;
	(pc) =	sbr.rel .LBB2_6-.Ltmp6, $4  }
0x2c0: {  	[spmem:s2] =	stream.indirect.scatter.add.f32 [tilespmem:s13], [sflag:$0x2], $0xA, s11, s19, $0xb8;
	[tilespmem:$0x15350] =	vst v63  }
0x2c1: {  	_ =	swait.ge [sflag:s12], $0x500  }
0x2c2: {  	[sflag:s12] =	ssyncset.done $0x0  }
0x2c3: {  	[sflag:s12] =	ssyncadd.s32 $0xFFFFFB00  }
.LBB2_8:
0x2c4: {  	_ =	sfence.sel $0x180000  }
0x2c5: {  	[bflag:$0x0] =	sbarrier.arrive $0xFFFF  }
0x2c6: {  	_ =	strace $0x9000004A  }
0x2c7: {  	s0 =	stileid.u32;
	[bflag:$0x2] =	sbarrier.arrive $0xFFFF  }
0x2c8: {  	p0 =	sne.s32 s0, $0x0;
	s0 =	rddreg [dreg:$0x2]  }
0x2c9: {  	s0 =	sadd.s32 @!p0 $0x100000, s0  }
0x2ca: {  	[sflag:s0] =	ssyncadd.tile.s32 @!p0 $0x1;
	_ =	shalt  }
.Lfunc_end2:
_tile_overlayer_lowered:
.L_overlay_start_2:
0x2cb: {  	(tag) =	ssettag $0x2  }
0x2cc: {  	s0 =	rddreg [dreg:$0x0];
	s2 =	stileid.u32  }
0x2cd: {  	s1 =	rddreg [dreg:$0x1];
	p0 =	sne.s32 s2, $0x0  }
0x2ce: {  	s3 =	rddreg [dreg:$0x2];
	[bflag:$0x3] =	sbarrier.arrive $0xFFFF;
	s2 =	simm.s32 @!p0 $0x1C02  }
0x2cf: {  	[timem:s3], [sflag:s2] =	dma.local @!p0 [hbm:s0], s1  }
0x2d0: {  	s0 =	simm.s32 @!p0 $0x2  }
0x2d1: {  	_ =	swait.ge @!p0 [sflag:s0], s1  }
0x2d2: {  	s1 =	ssub.s32 @!p0 $0x0, s1;
	[sflag:s0] =	ssyncset.done @!p0 $0x0  }
0x2d3: {  	[sflag:s0] =	ssyncadd.s32 @!p0 s1  }
0x2d4: {  	[bflag:$0x3] =	sbarrier.arrive $0xFFFF  }
0x2d5: {  	_ =	shalt  }

// kernel: kernel.3.cloned.1.call-start
scs
__scs_entry_jumppad:
0x0: {  	(pc) =	sbr.rel $0x88, $3  }
0x1: {  	(tag) =	ssettag $0x0;
	lr =	simm.s32 $0x1  }
0x2: {  	[smem:$0x3F99] =	sst lr;
	_ =	strace $0xD0000000  }
0x3: {  	_ = 	snop  }
0x4: {  	_ = 	snop  }
0x5: {  	_ = 	snop  }
0x6: {  	_ = 	snop  }
0x7: {  	_ = 	snop  }
__scs_overlays_trampoline_lowered:
0x8: {  	[smem:$0x3FA8] =	sst s0  }
0x9: {  	[smem:$0x3FA9] =	sst s1  }
0xa: {  	[smem:$0x3FAA] =	sst s2  }
0xb: {  	[smem:$0x3FAB] =	sst s3  }
0xc: {  	[smem:$0x3FAC] =	sst s4  }
0xd: {  	[smem:$0x3FAD] =	sst s5  }
0xe: {  	[smem:$0x3FAE] =	sst s6  }
0xf: {  	[smem:$0x3FAF] =	sst s7  }
0x10: {  	[smem:$0x3FB0] =	sst s8  }
0x11: {  	[smem:$0x3FB1] =	sst s9;
	s0 =	simm.s32 @!p0 $0x0  }
0x12: {  	s1 =	sld [smem:$0x3F97];
	s0 =	simm.s32 @p0 $0x1  }
0x13: {  	[smem:$0x3FB2] =	sst s0;
	s0 =	simm.s32 @!p1 $0x0  }
0x14: {  	s2 =	sld [smem:$0x3F96];
	s0 =	simm.s32 @p1 $0x1  }
0x15: {  	[smem:$0x3FB3] =	sst s0;
	s0 =	simm.s32 @!p2 $0x0  }
0x16: {  	s3 =	sld [smem:$0x3FDB];
	s0 =	simm.s32 @p2 $0x1  }
0x17: {  	s4 =	simm.s32 $0x1BF5;
	[smem:$0x3FB5] =	sst s0  }
0x18: {  	s0 =	sld [smem:$0x3F98];
	_ =	swait.ge [sflag:s4], $0x0  }
0x19: {  	s7 =	sld [smem:$0x3F99]  }
0x1a: {  	s8 =	sadd.s32 $0xFFFFE003, lr  }
0x1b: {  	s9 =	sadd.s32 $0xFFFFFEF7, lr;
	s5 =	simm.s32 $0xFFFFFFFF;
	p2 =	slt.u32 s8, $0xFFFFF086  }
0x1c: {  	p1 =	slt.u32 s9, $0xF7A;
	s5 =	simm.s32 @!p2 $0x0  }
0x1d: {  	s5 =	simm.s32 @p1 $0x1;
	p0 =	seq.s32 s7, s2  }
0x1e: {  	s7 =	smul.u32 @!p0 $0xF7A, s2;
	p2 =	seq.s32 @!p0 s5, $0x0  }
0x1f: {  	s9 =	smul.u32 $0xF7A, s1;
	s8 =	simm.s32 @!p0 $0x1BF5;
	p2 =	por !p2, p0  }
0x20: {  	[sflag:s8] =	ssyncset.s32 @!p0 $0xFFFFF086;
	s6 =	sadd.s32 @!p0 s3, s7;
	s7 =	simm.s32 @!p0 $0x108  }
0x21: {  	s3 =	sadd.s32 s3, s9;
	s6 =	sadd.s32 @!p0 $0x88, s6;
	s7 =	simm.s32 @p2 $0x1082  }
0x22: {  	[simem:s7], [sflag:s8] =	dma.local @!p0 [hbm:s6], $0xF7A  }
0x23: {  	s9 =	sor.u32 $0xD0000000, s2;
	s6 =	simm.s32 $0x108;
	_ =	swait.ge @!p0 [sflag:s8], $0x0  }
0x24: {  	s3 =	sadd.s32 $0x88, s3;
	s6 =	simm.s32 @!p1 $0x1082;
	[sflag:s4] =	ssyncset.s32 $0xFFFFF086  }
0x25: {  	[simem:s6], [sflag:s4] =	dma.local [hbm:s3], $0xF7A  }
0x26: {  	[smem:$0x3F99] =	sst s1;
	(tag) =	ssettag s2;
	_ =	strace s9  }
0x27: {  	s1 =	sld [smem:$0x3FA9]  }
0x28: {  	s2 =	sld [smem:$0x3FAA]  }
0x29: {  	s4 =	sld [smem:$0x3FAC]  }
0x2a: {  	p0 =	seq.s32 s5, $0x0;
	s5 =	sld [smem:$0x3FAD]  }
0x2b: {  	s6 =	sld [smem:$0x3FAE]  }
0x2c: {  	s7 =	sld [smem:$0x3FAF]  }
0x2d: {  	s3 =	simm.s32 $0x108;
	s8 =	sld [smem:$0x3FB0]  }
0x2e: {  	s3 =	simm.s32 @!p0 $0x1082;
	s9 =	sld [smem:$0x3FB1]  }
0x2f: {  	lr =	sadd.s32 s0, s3;
	s0 =	sld [smem:$0x3FA8]  }
0x30: {  	s3 =	sld [smem:$0x3FAB]  }
0x31: {  	[smem:$0x3FB4] =	sst s10  }
0x32: {  	s10 =	sld [smem:$0x3FB2];
	_ =	sdelay $0x3  }
0x33: {  	p0 =	seq.s32 s10, $0x1;
	s10 =	sld [smem:$0x3FB4];
	_ =	sdelay $0x3  }
0x34: {  	[smem:$0x3FB4] =	sst s10  }
0x35: {  	s10 =	sld [smem:$0x3FB3];
	_ =	sdelay $0x3  }
0x36: {  	p1 =	seq.s32 s10, $0x1;
	s10 =	sld [smem:$0x3FB4];
	_ =	sdelay $0x3  }
0x37: {  	[smem:$0x3FB4] =	sst s10  }
0x38: {  	s10 =	sld [smem:$0x3FB5]  }
0x39: {  	_ = 	snop;
	(pc) =	sbr.ind lr, $3  }
0x3a: {  	_ = 	snop  }
0x3b: {  	_ = 	snop  }
0x3c: {  	p2 =	seq.s32 s10, $0x1;
	s10 =	sld [smem:$0x3FB4]  }
0x3d: {  	_ =	shalt  }
0x3e: {  	_ =	shalt  }
0x3f: {  	_ =	shalt  }
0x40: {  	_ =	shalt  }
0x41: {  	_ =	shalt  }
0x42: {  	_ =	shalt  }
0x43: {  	_ =	shalt  }
0x44: {  	_ =	shalt  }
0x45: {  	_ =	shalt  }
0x46: {  	_ =	shalt  }
0x47: {  	_ =	shalt  }
0x48: {  	_ =	shalt  }
0x49: {  	_ =	shalt  }
0x4a: {  	_ =	shalt  }
0x4b: {  	_ =	shalt  }
0x4c: {  	_ =	shalt  }
0x4d: {  	_ =	shalt  }
0x4e: {  	_ =	shalt  }
0x4f: {  	_ =	shalt  }
0x50: {  	_ =	shalt  }
0x51: {  	_ =	shalt  }
0x52: {  	_ =	shalt  }
0x53: {  	_ =	shalt  }
0x54: {  	_ =	shalt  }
0x55: {  	_ =	shalt  }
0x56: {  	_ =	shalt  }
0x57: {  	_ =	shalt  }
0x58: {  	_ =	shalt  }
0x59: {  	_ =	shalt  }
0x5a: {  	_ =	shalt  }
0x5b: {  	_ =	shalt  }
0x5c: {  	_ =	shalt  }
0x5d: {  	_ =	shalt  }
0x5e: {  	_ =	shalt  }
0x5f: {  	_ =	shalt  }
0x60: {  	_ =	shalt  }
0x61: {  	_ =	shalt  }
0x62: {  	_ =	shalt  }
0x63: {  	_ =	shalt  }
0x64: {  	_ =	shalt  }
0x65: {  	_ =	shalt  }
0x66: {  	_ =	shalt  }
0x67: {  	_ =	shalt  }
0x68: {  	_ =	shalt  }
0x69: {  	_ =	shalt  }
0x6a: {  	_ =	shalt  }
0x6b: {  	_ =	shalt  }
0x6c: {  	_ =	shalt  }
0x6d: {  	_ =	shalt  }
0x6e: {  	_ =	shalt  }
0x6f: {  	_ =	shalt  }
0x70: {  	_ =	shalt  }
0x71: {  	_ =	shalt  }
0x72: {  	_ =	shalt  }
0x73: {  	_ =	shalt  }
0x74: {  	_ =	shalt  }
0x75: {  	_ =	shalt  }
0x76: {  	_ =	shalt  }
0x77: {  	_ =	shalt  }
0x78: {  	_ =	shalt  }
0x79: {  	_ =	shalt  }
0x7a: {  	_ =	shalt  }
0x7b: {  	_ =	shalt  }
0x7c: {  	_ =	shalt  }
0x7d: {  	_ =	shalt  }
0x7e: {  	_ =	shalt  }
0x7f: {  	_ =	shalt  }
0x80: {  	_ =	shalt  }
0x81: {  	_ =	shalt  }
0x82: {  	_ =	shalt  }
0x83: {  	_ =	shalt  }
0x84: {  	_ =	shalt  }
0x85: {  	_ =	shalt  }
0x86: {  	_ =	shalt  }
0x87: {  	_ =	shalt  }
.Lfunc_end0:
.L_simem_size_0:
called_computation.1_lowered:
.L_overlay_start_0:
0x88: {  	s2 =	sld [smem:$0x3FD9]  }
0x89: {  	s3 =	sld [smem:$0x3FFE];
	_ =	sdelay $0x1  }
0x8a: {  	s1 =	srdreg.scid  }
0x8b: {  	s0 =	sand.u32 $0x1, s1  }
0x8c: {  	s17 =	sshll.u32 s0, $0xA;
	s2 =	sadd.s32 s3, s2  }
0x8d: {  	s2 =	sadd.s32 s2, s17  }
0x8e: {  	[smem:$0x3FC0] =	sst s2  }
0x8f: {  	_ = 	snop  }
0x90: {  	s2 =	sld [smem:$0x3FD0];
	(tm) =	ssettm $0x1  }
0x91: {  	s18 =	sld [smem:$0x3FFB];
	_ =	sdelay $0x3  }
0x92: {  	_ =	strace s18  }
0x93: {  	s3 =	sld [smem:$0x3FFC];
	_ =	sdelay $0x3  }
0x94: {  	_ =	strace s3  }
0x95: {  	s3 =	sld [smem:$0x3FFD];
	_ =	sdelay $0x3  }
0x96: {  	_ =	strace s3  }
0x97: {  	_ =	strace $0x8FFFFFFF  }
0x98: {  	s19 =	sld [smem:$0x3FDB];
	_ =	sdelay $0x1  }
0x99: {  	s4 =	simm.s32 $_scs_section_size  }
0x9a: {  	s5 =	simm.s32 $_size__tile_overlayer_lowered;
	s6 =	simm.s32 $_tile_overlayer_lowered  }
0x9b: {  	s22 =	simm.s32 $0x1BFF;
	s21 =	sshll.u32 s6, $0x1;
	s3 =	sadd.s32 s4, s19  }
0x9c: {  	s7 =	simm.s32 $0x0;
	s20 =	sshll.u32 s5, $0x1;
	s5 =	sadd.s32 s21, s3  }
0x9d: {  	[timem:s7], [sflag:s22] =	dma.local [hbm:s5], s20  }
0x9e: {  	_ =	swait.ge [sflag:s22], s20  }
0x9f: {  	s4 =	ssub.s32 $0x0, s20;
	[sflag:s22] =	ssyncset.done $0x0  }
0xa0: {  	[sflag:s22] =	ssyncadd.s32 s4;
	_ =	sdelay $0x1  }
0xa1: {  	s23 =	simm.s32 $0x1B8B  }
0xa2: {  	_ =	swait.ge [sflag:s23], $0x1  }
0xa3: {  	[sflag:s23] =	ssyncset.done $0x0  }
0xa4: {  	s25 =	simm.s32 $0x1B8E;
	s24 =	sld [smem:$0x3FFE];
	[sflag:s23] =	ssyncadd.s32 $0xFFFFFFFF  }
0xa5: {  	s26 =	simm.s32 $execute0_lowered;
	[smem:$0x3FD2] =	sst s25  }
0xa6: {  	s5 =	sshll.u32 s26, $0x1;
	_ =	strace $0x80000046;
	[dreg:$0x1] =	wrdreg $0xFFFFFFFF  }
0xa7: {  	s28 =	simm.s32 $_size_execute0_lowered;
	s3 =	sadd.s32 s3, s5;
	[dreg:$0x0] =	wrdreg $0x0  }
0xa8: {  	s5 =	sshll.u32 s28, $0x1;
	[dreg:$0x2] =	wrdreg s3  }
0xa9: {  	[dreg:$0x3] =	wrdreg s5  }
0xaa: {  	[dreg:$0x4] =	wrdreg $0xC0  }
0xab: {  	_ =	task [dreg:s7], $0x5FFFF  }
0xac: {  	[dreg:$0x1] =	wrdreg $0xFFFFFFFF  }
0xad: {  	[dreg:$0x0] =	wrdreg $0x60  }
0xae: {  	[dreg:$0x2] =	wrdreg s24  }
0xaf: {  	[dreg:$0x3] =	wrdreg s2  }
0xb0: {  	[dreg:$0x4] =	wrdreg $0xAC700  }
0xb1: {  	[dreg:$0x5] =	wrdreg $0x9  }
0xb2: {  	_ =	task.clear_ibuf [dreg:s7], $0x6FFFF;
	_ =	strace $0x90000046  }
0xb3: {  	s29 =	simm.s32 $0x9;
	_ =	strace $0x80000048  }
0xb4: {  	_ =	swait.ge [sflag:s29], $0x1  }
0xb5: {  	[sflag:s29] =	ssyncadd.s32 $0xFFFFFFFF  }
0xb6: {  	_ =	strace $0x90000048  }
0xb7: {  	_ =	sfence  }
0xb8: {  	s30 =	sld [smem:$0x0];
	_ =	sdelay $0x2  }
0xb9: {  	s31 =	sshll.u32 s1, $0xD;
	s1 =	sshrl.u32 s1, $0x2  }
0xba: {  	s3 =	sand.u32 $0x4000, s31;
	s1 =	sadd.s32 s1, s30  }
0xbb: {  	s0 =	sor.u32 s3, s0;
	s1 =	sshll.u32 s1, $0x11  }
0xbc: {  	s0 =	sor.u32 s1, s0  }
0xbd: {  	s0 =	sadd.s32 $0x8F2B, s0  }
0xbe: {  	[sflag:s0] =	ssyncadd.remote.s32 $0x1  }
0xbf: {  	_ =	sfence.sel $0xFFFF  }
0xc0: {  	[dreg:$0x0] =	wrdreg $0xFFFFFFFF;
	(pc) =	sbr.abs _section_cstart, $3  }
0xc1: {  	[dreg:$0x1] =	wrdreg $0xFFFFFFFF  }
0xc2: {  	_ =	task.clear_ibuf [dreg:s7], $0x2FFFF;
	_ =	strace $0x9FFFFFFF  }
0xc3: {  	(tm) =	ssettm $0x7FFFFFFF  }
tec
execute0_lowered:
.L_overlay_start_1:
0x0: {  	(tag) =	ssettag $0x1  }
0x1: {  	s6 =	rddreg [dreg:$0x0]  }
0x2: {  	s0 =	srdreg.scid;
	s2 =	rddreg [dreg:$0x1]  }
0x3: {  	s3 =	rddreg [dreg:$0x2];
	s4 =	simm.s32 $0x0;
	s13 =	simm.s32 $0xA770  }
0x4: {  	s14 =	simm.s32 $0x20;
	s15 =	simm.s32 $0xC60;
	s16 =	simm.s32 $0x86F0  }
0x5: {  	s17 =	simm.s32 $0x80;
	s18 =	simm.s32 $0xA7F0;
	s19 =	simm.s32 $0x8EF0  }
0x6: {  	v0 =	vlaneseq.u32;
	s20 =	simm.s32 $0xA870;
	s21 =	simm.s32 $0x96F0;
	s22 =	simm.s32 $0xA8F0  }
0x7: {  	s23 =	simm.s32 $0x9EF0;
	s24 =	simm.s32 $0xA970;
	s7 =	sand.u32 $0x1, s0;
	v1 =	vmul.u32 $0x10, v0  }
0x8: {  	s25 =	simm.s32 $0xAB70;
	s0 =	stileid.u32;
	s1 =	sshll.u32 s7, $0x4  }
0x9: {  	v2 =	vimm.f32 $0.0e+00;
	s26 =	simm.s32 $0x0;
	[smem:$0x7FF] =	sst s4;
	v7 =	vmul.u32 $0x8, v0;
	s5 =	sor.u32 s0, s1;
	v3 =	vor.u32 $0x1, v1  }
0xa: {  	_ =	strace $0x80000047;
	s9 =	ssub.s32 $0x2, s7;
	v4 =	vor.u32 $0x2, v1;
	v5 =	vor.u32 $0x3, v1;
	v6 =	vor.u32 $0x4, v1;
	s8 =	smul.u32 $0xF50, s5  }
0xb: {  	s11 =	sshll.u32 s0, $0x5;
	s30 =	sshll.u32 s0, $0x9;
	v8 =	vor.u32 $0x5, v1;
	v9 =	vor.u32 $0x6, v1;
	v10 =	vor.u32 $0x7, v1;
	s5 =	smul.u32 $0x188, s5  }
0xc: {  	s31 =	sshll.u32 s7, $0x9;
	s12 =	sshrl.u32 s9, $0x1;
	s11 =	sadd.s32 s11, s6;
	v11 =	vor.u32 $0x8, v1;
	v12 =	vor.u32 $0x9, v1;
	v13 =	vor.u32 $0x1, v7  }
0xd: {  	v14 =	vor.u32 $0x100, v1;
	v15 =	vor.u32 $0x101, v1;
	v16 =	vor.u32 $0x102, v1;
	s12 =	ssub.s32 s9, s12;
	s9 =	sadd.s32 $0x86F0, s30;
	s10 =	sadd.s32 s5, s6  }
0xe: {  	v17 =	vor.u32 $0x103, v1;
	v18 =	vor.u32 $0x104, v1;
	v19 =	vor.u32 $0x105, v1;
	s8 =	sadd.s32 s8, s6;
	s5 =	sadd.s32 $0x1FE00, s6;
	s6 =	sadd.s32 $0x20000, s10  }
0xf: {  	v20 =	vor.u32 $0x106, v1;
	v21 =	vor.u32 $0x107, v1;
	v22 =	vor.u32 $0x108, v1;
	s7 =	sadd.s32 $0x1400, s8;
	s8 =	sadd.s32 s30, s3;
	s10 =	sadd.s32 s31, s11  }
0x10: {  	v23 =	vor.u32 $0x109, v1;
	v24 =	vor.u32 $0x80, v7;
	v25 =	vor.u32 $0x81, v7;
	s11 =	smax.u32 s12, $0x1;
	s12 =	simm.s32 $0x1;
	s10 =	sadd.s32 $0x23200, s10  }
.LBB2_1:
0x11: {  	[tilespmem:s4], [sflag:$0x1] =	stream.linear.gather [hbm4b:s5+s4], $0x20, $0x38;
	[tilespmem:$0xAE70] =	vst v63  }
0x12: {  	_ =	swait.ge [sflag:s12], $0x20  }
0x13: {  	[sflag:s12] =	ssyncset.done $0x0  }
0x14: {  	[sflag:s12] =	ssyncadd.s32 $0xFFFFFFE0  }
0x15: {  	[tilespmem:s13], [sflag:$0x1] =	stream.linear.gather [hbm4b:s2+s4], $0x200, $0x38;
	[tilespmem:$0xAE70] =	vst v63  }
0x16: {  	_ =	swait.ge [sflag:s12], $0x200  }
0x17: {  	[sflag:s12] =	ssyncset.done $0x0  }
0x18: {  	[sflag:s12] =	ssyncadd.s32 $0xFFFFFE00  }
0x19: {  	[tilespmem:s14], [sflag:$0x1] =	stream.linear.gather [hbm4b:s6+s4], $0xC40, $0x38;
	[tilespmem:$0xAE70] =	vst v63  }
0x1a: {  	_ =	swait.ge [sflag:s12], $0xC40  }
0x1b: {  	[sflag:s12] =	ssyncset.done $0x0  }
0x1c: {  	[sflag:s12] =	ssyncadd.s32 $0xFFFFF3C0  }
0x1d: {  	[tilespmem:s15], [sflag:$0x1] =	stream.linear.gather [hbm4b:s7+s4], $0x7A80, $0x38;
	[tilespmem:$0xAE70] =	vst v63  }
0x1e: {  	_ =	swait.ge [sflag:s12], $0x7A80  }
0x1f: {  	s29 =	simm.s32 $0x0;
	[sflag:s12] =	ssyncset.done $0x0  }
0x20: {  	s28 =	simm.s32 $0x1;
	v26 =	vor.u32 s29, v0;
	[sflag:s12] =	ssyncadd.s32 $0xFFFF8580  }
.LBB2_2:
0x21: {  	p0 =	sne.s32 s28, $0x207  }
.Ltmp0:
0x22: {  	_ = 	snop;
	(pc) =	sbr.rel @p0 .LBB2_2-.Ltmp0, $3  }
0x23: {  	_ =	sdelay $0x1  }
0x24: {  	s29 =	sshll.u32 s28, $0x4;
	s28 =	sadd.s32 $0x1, s28;
	[tilespmem:v26+s16+$0x0] =	vst.idx.msk $0xffff, v2  }
0x25: {  	v26 =	vor.u32 s29, v0  }
0x26: {  	_ =	sdelay $0x3  }
0x27: {  	[tilespmem:v26+s16+$0x0] =	vst.idx.msk $0xffff, v2  }
0x28: {  	[spmem:s8] =	stream.linear.scatter [tilespmem:s9], [sflag:$0x1], $0x200, $0x38;
	[tilespmem:$0xAE70] =	vst v63  }
0x29: {  	_ =	swait.ge [sflag:s12], $0x200  }
0x2a: {  	[sflag:s12] =	ssyncset.done $0x0  }
0x2b: {  	[sflag:s12] =	ssyncadd.s32 $0xFFFFFE00  }
0x2c: {  	s28 =	simm.s32 $0x0;
	[bflag:$0x0] =	sbarrier.arrive $0xFFFF  }
0x2d: {  	v26 =	vld [tilespmem:s28+$0x20];
	_ =	sdelay $0x4  }
0x2e: {  	v26 =	vshll.u32 v26, $0x4  }
0x2f: {  	v27 =	vbroadcast v26, $0x0  }
0x30: {  	s28 =	simm.s32 $0xCB0  }
0x31: {  	v28 =	vld [tilespmem:s28+$0xFFFFFFB0];
	v27 =	vor.u32 v0, v27;
	_ =	sdelay $0x3  }
0x32: {  	v29 =	vbroadcast v26, $0x1  }
0x33: {  	[tilespmem:v27+s16+$0x0] =	vst.idx.add.f32.msk $0xffff, v28  }
0x34: {  	v28 =	vor.u32 v0, v29;
	v27 =	vld [tilespmem:s28+$0xFFFFFFBA];
	_ =	sdelay $0x3  }
0x35: {  	v29 =	vbroadcast v26, $0x2  }
0x36: {  	[tilespmem:v28+s16+$0x0] =	vst.idx.add.f32.msk $0xffff, v27  }
0x37: {  	v28 =	vor.u32 v0, v29;
	v27 =	vld [tilespmem:s28+$0xFFFFFFC4];
	_ =	sdelay $0x3  }
0x38: {  	v29 =	vbroadcast v26, $0x3  }
0x39: {  	[tilespmem:v28+s16+$0x0] =	vst.idx.add.f32.msk $0xffff, v27  }
0x3a: {  	v28 =	vor.u32 v0, v29;
	v27 =	vld [tilespmem:s28+$0xFFFFFFCE];
	_ =	sdelay $0x3  }
0x3b: {  	v29 =	vbroadcast v26, $0x4  }
0x3c: {  	[tilespmem:v28+s16+$0x0] =	vst.idx.add.f32.msk $0xffff, v27  }
0x3d: {  	v28 =	vor.u32 v0, v29;
	v27 =	vld [tilespmem:s28+$0xFFFFFFD8];
	_ =	sdelay $0x3  }
0x3e: {  	v29 =	vbroadcast v26, $0x5  }
0x3f: {  	[tilespmem:v28+s16+$0x0] =	vst.idx.add.f32.msk $0xffff, v27  }
0x40: {  	v28 =	vor.u32 v0, v29;
	v27 =	vld [tilespmem:s28+$0xFFFFFFE2];
	_ =	sdelay $0x3  }
0x41: {  	v29 =	vbroadcast v26, $0x6  }
0x42: {  	[tilespmem:v28+s16+$0x0] =	vst.idx.add.f32.msk $0xffff, v27  }
0x43: {  	v28 =	vor.u32 v0, v29;
	v27 =	vld [tilespmem:s28+$0xFFFFFFEC];
	_ =	sdelay $0x3  }
0x44: {  	v29 =	vbroadcast v26, $0x7  }
0x45: {  	[tilespmem:v28+s16+$0x0] =	vst.idx.add.f32.msk $0xffff, v27  }
0x46: {  	v28 =	vor.u32 v0, v29;
	v27 =	vld [tilespmem:s28+$0xFFFFFFF6];
	_ =	sdelay $0x3  }
0x47: {  	v29 =	vbroadcast v26, $0x8  }
0x48: {  	[tilespmem:v28+s16+$0x0] =	vst.idx.add.f32.msk $0xffff, v27  }
0x49: {  	v28 =	vor.u32 v0, v29;
	v27 =	vld [tilespmem:s28+$0x0];
	_ =	sdelay $0x3  }
0x4a: {  	v29 =	vbroadcast v26, $0x9  }
0x4b: {  	[tilespmem:v28+s16+$0x0] =	vst.idx.add.f32.msk $0xffff, v27  }
0x4c: {  	v28 =	vor.u32 v0, v29;
	v27 =	vld [tilespmem:s28+$0xA];
	_ =	sdelay $0x3  }
0x4d: {  	v29 =	vbroadcast v26, $0xA  }
0x4e: {  	[tilespmem:v28+s16+$0x0] =	vst.idx.add.f32.msk $0xffff, v27  }
0x4f: {  	v28 =	vor.u32 v0, v29;
	v27 =	vld [tilespmem:s28+$0x14];
	_ =	sdelay $0x3  }
0x50: {  	v29 =	vbroadcast v26, $0xB  }
0x51: {  	[tilespmem:v28+s16+$0x0] =	vst.idx.add.f32.msk $0xffff, v27  }
0x52: {  	v28 =	vor.u32 v0, v29;
	v27 =	vld [tilespmem:s28+$0x1E];
	_ =	sdelay $0x3  }
0x53: {  	v29 =	vbroadcast v26, $0xC  }
0x54: {  	[tilespmem:v28+s16+$0x0] =	vst.idx.add.f32.msk $0xffff, v27  }
0x55: {  	v28 =	vor.u32 v0, v29;
	v27 =	vld [tilespmem:s28+$0x28];
	_ =	sdelay $0x3  }
0x56: {  	v29 =	vbroadcast v26, $0xD  }
0x57: {  	[tilespmem:v28+s16+$0x0] =	vst.idx.add.f32.msk $0xffff, v27  }
0x58: {  	v28 =	vor.u32 v0, v29;
	v27 =	vld [tilespmem:s28+$0x32];
	_ =	sdelay $0x3  }
0x59: {  	v29 =	vbroadcast v26, $0xE  }
0x5a: {  	[tilespmem:v28+s16+$0x0] =	vst.idx.add.f32.msk $0xffff, v27  }
0x5b: {  	v28 =	vor.u32 v0, v29;
	v27 =	vld [tilespmem:s28+$0x3C];
	_ =	sdelay $0x3  }
0x5c: {  	v26 =	vbroadcast v26, $0xF  }
0x5d: {  	[tilespmem:v28+s16+$0x0] =	vst.idx.add.f32.msk $0xffff, v27  }
0x5e: {  	s29 =	simm.s32 $0x40;
	s31 =	simm.s32 $0x80;
	v26 =	vor.u32 v0, v26;
	v27 =	vld [tilespmem:s28+$0x46]  }
.LBB2_4:
0x5f: {  	_ =	sdelay $0x2  }
0x60: {  	s1 =	sshra.s32 s29, $0x2  }
0x61: {  	s28 =	sadd.s32 $0xA0, s28;
	s29 =	smov.u32 s31;
	s30 =	sadd.s32 $0x40, s31;
	[tilespmem:v26+s16+$0x0] =	vst.idx.add.f32.msk $0xffff, v27  }
0x62: {  	p0 =	sne.s32 s31, $0x30C0;
	v26 =	vld [tilespmem:s1+$0x20];
	_ =	sdelay $0x4  }
0x63: {  	v26 =	vshll.u32 v26, $0x4  }
0x64: {  	v27 =	vbroadcast v26, $0x0;
	v28 =	vbroadcast v26, $0x1  }
0x65: {  	v29 =	vbroadcast v26, $0x2;
	v30 =	vbroadcast v26, $0x3  }
0x66: {  	v32 =	vbroadcast v26, $0x4;
	v33 =	vbroadcast v26, $0x5;
	v31 =	vld [tilespmem:s28+$0xFFFFFFB0];
	v27 =	vor.u32 v0, v27  }
0x67: {  	v34 =	vbroadcast v26, $0x6;
	v35 =	vbroadcast v26, $0x7  }
0x68: {  	v36 =	vbroadcast v26, $0x8;
	v37 =	vbroadcast v26, $0x9  }
0x69: {  	v38 =	vbroadcast v26, $0xA;
	v39 =	vbroadcast v26, $0xB  }
0x6a: {  	v40 =	vbroadcast v26, $0xC;
	v41 =	vbroadcast v26, $0xD  }
0x6b: {  	[tilespmem:v27+s16+$0x0] =	vst.idx.add.f32.msk $0xffff, v31;
	v27 =	vbroadcast v26, $0xE;
	v26 =	vbroadcast v26, $0xF  }
0x6c: {  	v28 =	vor.u32 v0, v28;
	v31 =	vld [tilespmem:s28+$0xFFFFFFBA];
	_ =	sdelay $0x4  }
0x6d: {  	[tilespmem:v28+s16+$0x0] =	vst.idx.add.f32.msk $0xffff, v31  }
0x6e: {  	v29 =	vor.u32 v0, v29;
	v28 =	vld [tilespmem:s28+$0xFFFFFFC4];
	_ =	sdelay $0x4  }
0x6f: {  	[tilespmem:v29+s16+$0x0] =	vst.idx.add.f32.msk $0xffff, v28  }
0x70: {  	v29 =	vor.u32 v0, v30;
	v28 =	vld [tilespmem:s28+$0xFFFFFFCE];
	_ =	sdelay $0x4  }
0x71: {  	[tilespmem:v29+s16+$0x0] =	vst.idx.add.f32.msk $0xffff, v28  }
0x72: {  	v29 =	vor.u32 v0, v32;
	v28 =	vld [tilespmem:s28+$0xFFFFFFD8];
	_ =	sdelay $0x4  }
0x73: {  	[tilespmem:v29+s16+$0x0] =	vst.idx.add.f32.msk $0xffff, v28  }
0x74: {  	v29 =	vor.u32 v0, v33;
	v28 =	vld [tilespmem:s28+$0xFFFFFFE2];
	_ =	sdelay $0x4  }
0x75: {  	[tilespmem:v29+s16+$0x0] =	vst.idx.add.f32.msk $0xffff, v28  }
0x76: {  	v29 =	vor.u32 v0, v34;
	v28 =	vld [tilespmem:s28+$0xFFFFFFEC];
	_ =	sdelay $0x4  }
0x77: {  	[tilespmem:v29+s16+$0x0] =	vst.idx.add.f32.msk $0xffff, v28  }
0x78: {  	v29 =	vor.u32 v0, v35;
	v28 =	vld [tilespmem:s28+$0xFFFFFFF6];
	_ =	sdelay $0x4  }
0x79: {  	[tilespmem:v29+s16+$0x0] =	vst.idx.add.f32.msk $0xffff, v28  }
0x7a: {  	v29 =	vor.u32 v0, v36;
	v28 =	vld [tilespmem:s28+$0x0];
	_ =	sdelay $0x4  }
0x7b: {  	[tilespmem:v29+s16+$0x0] =	vst.idx.add.f32.msk $0xffff, v28  }
0x7c: {  	v29 =	vor.u32 v0, v37;
	v28 =	vld [tilespmem:s28+$0xA];
	_ =	sdelay $0x4  }
0x7d: {  	[tilespmem:v29+s16+$0x0] =	vst.idx.add.f32.msk $0xffff, v28  }
0x7e: {  	v29 =	vor.u32 v0, v38;
	v28 =	vld [tilespmem:s28+$0x14];
	_ =	sdelay $0x4  }
0x7f: {  	[tilespmem:v29+s16+$0x0] =	vst.idx.add.f32.msk $0xffff, v28  }
0x80: {  	v29 =	vor.u32 v0, v39;
	v28 =	vld [tilespmem:s28+$0x1E];
	_ =	sdelay $0x4  }
0x81: {  	[tilespmem:v29+s16+$0x0] =	vst.idx.add.f32.msk $0xffff, v28  }
0x82: {  	v29 =	vor.u32 v0, v40;
	v28 =	vld [tilespmem:s28+$0x28];
	_ =	sdelay $0x4  }
0x83: {  	[tilespmem:v29+s16+$0x0] =	vst.idx.add.f32.msk $0xffff, v28  }
0x84: {  	v29 =	vor.u32 v0, v41;
	v28 =	vld [tilespmem:s28+$0x32];
	_ =	sdelay $0x4  }
0x85: {  	[tilespmem:v29+s16+$0x0] =	vst.idx.add.f32.msk $0xffff, v28  }
0x86: {  	v27 =	vor.u32 v0, v27;
	v28 =	vld [tilespmem:s28+$0x3C];
	_ =	sdelay $0x1  }
.Ltmp1:
0x87: {  	(pc) =	sbr.rel @p0 .LBB2_4-.Ltmp1, $3  }
0x88: {  	_ =	sdelay $0x1  }
0x89: {  	[tilespmem:v27+s16+$0x0] =	vst.idx.add.f32.msk $0xffff, v28  }
0x8a: {  	s31 =	smov.u32 s30;
	v26 =	vor.u32 v0, v26;
	v27 =	vld [tilespmem:s28+$0x46]  }
0x8b: {  	_ =	sdelay $0x3  }
0x8c: {  	s1 =	sshra.s32 s29, $0x2;
	[tilespmem:v26+s16+$0x0] =	vst.idx.add.f32.msk $0xffff, v27  }
0x8d: {  	v26 =	vld [tilespmem:s1+$0x20];
	_ =	sdelay $0x4  }
0x8e: {  	v26 =	vshll.u32 v26, $0x4  }
0x8f: {  	v27 =	vbroadcast v26, $0x0  }
0x90: {  	s31 =	sadd.s32 $0xA0, s28  }
0x91: {  	v28 =	vld [tilespmem:s31+$0xFFFFFFB0];
	v27 =	vor.u32 v0, v27;
	_ =	sdelay $0x3  }
0x92: {  	v29 =	vbroadcast v26, $0x1  }
0x93: {  	[tilespmem:v27+s16+$0x0] =	vst.idx.add.f32.msk $0xffff, v28  }
0x94: {  	v57 =	vor.u32 v0, v29;
	v27 =	vld [tilespmem:s31+$0xFFFFFFBA];
	_ =	sdelay $0x3  }
0x95: {  	v58 =	vbroadcast v26, $0x2  }
0x96: {  	[tilespmem:v57+s16+$0x0] =	vst.idx.add.f32.msk $0xffff, v27  }
0x97: {  	v59 =	vor.u32 v0, v58;
	v27 =	vld [tilespmem:s31+$0xFFFFFFC4];
	_ =	sdelay $0x3  }
0x98: {  	v60 =	vbroadcast v26, $0x3  }
0x99: {  	[tilespmem:v59+s16+$0x0] =	vst.idx.add.f32.msk $0xffff, v27  }
0x9a: {  	v61 =	vor.u32 v0, v60;
	v27 =	vld [tilespmem:s31+$0xFFFFFFCE];
	_ =	sdelay $0x3  }
0x9b: {  	v62 =	vbroadcast v26, $0x4  }
0x9c: {  	[tilespmem:v61+s16+$0x0] =	vst.idx.add.f32.msk $0xffff, v27  }
0x9d: {  	v63 =	vor.u32 v0, v62;
	v27 =	vld [tilespmem:s31+$0xFFFFFFD8];
	_ =	sdelay $0x3  }
0x9e: {  	v32 =	vbroadcast v26, $0x5  }
0x9f: {  	[tilespmem:v63+s16+$0x0] =	vst.idx.add.f32.msk $0xffff, v27  }
0xa0: {  	v33 =	vor.u32 v0, v32;
	v27 =	vld [tilespmem:s31+$0xFFFFFFE2];
	_ =	sdelay $0x3  }
0xa1: {  	v34 =	vbroadcast v26, $0x6  }
0xa2: {  	[tilespmem:v33+s16+$0x0] =	vst.idx.add.f32.msk $0xffff, v27  }
0xa3: {  	v35 =	vor.u32 v0, v34;
	v27 =	vld [tilespmem:s31+$0xFFFFFFEC];
	_ =	sdelay $0x3  }
0xa4: {  	v36 =	vbroadcast v26, $0x7  }
0xa5: {  	[tilespmem:v35+s16+$0x0] =	vst.idx.add.f32.msk $0xffff, v27  }
0xa6: {  	v37 =	vor.u32 v0, v36;
	v27 =	vld [tilespmem:s31+$0xFFFFFFF6];
	_ =	sdelay $0x3  }
0xa7: {  	v38 =	vbroadcast v26, $0x8  }
0xa8: {  	[tilespmem:v37+s16+$0x0] =	vst.idx.add.f32.msk $0xffff, v27  }
0xa9: {  	v39 =	vor.u32 v0, v38;
	v27 =	vld [tilespmem:s31+$0x0];
	_ =	sdelay $0x3  }
0xaa: {  	v40 =	vbroadcast v26, $0x9  }
0xab: {  	[tilespmem:v39+s16+$0x0] =	vst.idx.add.f32.msk $0xffff, v27  }
0xac: {  	v41 =	vor.u32 v0, v40;
	v27 =	vld [tilespmem:s31+$0xA];
	_ =	sdelay $0x3  }
0xad: {  	v42 =	vbroadcast v26, $0xA  }
0xae: {  	[tilespmem:v41+s16+$0x0] =	vst.idx.add.f32.msk $0xffff, v27  }
0xaf: {  	v43 =	vor.u32 v0, v42;
	v27 =	vld [tilespmem:s31+$0x14];
	_ =	sdelay $0x3  }
0xb0: {  	v44 =	vbroadcast v26, $0xB  }
0xb1: {  	[tilespmem:v43+s16+$0x0] =	vst.idx.add.f32.msk $0xffff, v27  }
0xb2: {  	v45 =	vor.u32 v0, v44;
	v27 =	vld [tilespmem:s31+$0x1E];
	_ =	sdelay $0x3  }
0xb3: {  	v46 =	vbroadcast v26, $0xC  }
0xb4: {  	[tilespmem:v45+s16+$0x0] =	vst.idx.add.f32.msk $0xffff, v27  }
0xb5: {  	v47 =	vor.u32 v0, v46;
	v27 =	vld [tilespmem:s31+$0x28];
	_ =	sdelay $0x3  }
0xb6: {  	v48 =	vbroadcast v26, $0xD  }
0xb7: {  	[tilespmem:v47+s16+$0x0] =	vst.idx.add.f32.msk $0xffff, v27  }
0xb8: {  	v49 =	vor.u32 v0, v48;
	v27 =	vld [tilespmem:s31+$0x32];
	_ =	sdelay $0x3  }
0xb9: {  	v50 =	vbroadcast v26, $0xE  }
0xba: {  	[tilespmem:v49+s16+$0x0] =	vst.idx.add.f32.msk $0xffff, v27  }
0xbb: {  	v51 =	vor.u32 v0, v50;
	v27 =	vld [tilespmem:s31+$0x3C];
	_ =	sdelay $0x3  }
0xbc: {  	v26 =	vbroadcast v26, $0xF  }
0xbd: {  	[tilespmem:v51+s16+$0x0] =	vst.idx.add.f32.msk $0xffff, v27  }
0xbe: {  	v26 =	vor.u32 v0, v26;
	v27 =	vld [tilespmem:s31+$0x46];
	_ =	sdelay $0x4  }
0xbf: {  	[tilespmem:v26+s16+$0x0] =	vst.idx.add.f32.msk $0xffff, v27  }
0xc0: {  	[spmem:s3] =	stream.indirect.scatter.add.f32 [tilespmem:s16], [sflag:$0x1], $0x10, s13, s17, $0xb8;
	[tilespmem:$0xAE70] =	vst v63  }
0xc1: {  	_ =	swait.ge [sflag:s12], $0x800  }
0xc2: {  	[sflag:s12] =	ssyncset.done $0x0  }
0xc3: {  	[sflag:s12] =	ssyncadd.s32 $0xFFFFF800  }
0xc4: {  	[spmem:s3] =	stream.indirect.scatter.add.f32 [tilespmem:s19], [sflag:$0x1], $0x10, s18, s17, $0xb8;
	[tilespmem:$0xAE70] =	vst v63  }
0xc5: {  	_ =	swait.ge [sflag:s12], $0x800  }
0xc6: {  	[sflag:s12] =	ssyncset.done $0x0  }
0xc7: {  	[sflag:s12] =	ssyncadd.s32 $0xFFFFF800  }
0xc8: {  	[spmem:s3] =	stream.indirect.scatter.add.f32 [tilespmem:s21], [sflag:$0x1], $0x10, s20, s17, $0xb8;
	[tilespmem:$0xAE70] =	vst v63  }
0xc9: {  	_ =	swait.ge [sflag:s12], $0x800  }
0xca: {  	[sflag:s12] =	ssyncset.done $0x0  }
0xcb: {  	[sflag:s12] =	ssyncadd.s32 $0xFFFFF800  }
0xcc: {  	[spmem:s3] =	stream.indirect.scatter.add.f32 [tilespmem:s23], [sflag:$0x1], $0x10, s22, s17, $0xb8;
	[tilespmem:$0xAE70] =	vst v63  }
0xcd: {  	_ =	swait.ge [sflag:s12], $0x800  }
0xce: {  	[sflag:s12] =	ssyncset.done $0x0  }
0xcf: {  	[sflag:s12] =	ssyncadd.s32 $0xFFFFF800  }
0xd0: {  	[bflag:$0x0] =	sbarrier.arrive $0xFFFF  }
0xd1: {  	[tilespmem:s24], [sflag:$0x1] =	stream.linear.gather [spmem:s8], $0x200, $0x38;
	[tilespmem:$0xAE70] =	vst v63  }
0xd2: {  	_ =	swait.ge [sflag:s12], $0x200  }
0xd3: {  	[sflag:s12] =	ssyncset.done $0x0  }
0xd4: {  	[sflag:s12] =	ssyncadd.s32 $0xFFFFFE00  }
0xd5: {  	v26 =	vld [tilespmem:$0x0];
	_ =	sdelay $0x1  }
0xd6: {  	v27 =	vld.idx.msk [tilespmem:v1+s24+$0x0], $0xffff  }
0xd7: {  	v52 =	vld.idx.msk [tilespmem:v3+s24+$0x0], $0xffff;
	_ =	sdelay $0x1  }
0xd8: {  	v30 =	vld.idx.msk [tilespmem:v4+s24+$0x0], $0xffff;
	v29 =	vbroadcast v26, $0x0;
	v31 =	vbroadcast v26, $0xA  }
0xd9: {  	v33 =	vbroadcast v26, $0x1;
	v35 =	vbroadcast v26, $0xB  }
0xda: {  	v34 =	vld.idx.msk [tilespmem:v5+s24+$0x0], $0xffff;
	v37 =	vbroadcast v26, $0x2;
	v39 =	vbroadcast v26, $0xC  }
0xdb: {  	v32 =	vmul.f32 v27, v29;
	v36 =	vmul.f32 v52, v33  }
0xdc: {  	v38 =	vld.idx.msk [tilespmem:v6+s24+$0x0], $0xffff;
	v27 =	vmul.f32 v27, v31;
	v28 =	vmul.f32 v52, v35  }
0xdd: {  	v40 =	vbroadcast v26, $0x3;
	v53 =	vmul.f32 v30, v37;
	v32 =	vadd.f32 v36, v32  }
0xde: {  	v41 =	vld.idx.msk [tilespmem:v8+s24+$0x0], $0xffff;
	v54 =	vmul.f32 v30, v39;
	v30 =	vbroadcast v26, $0xD;
	v27 =	vadd.f32 v28, v27  }
0xdf: {  	v42 =	vld [tilespmem:$0x10];
	v43 =	vbroadcast v26, $0x4;
	v55 =	vmul.f32 v34, v40;
	v32 =	vadd.f32 v53, v32  }
0xe0: {  	v44 =	vld.idx.msk [tilespmem:v9+s24+$0x0], $0xffff;
	v56 =	vmul.f32 v34, v30;
	v34 =	vbroadcast v26, $0xE;
	v27 =	vadd.f32 v54, v27  }
0xe1: {  	v45 =	vbroadcast v26, $0x5;
	v57 =	vmul.f32 v38, v43;
	v32 =	vadd.f32 v55, v32  }
0xe2: {  	v46 =	vld.idx.msk [tilespmem:v10+s24+$0x0], $0xffff;
	v58 =	vmul.f32 v38, v34;
	v38 =	vbroadcast v26, $0xF;
	v27 =	vadd.f32 v56, v27  }
0xe3: {  	v47 =	vbroadcast v26, $0x6;
	v59 =	vmul.f32 v41, v45;
	v32 =	vadd.f32 v57, v32  }
0xe4: {  	v48 =	vld.idx.msk [tilespmem:v11+s24+$0x0], $0xffff;
	v60 =	vmul.f32 v41, v38;
	v41 =	vbroadcast v42, $0x0;
	v27 =	vadd.f32 v58, v27  }
0xe5: {  	v49 =	vbroadcast v26, $0x7;
	v61 =	vmul.f32 v44, v47;
	v32 =	vadd.f32 v59, v32  }
0xe6: {  	v50 =	vld.idx.msk [tilespmem:v12+s24+$0x0], $0xffff;
	v62 =	vmul.f32 v44, v41;
	v44 =	vbroadcast v42, $0x1;
	v27 =	vadd.f32 v60, v27  }
0xe7: {  	v51 =	vbroadcast v26, $0x8;
	v63 =	vmul.f32 v46, v49;
	v32 =	vadd.f32 v61, v32  }
0xe8: {  	v53 =	vmul.f32 v46, v44;
	v46 =	vbroadcast v42, $0x2;
	v27 =	vadd.f32 v62, v27  }
0xe9: {  	v54 =	vmul.f32 v48, v51;
	v26 =	vbroadcast v26, $0x9;
	v32 =	vadd.f32 v63, v32  }
0xea: {  	v42 =	vbroadcast v42, $0x3;
	v55 =	vmul.f32 v48, v46;
	v27 =	vadd.f32 v53, v27  }
0xeb: {  	v56 =	vmul.f32 v50, v26;
	v32 =	vadd.f32 v54, v32  }
0xec: {  	v57 =	vmul.f32 v50, v42;
	v27 =	vadd.f32 v55, v27  }
0xed: {  	v32 =	vadd.f32 v56, v32  }
0xee: {  	v27 =	vadd.f32 v57, v27  }
0xef: {  	[tilespmem:v7+s25+$0x0] =	vst.idx.msk $0xffff, v32  }
0xf0: {  	[tilespmem:v13+s25+$0x0] =	vst.idx.msk $0xffff, v27  }
0xf1: {  	v27 =	vld.idx.msk [tilespmem:v14+s24+$0x0], $0xffff  }
0xf2: {  	v58 =	vld.idx.msk [tilespmem:v15+s24+$0x0], $0xffff;
	_ =	sdelay $0x1  }
0xf3: {  	v32 =	vld.idx.msk [tilespmem:v16+s24+$0x0], $0xffff;
	_ =	sdelay $0x1  }
0xf4: {  	v59 =	vld.idx.msk [tilespmem:v17+s24+$0x0], $0xffff  }
0xf5: {  	v29 =	vmul.f32 v27, v29;
	v33 =	vmul.f32 v58, v33  }
0xf6: {  	v60 =	vld.idx.msk [tilespmem:v18+s24+$0x0], $0xffff;
	v27 =	vmul.f32 v27, v31;
	v28 =	vmul.f32 v58, v35  }
0xf7: {  	v61 =	vmul.f32 v32, v37;
	v29 =	vadd.f32 v33, v29  }
0xf8: {  	v62 =	vld.idx.msk [tilespmem:v19+s24+$0x0], $0xffff;
	v63 =	vmul.f32 v32, v39;
	v27 =	vadd.f32 v28, v27  }
0xf9: {  	v37 =	vmul.f32 v59, v40;
	v29 =	vadd.f32 v61, v29  }
0xfa: {  	v39 =	vld.idx.msk [tilespmem:v20+s24+$0x0], $0xffff;
	v40 =	vmul.f32 v59, v30;
	v27 =	vadd.f32 v63, v27  }
0xfb: {  	v43 =	vmul.f32 v60, v43;
	v29 =	vadd.f32 v37, v29  }
0xfc: {  	v50 =	vld.idx.msk [tilespmem:v21+s24+$0x0], $0xffff;
	v52 =	vmul.f32 v60, v34;
	v27 =	vadd.f32 v40, v27  }
0xfd: {  	v53 =	vmul.f32 v62, v45;
	v29 =	vadd.f32 v43, v29  }
0xfe: {  	v54 =	vld.idx.msk [tilespmem:v22+s24+$0x0], $0xffff;
	v55 =	vmul.f32 v62, v38;
	v27 =	vadd.f32 v52, v27  }
0xff: {  	v56 =	vmul.f32 v39, v47;
	v29 =	vadd.f32 v53, v29  }
0x100: {  	v57 =	vld.idx.msk [tilespmem:v23+s24+$0x0], $0xffff;
	v58 =	vmul.f32 v39, v41;
	v27 =	vadd.f32 v55, v27  }
0x101: {  	v59 =	vmul.f32 v50, v49;
	v29 =	vadd.f32 v56, v29  }
0x102: {  	v60 =	vmul.f32 v50, v44;
	v27 =	vadd.f32 v58, v27  }
0x103: {  	v61 =	vmul.f32 v54, v51;
	v29 =	vadd.f32 v59, v29  }
0x104: {  	v62 =	vmul.f32 v54, v46;
	v27 =	vadd.f32 v60, v27  }
0x105: {  	v26 =	vmul.f32 v57, v26;
	v29 =	vadd.f32 v61, v29  }
0x106: {  	v63 =	vmul.f32 v57, v42;
	v27 =	vadd.f32 v62, v27  }
0x107: {  	v26 =	vadd.f32 v26, v29  }
0x108: {  	s26 =	sadd.s32 $0x1, s26;
	v27 =	vadd.f32 v63, v27  }
0x109: {  	p0 =	sne.s32 s26, s11;
	[tilespmem:v24+s25+$0x0] =	vst.idx.msk $0xffff, v26  }
.Ltmp2:
0x10a: {  	[tilespmem:v25+s25+$0x0] =	vst.idx.msk $0xffff, v27;
	(pc) =	sbr.rel @p0 .LBB2_1-.Ltmp2, $4  }
0x10b: {  	[hbm4b:s10+s4] =	stream.linear.scatter [tilespmem:s25], [sflag:$0x1], $0x100, $0x38;
	[tilespmem:$0xAE70] =	vst v63  }
0x10c: {  	_ =	swait.ge [sflag:s12], $0x100  }
0x10d: {  	[sflag:s12] =	ssyncset.done $0x0  }
0x10e: {  	[sflag:s12] =	ssyncadd.s32 $0xFFFFFF00  }
0x10f: {  	_ =	sfence.sel $0x180000  }
0x110: {  	[bflag:$0x0] =	sbarrier.arrive $0xFFFF  }
0x111: {  	_ =	strace $0x90000047  }
0x112: {  	[bflag:$0x2] =	sbarrier.arrive $0xFFFF  }
0x113: {  	p0 =	sne.s32 s0, $0x0;
	s0 =	rddreg [dreg:$0x3]  }
0x114: {  	s0 =	sadd.s32 @!p0 $0x100000, s0  }
0x115: {  	[sflag:s0] =	ssyncadd.tile.s32 @!p0 $0x1;
	_ =	shalt  }
.Lfunc_end2:
_tile_overlayer_lowered:
.L_overlay_start_2:
0x116: {  	(tag) =	ssettag $0x2  }
0x117: {  	s0 =	rddreg [dreg:$0x0];
	s2 =	stileid.u32  }
0x118: {  	s1 =	rddreg [dreg:$0x1];
	p0 =	sne.s32 s2, $0x0  }
0x119: {  	s3 =	rddreg [dreg:$0x2];
	[bflag:$0x3] =	sbarrier.arrive $0xFFFF;
	s2 =	simm.s32 @!p0 $0x1C01  }
0x11a: {  	[timem:s3], [sflag:s2] =	dma.local @!p0 [hbm:s0], s1  }
0x11b: {  	s0 =	simm.s32 @!p0 $0x1  }
0x11c: {  	_ =	swait.ge @!p0 [sflag:s0], s1  }
0x11d: {  	s1 =	ssub.s32 @!p0 $0x0, s1;
	[sflag:s0] =	ssyncset.done @!p0 $0x0  }
0x11e: {  	[sflag:s0] =	ssyncadd.s32 @!p0 s1  }
0x11f: {  	[bflag:$0x3] =	sbarrier.arrive $0xFFFF  }
0x120: {  	_ =	shalt  }

</sc_bundles>
